<compile_context>
chip_gen: v7x
topology: tpu7x:2x2x1
jax: 0.10.2.dev20260603
libtpu: 0.0.44.dev20260713+nightly
codegen_flags: <defaults>
</compile_context>

<pallas_src>
import functools

import jax
import jax.numpy as jnp
from jax import lax
from jax.experimental import pallas as pl
from jax.experimental.pallas import tpu as pltpu
from jax.experimental.pallas import tpu_sc as plsc

B = 4
S = 2048
H = 768
E = 64
TOPK = 2
NUM_CLASSES = 7

NW = 32
TOK = B * S
TPW = TOK // NW
WPB = S // TPW
CH = 64
NCH = TPW // CH
NBUF = 2
NSB = 4
SB = S // NSB
LANES = 16
NV = H // LANES
NPASS = 3
NVP = NV // NPASS


def _sc_gather(ids, table):
    info = plsc.get_sparse_core_info()
    ncores = info.num_cores
    mesh = plsc.VectorSubcoreMesh(core_axis_name="c", subcore_axis_name="s")

    @functools.partial(
        pl.kernel,
        mesh=mesh,
        out_type=[
            jax.ShapeDtypeStruct((TOK, H), jnp.float32),
            jax.ShapeDtypeStruct((NW, H), jnp.float32),
        ],
        scratch_types=[
            pltpu.VMEM((TPW,), jnp.int32),
            pltpu.VMEM((NBUF, CH, H), jnp.float32),
            pltpu.VMEM((H,), jnp.float32),
            pltpu.SemaphoreType.DMA,
            pltpu.SemaphoreType.DMA,
        ],
    )
    def gather_kernel(ids_hbm, table_hbm, out_hbm, pool_hbm,
                      idx_v, rows_v, acc_v, gsem, ssem):
        wid = lax.axis_index("s") * ncores + lax.axis_index("c")
        b = wid // WPB
        col0 = (wid % WPB) * TPW
        base = wid * TPW
        pltpu.sync_copy(ids_hbm.at[b, pl.ds(col0, TPW)], idx_v)
        acc = [jnp.zeros((LANES,), jnp.float32) for _ in range(NV)]
        g_prev = pltpu.async_copy(
            table_hbm.at[idx_v.at[pl.ds(0, CH)]], rows_v.at[0], gsem
        )
        s_prev = None
        for c in range(NCH):
            buf = c % 2
            if c + 1 < NCH:
                g_next = pltpu.async_copy(
                    table_hbm.at[idx_v.at[pl.ds((c + 1) * CH, CH)]],
                    rows_v.at[(c + 1) % 2],
                    gsem,
                )
            g_prev.wait()
            if s_prev is not None:
                s_prev.wait()
            s_prev = pltpu.async_copy(
                rows_v.at[buf], out_hbm.at[pl.ds(base + c * CH, CH)], ssem
            )
            for kk in range(NPASS):
                def body(r, carry, _kk=kk, _buf=buf):
                    return tuple(
                        carry[j]
                        + rows_v[_buf, r, pl.ds((_kk * NVP + j) * LANES, LANES)]
                        for j in range(NVP)
                    )
                sub = lax.fori_loop(
                    0, CH, body, tuple(acc[kk * NVP:(kk + 1) * NVP])
                )
                acc[kk * NVP:(kk + 1) * NVP] = list(sub)
            if c + 1 < NCH:
                g_prev = g_next
        for j in range(NV):
            acc_v[pl.ds(j * LANES, LANES)] = acc[j]
        s_prev.wait()
        pltpu.sync_copy(acc_v, pool_hbm.at[wid])

    return gather_kernel(ids, table)


def _tc_gate(pool_part, Wg, bg2):

    def gate_kernel(pp_ref, wg_ref, bg_ref, wout_ref, iout_ref):
        pr = pp_ref[...]
        pooled = jnp.concatenate(
            [
                jnp.sum(pr[b * WPB:(b + 1) * WPB], axis=0, keepdims=True)
                for b in range(B)
            ],
            axis=0,
        ) * (1.0 / S)
        g = (
            jnp.dot(pooled, wg_ref[...], preferred_element_type=jnp.float32)
            + bg_ref[...]
        )
        m = jnp.max(g, axis=-1, keepdims=True)
        ex = jnp.exp(g - m)
        p = ex / jnp.sum(ex, axis=-1, keepdims=True)
        iota = lax.broadcasted_iota(jnp.int32, (B, E), 1)
        w1 = jnp.max(p, axis=-1, keepdims=True)
        i1 = jnp.min(jnp.where(p == w1, iota, E), axis=-1, keepdims=True)
        p2 = jnp.where(iota == i1, -jnp.inf, p)
        w2 = jnp.max(p2, axis=-1, keepdims=True)
        i2 = jnp.min(jnp.where(p2 == w2, iota, E), axis=-1, keepdims=True)
        lane = lax.broadcasted_iota(jnp.int32, (B, 128), 1)
        wout_ref[...] = jnp.where(lane == 0, w1, jnp.where(lane == 1, w2, 0.0))
        iout_ref[...] = jnp.where(lane == 0, i1, jnp.where(lane == 1, i2, 0))

    return pl.pallas_call(
        gate_kernel,
        out_shape=[
            jax.ShapeDtypeStruct((B, 128), jnp.float32),
            jax.ShapeDtypeStruct((B, 128), jnp.int32),
        ],
    )(pool_part, Wg, bg2)


def _tc_moe(topk_i, topk_w, emb3, experts_W, experts_b3, We, be2, WtT, bt2):

    _dn_t = (((1,), (1,)), ((), ()))

    def moe_kernel(i_ref, w_ref, emb_ref, W1_ref, W2_ref, b1_ref, b2_ref,
                   we_ref, be_ref, wtT_ref, bt_ref, emo_ref, trig_ref):
        bidx = pl.program_id(0)
        w1 = w_ref[bidx, 0]
        w2 = w_ref[bidx, 1]
        eb = emb_ref[0]
        bb = w1 * b1_ref[0] + w2 * b2_ref[0]
        qe = (
            jnp.dot(bb, we_ref[...], preferred_element_type=jnp.float32)
            + be_ref[...]
        )
        tb = lax.dot_general(bb, wtT_ref[...], _dn_t,
                             preferred_element_type=jnp.float32)
        tbs = tb[0, 0] + bt_ref[0, 0]
        Pe = w1 * jnp.dot(W1_ref[0], we_ref[...], preferred_element_type=jnp.float32)
        Pe = Pe + w2 * jnp.dot(W2_ref[0], we_ref[...], preferred_element_type=jnp.float32)
        rP = w1 * lax.dot_general(wtT_ref[...], W1_ref[0], _dn_t,
                                  preferred_element_type=jnp.float32)
        rP = rP + w2 * lax.dot_general(wtT_ref[...], W2_ref[0], _dn_t,
                                       preferred_element_type=jnp.float32)
        emo_ref[0] = (
            jnp.dot(eb, Pe, preferred_element_type=jnp.float32) + qe
        )
        trig_row = (
            lax.dot_general(rP, eb, _dn_t, preferred_element_type=jnp.float32)
            + tbs
        )
        trig_ref[pl.ds(bidx, 1), :] = trig_row

    grid_spec = pltpu.PrefetchScalarGridSpec(
        num_scalar_prefetch=2,
        grid=(B,),
        in_specs=[
            pl.BlockSpec((1, S, H), lambda b, i, w: (b, 0, 0)),
            pl.BlockSpec((1, H, H), lambda b, i, w: (i[b, 0], 0, 0)),
            pl.BlockSpec((1, H, H), lambda b, i, w: (i[b, 1], 0, 0)),
            pl.BlockSpec((1, 1, H), lambda b, i, w: (i[b, 0], 0, 0)),
            pl.BlockSpec((1, 1, H), lambda b, i, w: (i[b, 1], 0, 0)),
            pl.BlockSpec((H, NUM_CLASSES), lambda b, i, w: (0, 0)),
            pl.BlockSpec((1, NUM_CLASSES), lambda b, i, w: (0, 0)),
            pl.BlockSpec((1, H), lambda b, i, w: (0, 0)),
            pl.BlockSpec((1, 1), lambda b, i, w: (0, 0)),
        ],
        out_specs=[
            pl.BlockSpec((1, S, NUM_CLASSES), lambda b, i, w: (b, 0, 0)),
            pl.BlockSpec((B, S), lambda b, i, w: (0, 0)),
        ],
    )
    return pl.pallas_call(
        moe_kernel,
        grid_spec=grid_spec,
        out_shape=[
            jax.ShapeDtypeStruct((B, S, NUM_CLASSES), jnp.float32),
            jax.ShapeDtypeStruct((B, S), jnp.float32),
        ],
        compiler_params=pltpu.CompilerParams(dimension_semantics=("arbitrary",)),
    )(topk_i, topk_w, emb3, experts_W, experts_W, experts_b3, experts_b3,
      We, be2, WtT, bt2)


def kernel(input_ids, attention_mask, emb_table, Wg, bg, experts_W, experts_b, We, be, Wt, bt):
    del attention_mask
    emb_flat, pool_part = _sc_gather(input_ids.astype(jnp.int32), emb_table)
    emb3 = emb_flat.reshape(B, S, H)

    topk_w, topk_i = _tc_gate(pool_part, Wg, bg.reshape(1, E))
    emotion_logits, trigger_logits = _tc_moe(
        topk_i,
        topk_w,
        emb3,
        experts_W,
        experts_b.reshape(E, 1, H),
        We,
        be.reshape(1, NUM_CLASSES),
        Wt.reshape(1, H),
        bt.reshape(1, 1),
    )
    return (emotion_logits, trigger_logits)

# --- scband reference (transcript-rebuilt; emitter-appended) ---
"""Pipeline reference for scband-mo-efor-emotion-and-trigger-classification-37288906064211 (READ-ONLY COPY).

The authoritative reference and input builder live on the scoring server;
editing this copy changes nothing except your own understanding.
"""

import jax, jax.numpy as jnp
import numpy as np

VOCAB = 28996
H = 768
E = 64
TOPK = 2
NUM_CLASSES = 7
B, S = 4, 2048


def setup_inputs(seed: int = 0) -> dict:
    key = jax.random.key(seed)
    ks = jax.random.split(key, 12)
    input_ids = jax.random.randint(ks[0], (B, S), 0, VOCAB, dtype=jnp.int32)
    attention_mask = jnp.ones((B, S), dtype=jnp.int32)
    scale = 0.02
    emb_table = jax.random.normal(ks[1], (VOCAB, H), dtype=jnp.float32) * scale
    Wg = jax.random.normal(ks[2], (H, E), dtype=jnp.float32) * scale
    bg = jnp.zeros((E,), dtype=jnp.float32)
    experts_W = jax.random.normal(ks[3], (E, H, H), dtype=jnp.float32) * scale
    experts_b = jnp.zeros((E, H), dtype=jnp.float32)
    We = jax.random.normal(ks[4], (H, NUM_CLASSES), dtype=jnp.float32) * scale
    be = jnp.zeros((NUM_CLASSES,), dtype=jnp.float32)
    Wt = jax.random.normal(ks[5], (H, 1), dtype=jnp.float32) * scale
    bt = jnp.zeros((1,), dtype=jnp.float32)
    return {
        "input_ids": input_ids,
        "attention_mask": attention_mask,
        "emb_table": emb_table,
        "Wg": Wg,
        "bg": bg,
        "experts_W": experts_W,
        "experts_b": experts_b,
        "We": We,
        "be": be,
        "Wt": Wt,
        "bt": bt,
    }


def reference(input_ids, attention_mask, emb_table, Wg, bg, experts_W, experts_b, We, be, Wt, bt):
    # BERT feature-extractor stand-in: token-embedding gather produces
    # last_hidden_state [B, S, H] (pretrained weights unavailable offline).
    embeddings = jnp.take(emb_table, input_ids, axis=0)  # [B, S, H]
    # pooled = embeddings.mean(dim=1)  (original ignores attention_mask here)
    pooled = embeddings.mean(axis=1)  # [B, H]
    # dropout(p=0.1) -> identity in eval mode
    gate_logits = pooled @ Wg + bg  # [B, E]
    expert_weights = jax.nn.softmax(gate_logits, axis=-1)
    topk_w, topk_i = jax.lax.top_k(expert_weights, TOPK)  # [B, TOPK]
    combined = jnp.zeros_like(embeddings)
    for i in range(TOPK):
        idx = topk_i[:, i]  # [B] per-sample expert id
        W_sel = experts_W[idx]  # gather [B, H, H]
        b_sel = experts_b[idx]  # gather [B, H]
        expert_out = jnp.einsum('bsh,bhd->bsd', embeddings, W_sel) + b_sel[:, None, :]
        combined = combined + topk_w[:, i][:, None, None] * expert_out
    # dropout -> identity
    emotion_logits = combined @ We + be  # [B, S, NUM_CLASSES]
    trigger_logits = (combined @ Wt + bt).squeeze(-1)  # [B, S]
    return (emotion_logits, trigger_logits)

if __name__ == "__main__":
    import jax
    _d = setup_inputs()
    print(jax.jit(kernel)(*tuple(_d.values())))

</pallas_src>

<mosaic_0001>
#map = affine_map<(d0, d1) -> (0, 0)>
module attributes {stable_mosaic.version = 14 : i64} {
  func.func @gather_kernel(%arg0: i32, %arg1: i32, %arg2: memref<4x2048xi32, #tpu.memory_space<hbm>>, %arg3: memref<28996x768xf32, #tpu.memory_space<hbm>>, %arg4: memref<8192x768xf32, #tpu.memory_space<hbm>>, %arg5: memref<32x768xf32, #tpu.memory_space<hbm>>, %arg6: memref<256xi32, #tpu.memory_space<vmem>>, %arg7: memref<2x64x768xf32, #tpu.memory_space<vmem>>, %arg8: memref<768xf32, #tpu.memory_space<vmem>>, %arg9: memref<!tpu.dma_semaphore, #tpu.memory_space<semaphore_mem>>, %arg10: memref<!tpu.dma_semaphore, #tpu.memory_space<semaphore_mem>>) attributes {dimension_semantics = [#tpu.dimension_semantics<core_parallel>, #tpu.dimension_semantics<subcore_parallel>], iteration_bounds = array<i64: 2, 16>, scalar_prefetch = 0 : i64, scratch_operands = 5 : i64, tpu.core_type = #tpu.core_type<sc_vector_subcore>, window_params = [{transform_indices = #map}, {transform_indices = #map}, {transform_indices = #map}, {transform_indices = #map}]} {
    %mul3A = arith.constant 2 : i32
    %mul3A_0 = arith.muli %arg1, %mul3A : i32
    %add3A = arith.addi %mul3A_0, %arg0 : i32
    %jit3A = arith.constant 8 : i32
    %div3A = arith.divsi %add3A, %jit3A : i32
    %sign3A = arith.constant 0 : i32
    %sign3A_1 = arith.cmpi sgt, %add3A, %sign3A : i32
    %sign3A_2 = arith.extui %sign3A_1 : i1 to i32
    %sign3A_3 = arith.constant 0 : i32
    %sign3A_4 = arith.cmpi slt, %add3A, %sign3A_3 : i32
    %sign3A_5 = arith.extui %sign3A_4 : i1 to i32
    %sign3A_6 = arith.subi %sign3A_2, %sign3A_5 : i32
    %sign3A_7 = arith.constant 0 : i32
    %sign3A_8 = arith.cmpi sgt, %jit3A, %sign3A_7 : i32
    %sign3A_9 = arith.extui %sign3A_8 : i1 to i32
    %sign3A_10 = arith.constant 0 : i32
    %sign3A_11 = arith.cmpi slt, %jit3A, %sign3A_10 : i32
    %sign3A_12 = arith.extui %sign3A_11 : i1 to i32
    %sign3A_13 = arith.subi %sign3A_9, %sign3A_12 : i32
    %ne3A = arith.cmpi ne, %sign3A_6, %sign3A_13 : i32
    %rem3A = arith.remsi %add3A, %jit3A : i32
    %ne3A_14 = arith.constant 0 : i32
    %ne3A_15 = arith.cmpi ne, %rem3A, %ne3A_14 : i32
    %and3A = arith.andi %ne3A, %ne3A_15 : i1
    %sub3A = arith.constant 1 : i32
    %sub3A_16 = arith.subi %div3A, %sub3A : i32
    %select_n3A = arith.select %and3A, %sub3A_16, %div3A : i32
    %jit3A_17 = arith.constant 8 : i32
    %eq3A = arith.constant 0 : i32
    %eq3A_18 = arith.cmpi eq, %jit3A_17, %eq3A : i32
    %jit3A_19 = arith.constant 1 : i32
    %select_n3A_20 = arith.select %eq3A_18, %jit3A_19, %jit3A_17 : i32
    %rem3A_21 = arith.remsi %add3A, %select_n3A_20 : i32
    %ne3A_22 = arith.constant 0 : i32
    %ne3A_23 = arith.cmpi ne, %rem3A_21, %ne3A_22 : i32
    %lt3A = arith.constant 0 : i32
    %lt3A_24 = arith.cmpi slt, %rem3A_21, %lt3A : i32
    %lt3A_25 = arith.constant 0 : i32
    %lt3A_26 = arith.cmpi slt, %select_n3A_20, %lt3A_25 : i32
    %ne3A_27 = arith.xori %lt3A_24, %lt3A_26 : i1
    %and3A_28 = arith.andi %ne3A_27, %ne3A_23 : i1
    %add3A_29 = arith.addi %rem3A_21, %select_n3A_20 : i32
    %select_n3A_30 = arith.select %and3A_28, %add3A_29, %rem3A_21 : i32
    %mul3A_31 = arith.constant 256 : i32
    %mul3A_32 = arith.muli %select_n3A_30, %mul3A_31 : i32
    %mul3A_33 = arith.constant 256 : i32
    %mul3A_34 = arith.muli %add3A, %mul3A_33 : i32
    "tpu.region"() ({
      %run_scoped3A = tpu.sem_alloc : memref<!tpu.dma_semaphore, #tpu.memory_space<semaphore_mem>>
      %dma_start3A_582 = tpu.memref_slice %arg2[%select_n3A, %mul3A_32] : memref<4x2048xi32, #tpu.memory_space<hbm>> -> memref<1x256xi32, #tpu.memory_space<hbm>>
      %dma_start3A_583 = tpu.memref_squeeze %dma_start3A_582 : memref<1x256xi32, #tpu.memory_space<hbm>> -> memref<256xi32, #tpu.memory_space<hbm>>
      %dma_start3A_584 = tpu.memref_slice %arg2[%select_n3A, %mul3A_32] : memref<4x2048xi32, #tpu.memory_space<hbm>> -> memref<1x256xi32, #tpu.memory_space<hbm>>
      %dma_start3A_585 = tpu.memref_squeeze %dma_start3A_584 : memref<1x256xi32, #tpu.memory_space<hbm>> -> memref<256xi32, #tpu.memory_space<hbm>>
      tpu.enqueue_dma source(%dma_start3A_585 : memref<256xi32, #tpu.memory_space<hbm>>) target(%arg6 : memref<256xi32, #tpu.memory_space<vmem>>) target_semaphore(%run_scoped3A : memref<!tpu.dma_semaphore, #tpu.memory_space<semaphore_mem>>)
      %dma_wait3A_586 = tpu.memref_slice %arg2[%select_n3A, %mul3A_32] : memref<4x2048xi32, #tpu.memory_space<hbm>> -> memref<1x256xi32, #tpu.memory_space<hbm>>
      %dma_wait3A_587 = tpu.memref_squeeze %dma_wait3A_586 : memref<1x256xi32, #tpu.memory_space<hbm>> -> memref<256xi32, #tpu.memory_space<hbm>>
      %dma_wait3A_588 = tpu.memref_slice %arg2[%select_n3A, %mul3A_32] : memref<4x2048xi32, #tpu.memory_space<hbm>> -> memref<1x256xi32, #tpu.memory_space<hbm>>
      %dma_wait3A_589 = tpu.memref_squeeze %dma_wait3A_588 : memref<1x256xi32, #tpu.memory_space<hbm>> -> memref<256xi32, #tpu.memory_space<hbm>>
      tpu.wait_dma2 semaphore(%run_scoped3A : memref<!tpu.dma_semaphore, #tpu.memory_space<semaphore_mem>>) src(%dma_wait3A_589 : memref<256xi32, #tpu.memory_space<hbm>>) dst(%arg6 : memref<256xi32, #tpu.memory_space<vmem>>)
      tpu.yield
    }) : () -> ()
    %broadcast_in_dim3A = arith.constant 0.000000e+00 : f32
    %broadcast_in_dim3A_35 = vector.broadcast %broadcast_in_dim3A : f32 to vector<16xf32>
    %broadcast_in_dim3A_36 = arith.constant 0.000000e+00 : f32
    %broadcast_in_dim3A_37 = vector.broadcast %broadcast_in_dim3A_36 : f32 to vector<16xf32>
    %broadcast_in_dim3A_38 = arith.constant 0.000000e+00 : f32
    %broadcast_in_dim3A_39 = vector.broadcast %broadcast_in_dim3A_38 : f32 to vector<16xf32>
    %broadcast_in_dim3A_40 = arith.constant 0.000000e+00 : f32
    %broadcast_in_dim3A_41 = vector.broadcast %broadcast_in_dim3A_40 : f32 to vector<16xf32>
    %broadcast_in_dim3A_42 = arith.constant 0.000000e+00 : f32
    %broadcast_in_dim3A_43 = vector.broadcast %broadcast_in_dim3A_42 : f32 to vector<16xf32>
    %broadcast_in_dim3A_44 = arith.constant 0.000000e+00 : f32
    %broadcast_in_dim3A_45 = vector.broadcast %broadcast_in_dim3A_44 : f32 to vector<16xf32>
    %broadcast_in_dim3A_46 = arith.constant 0.000000e+00 : f32
    %broadcast_in_dim3A_47 = vector.broadcast %broadcast_in_dim3A_46 : f32 to vector<16xf32>
    %broadcast_in_dim3A_48 = arith.constant 0.000000e+00 : f32
    %broadcast_in_dim3A_49 = vector.broadcast %broadcast_in_dim3A_48 : f32 to vector<16xf32>
    %broadcast_in_dim3A_50 = arith.constant 0.000000e+00 : f32
    %broadcast_in_dim3A_51 = vector.broadcast %broadcast_in_dim3A_50 : f32 to vector<16xf32>
    %broadcast_in_dim3A_52 = arith.constant 0.000000e+00 : f32
    %broadcast_in_dim3A_53 = vector.broadcast %broadcast_in_dim3A_52 : f32 to vector<16xf32>
    %broadcast_in_dim3A_54 = arith.constant 0.000000e+00 : f32
    %broadcast_in_dim3A_55 = vector.broadcast %broadcast_in_dim3A_54 : f32 to vector<16xf32>
    %broadcast_in_dim3A_56 = arith.constant 0.000000e+00 : f32
    %broadcast_in_dim3A_57 = vector.broadcast %broadcast_in_dim3A_56 : f32 to vector<16xf32>
    %broadcast_in_dim3A_58 = arith.constant 0.000000e+00 : f32
    %broadcast_in_dim3A_59 = vector.broadcast %broadcast_in_dim3A_58 : f32 to vector<16xf32>
    %broadcast_in_dim3A_60 = arith.constant 0.000000e+00 : f32
    %broadcast_in_dim3A_61 = vector.broadcast %broadcast_in_dim3A_60 : f32 to vector<16xf32>
    %broadcast_in_dim3A_62 = arith.constant 0.000000e+00 : f32
    %broadcast_in_dim3A_63 = vector.broadcast %broadcast_in_dim3A_62 : f32 to vector<16xf32>
    %broadcast_in_dim3A_64 = arith.constant 0.000000e+00 : f32
    %broadcast_in_dim3A_65 = vector.broadcast %broadcast_in_dim3A_64 : f32 to vector<16xf32>
    %broadcast_in_dim3A_66 = arith.constant 0.000000e+00 : f32
    %broadcast_in_dim3A_67 = vector.broadcast %broadcast_in_dim3A_66 : f32 to vector<16xf32>
    %broadcast_in_dim3A_68 = arith.constant 0.000000e+00 : f32
    %broadcast_in_dim3A_69 = vector.broadcast %broadcast_in_dim3A_68 : f32 to vector<16xf32>
    %broadcast_in_dim3A_70 = arith.constant 0.000000e+00 : f32
    %broadcast_in_dim3A_71 = vector.broadcast %broadcast_in_dim3A_70 : f32 to vector<16xf32>
    %broadcast_in_dim3A_72 = arith.constant 0.000000e+00 : f32
    %broadcast_in_dim3A_73 = vector.broadcast %broadcast_in_dim3A_72 : f32 to vector<16xf32>
    %broadcast_in_dim3A_74 = arith.constant 0.000000e+00 : f32
    %broadcast_in_dim3A_75 = vector.broadcast %broadcast_in_dim3A_74 : f32 to vector<16xf32>
    %broadcast_in_dim3A_76 = arith.constant 0.000000e+00 : f32
    %broadcast_in_dim3A_77 = vector.broadcast %broadcast_in_dim3A_76 : f32 to vector<16xf32>
    %broadcast_in_dim3A_78 = arith.constant 0.000000e+00 : f32
    %broadcast_in_dim3A_79 = vector.broadcast %broadcast_in_dim3A_78 : f32 to vector<16xf32>
    %broadcast_in_dim3A_80 = arith.constant 0.000000e+00 : f32
    %broadcast_in_dim3A_81 = vector.broadcast %broadcast_in_dim3A_80 : f32 to vector<16xf32>
    %broadcast_in_dim3A_82 = arith.constant 0.000000e+00 : f32
    %broadcast_in_dim3A_83 = vector.broadcast %broadcast_in_dim3A_82 : f32 to vector<16xf32>
    %broadcast_in_dim3A_84 = arith.constant 0.000000e+00 : f32
    %broadcast_in_dim3A_85 = vector.broadcast %broadcast_in_dim3A_84 : f32 to vector<16xf32>
    %broadcast_in_dim3A_86 = arith.constant 0.000000e+00 : f32
    %broadcast_in_dim3A_87 = vector.broadcast %broadcast_in_dim3A_86 : f32 to vector<16xf32>
    %broadcast_in_dim3A_88 = arith.constant 0.000000e+00 : f32
    %broadcast_in_dim3A_89 = vector.broadcast %broadcast_in_dim3A_88 : f32 to vector<16xf32>
    %broadcast_in_dim3A_90 = arith.constant 0.000000e+00 : f32
    %broadcast_in_dim3A_91 = vector.broadcast %broadcast_in_dim3A_90 : f32 to vector<16xf32>
    %broadcast_in_dim3A_92 = arith.constant 0.000000e+00 : f32
    %broadcast_in_dim3A_93 = vector.broadcast %broadcast_in_dim3A_92 : f32 to vector<16xf32>
    %broadcast_in_dim3A_94 = arith.constant 0.000000e+00 : f32
    %broadcast_in_dim3A_95 = vector.broadcast %broadcast_in_dim3A_94 : f32 to vector<16xf32>
    %broadcast_in_dim3A_96 = arith.constant 0.000000e+00 : f32
    %broadcast_in_dim3A_97 = vector.broadcast %broadcast_in_dim3A_96 : f32 to vector<16xf32>
    %broadcast_in_dim3A_98 = arith.constant 0.000000e+00 : f32
    %broadcast_in_dim3A_99 = vector.broadcast %broadcast_in_dim3A_98 : f32 to vector<16xf32>
    %broadcast_in_dim3A_100 = arith.constant 0.000000e+00 : f32
    %broadcast_in_dim3A_101 = vector.broadcast %broadcast_in_dim3A_100 : f32 to vector<16xf32>
    %broadcast_in_dim3A_102 = arith.constant 0.000000e+00 : f32
    %broadcast_in_dim3A_103 = vector.broadcast %broadcast_in_dim3A_102 : f32 to vector<16xf32>
    %broadcast_in_dim3A_104 = arith.constant 0.000000e+00 : f32
    %broadcast_in_dim3A_105 = vector.broadcast %broadcast_in_dim3A_104 : f32 to vector<16xf32>
    %broadcast_in_dim3A_106 = arith.constant 0.000000e+00 : f32
    %broadcast_in_dim3A_107 = vector.broadcast %broadcast_in_dim3A_106 : f32 to vector<16xf32>
    %broadcast_in_dim3A_108 = arith.constant 0.000000e+00 : f32
    %broadcast_in_dim3A_109 = vector.broadcast %broadcast_in_dim3A_108 : f32 to vector<16xf32>
    %broadcast_in_dim3A_110 = arith.constant 0.000000e+00 : f32
    %broadcast_in_dim3A_111 = vector.broadcast %broadcast_in_dim3A_110 : f32 to vector<16xf32>
    %broadcast_in_dim3A_112 = arith.constant 0.000000e+00 : f32
    %broadcast_in_dim3A_113 = vector.broadcast %broadcast_in_dim3A_112 : f32 to vector<16xf32>
    %broadcast_in_dim3A_114 = arith.constant 0.000000e+00 : f32
    %broadcast_in_dim3A_115 = vector.broadcast %broadcast_in_dim3A_114 : f32 to vector<16xf32>
    %broadcast_in_dim3A_116 = arith.constant 0.000000e+00 : f32
    %broadcast_in_dim3A_117 = vector.broadcast %broadcast_in_dim3A_116 : f32 to vector<16xf32>
    %broadcast_in_dim3A_118 = arith.constant 0.000000e+00 : f32
    %broadcast_in_dim3A_119 = vector.broadcast %broadcast_in_dim3A_118 : f32 to vector<16xf32>
    %broadcast_in_dim3A_120 = arith.constant 0.000000e+00 : f32
    %broadcast_in_dim3A_121 = vector.broadcast %broadcast_in_dim3A_120 : f32 to vector<16xf32>
    %broadcast_in_dim3A_122 = arith.constant 0.000000e+00 : f32
    %broadcast_in_dim3A_123 = vector.broadcast %broadcast_in_dim3A_122 : f32 to vector<16xf32>
    %broadcast_in_dim3A_124 = arith.constant 0.000000e+00 : f32
    %broadcast_in_dim3A_125 = vector.broadcast %broadcast_in_dim3A_124 : f32 to vector<16xf32>
    %broadcast_in_dim3A_126 = arith.constant 0.000000e+00 : f32
    %broadcast_in_dim3A_127 = vector.broadcast %broadcast_in_dim3A_126 : f32 to vector<16xf32>
    %broadcast_in_dim3A_128 = arith.constant 0.000000e+00 : f32
    %broadcast_in_dim3A_129 = vector.broadcast %broadcast_in_dim3A_128 : f32 to vector<16xf32>
    %dma_start3A = arith.constant 0 : i32
    %dma_start3A_130 = arith.constant 0 : i32
    %dma_start3A_131 = arith.constant 0 : i32
    %dma_start3A_132 = tpu.memref_slice %arg7[%dma_start3A, %dma_start3A_130, %dma_start3A_131] : memref<2x64x768xf32, #tpu.memory_space<vmem>> -> memref<1x64x768xf32, #tpu.memory_space<vmem>>
    %dma_start3A_133 = tpu.memref_squeeze %dma_start3A_132 : memref<1x64x768xf32, #tpu.memory_space<vmem>> -> memref<64x768xf32, #tpu.memory_space<vmem>>
    %dma_start3A_134 = arith.constant 0 : i32
    %dma_start3A_135 = tpu.memref_slice %arg6[%dma_start3A_134] : memref<256xi32, #tpu.memory_space<vmem>> -> memref<64xi32, #tpu.memory_space<vmem>>
    %dma_start3A_136 = arith.constant 0 : i32
    %dma_start3A_137 = arith.constant 0 : i32
    %dma_start3A_138 = tpu.memref_slice %arg3[%dma_start3A_136, %dma_start3A_137] : memref<28996x768xf32, #tpu.memory_space<hbm>> -> memref<28996x768xf32, #tpu.memory_space<hbm>>
    tpu.enqueue_indirect_dma source(%dma_start3A_138 : memref<28996x768xf32, #tpu.memory_space<hbm>>) target(%dma_start3A_133 : memref<64x768xf32, #tpu.memory_space<vmem>>) offsets(%dma_start3A_135 : memref<64xi32, #tpu.memory_space<vmem>>) semaphore(%arg9 : memref<!tpu.dma_semaphore, #tpu.memory_space<semaphore_mem>>)
    %dma_start3A_139 = arith.constant 1 : i32
    %dma_start3A_140 = arith.constant 0 : i32
    %dma_start3A_141 = arith.constant 0 : i32
    %dma_start3A_142 = tpu.memref_slice %arg7[%dma_start3A_139, %dma_start3A_140, %dma_start3A_141] : memref<2x64x768xf32, #tpu.memory_space<vmem>> -> memref<1x64x768xf32, #tpu.memory_space<vmem>>
    %dma_start3A_143 = tpu.memref_squeeze %dma_start3A_142 : memref<1x64x768xf32, #tpu.memory_space<vmem>> -> memref<64x768xf32, #tpu.memory_space<vmem>>
    %dma_start3A_144 = arith.constant 64 : i32
    %dma_start3A_145 = tpu.memref_slice %arg6[%dma_start3A_144] : memref<256xi32, #tpu.memory_space<vmem>> -> memref<64xi32, #tpu.memory_space<vmem>>
    %dma_start3A_146 = arith.constant 0 : i32
    %dma_start3A_147 = arith.constant 0 : i32
    %dma_start3A_148 = tpu.memref_slice %arg3[%dma_start3A_146, %dma_start3A_147] : memref<28996x768xf32, #tpu.memory_space<hbm>> -> memref<28996x768xf32, #tpu.memory_space<hbm>>
    tpu.enqueue_indirect_dma source(%dma_start3A_148 : memref<28996x768xf32, #tpu.memory_space<hbm>>) target(%dma_start3A_143 : memref<64x768xf32, #tpu.memory_space<vmem>>) offsets(%dma_start3A_145 : memref<64xi32, #tpu.memory_space<vmem>>) semaphore(%arg9 : memref<!tpu.dma_semaphore, #tpu.memory_space<semaphore_mem>>)
    %dma_wait3A = arith.constant 0 : i32
    %dma_wait3A_149 = arith.constant 0 : i32
    %dma_wait3A_150 = arith.constant 0 : i32
    %dma_wait3A_151 = tpu.memref_slice %arg7[%dma_wait3A, %dma_wait3A_149, %dma_wait3A_150] : memref<2x64x768xf32, #tpu.memory_space<vmem>> -> memref<1x64x768xf32, #tpu.memory_space<vmem>>
    %dma_wait3A_152 = tpu.memref_squeeze %dma_wait3A_151 : memref<1x64x768xf32, #tpu.memory_space<vmem>> -> memref<64x768xf32, #tpu.memory_space<vmem>>
    %dma_wait3A_153 = arith.constant 0 : i32
    %dma_wait3A_154 = tpu.memref_slice %arg6[%dma_wait3A_153] : memref<256xi32, #tpu.memory_space<vmem>> -> memref<64xi32, #tpu.memory_space<vmem>>
    %dma_wait3A_155 = arith.constant 0 : i32
    %dma_wait3A_156 = arith.constant 0 : i32
    %dma_wait3A_157 = tpu.memref_slice %arg3[%dma_wait3A_155, %dma_wait3A_156] : memref<28996x768xf32, #tpu.memory_space<hbm>> -> memref<28996x768xf32, #tpu.memory_space<hbm>>
    tpu.wait_indirect_dma semaphore(%arg9 : memref<!tpu.dma_semaphore, #tpu.memory_space<semaphore_mem>>) src(%dma_wait3A_157 : memref<28996x768xf32, #tpu.memory_space<hbm>>) dst(%dma_wait3A_152 : memref<64x768xf32, #tpu.memory_space<vmem>>)
    %add3A_158 = arith.constant 0 : i32
    %add3A_159 = arith.addi %mul3A_34, %add3A_158 : i32
    %dma_start3A_160 = arith.constant 0 : i32
    %dma_start3A_161 = arith.constant 0 : i32
    %dma_start3A_162 = arith.constant 0 : i32
    %dma_start3A_163 = tpu.memref_slice %arg7[%dma_start3A_160, %dma_start3A_161, %dma_start3A_162] : memref<2x64x768xf32, #tpu.memory_space<vmem>> -> memref<1x64x768xf32, #tpu.memory_space<vmem>>
    %dma_start3A_164 = tpu.memref_squeeze %dma_start3A_163 : memref<1x64x768xf32, #tpu.memory_space<vmem>> -> memref<64x768xf32, #tpu.memory_space<vmem>>
    %dma_start3A_165 = arith.constant 0 : i32
    %dma_start3A_166 = tpu.memref_slice %arg4[%add3A_159, %dma_start3A_165] : memref<8192x768xf32, #tpu.memory_space<hbm>> -> memref<64x768xf32, #tpu.memory_space<hbm>>
    %dma_start3A_167 = arith.constant 0 : i32
    %dma_start3A_168 = tpu.memref_slice %arg4[%add3A_159, %dma_start3A_167] : memref<8192x768xf32, #tpu.memory_space<hbm>> -> memref<64x768xf32, #tpu.memory_space<hbm>>
    %dma_start3A_169 = arith.constant 0 : i32
    %dma_start3A_170 = arith.constant 0 : i32
    %dma_start3A_171 = tpu.memref_slice %arg7[%dma_start3A_160, %dma_start3A_169, %dma_start3A_170] : memref<2x64x768xf32, #tpu.memory_space<vmem>> -> memref<1x64x768xf32, #tpu.memory_space<vmem>>
    %dma_start3A_172 = tpu.memref_squeeze %dma_start3A_171 : memref<1x64x768xf32, #tpu.memory_space<vmem>> -> memref<64x768xf32, #tpu.memory_space<vmem>>
    tpu.enqueue_dma source(%dma_start3A_172 : memref<64x768xf32, #tpu.memory_space<vmem>>) target(%dma_start3A_168 : memref<64x768xf32, #tpu.memory_space<hbm>>) target_semaphore(%arg10 : memref<!tpu.dma_semaphore, #tpu.memory_space<semaphore_mem>>)
    %scan3A = arith.constant 0 : i32
    %scan3A_173 = arith.constant 64 : i32
    %scan3A_174 = arith.addi %scan3A, %scan3A_173 : i32
    %scan3A_175 = arith.constant 1 : i32
    %scan3A_176:16 = scf.for %scan3A_582 = %scan3A to %scan3A_174 step %scan3A_175 iter_args(%scan3A_583 = %broadcast_in_dim3A_35, %scan3A_584 = %broadcast_in_dim3A_37, %scan3A_585 = %broadcast_in_dim3A_39, %scan3A_586 = %broadcast_in_dim3A_41, %scan3A_587 = %broadcast_in_dim3A_43, %scan3A_588 = %broadcast_in_dim3A_45, %scan3A_589 = %broadcast_in_dim3A_47, %scan3A_590 = %broadcast_in_dim3A_49, %scan3A_591 = %broadcast_in_dim3A_51, %scan3A_592 = %broadcast_in_dim3A_53, %scan3A_593 = %broadcast_in_dim3A_55, %scan3A_594 = %broadcast_in_dim3A_57, %scan3A_595 = %broadcast_in_dim3A_59, %scan3A_596 = %broadcast_in_dim3A_61, %scan3A_597 = %broadcast_in_dim3A_63, %scan3A_598 = %broadcast_in_dim3A_65) -> (vector<16xf32>, vector<16xf32>, vector<16xf32>, vector<16xf32>, vector<16xf32>, vector<16xf32>, vector<16xf32>, vector<16xf32>, vector<16xf32>, vector<16xf32>, vector<16xf32>, vector<16xf32>, vector<16xf32>, vector<16xf32>, vector<16xf32>, vector<16xf32>)  : i32 {
      %get3A = arith.constant 0 : i32
      %get3A_599 = arith.index_cast %get3A : i32 to index
      %get3A_600 = arith.index_cast %scan3A_582 : i32 to index
      %get3A_601 = arith.constant 0 : index
      %get3A_602 = tpu.vector_load %arg7[%get3A_599, %get3A_600, %get3A_601] {strides = array<i32>} : memref<2x64x768xf32, #tpu.memory_space<vmem>>, vector<1x1x16xf32>,
      %get3A_603 = vector.shape_cast %get3A_602 : vector<1x1x16xf32> to vector<16xf32>
      %add3A_604 = arith.addf %scan3A_583, %get3A_603 : vector<16xf32>
      %get3A_605 = arith.constant 0 : i32
      %get3A_606 = arith.index_cast %get3A_605 : i32 to index
      %get3A_607 = arith.index_cast %scan3A_582 : i32 to index
      %get3A_608 = arith.constant 16 : index
      %get3A_609 = tpu.vector_load %arg7[%get3A_606, %get3A_607, %get3A_608] {strides = array<i32>} : memref<2x64x768xf32, #tpu.memory_space<vmem>>, vector<1x1x16xf32>,
      %get3A_610 = vector.shape_cast %get3A_609 : vector<1x1x16xf32> to vector<16xf32>
      %add3A_611 = arith.addf %scan3A_584, %get3A_610 : vector<16xf32>
      %get3A_612 = arith.constant 0 : i32
      %get3A_613 = arith.index_cast %get3A_612 : i32 to index
      %get3A_614 = arith.index_cast %scan3A_582 : i32 to index
      %get3A_615 = arith.constant 32 : index
      %get3A_616 = tpu.vector_load %arg7[%get3A_613, %get3A_614, %get3A_615] {strides = array<i32>} : memref<2x64x768xf32, #tpu.memory_space<vmem>>, vector<1x1x16xf32>,
      %get3A_617 = vector.shape_cast %get3A_616 : vector<1x1x16xf32> to vector<16xf32>
      %add3A_618 = arith.addf %scan3A_585, %get3A_617 : vector<16xf32>
      %get3A_619 = arith.constant 0 : i32
      %get3A_620 = arith.index_cast %get3A_619 : i32 to index
      %get3A_621 = arith.index_cast %scan3A_582 : i32 to index
      %get3A_622 = arith.constant 48 : index
      %get3A_623 = tpu.vector_load %arg7[%get3A_620, %get3A_621, %get3A_622] {strides = array<i32>} : memref<2x64x768xf32, #tpu.memory_space<vmem>>, vector<1x1x16xf32>,
      %get3A_624 = vector.shape_cast %get3A_623 : vector<1x1x16xf32> to vector<16xf32>
      %add3A_625 = arith.addf %scan3A_586, %get3A_624 : vector<16xf32>
      %get3A_626 = arith.constant 0 : i32
      %get3A_627 = arith.index_cast %get3A_626 : i32 to index
      %get3A_628 = arith.index_cast %scan3A_582 : i32 to index
      %get3A_629 = arith.constant 64 : index
      %get3A_630 = tpu.vector_load %arg7[%get3A_627, %get3A_628, %get3A_629] {strides = array<i32>} : memref<2x64x768xf32, #tpu.memory_space<vmem>>, vector<1x1x16xf32>,
      %get3A_631 = vector.shape_cast %get3A_630 : vector<1x1x16xf32> to vector<16xf32>
      %add3A_632 = arith.addf %scan3A_587, %get3A_631 : vector<16xf32>
      %get3A_633 = arith.constant 0 : i32
      %get3A_634 = arith.index_cast %get3A_633 : i32 to index
      %get3A_635 = arith.index_cast %scan3A_582 : i32 to index
      %get3A_636 = arith.constant 80 : index
      %get3A_637 = tpu.vector_load %arg7[%get3A_634, %get3A_635, %get3A_636] {strides = array<i32>} : memref<2x64x768xf32, #tpu.memory_space<vmem>>, vector<1x1x16xf32>,
      %get3A_638 = vector.shape_cast %get3A_637 : vector<1x1x16xf32> to vector<16xf32>
      %add3A_639 = arith.addf %scan3A_588, %get3A_638 : vector<16xf32>
      %get3A_640 = arith.constant 0 : i32
      %get3A_641 = arith.index_cast %get3A_640 : i32 to index
      %get3A_642 = arith.index_cast %scan3A_582 : i32 to index
      %get3A_643 = arith.constant 96 : index
      %get3A_644 = tpu.vector_load %arg7[%get3A_641, %get3A_642, %get3A_643] {strides = array<i32>} : memref<2x64x768xf32, #tpu.memory_space<vmem>>, vector<1x1x16xf32>,
      %get3A_645 = vector.shape_cast %get3A_644 : vector<1x1x16xf32> to vector<16xf32>
      %add3A_646 = arith.addf %scan3A_589, %get3A_645 : vector<16xf32>
      %get3A_647 = arith.constant 0 : i32
      %get3A_648 = arith.index_cast %get3A_647 : i32 to index
      %get3A_649 = arith.index_cast %scan3A_582 : i32 to index
      %get3A_650 = arith.constant 112 : index
      %get3A_651 = tpu.vector_load %arg7[%get3A_648, %get3A_649, %get3A_650] {strides = array<i32>} : memref<2x64x768xf32, #tpu.memory_space<vmem>>, vector<1x1x16xf32>,
      %get3A_652 = vector.shape_cast %get3A_651 : vector<1x1x16xf32> to vector<16xf32>
      %add3A_653 = arith.addf %scan3A_590, %get3A_652 : vector<16xf32>
      %get3A_654 = arith.constant 0 : i32
      %get3A_655 = arith.index_cast %get3A_654 : i32 to index
      %get3A_656 = arith.index_cast %scan3A_582 : i32 to index
      %get3A_657 = arith.constant 128 : index
      %get3A_658 = tpu.vector_load %arg7[%get3A_655, %get3A_656, %get3A_657] {strides = array<i32>} : memref<2x64x768xf32, #tpu.memory_space<vmem>>, vector<1x1x16xf32>,
      %get3A_659 = vector.shape_cast %get3A_658 : vector<1x1x16xf32> to vector<16xf32>
      %add3A_660 = arith.addf %scan3A_591, %get3A_659 : vector<16xf32>
      %get3A_661 = arith.constant 0 : i32
      %get3A_662 = arith.index_cast %get3A_661 : i32 to index
      %get3A_663 = arith.index_cast %scan3A_582 : i32 to index
      %get3A_664 = arith.constant 144 : index
      %get3A_665 = tpu.vector_load %arg7[%get3A_662, %get3A_663, %get3A_664] {strides = array<i32>} : memref<2x64x768xf32, #tpu.memory_space<vmem>>, vector<1x1x16xf32>,
      %get3A_666 = vector.shape_cast %get3A_665 : vector<1x1x16xf32> to vector<16xf32>
      %add3A_667 = arith.addf %scan3A_592, %get3A_666 : vector<16xf32>
      %get3A_668 = arith.constant 0 : i32
      %get3A_669 = arith.index_cast %get3A_668 : i32 to index
      %get3A_670 = arith.index_cast %scan3A_582 : i32 to index
      %get3A_671 = arith.constant 160 : index
      %get3A_672 = tpu.vector_load %arg7[%get3A_669, %get3A_670, %get3A_671] {strides = array<i32>} : memref<2x64x768xf32, #tpu.memory_space<vmem>>, vector<1x1x16xf32>,
      %get3A_673 = vector.shape_cast %get3A_672 : vector<1x1x16xf32> to vector<16xf32>
      %add3A_674 = arith.addf %scan3A_593, %get3A_673 : vector<16xf32>
      %get3A_675 = arith.constant 0 : i32
      %get3A_676 = arith.index_cast %get3A_675 : i32 to index
      %get3A_677 = arith.index_cast %scan3A_582 : i32 to index
      %get3A_678 = arith.constant 176 : index
      %get3A_679 = tpu.vector_load %arg7[%get3A_676, %get3A_677, %get3A_678] {strides = array<i32>} : memref<2x64x768xf32, #tpu.memory_space<vmem>>, vector<1x1x16xf32>,
      %get3A_680 = vector.shape_cast %get3A_679 : vector<1x1x16xf32> to vector<16xf32>
      %add3A_681 = arith.addf %scan3A_594, %get3A_680 : vector<16xf32>
      %get3A_682 = arith.constant 0 : i32
      %get3A_683 = arith.index_cast %get3A_682 : i32 to index
      %get3A_684 = arith.index_cast %scan3A_582 : i32 to index
      %get3A_685 = arith.constant 192 : index
      %get3A_686 = tpu.vector_load %arg7[%get3A_683, %get3A_684, %get3A_685] {strides = array<i32>} : memref<2x64x768xf32, #tpu.memory_space<vmem>>, vector<1x1x16xf32>,
      %get3A_687 = vector.shape_cast %get3A_686 : vector<1x1x16xf32> to vector<16xf32>
      %add3A_688 = arith.addf %scan3A_595, %get3A_687 : vector<16xf32>
      %get3A_689 = arith.constant 0 : i32
      %get3A_690 = arith.index_cast %get3A_689 : i32 to index
      %get3A_691 = arith.index_cast %scan3A_582 : i32 to index
      %get3A_692 = arith.constant 208 : index
      %get3A_693 = tpu.vector_load %arg7[%get3A_690, %get3A_691, %get3A_692] {strides = array<i32>} : memref<2x64x768xf32, #tpu.memory_space<vmem>>, vector<1x1x16xf32>,
      %get3A_694 = vector.shape_cast %get3A_693 : vector<1x1x16xf32> to vector<16xf32>
      %add3A_695 = arith.addf %scan3A_596, %get3A_694 : vector<16xf32>
      %get3A_696 = arith.constant 0 : i32
      %get3A_697 = arith.index_cast %get3A_696 : i32 to index
      %get3A_698 = arith.index_cast %scan3A_582 : i32 to index
      %get3A_699 = arith.constant 224 : index
      %get3A_700 = tpu.vector_load %arg7[%get3A_697, %get3A_698, %get3A_699] {strides = array<i32>} : memref<2x64x768xf32, #tpu.memory_space<vmem>>, vector<1x1x16xf32>,
      %get3A_701 = vector.shape_cast %get3A_700 : vector<1x1x16xf32> to vector<16xf32>
      %add3A_702 = arith.addf %scan3A_597, %get3A_701 : vector<16xf32>
      %get3A_703 = arith.constant 0 : i32
      %get3A_704 = arith.index_cast %get3A_703 : i32 to index
      %get3A_705 = arith.index_cast %scan3A_582 : i32 to index
      %get3A_706 = arith.constant 240 : index
      %get3A_707 = tpu.vector_load %arg7[%get3A_704, %get3A_705, %get3A_706] {strides = array<i32>} : memref<2x64x768xf32, #tpu.memory_space<vmem>>, vector<1x1x16xf32>,
      %get3A_708 = vector.shape_cast %get3A_707 : vector<1x1x16xf32> to vector<16xf32>
      %add3A_709 = arith.addf %scan3A_598, %get3A_708 : vector<16xf32>
      scf.yield %add3A_604, %add3A_611, %add3A_618, %add3A_625, %add3A_632, %add3A_639, %add3A_646, %add3A_653, %add3A_660, %add3A_667, %add3A_674, %add3A_681, %add3A_688, %add3A_695, %add3A_702, %add3A_709 : vector<16xf32>, vector<16xf32>, vector<16xf32>, vector<16xf32>, vector<16xf32>, vector<16xf32>, vector<16xf32>, vector<16xf32>, vector<16xf32>, vector<16xf32>, vector<16xf32>, vector<16xf32>, vector<16xf32>, vector<16xf32>, vector<16xf32>, vector<16xf32>
    }
    %scan3A_177 = arith.constant 64 : i32
    %scan3A_178 = arith.constant 0 : i32
    %scan3A_179 = arith.constant 64 : i32
    %scan3A_180 = arith.addi %scan3A_178, %scan3A_179 : i32
    %scan3A_181 = arith.constant 1 : i32
    %scan3A_182:16 = scf.for %scan3A_582 = %scan3A_178 to %scan3A_180 step %scan3A_181 iter_args(%scan3A_583 = %broadcast_in_dim3A_67, %scan3A_584 = %broadcast_in_dim3A_69, %scan3A_585 = %broadcast_in_dim3A_71, %scan3A_586 = %broadcast_in_dim3A_73, %scan3A_587 = %broadcast_in_dim3A_75, %scan3A_588 = %broadcast_in_dim3A_77, %scan3A_589 = %broadcast_in_dim3A_79, %scan3A_590 = %broadcast_in_dim3A_81, %scan3A_591 = %broadcast_in_dim3A_83, %scan3A_592 = %broadcast_in_dim3A_85, %scan3A_593 = %broadcast_in_dim3A_87, %scan3A_594 = %broadcast_in_dim3A_89, %scan3A_595 = %broadcast_in_dim3A_91, %scan3A_596 = %broadcast_in_dim3A_93, %scan3A_597 = %broadcast_in_dim3A_95, %scan3A_598 = %broadcast_in_dim3A_97) -> (vector<16xf32>, vector<16xf32>, vector<16xf32>, vector<16xf32>, vector<16xf32>, vector<16xf32>, vector<16xf32>, vector<16xf32>, vector<16xf32>, vector<16xf32>, vector<16xf32>, vector<16xf32>, vector<16xf32>, vector<16xf32>, vector<16xf32>, vector<16xf32>)  : i32 {
      %get3A = arith.constant 0 : i32
      %get3A_599 = arith.index_cast %get3A : i32 to index
      %get3A_600 = arith.index_cast %scan3A_582 : i32 to index
      %get3A_601 = arith.constant 256 : index
      %get3A_602 = tpu.vector_load %arg7[%get3A_599, %get3A_600, %get3A_601] {strides = array<i32>} : memref<2x64x768xf32, #tpu.memory_space<vmem>>, vector<1x1x16xf32>,
      %get3A_603 = vector.shape_cast %get3A_602 : vector<1x1x16xf32> to vector<16xf32>
      %add3A_604 = arith.addf %scan3A_583, %get3A_603 : vector<16xf32>
      %get3A_605 = arith.constant 0 : i32
      %get3A_606 = arith.index_cast %get3A_605 : i32 to index
      %get3A_607 = arith.index_cast %scan3A_582 : i32 to index
      %get3A_608 = arith.constant 272 : index
      %get3A_609 = tpu.vector_load %arg7[%get3A_606, %get3A_607, %get3A_608] {strides = array<i32>} : memref<2x64x768xf32, #tpu.memory_space<vmem>>, vector<1x1x16xf32>,
      %get3A_610 = vector.shape_cast %get3A_609 : vector<1x1x16xf32> to vector<16xf32>
      %add3A_611 = arith.addf %scan3A_584, %get3A_610 : vector<16xf32>
      %get3A_612 = arith.constant 0 : i32
      %get3A_613 = arith.index_cast %get3A_612 : i32 to index
      %get3A_614 = arith.index_cast %scan3A_582 : i32 to index
      %get3A_615 = arith.constant 288 : index
      %get3A_616 = tpu.vector_load %arg7[%get3A_613, %get3A_614, %get3A_615] {strides = array<i32>} : memref<2x64x768xf32, #tpu.memory_space<vmem>>, vector<1x1x16xf32>,
      %get3A_617 = vector.shape_cast %get3A_616 : vector<1x1x16xf32> to vector<16xf32>
      %add3A_618 = arith.addf %scan3A_585, %get3A_617 : vector<16xf32>
      %get3A_619 = arith.constant 0 : i32
      %get3A_620 = arith.index_cast %get3A_619 : i32 to index
      %get3A_621 = arith.index_cast %scan3A_582 : i32 to index
      %get3A_622 = arith.constant 304 : index
      %get3A_623 = tpu.vector_load %arg7[%get3A_620, %get3A_621, %get3A_622] {strides = array<i32>} : memref<2x64x768xf32, #tpu.memory_space<vmem>>, vector<1x1x16xf32>,
      %get3A_624 = vector.shape_cast %get3A_623 : vector<1x1x16xf32> to vector<16xf32>
      %add3A_625 = arith.addf %scan3A_586, %get3A_624 : vector<16xf32>
      %get3A_626 = arith.constant 0 : i32
      %get3A_627 = arith.index_cast %get3A_626 : i32 to index
      %get3A_628 = arith.index_cast %scan3A_582 : i32 to index
      %get3A_629 = arith.constant 320 : index
      %get3A_630 = tpu.vector_load %arg7[%get3A_627, %get3A_628, %get3A_629] {strides = array<i32>} : memref<2x64x768xf32, #tpu.memory_space<vmem>>, vector<1x1x16xf32>,
      %get3A_631 = vector.shape_cast %get3A_630 : vector<1x1x16xf32> to vector<16xf32>
      %add3A_632 = arith.addf %scan3A_587, %get3A_631 : vector<16xf32>
      %get3A_633 = arith.constant 0 : i32
      %get3A_634 = arith.index_cast %get3A_633 : i32 to index
      %get3A_635 = arith.index_cast %scan3A_582 : i32 to index
      %get3A_636 = arith.constant 336 : index
      %get3A_637 = tpu.vector_load %arg7[%get3A_634, %get3A_635, %get3A_636] {strides = array<i32>} : memref<2x64x768xf32, #tpu.memory_space<vmem>>, vector<1x1x16xf32>,
      %get3A_638 = vector.shape_cast %get3A_637 : vector<1x1x16xf32> to vector<16xf32>
      %add3A_639 = arith.addf %scan3A_588, %get3A_638 : vector<16xf32>
      %get3A_640 = arith.constant 0 : i32
      %get3A_641 = arith.index_cast %get3A_640 : i32 to index
      %get3A_642 = arith.index_cast %scan3A_582 : i32 to index
      %get3A_643 = arith.constant 352 : index
      %get3A_644 = tpu.vector_load %arg7[%get3A_641, %get3A_642, %get3A_643] {strides = array<i32>} : memref<2x64x768xf32, #tpu.memory_space<vmem>>, vector<1x1x16xf32>,
      %get3A_645 = vector.shape_cast %get3A_644 : vector<1x1x16xf32> to vector<16xf32>
      %add3A_646 = arith.addf %scan3A_589, %get3A_645 : vector<16xf32>
      %get3A_647 = arith.constant 0 : i32
      %get3A_648 = arith.index_cast %get3A_647 : i32 to index
      %get3A_649 = arith.index_cast %scan3A_582 : i32 to index
      %get3A_650 = arith.constant 368 : index
      %get3A_651 = tpu.vector_load %arg7[%get3A_648, %get3A_649, %get3A_650] {strides = array<i32>} : memref<2x64x768xf32, #tpu.memory_space<vmem>>, vector<1x1x16xf32>,
      %get3A_652 = vector.shape_cast %get3A_651 : vector<1x1x16xf32> to vector<16xf32>
      %add3A_653 = arith.addf %scan3A_590, %get3A_652 : vector<16xf32>
      %get3A_654 = arith.constant 0 : i32
      %get3A_655 = arith.index_cast %get3A_654 : i32 to index
      %get3A_656 = arith.index_cast %scan3A_582 : i32 to index
      %get3A_657 = arith.constant 384 : index
      %get3A_658 = tpu.vector_load %arg7[%get3A_655, %get3A_656, %get3A_657] {strides = array<i32>} : memref<2x64x768xf32, #tpu.memory_space<vmem>>, vector<1x1x16xf32>,
      %get3A_659 = vector.shape_cast %get3A_658 : vector<1x1x16xf32> to vector<16xf32>
      %add3A_660 = arith.addf %scan3A_591, %get3A_659 : vector<16xf32>
      %get3A_661 = arith.constant 0 : i32
      %get3A_662 = arith.index_cast %get3A_661 : i32 to index
      %get3A_663 = arith.index_cast %scan3A_582 : i32 to index
      %get3A_664 = arith.constant 400 : index
      %get3A_665 = tpu.vector_load %arg7[%get3A_662, %get3A_663, %get3A_664] {strides = array<i32>} : memref<2x64x768xf32, #tpu.memory_space<vmem>>, vector<1x1x16xf32>,
      %get3A_666 = vector.shape_cast %get3A_665 : vector<1x1x16xf32> to vector<16xf32>
      %add3A_667 = arith.addf %scan3A_592, %get3A_666 : vector<16xf32>
      %get3A_668 = arith.constant 0 : i32
      %get3A_669 = arith.index_cast %get3A_668 : i32 to index
      %get3A_670 = arith.index_cast %scan3A_582 : i32 to index
      %get3A_671 = arith.constant 416 : index
      %get3A_672 = tpu.vector_load %arg7[%get3A_669, %get3A_670, %get3A_671] {strides = array<i32>} : memref<2x64x768xf32, #tpu.memory_space<vmem>>, vector<1x1x16xf32>,
      %get3A_673 = vector.shape_cast %get3A_672 : vector<1x1x16xf32> to vector<16xf32>
      %add3A_674 = arith.addf %scan3A_593, %get3A_673 : vector<16xf32>
      %get3A_675 = arith.constant 0 : i32
      %get3A_676 = arith.index_cast %get3A_675 : i32 to index
      %get3A_677 = arith.index_cast %scan3A_582 : i32 to index
      %get3A_678 = arith.constant 432 : index
      %get3A_679 = tpu.vector_load %arg7[%get3A_676, %get3A_677, %get3A_678] {strides = array<i32>} : memref<2x64x768xf32, #tpu.memory_space<vmem>>, vector<1x1x16xf32>,
      %get3A_680 = vector.shape_cast %get3A_679 : vector<1x1x16xf32> to vector<16xf32>
      %add3A_681 = arith.addf %scan3A_594, %get3A_680 : vector<16xf32>
      %get3A_682 = arith.constant 0 : i32
      %get3A_683 = arith.index_cast %get3A_682 : i32 to index
      %get3A_684 = arith.index_cast %scan3A_582 : i32 to index
      %get3A_685 = arith.constant 448 : index
      %get3A_686 = tpu.vector_load %arg7[%get3A_683, %get3A_684, %get3A_685] {strides = array<i32>} : memref<2x64x768xf32, #tpu.memory_space<vmem>>, vector<1x1x16xf32>,
      %get3A_687 = vector.shape_cast %get3A_686 : vector<1x1x16xf32> to vector<16xf32>
      %add3A_688 = arith.addf %scan3A_595, %get3A_687 : vector<16xf32>
      %get3A_689 = arith.constant 0 : i32
      %get3A_690 = arith.index_cast %get3A_689 : i32 to index
      %get3A_691 = arith.index_cast %scan3A_582 : i32 to index
      %get3A_692 = arith.constant 464 : index
      %get3A_693 = tpu.vector_load %arg7[%get3A_690, %get3A_691, %get3A_692] {strides = array<i32>} : memref<2x64x768xf32, #tpu.memory_space<vmem>>, vector<1x1x16xf32>,
      %get3A_694 = vector.shape_cast %get3A_693 : vector<1x1x16xf32> to vector<16xf32>
      %add3A_695 = arith.addf %scan3A_596, %get3A_694 : vector<16xf32>
      %get3A_696 = arith.constant 0 : i32
      %get3A_697 = arith.index_cast %get3A_696 : i32 to index
      %get3A_698 = arith.index_cast %scan3A_582 : i32 to index
      %get3A_699 = arith.constant 480 : index
      %get3A_700 = tpu.vector_load %arg7[%get3A_697, %get3A_698, %get3A_699] {strides = array<i32>} : memref<2x64x768xf32, #tpu.memory_space<vmem>>, vector<1x1x16xf32>,
      %get3A_701 = vector.shape_cast %get3A_700 : vector<1x1x16xf32> to vector<16xf32>
      %add3A_702 = arith.addf %scan3A_597, %get3A_701 : vector<16xf32>
      %get3A_703 = arith.constant 0 : i32
      %get3A_704 = arith.index_cast %get3A_703 : i32 to index
      %get3A_705 = arith.index_cast %scan3A_582 : i32 to index
      %get3A_706 = arith.constant 496 : index
      %get3A_707 = tpu.vector_load %arg7[%get3A_704, %get3A_705, %get3A_706] {strides = array<i32>} : memref<2x64x768xf32, #tpu.memory_space<vmem>>, vector<1x1x16xf32>,
      %get3A_708 = vector.shape_cast %get3A_707 : vector<1x1x16xf32> to vector<16xf32>
      %add3A_709 = arith.addf %scan3A_598, %get3A_708 : vector<16xf32>
      scf.yield %add3A_604, %add3A_611, %add3A_618, %add3A_625, %add3A_632, %add3A_639, %add3A_646, %add3A_653, %add3A_660, %add3A_667, %add3A_674, %add3A_681, %add3A_688, %add3A_695, %add3A_702, %add3A_709 : vector<16xf32>, vector<16xf32>, vector<16xf32>, vector<16xf32>, vector<16xf32>, vector<16xf32>, vector<16xf32>, vector<16xf32>, vector<16xf32>, vector<16xf32>, vector<16xf32>, vector<16xf32>, vector<16xf32>, vector<16xf32>, vector<16xf32>, vector<16xf32>
    }
    %scan3A_183 = arith.constant 64 : i32
    %scan3A_184 = arith.constant 0 : i32
    %scan3A_185 = arith.constant 64 : i32
    %scan3A_186 = arith.addi %scan3A_184, %scan3A_185 : i32
    %scan3A_187 = arith.constant 1 : i32
    %scan3A_188:16 = scf.for %scan3A_582 = %scan3A_184 to %scan3A_186 step %scan3A_187 iter_args(%scan3A_583 = %broadcast_in_dim3A_99, %scan3A_584 = %broadcast_in_dim3A_101, %scan3A_585 = %broadcast_in_dim3A_103, %scan3A_586 = %broadcast_in_dim3A_105, %scan3A_587 = %broadcast_in_dim3A_107, %scan3A_588 = %broadcast_in_dim3A_109, %scan3A_589 = %broadcast_in_dim3A_111, %scan3A_590 = %broadcast_in_dim3A_113, %scan3A_591 = %broadcast_in_dim3A_115, %scan3A_592 = %broadcast_in_dim3A_117, %scan3A_593 = %broadcast_in_dim3A_119, %scan3A_594 = %broadcast_in_dim3A_121, %scan3A_595 = %broadcast_in_dim3A_123, %scan3A_596 = %broadcast_in_dim3A_125, %scan3A_597 = %broadcast_in_dim3A_127, %scan3A_598 = %broadcast_in_dim3A_129) -> (vector<16xf32>, vector<16xf32>, vector<16xf32>, vector<16xf32>, vector<16xf32>, vector<16xf32>, vector<16xf32>, vector<16xf32>, vector<16xf32>, vector<16xf32>, vector<16xf32>, vector<16xf32>, vector<16xf32>, vector<16xf32>, vector<16xf32>, vector<16xf32>)  : i32 {
      %get3A = arith.constant 0 : i32
      %get3A_599 = arith.index_cast %get3A : i32 to index
      %get3A_600 = arith.index_cast %scan3A_582 : i32 to index
      %get3A_601 = arith.constant 512 : index
      %get3A_602 = tpu.vector_load %arg7[%get3A_599, %get3A_600, %get3A_601] {strides = array<i32>} : memref<2x64x768xf32, #tpu.memory_space<vmem>>, vector<1x1x16xf32>,
      %get3A_603 = vector.shape_cast %get3A_602 : vector<1x1x16xf32> to vector<16xf32>
      %add3A_604 = arith.addf %scan3A_583, %get3A_603 : vector<16xf32>
      %get3A_605 = arith.constant 0 : i32
      %get3A_606 = arith.index_cast %get3A_605 : i32 to index
      %get3A_607 = arith.index_cast %scan3A_582 : i32 to index
      %get3A_608 = arith.constant 528 : index
      %get3A_609 = tpu.vector_load %arg7[%get3A_606, %get3A_607, %get3A_608] {strides = array<i32>} : memref<2x64x768xf32, #tpu.memory_space<vmem>>, vector<1x1x16xf32>,
      %get3A_610 = vector.shape_cast %get3A_609 : vector<1x1x16xf32> to vector<16xf32>
      %add3A_611 = arith.addf %scan3A_584, %get3A_610 : vector<16xf32>
      %get3A_612 = arith.constant 0 : i32
      %get3A_613 = arith.index_cast %get3A_612 : i32 to index
      %get3A_614 = arith.index_cast %scan3A_582 : i32 to index
      %get3A_615 = arith.constant 544 : index
      %get3A_616 = tpu.vector_load %arg7[%get3A_613, %get3A_614, %get3A_615] {strides = array<i32>} : memref<2x64x768xf32, #tpu.memory_space<vmem>>, vector<1x1x16xf32>,
      %get3A_617 = vector.shape_cast %get3A_616 : vector<1x1x16xf32> to vector<16xf32>
      %add3A_618 = arith.addf %scan3A_585, %get3A_617 : vector<16xf32>
      %get3A_619 = arith.constant 0 : i32
      %get3A_620 = arith.index_cast %get3A_619 : i32 to index
      %get3A_621 = arith.index_cast %scan3A_582 : i32 to index
      %get3A_622 = arith.constant 560 : index
      %get3A_623 = tpu.vector_load %arg7[%get3A_620, %get3A_621, %get3A_622] {strides = array<i32>} : memref<2x64x768xf32, #tpu.memory_space<vmem>>, vector<1x1x16xf32>,
      %get3A_624 = vector.shape_cast %get3A_623 : vector<1x1x16xf32> to vector<16xf32>
      %add3A_625 = arith.addf %scan3A_586, %get3A_624 : vector<16xf32>
      %get3A_626 = arith.constant 0 : i32
      %get3A_627 = arith.index_cast %get3A_626 : i32 to index
      %get3A_628 = arith.index_cast %scan3A_582 : i32 to index
      %get3A_629 = arith.constant 576 : index
      %get3A_630 = tpu.vector_load %arg7[%get3A_627, %get3A_628, %get3A_629] {strides = array<i32>} : memref<2x64x768xf32, #tpu.memory_space<vmem>>, vector<1x1x16xf32>,
      %get3A_631 = vector.shape_cast %get3A_630 : vector<1x1x16xf32> to vector<16xf32>
      %add3A_632 = arith.addf %scan3A_587, %get3A_631 : vector<16xf32>
      %get3A_633 = arith.constant 0 : i32
      %get3A_634 = arith.index_cast %get3A_633 : i32 to index
      %get3A_635 = arith.index_cast %scan3A_582 : i32 to index
      %get3A_636 = arith.constant 592 : index
      %get3A_637 = tpu.vector_load %arg7[%get3A_634, %get3A_635, %get3A_636] {strides = array<i32>} : memref<2x64x768xf32, #tpu.memory_space<vmem>>, vector<1x1x16xf32>,
      %get3A_638 = vector.shape_cast %get3A_637 : vector<1x1x16xf32> to vector<16xf32>
      %add3A_639 = arith.addf %scan3A_588, %get3A_638 : vector<16xf32>
      %get3A_640 = arith.constant 0 : i32
      %get3A_641 = arith.index_cast %get3A_640 : i32 to index
      %get3A_642 = arith.index_cast %scan3A_582 : i32 to index
      %get3A_643 = arith.constant 608 : index
      %get3A_644 = tpu.vector_load %arg7[%get3A_641, %get3A_642, %get3A_643] {strides = array<i32>} : memref<2x64x768xf32, #tpu.memory_space<vmem>>, vector<1x1x16xf32>,
      %get3A_645 = vector.shape_cast %get3A_644 : vector<1x1x16xf32> to vector<16xf32>
      %add3A_646 = arith.addf %scan3A_589, %get3A_645 : vector<16xf32>
      %get3A_647 = arith.constant 0 : i32
      %get3A_648 = arith.index_cast %get3A_647 : i32 to index
      %get3A_649 = arith.index_cast %scan3A_582 : i32 to index
      %get3A_650 = arith.constant 624 : index
      %get3A_651 = tpu.vector_load %arg7[%get3A_648, %get3A_649, %get3A_650] {strides = array<i32>} : memref<2x64x768xf32, #tpu.memory_space<vmem>>, vector<1x1x16xf32>,
      %get3A_652 = vector.shape_cast %get3A_651 : vector<1x1x16xf32> to vector<16xf32>
      %add3A_653 = arith.addf %scan3A_590, %get3A_652 : vector<16xf32>
      %get3A_654 = arith.constant 0 : i32
      %get3A_655 = arith.index_cast %get3A_654 : i32 to index
      %get3A_656 = arith.index_cast %scan3A_582 : i32 to index
      %get3A_657 = arith.constant 640 : index
      %get3A_658 = tpu.vector_load %arg7[%get3A_655, %get3A_656, %get3A_657] {strides = array<i32>} : memref<2x64x768xf32, #tpu.memory_space<vmem>>, vector<1x1x16xf32>,
      %get3A_659 = vector.shape_cast %get3A_658 : vector<1x1x16xf32> to vector<16xf32>
      %add3A_660 = arith.addf %scan3A_591, %get3A_659 : vector<16xf32>
      %get3A_661 = arith.constant 0 : i32
      %get3A_662 = arith.index_cast %get3A_661 : i32 to index
      %get3A_663 = arith.index_cast %scan3A_582 : i32 to index
      %get3A_664 = arith.constant 656 : index
      %get3A_665 = tpu.vector_load %arg7[%get3A_662, %get3A_663, %get3A_664] {strides = array<i32>} : memref<2x64x768xf32, #tpu.memory_space<vmem>>, vector<1x1x16xf32>,
      %get3A_666 = vector.shape_cast %get3A_665 : vector<1x1x16xf32> to vector<16xf32>
      %add3A_667 = arith.addf %scan3A_592, %get3A_666 : vector<16xf32>
      %get3A_668 = arith.constant 0 : i32
      %get3A_669 = arith.index_cast %get3A_668 : i32 to index
      %get3A_670 = arith.index_cast %scan3A_582 : i32 to index
      %get3A_671 = arith.constant 672 : index
      %get3A_672 = tpu.vector_load %arg7[%get3A_669, %get3A_670, %get3A_671] {strides = array<i32>} : memref<2x64x768xf32, #tpu.memory_space<vmem>>, vector<1x1x16xf32>,
      %get3A_673 = vector.shape_cast %get3A_672 : vector<1x1x16xf32> to vector<16xf32>
      %add3A_674 = arith.addf %scan3A_593, %get3A_673 : vector<16xf32>
      %get3A_675 = arith.constant 0 : i32
      %get3A_676 = arith.index_cast %get3A_675 : i32 to index
      %get3A_677 = arith.index_cast %scan3A_582 : i32 to index
      %get3A_678 = arith.constant 688 : index
      %get3A_679 = tpu.vector_load %arg7[%get3A_676, %get3A_677, %get3A_678] {strides = array<i32>} : memref<2x64x768xf32, #tpu.memory_space<vmem>>, vector<1x1x16xf32>,
      %get3A_680 = vector.shape_cast %get3A_679 : vector<1x1x16xf32> to vector<16xf32>
      %add3A_681 = arith.addf %scan3A_594, %get3A_680 : vector<16xf32>
      %get3A_682 = arith.constant 0 : i32
      %get3A_683 = arith.index_cast %get3A_682 : i32 to index
      %get3A_684 = arith.index_cast %scan3A_582 : i32 to index
      %get3A_685 = arith.constant 704 : index
      %get3A_686 = tpu.vector_load %arg7[%get3A_683, %get3A_684, %get3A_685] {strides = array<i32>} : memref<2x64x768xf32, #tpu.memory_space<vmem>>, vector<1x1x16xf32>,
      %get3A_687 = vector.shape_cast %get3A_686 : vector<1x1x16xf32> to vector<16xf32>
      %add3A_688 = arith.addf %scan3A_595, %get3A_687 : vector<16xf32>
      %get3A_689 = arith.constant 0 : i32
      %get3A_690 = arith.index_cast %get3A_689 : i32 to index
      %get3A_691 = arith.index_cast %scan3A_582 : i32 to index
      %get3A_692 = arith.constant 720 : index
      %get3A_693 = tpu.vector_load %arg7[%get3A_690, %get3A_691, %get3A_692] {strides = array<i32>} : memref<2x64x768xf32, #tpu.memory_space<vmem>>, vector<1x1x16xf32>,
      %get3A_694 = vector.shape_cast %get3A_693 : vector<1x1x16xf32> to vector<16xf32>
      %add3A_695 = arith.addf %scan3A_596, %get3A_694 : vector<16xf32>
      %get3A_696 = arith.constant 0 : i32
      %get3A_697 = arith.index_cast %get3A_696 : i32 to index
      %get3A_698 = arith.index_cast %scan3A_582 : i32 to index
      %get3A_699 = arith.constant 736 : index
      %get3A_700 = tpu.vector_load %arg7[%get3A_697, %get3A_698, %get3A_699] {strides = array<i32>} : memref<2x64x768xf32, #tpu.memory_space<vmem>>, vector<1x1x16xf32>,
      %get3A_701 = vector.shape_cast %get3A_700 : vector<1x1x16xf32> to vector<16xf32>
      %add3A_702 = arith.addf %scan3A_597, %get3A_701 : vector<16xf32>
      %get3A_703 = arith.constant 0 : i32
      %get3A_704 = arith.index_cast %get3A_703 : i32 to index
      %get3A_705 = arith.index_cast %scan3A_582 : i32 to index
      %get3A_706 = arith.constant 752 : index
      %get3A_707 = tpu.vector_load %arg7[%get3A_704, %get3A_705, %get3A_706] {strides = array<i32>} : memref<2x64x768xf32, #tpu.memory_space<vmem>>, vector<1x1x16xf32>,
      %get3A_708 = vector.shape_cast %get3A_707 : vector<1x1x16xf32> to vector<16xf32>
      %add3A_709 = arith.addf %scan3A_598, %get3A_708 : vector<16xf32>
      scf.yield %add3A_604, %add3A_611, %add3A_618, %add3A_625, %add3A_632, %add3A_639, %add3A_646, %add3A_653, %add3A_660, %add3A_667, %add3A_674, %add3A_681, %add3A_688, %add3A_695, %add3A_702, %add3A_709 : vector<16xf32>, vector<16xf32>, vector<16xf32>, vector<16xf32>, vector<16xf32>, vector<16xf32>, vector<16xf32>, vector<16xf32>, vector<16xf32>, vector<16xf32>, vector<16xf32>, vector<16xf32>, vector<16xf32>, vector<16xf32>, vector<16xf32>, vector<16xf32>
    }
    %scan3A_189 = arith.constant 64 : i32
    %dma_start3A_190 = arith.constant 0 : i32
    %dma_start3A_191 = arith.constant 0 : i32
    %dma_start3A_192 = arith.constant 0 : i32
    %dma_start3A_193 = tpu.memref_slice %arg7[%dma_start3A_190, %dma_start3A_191, %dma_start3A_192] : memref<2x64x768xf32, #tpu.memory_space<vmem>> -> memref<1x64x768xf32, #tpu.memory_space<vmem>>
    %dma_start3A_194 = tpu.memref_squeeze %dma_start3A_193 : memref<1x64x768xf32, #tpu.memory_space<vmem>> -> memref<64x768xf32, #tpu.memory_space<vmem>>
    %dma_start3A_195 = arith.constant 128 : i32
    %dma_start3A_196 = tpu.memref_slice %arg6[%dma_start3A_195] : memref<256xi32, #tpu.memory_space<vmem>> -> memref<64xi32, #tpu.memory_space<vmem>>
    %dma_start3A_197 = arith.constant 0 : i32
    %dma_start3A_198 = arith.constant 0 : i32
    %dma_start3A_199 = tpu.memref_slice %arg3[%dma_start3A_197, %dma_start3A_198] : memref<28996x768xf32, #tpu.memory_space<hbm>> -> memref<28996x768xf32, #tpu.memory_space<hbm>>
    tpu.enqueue_indirect_dma source(%dma_start3A_199 : memref<28996x768xf32, #tpu.memory_space<hbm>>) target(%dma_start3A_194 : memref<64x768xf32, #tpu.memory_space<vmem>>) offsets(%dma_start3A_196 : memref<64xi32, #tpu.memory_space<vmem>>) semaphore(%arg9 : memref<!tpu.dma_semaphore, #tpu.memory_space<semaphore_mem>>)
    %dma_wait3A_200 = arith.constant 1 : i32
    %dma_wait3A_201 = arith.constant 0 : i32
    %dma_wait3A_202 = arith.constant 0 : i32
    %dma_wait3A_203 = tpu.memref_slice %arg7[%dma_wait3A_200, %dma_wait3A_201, %dma_wait3A_202] : memref<2x64x768xf32, #tpu.memory_space<vmem>> -> memref<1x64x768xf32, #tpu.memory_space<vmem>>
    %dma_wait3A_204 = tpu.memref_squeeze %dma_wait3A_203 : memref<1x64x768xf32, #tpu.memory_space<vmem>> -> memref<64x768xf32, #tpu.memory_space<vmem>>
    %dma_wait3A_205 = arith.constant 64 : i32
    %dma_wait3A_206 = tpu.memref_slice %arg6[%dma_wait3A_205] : memref<256xi32, #tpu.memory_space<vmem>> -> memref<64xi32, #tpu.memory_space<vmem>>
    %dma_wait3A_207 = arith.constant 0 : i32
    %dma_wait3A_208 = arith.constant 0 : i32
    %dma_wait3A_209 = tpu.memref_slice %arg3[%dma_wait3A_207, %dma_wait3A_208] : memref<28996x768xf32, #tpu.memory_space<hbm>> -> memref<28996x768xf32, #tpu.memory_space<hbm>>
    tpu.wait_indirect_dma semaphore(%arg9 : memref<!tpu.dma_semaphore, #tpu.memory_space<semaphore_mem>>) src(%dma_wait3A_209 : memref<28996x768xf32, #tpu.memory_space<hbm>>) dst(%dma_wait3A_204 : memref<64x768xf32, #tpu.memory_space<vmem>>)
    %dma_wait3A_210 = arith.constant 0 : i32
    %dma_wait3A_211 = arith.constant 0 : i32
    %dma_wait3A_212 = arith.constant 0 : i32
    %dma_wait3A_213 = tpu.memref_slice %arg7[%dma_wait3A_210, %dma_wait3A_211, %dma_wait3A_212] : memref<2x64x768xf32, #tpu.memory_space<vmem>> -> memref<1x64x768xf32, #tpu.memory_space<vmem>>
    %dma_wait3A_214 = tpu.memref_squeeze %dma_wait3A_213 : memref<1x64x768xf32, #tpu.memory_space<vmem>> -> memref<64x768xf32, #tpu.memory_space<vmem>>
    %dma_wait3A_215 = arith.constant 0 : i32
    %dma_wait3A_216 = tpu.memref_slice %arg4[%add3A_159, %dma_wait3A_215] : memref<8192x768xf32, #tpu.memory_space<hbm>> -> memref<64x768xf32, #tpu.memory_space<hbm>>
    %dma_wait3A_217 = arith.constant 0 : i32
    %dma_wait3A_218 = tpu.memref_slice %arg4[%add3A_159, %dma_wait3A_217] : memref<8192x768xf32, #tpu.memory_space<hbm>> -> memref<64x768xf32, #tpu.memory_space<hbm>>
    %dma_wait3A_219 = arith.constant 0 : i32
    %dma_wait3A_220 = arith.constant 0 : i32
    %dma_wait3A_221 = tpu.memref_slice %arg7[%dma_wait3A_210, %dma_wait3A_219, %dma_wait3A_220] : memref<2x64x768xf32, #tpu.memory_space<vmem>> -> memref<1x64x768xf32, #tpu.memory_space<vmem>>
    %dma_wait3A_222 = tpu.memref_squeeze %dma_wait3A_221 : memref<1x64x768xf32, #tpu.memory_space<vmem>> -> memref<64x768xf32, #tpu.memory_space<vmem>>
    tpu.wait_dma2 semaphore(%arg10 : memref<!tpu.dma_semaphore, #tpu.memory_space<semaphore_mem>>) src(%dma_wait3A_222 : memref<64x768xf32, #tpu.memory_space<vmem>>) dst(%dma_wait3A_218 : memref<64x768xf32, #tpu.memory_space<hbm>>)
    %add3A_223 = arith.constant 64 : i32
    %add3A_224 = arith.addi %mul3A_34, %add3A_223 : i32
    %dma_start3A_225 = arith.constant 1 : i32
    %dma_start3A_226 = arith.constant 0 : i32
    %dma_start3A_227 = arith.constant 0 : i32
    %dma_start3A_228 = tpu.memref_slice %arg7[%dma_start3A_225, %dma_start3A_226, %dma_start3A_227] : memref<2x64x768xf32, #tpu.memory_space<vmem>> -> memref<1x64x768xf32, #tpu.memory_space<vmem>>
    %dma_start3A_229 = tpu.memref_squeeze %dma_start3A_228 : memref<1x64x768xf32, #tpu.memory_space<vmem>> -> memref<64x768xf32, #tpu.memory_space<vmem>>
    %dma_start3A_230 = arith.constant 0 : i32
    %dma_start3A_231 = tpu.memref_slice %arg4[%add3A_224, %dma_start3A_230] : memref<8192x768xf32, #tpu.memory_space<hbm>> -> memref<64x768xf32, #tpu.memory_space<hbm>>
    %dma_start3A_232 = arith.constant 0 : i32
    %dma_start3A_233 = tpu.memref_slice %arg4[%add3A_224, %dma_start3A_232] : memref<8192x768xf32, #tpu.memory_space<hbm>> -> memref<64x768xf32, #tpu.memory_space<hbm>>
    %dma_start3A_234 = arith.constant 0 : i32
    %dma_start3A_235 = arith.constant 0 : i32
    %dma_start3A_236 = tpu.memref_slice %arg7[%dma_start3A_225, %dma_start3A_234, %dma_start3A_235] : memref<2x64x768xf32, #tpu.memory_space<vmem>> -> memref<1x64x768xf32, #tpu.memory_space<vmem>>
    %dma_start3A_237 = tpu.memref_squeeze %dma_start3A_236 : memref<1x64x768xf32, #tpu.memory_space<vmem>> -> memref<64x768xf32, #tpu.memory_space<vmem>>
    tpu.enqueue_dma source(%dma_start3A_237 : memref<64x768xf32, #tpu.memory_space<vmem>>) target(%dma_start3A_233 : memref<64x768xf32, #tpu.memory_space<hbm>>) target_semaphore(%arg10 : memref<!tpu.dma_semaphore, #tpu.memory_space<semaphore_mem>>)
    %scan3A_238 = arith.constant 0 : i32
    %scan3A_239 = arith.constant 64 : i32
    %scan3A_240 = arith.addi %scan3A_238, %scan3A_239 : i32
    %scan3A_241 = arith.constant 1 : i32
    %scan3A_242:16 = scf.for %scan3A_582 = %scan3A_238 to %scan3A_240 step %scan3A_241 iter_args(%scan3A_583 = %scan3A_176#0, %scan3A_584 = %scan3A_176#1, %scan3A_585 = %scan3A_176#2, %scan3A_586 = %scan3A_176#3, %scan3A_587 = %scan3A_176#4, %scan3A_588 = %scan3A_176#5, %scan3A_589 = %scan3A_176#6, %scan3A_590 = %scan3A_176#7, %scan3A_591 = %scan3A_176#8, %scan3A_592 = %scan3A_176#9, %scan3A_593 = %scan3A_176#10, %scan3A_594 = %scan3A_176#11, %scan3A_595 = %scan3A_176#12, %scan3A_596 = %scan3A_176#13, %scan3A_597 = %scan3A_176#14, %scan3A_598 = %scan3A_176#15) -> (vector<16xf32>, vector<16xf32>, vector<16xf32>, vector<16xf32>, vector<16xf32>, vector<16xf32>, vector<16xf32>, vector<16xf32>, vector<16xf32>, vector<16xf32>, vector<16xf32>, vector<16xf32>, vector<16xf32>, vector<16xf32>, vector<16xf32>, vector<16xf32>)  : i32 {
      %get3A = arith.constant 1 : i32
      %get3A_599 = arith.index_cast %get3A : i32 to index
      %get3A_600 = arith.index_cast %scan3A_582 : i32 to index
      %get3A_601 = arith.constant 0 : index
      %get3A_602 = tpu.vector_load %arg7[%get3A_599, %get3A_600, %get3A_601] {strides = array<i32>} : memref<2x64x768xf32, #tpu.memory_space<vmem>>, vector<1x1x16xf32>,
      %get3A_603 = vector.shape_cast %get3A_602 : vector<1x1x16xf32> to vector<16xf32>
      %add3A_604 = arith.addf %scan3A_583, %get3A_603 : vector<16xf32>
      %get3A_605 = arith.constant 1 : i32
      %get3A_606 = arith.index_cast %get3A_605 : i32 to index
      %get3A_607 = arith.index_cast %scan3A_582 : i32 to index
      %get3A_608 = arith.constant 16 : index
      %get3A_609 = tpu.vector_load %arg7[%get3A_606, %get3A_607, %get3A_608] {strides = array<i32>} : memref<2x64x768xf32, #tpu.memory_space<vmem>>, vector<1x1x16xf32>,
      %get3A_610 = vector.shape_cast %get3A_609 : vector<1x1x16xf32> to vector<16xf32>
      %add3A_611 = arith.addf %scan3A_584, %get3A_610 : vector<16xf32>
      %get3A_612 = arith.constant 1 : i32
      %get3A_613 = arith.index_cast %get3A_612 : i32 to index
      %get3A_614 = arith.index_cast %scan3A_582 : i32 to index
      %get3A_615 = arith.constant 32 : index
      %get3A_616 = tpu.vector_load %arg7[%get3A_613, %get3A_614, %get3A_615] {strides = array<i32>} : memref<2x64x768xf32, #tpu.memory_space<vmem>>, vector<1x1x16xf32>,
      %get3A_617 = vector.shape_cast %get3A_616 : vector<1x1x16xf32> to vector<16xf32>
      %add3A_618 = arith.addf %scan3A_585, %get3A_617 : vector<16xf32>
      %get3A_619 = arith.constant 1 : i32
      %get3A_620 = arith.index_cast %get3A_619 : i32 to index
      %get3A_621 = arith.index_cast %scan3A_582 : i32 to index
      %get3A_622 = arith.constant 48 : index
      %get3A_623 = tpu.vector_load %arg7[%get3A_620, %get3A_621, %get3A_622] {strides = array<i32>} : memref<2x64x768xf32, #tpu.memory_space<vmem>>, vector<1x1x16xf32>,
      %get3A_624 = vector.shape_cast %get3A_623 : vector<1x1x16xf32> to vector<16xf32>
      %add3A_625 = arith.addf %scan3A_586, %get3A_624 : vector<16xf32>
      %get3A_626 = arith.constant 1 : i32
      %get3A_627 = arith.index_cast %get3A_626 : i32 to index
      %get3A_628 = arith.index_cast %scan3A_582 : i32 to index
      %get3A_629 = arith.constant 64 : index
      %get3A_630 = tpu.vector_load %arg7[%get3A_627, %get3A_628, %get3A_629] {strides = array<i32>} : memref<2x64x768xf32, #tpu.memory_space<vmem>>, vector<1x1x16xf32>,
      %get3A_631 = vector.shape_cast %get3A_630 : vector<1x1x16xf32> to vector<16xf32>
      %add3A_632 = arith.addf %scan3A_587, %get3A_631 : vector<16xf32>
      %get3A_633 = arith.constant 1 : i32
      %get3A_634 = arith.index_cast %get3A_633 : i32 to index
      %get3A_635 = arith.index_cast %scan3A_582 : i32 to index
      %get3A_636 = arith.constant 80 : index
      %get3A_637 = tpu.vector_load %arg7[%get3A_634, %get3A_635, %get3A_636] {strides = array<i32>} : memref<2x64x768xf32, #tpu.memory_space<vmem>>, vector<1x1x16xf32>,
      %get3A_638 = vector.shape_cast %get3A_637 : vector<1x1x16xf32> to vector<16xf32>
      %add3A_639 = arith.addf %scan3A_588, %get3A_638 : vector<16xf32>
      %get3A_640 = arith.constant 1 : i32
      %get3A_641 = arith.index_cast %get3A_640 : i32 to index
      %get3A_642 = arith.index_cast %scan3A_582 : i32 to index
      %get3A_643 = arith.constant 96 : index
      %get3A_644 = tpu.vector_load %arg7[%get3A_641, %get3A_642, %get3A_643] {strides = array<i32>} : memref<2x64x768xf32, #tpu.memory_space<vmem>>, vector<1x1x16xf32>,
      %get3A_645 = vector.shape_cast %get3A_644 : vector<1x1x16xf32> to vector<16xf32>
      %add3A_646 = arith.addf %scan3A_589, %get3A_645 : vector<16xf32>
      %get3A_647 = arith.constant 1 : i32
      %get3A_648 = arith.index_cast %get3A_647 : i32 to index
      %get3A_649 = arith.index_cast %scan3A_582 : i32 to index
      %get3A_650 = arith.constant 112 : index
      %get3A_651 = tpu.vector_load %arg7[%get3A_648, %get3A_649, %get3A_650] {strides = array<i32>} : memref<2x64x768xf32, #tpu.memory_space<vmem>>, vector<1x1x16xf32>,
      %get3A_652 = vector.shape_cast %get3A_651 : vector<1x1x16xf32> to vector<16xf32>
      %add3A_653 = arith.addf %scan3A_590, %get3A_652 : vector<16xf32>
      %get3A_654 = arith.constant 1 : i32
      %get3A_655 = arith.index_cast %get3A_654 : i32 to index
      %get3A_656 = arith.index_cast %scan3A_582 : i32 to index
      %get3A_657 = arith.constant 128 : index
      %get3A_658 = tpu.vector_load %arg7[%get3A_655, %get3A_656, %get3A_657] {strides = array<i32>} : memref<2x64x768xf32, #tpu.memory_space<vmem>>, vector<1x1x16xf32>,
      %get3A_659 = vector.shape_cast %get3A_658 : vector<1x1x16xf32> to vector<16xf32>
      %add3A_660 = arith.addf %scan3A_591, %get3A_659 : vector<16xf32>
      %get3A_661 = arith.constant 1 : i32
      %get3A_662 = arith.index_cast %get3A_661 : i32 to index
      %get3A_663 = arith.index_cast %scan3A_582 : i32 to index
      %get3A_664 = arith.constant 144 : index
      %get3A_665 = tpu.vector_load %arg7[%get3A_662, %get3A_663, %get3A_664] {strides = array<i32>} : memref<2x64x768xf32, #tpu.memory_space<vmem>>, vector<1x1x16xf32>,
      %get3A_666 = vector.shape_cast %get3A_665 : vector<1x1x16xf32> to vector<16xf32>
      %add3A_667 = arith.addf %scan3A_592, %get3A_666 : vector<16xf32>
      %get3A_668 = arith.constant 1 : i32
      %get3A_669 = arith.index_cast %get3A_668 : i32 to index
      %get3A_670 = arith.index_cast %scan3A_582 : i32 to index
      %get3A_671 = arith.constant 160 : index
      %get3A_672 = tpu.vector_load %arg7[%get3A_669, %get3A_670, %get3A_671] {strides = array<i32>} : memref<2x64x768xf32, #tpu.memory_space<vmem>>, vector<1x1x16xf32>,
      %get3A_673 = vector.shape_cast %get3A_672 : vector<1x1x16xf32> to vector<16xf32>
      %add3A_674 = arith.addf %scan3A_593, %get3A_673 : vector<16xf32>
      %get3A_675 = arith.constant 1 : i32
      %get3A_676 = arith.index_cast %get3A_675 : i32 to index
      %get3A_677 = arith.index_cast %scan3A_582 : i32 to index
      %get3A_678 = arith.constant 176 : index
      %get3A_679 = tpu.vector_load %arg7[%get3A_676, %get3A_677, %get3A_678] {strides = array<i32>} : memref<2x64x768xf32, #tpu.memory_space<vmem>>, vector<1x1x16xf32>,
      %get3A_680 = vector.shape_cast %get3A_679 : vector<1x1x16xf32> to vector<16xf32>
      %add3A_681 = arith.addf %scan3A_594, %get3A_680 : vector<16xf32>
      %get3A_682 = arith.constant 1 : i32
      %get3A_683 = arith.index_cast %get3A_682 : i32 to index
      %get3A_684 = arith.index_cast %scan3A_582 : i32 to index
      %get3A_685 = arith.constant 192 : index
      %get3A_686 = tpu.vector_load %arg7[%get3A_683, %get3A_684, %get3A_685] {strides = array<i32>} : memref<2x64x768xf32, #tpu.memory_space<vmem>>, vector<1x1x16xf32>,
      %get3A_687 = vector.shape_cast %get3A_686 : vector<1x1x16xf32> to vector<16xf32>
      %add3A_688 = arith.addf %scan3A_595, %get3A_687 : vector<16xf32>
      %get3A_689 = arith.constant 1 : i32
      %get3A_690 = arith.index_cast %get3A_689 : i32 to index
      %get3A_691 = arith.index_cast %scan3A_582 : i32 to index
      %get3A_692 = arith.constant 208 : index
      %get3A_693 = tpu.vector_load %arg7[%get3A_690, %get3A_691, %get3A_692] {strides = array<i32>} : memref<2x64x768xf32, #tpu.memory_space<vmem>>, vector<1x1x16xf32>,
      %get3A_694 = vector.shape_cast %get3A_693 : vector<1x1x16xf32> to vector<16xf32>
      %add3A_695 = arith.addf %scan3A_596, %get3A_694 : vector<16xf32>
      %get3A_696 = arith.constant 1 : i32
      %get3A_697 = arith.index_cast %get3A_696 : i32 to index
      %get3A_698 = arith.index_cast %scan3A_582 : i32 to index
      %get3A_699 = arith.constant 224 : index
      %get3A_700 = tpu.vector_load %arg7[%get3A_697, %get3A_698, %get3A_699] {strides = array<i32>} : memref<2x64x768xf32, #tpu.memory_space<vmem>>, vector<1x1x16xf32>,
      %get3A_701 = vector.shape_cast %get3A_700 : vector<1x1x16xf32> to vector<16xf32>
      %add3A_702 = arith.addf %scan3A_597, %get3A_701 : vector<16xf32>
      %get3A_703 = arith.constant 1 : i32
      %get3A_704 = arith.index_cast %get3A_703 : i32 to index
      %get3A_705 = arith.index_cast %scan3A_582 : i32 to index
      %get3A_706 = arith.constant 240 : index
      %get3A_707 = tpu.vector_load %arg7[%get3A_704, %get3A_705, %get3A_706] {strides = array<i32>} : memref<2x64x768xf32, #tpu.memory_space<vmem>>, vector<1x1x16xf32>,
      %get3A_708 = vector.shape_cast %get3A_707 : vector<1x1x16xf32> to vector<16xf32>
      %add3A_709 = arith.addf %scan3A_598, %get3A_708 : vector<16xf32>
      scf.yield %add3A_604, %add3A_611, %add3A_618, %add3A_625, %add3A_632, %add3A_639, %add3A_646, %add3A_653, %add3A_660, %add3A_667, %add3A_674, %add3A_681, %add3A_688, %add3A_695, %add3A_702, %add3A_709 : vector<16xf32>, vector<16xf32>, vector<16xf32>, vector<16xf32>, vector<16xf32>, vector<16xf32>, vector<16xf32>, vector<16xf32>, vector<16xf32>, vector<16xf32>, vector<16xf32>, vector<16xf32>, vector<16xf32>, vector<16xf32>, vector<16xf32>, vector<16xf32>
    }
    %scan3A_243 = arith.constant 64 : i32
    %scan3A_244 = arith.constant 0 : i32
    %scan3A_245 = arith.constant 64 : i32
    %scan3A_246 = arith.addi %scan3A_244, %scan3A_245 : i32
    %scan3A_247 = arith.constant 1 : i32
    %scan3A_248:16 = scf.for %scan3A_582 = %scan3A_244 to %scan3A_246 step %scan3A_247 iter_args(%scan3A_583 = %scan3A_182#0, %scan3A_584 = %scan3A_182#1, %scan3A_585 = %scan3A_182#2, %scan3A_586 = %scan3A_182#3, %scan3A_587 = %scan3A_182#4, %scan3A_588 = %scan3A_182#5, %scan3A_589 = %scan3A_182#6, %scan3A_590 = %scan3A_182#7, %scan3A_591 = %scan3A_182#8, %scan3A_592 = %scan3A_182#9, %scan3A_593 = %scan3A_182#10, %scan3A_594 = %scan3A_182#11, %scan3A_595 = %scan3A_182#12, %scan3A_596 = %scan3A_182#13, %scan3A_597 = %scan3A_182#14, %scan3A_598 = %scan3A_182#15) -> (vector<16xf32>, vector<16xf32>, vector<16xf32>, vector<16xf32>, vector<16xf32>, vector<16xf32>, vector<16xf32>, vector<16xf32>, vector<16xf32>, vector<16xf32>, vector<16xf32>, vector<16xf32>, vector<16xf32>, vector<16xf32>, vector<16xf32>, vector<16xf32>)  : i32 {
      %get3A = arith.constant 1 : i32
      %get3A_599 = arith.index_cast %get3A : i32 to index
      %get3A_600 = arith.index_cast %scan3A_582 : i32 to index
      %get3A_601 = arith.constant 256 : index
      %get3A_602 = tpu.vector_load %arg7[%get3A_599, %get3A_600, %get3A_601] {strides = array<i32>} : memref<2x64x768xf32, #tpu.memory_space<vmem>>, vector<1x1x16xf32>,
      %get3A_603 = vector.shape_cast %get3A_602 : vector<1x1x16xf32> to vector<16xf32>
      %add3A_604 = arith.addf %scan3A_583, %get3A_603 : vector<16xf32>
      %get3A_605 = arith.constant 1 : i32
      %get3A_606 = arith.index_cast %get3A_605 : i32 to index
      %get3A_607 = arith.index_cast %scan3A_582 : i32 to index
      %get3A_608 = arith.constant 272 : index
      %get3A_609 = tpu.vector_load %arg7[%get3A_606, %get3A_607, %get3A_608] {strides = array<i32>} : memref<2x64x768xf32, #tpu.memory_space<vmem>>, vector<1x1x16xf32>,
      %get3A_610 = vector.shape_cast %get3A_609 : vector<1x1x16xf32> to vector<16xf32>
      %add3A_611 = arith.addf %scan3A_584, %get3A_610 : vector<16xf32>
      %get3A_612 = arith.constant 1 : i32
      %get3A_613 = arith.index_cast %get3A_612 : i32 to index
      %get3A_614 = arith.index_cast %scan3A_582 : i32 to index
      %get3A_615 = arith.constant 288 : index
      %get3A_616 = tpu.vector_load %arg7[%get3A_613, %get3A_614, %get3A_615] {strides = array<i32>} : memref<2x64x768xf32, #tpu.memory_space<vmem>>, vector<1x1x16xf32>,
      %get3A_617 = vector.shape_cast %get3A_616 : vector<1x1x16xf32> to vector<16xf32>
      %add3A_618 = arith.addf %scan3A_585, %get3A_617 : vector<16xf32>
      %get3A_619 = arith.constant 1 : i32
      %get3A_620 = arith.index_cast %get3A_619 : i32 to index
      %get3A_621 = arith.index_cast %scan3A_582 : i32 to index
      %get3A_622 = arith.constant 304 : index
      %get3A_623 = tpu.vector_load %arg7[%get3A_620, %get3A_621, %get3A_622] {strides = array<i32>} : memref<2x64x768xf32, #tpu.memory_space<vmem>>, vector<1x1x16xf32>,
      %get3A_624 = vector.shape_cast %get3A_623 : vector<1x1x16xf32> to vector<16xf32>
      %add3A_625 = arith.addf %scan3A_586, %get3A_624 : vector<16xf32>
      %get3A_626 = arith.constant 1 : i32
      %get3A_627 = arith.index_cast %get3A_626 : i32 to index
      %get3A_628 = arith.index_cast %scan3A_582 : i32 to index
      %get3A_629 = arith.constant 320 : index
      %get3A_630 = tpu.vector_load %arg7[%get3A_627, %get3A_628, %get3A_629] {strides = array<i32>} : memref<2x64x768xf32, #tpu.memory_space<vmem>>, vector<1x1x16xf32>,
      %get3A_631 = vector.shape_cast %get3A_630 : vector<1x1x16xf32> to vector<16xf32>
      %add3A_632 = arith.addf %scan3A_587, %get3A_631 : vector<16xf32>
      %get3A_633 = arith.constant 1 : i32
      %get3A_634 = arith.index_cast %get3A_633 : i32 to index
      %get3A_635 = arith.index_cast %scan3A_582 : i32 to index
      %get3A_636 = arith.constant 336 : index
      %get3A_637 = tpu.vector_load %arg7[%get3A_634, %get3A_635, %get3A_636] {strides = array<i32>} : memref<2x64x768xf32, #tpu.memory_space<vmem>>, vector<1x1x16xf32>,
      %get3A_638 = vector.shape_cast %get3A_637 : vector<1x1x16xf32> to vector<16xf32>
      %add3A_639 = arith.addf %scan3A_588, %get3A_638 : vector<16xf32>
      %get3A_640 = arith.constant 1 : i32
      %get3A_641 = arith.index_cast %get3A_640 : i32 to index
      %get3A_642 = arith.index_cast %scan3A_582 : i32 to index
      %get3A_643 = arith.constant 352 : index
      %get3A_644 = tpu.vector_load %arg7[%get3A_641, %get3A_642, %get3A_643] {strides = array<i32>} : memref<2x64x768xf32, #tpu.memory_space<vmem>>, vector<1x1x16xf32>,
      %get3A_645 = vector.shape_cast %get3A_644 : vector<1x1x16xf32> to vector<16xf32>
      %add3A_646 = arith.addf %scan3A_589, %get3A_645 : vector<16xf32>
      %get3A_647 = arith.constant 1 : i32
      %get3A_648 = arith.index_cast %get3A_647 : i32 to index
      %get3A_649 = arith.index_cast %scan3A_582 : i32 to index
      %get3A_650 = arith.constant 368 : index
      %get3A_651 = tpu.vector_load %arg7[%get3A_648, %get3A_649, %get3A_650] {strides = array<i32>} : memref<2x64x768xf32, #tpu.memory_space<vmem>>, vector<1x1x16xf32>,
      %get3A_652 = vector.shape_cast %get3A_651 : vector<1x1x16xf32> to vector<16xf32>
      %add3A_653 = arith.addf %scan3A_590, %get3A_652 : vector<16xf32>
      %get3A_654 = arith.constant 1 : i32
      %get3A_655 = arith.index_cast %get3A_654 : i32 to index
      %get3A_656 = arith.index_cast %scan3A_582 : i32 to index
      %get3A_657 = arith.constant 384 : index
      %get3A_658 = tpu.vector_load %arg7[%get3A_655, %get3A_656, %get3A_657] {strides = array<i32>} : memref<2x64x768xf32, #tpu.memory_space<vmem>>, vector<1x1x16xf32>,
      %get3A_659 = vector.shape_cast %get3A_658 : vector<1x1x16xf32> to vector<16xf32>
      %add3A_660 = arith.addf %scan3A_591, %get3A_659 : vector<16xf32>
      %get3A_661 = arith.constant 1 : i32
      %get3A_662 = arith.index_cast %get3A_661 : i32 to index
      %get3A_663 = arith.index_cast %scan3A_582 : i32 to index
      %get3A_664 = arith.constant 400 : index
      %get3A_665 = tpu.vector_load %arg7[%get3A_662, %get3A_663, %get3A_664] {strides = array<i32>} : memref<2x64x768xf32, #tpu.memory_space<vmem>>, vector<1x1x16xf32>,
      %get3A_666 = vector.shape_cast %get3A_665 : vector<1x1x16xf32> to vector<16xf32>
      %add3A_667 = arith.addf %scan3A_592, %get3A_666 : vector<16xf32>
      %get3A_668 = arith.constant 1 : i32
      %get3A_669 = arith.index_cast %get3A_668 : i32 to index
      %get3A_670 = arith.index_cast %scan3A_582 : i32 to index
      %get3A_671 = arith.constant 416 : index
      %get3A_672 = tpu.vector_load %arg7[%get3A_669, %get3A_670, %get3A_671] {strides = array<i32>} : memref<2x64x768xf32, #tpu.memory_space<vmem>>, vector<1x1x16xf32>,
      %get3A_673 = vector.shape_cast %get3A_672 : vector<1x1x16xf32> to vector<16xf32>
      %add3A_674 = arith.addf %scan3A_593, %get3A_673 : vector<16xf32>
      %get3A_675 = arith.constant 1 : i32
      %get3A_676 = arith.index_cast %get3A_675 : i32 to index
      %get3A_677 = arith.index_cast %scan3A_582 : i32 to index
      %get3A_678 = arith.constant 432 : index
      %get3A_679 = tpu.vector_load %arg7[%get3A_676, %get3A_677, %get3A_678] {strides = array<i32>} : memref<2x64x768xf32, #tpu.memory_space<vmem>>, vector<1x1x16xf32>,
      %get3A_680 = vector.shape_cast %get3A_679 : vector<1x1x16xf32> to vector<16xf32>
      %add3A_681 = arith.addf %scan3A_594, %get3A_680 : vector<16xf32>
      %get3A_682 = arith.constant 1 : i32
      %get3A_683 = arith.index_cast %get3A_682 : i32 to index
      %get3A_684 = arith.index_cast %scan3A_582 : i32 to index
      %get3A_685 = arith.constant 448 : index
      %get3A_686 = tpu.vector_load %arg7[%get3A_683, %get3A_684, %get3A_685] {strides = array<i32>} : memref<2x64x768xf32, #tpu.memory_space<vmem>>, vector<1x1x16xf32>,
      %get3A_687 = vector.shape_cast %get3A_686 : vector<1x1x16xf32> to vector<16xf32>
      %add3A_688 = arith.addf %scan3A_595, %get3A_687 : vector<16xf32>
      %get3A_689 = arith.constant 1 : i32
      %get3A_690 = arith.index_cast %get3A_689 : i32 to index
      %get3A_691 = arith.index_cast %scan3A_582 : i32 to index
      %get3A_692 = arith.constant 464 : index
      %get3A_693 = tpu.vector_load %arg7[%get3A_690, %get3A_691, %get3A_692] {strides = array<i32>} : memref<2x64x768xf32, #tpu.memory_space<vmem>>, vector<1x1x16xf32>,
      %get3A_694 = vector.shape_cast %get3A_693 : vector<1x1x16xf32> to vector<16xf32>
      %add3A_695 = arith.addf %scan3A_596, %get3A_694 : vector<16xf32>
      %get3A_696 = arith.constant 1 : i32
      %get3A_697 = arith.index_cast %get3A_696 : i32 to index
      %get3A_698 = arith.index_cast %scan3A_582 : i32 to index
      %get3A_699 = arith.constant 480 : index
      %get3A_700 = tpu.vector_load %arg7[%get3A_697, %get3A_698, %get3A_699] {strides = array<i32>} : memref<2x64x768xf32, #tpu.memory_space<vmem>>, vector<1x1x16xf32>,
      %get3A_701 = vector.shape_cast %get3A_700 : vector<1x1x16xf32> to vector<16xf32>
      %add3A_702 = arith.addf %scan3A_597, %get3A_701 : vector<16xf32>
      %get3A_703 = arith.constant 1 : i32
      %get3A_704 = arith.index_cast %get3A_703 : i32 to index
      %get3A_705 = arith.index_cast %scan3A_582 : i32 to index
      %get3A_706 = arith.constant 496 : index
      %get3A_707 = tpu.vector_load %arg7[%get3A_704, %get3A_705, %get3A_706] {strides = array<i32>} : memref<2x64x768xf32, #tpu.memory_space<vmem>>, vector<1x1x16xf32>,
      %get3A_708 = vector.shape_cast %get3A_707 : vector<1x1x16xf32> to vector<16xf32>
      %add3A_709 = arith.addf %scan3A_598, %get3A_708 : vector<16xf32>
      scf.yield %add3A_604, %add3A_611, %add3A_618, %add3A_625, %add3A_632, %add3A_639, %add3A_646, %add3A_653, %add3A_660, %add3A_667, %add3A_674, %add3A_681, %add3A_688, %add3A_695, %add3A_702, %add3A_709 : vector<16xf32>, vector<16xf32>, vector<16xf32>, vector<16xf32>, vector<16xf32>, vector<16xf32>, vector<16xf32>, vector<16xf32>, vector<16xf32>, vector<16xf32>, vector<16xf32>, vector<16xf32>, vector<16xf32>, vector<16xf32>, vector<16xf32>, vector<16xf32>
    }
    %scan3A_249 = arith.constant 64 : i32
    %scan3A_250 = arith.constant 0 : i32
    %scan3A_251 = arith.constant 64 : i32
    %scan3A_252 = arith.addi %scan3A_250, %scan3A_251 : i32
    %scan3A_253 = arith.constant 1 : i32
    %scan3A_254:16 = scf.for %scan3A_582 = %scan3A_250 to %scan3A_252 step %scan3A_253 iter_args(%scan3A_583 = %scan3A_188#0, %scan3A_584 = %scan3A_188#1, %scan3A_585 = %scan3A_188#2, %scan3A_586 = %scan3A_188#3, %scan3A_587 = %scan3A_188#4, %scan3A_588 = %scan3A_188#5, %scan3A_589 = %scan3A_188#6, %scan3A_590 = %scan3A_188#7, %scan3A_591 = %scan3A_188#8, %scan3A_592 = %scan3A_188#9, %scan3A_593 = %scan3A_188#10, %scan3A_594 = %scan3A_188#11, %scan3A_595 = %scan3A_188#12, %scan3A_596 = %scan3A_188#13, %scan3A_597 = %scan3A_188#14, %scan3A_598 = %scan3A_188#15) -> (vector<16xf32>, vector<16xf32>, vector<16xf32>, vector<16xf32>, vector<16xf32>, vector<16xf32>, vector<16xf32>, vector<16xf32>, vector<16xf32>, vector<16xf32>, vector<16xf32>, vector<16xf32>, vector<16xf32>, vector<16xf32>, vector<16xf32>, vector<16xf32>)  : i32 {
      %get3A = arith.constant 1 : i32
      %get3A_599 = arith.index_cast %get3A : i32 to index
      %get3A_600 = arith.index_cast %scan3A_582 : i32 to index
      %get3A_601 = arith.constant 512 : index
      %get3A_602 = tpu.vector_load %arg7[%get3A_599, %get3A_600, %get3A_601] {strides = array<i32>} : memref<2x64x768xf32, #tpu.memory_space<vmem>>, vector<1x1x16xf32>,
      %get3A_603 = vector.shape_cast %get3A_602 : vector<1x1x16xf32> to vector<16xf32>
      %add3A_604 = arith.addf %scan3A_583, %get3A_603 : vector<16xf32>
      %get3A_605 = arith.constant 1 : i32
      %get3A_606 = arith.index_cast %get3A_605 : i32 to index
      %get3A_607 = arith.index_cast %scan3A_582 : i32 to index
      %get3A_608 = arith.constant 528 : index
      %get3A_609 = tpu.vector_load %arg7[%get3A_606, %get3A_607, %get3A_608] {strides = array<i32>} : memref<2x64x768xf32, #tpu.memory_space<vmem>>, vector<1x1x16xf32>,
      %get3A_610 = vector.shape_cast %get3A_609 : vector<1x1x16xf32> to vector<16xf32>
      %add3A_611 = arith.addf %scan3A_584, %get3A_610 : vector<16xf32>
      %get3A_612 = arith.constant 1 : i32
      %get3A_613 = arith.index_cast %get3A_612 : i32 to index
      %get3A_614 = arith.index_cast %scan3A_582 : i32 to index
      %get3A_615 = arith.constant 544 : index
      %get3A_616 = tpu.vector_load %arg7[%get3A_613, %get3A_614, %get3A_615] {strides = array<i32>} : memref<2x64x768xf32, #tpu.memory_space<vmem>>, vector<1x1x16xf32>,
      %get3A_617 = vector.shape_cast %get3A_616 : vector<1x1x16xf32> to vector<16xf32>
      %add3A_618 = arith.addf %scan3A_585, %get3A_617 : vector<16xf32>
      %get3A_619 = arith.constant 1 : i32
      %get3A_620 = arith.index_cast %get3A_619 : i32 to index
      %get3A_621 = arith.index_cast %scan3A_582 : i32 to index
      %get3A_622 = arith.constant 560 : index
      %get3A_623 = tpu.vector_load %arg7[%get3A_620, %get3A_621, %get3A_622] {strides = array<i32>} : memref<2x64x768xf32, #tpu.memory_space<vmem>>, vector<1x1x16xf32>,
      %get3A_624 = vector.shape_cast %get3A_623 : vector<1x1x16xf32> to vector<16xf32>
      %add3A_625 = arith.addf %scan3A_586, %get3A_624 : vector<16xf32>
      %get3A_626 = arith.constant 1 : i32
      %get3A_627 = arith.index_cast %get3A_626 : i32 to index
      %get3A_628 = arith.index_cast %scan3A_582 : i32 to index
      %get3A_629 = arith.constant 576 : index
      %get3A_630 = tpu.vector_load %arg7[%get3A_627, %get3A_628, %get3A_629] {strides = array<i32>} : memref<2x64x768xf32, #tpu.memory_space<vmem>>, vector<1x1x16xf32>,
      %get3A_631 = vector.shape_cast %get3A_630 : vector<1x1x16xf32> to vector<16xf32>
      %add3A_632 = arith.addf %scan3A_587, %get3A_631 : vector<16xf32>
      %get3A_633 = arith.constant 1 : i32
      %get3A_634 = arith.index_cast %get3A_633 : i32 to index
      %get3A_635 = arith.index_cast %scan3A_582 : i32 to index
      %get3A_636 = arith.constant 592 : index
      %get3A_637 = tpu.vector_load %arg7[%get3A_634, %get3A_635, %get3A_636] {strides = array<i32>} : memref<2x64x768xf32, #tpu.memory_space<vmem>>, vector<1x1x16xf32>,
      %get3A_638 = vector.shape_cast %get3A_637 : vector<1x1x16xf32> to vector<16xf32>
      %add3A_639 = arith.addf %scan3A_588, %get3A_638 : vector<16xf32>
      %get3A_640 = arith.constant 1 : i32
      %get3A_641 = arith.index_cast %get3A_640 : i32 to index
      %get3A_642 = arith.index_cast %scan3A_582 : i32 to index
      %get3A_643 = arith.constant 608 : index
      %get3A_644 = tpu.vector_load %arg7[%get3A_641, %get3A_642, %get3A_643] {strides = array<i32>} : memref<2x64x768xf32, #tpu.memory_space<vmem>>, vector<1x1x16xf32>,
      %get3A_645 = vector.shape_cast %get3A_644 : vector<1x1x16xf32> to vector<16xf32>
      %add3A_646 = arith.addf %scan3A_589, %get3A_645 : vector<16xf32>
      %get3A_647 = arith.constant 1 : i32
      %get3A_648 = arith.index_cast %get3A_647 : i32 to index
      %get3A_649 = arith.index_cast %scan3A_582 : i32 to index
      %get3A_650 = arith.constant 624 : index
      %get3A_651 = tpu.vector_load %arg7[%get3A_648, %get3A_649, %get3A_650] {strides = array<i32>} : memref<2x64x768xf32, #tpu.memory_space<vmem>>, vector<1x1x16xf32>,
      %get3A_652 = vector.shape_cast %get3A_651 : vector<1x1x16xf32> to vector<16xf32>
      %add3A_653 = arith.addf %scan3A_590, %get3A_652 : vector<16xf32>
      %get3A_654 = arith.constant 1 : i32
      %get3A_655 = arith.index_cast %get3A_654 : i32 to index
      %get3A_656 = arith.index_cast %scan3A_582 : i32 to index
      %get3A_657 = arith.constant 640 : index
      %get3A_658 = tpu.vector_load %arg7[%get3A_655, %get3A_656, %get3A_657] {strides = array<i32>} : memref<2x64x768xf32, #tpu.memory_space<vmem>>, vector<1x1x16xf32>,
      %get3A_659 = vector.shape_cast %get3A_658 : vector<1x1x16xf32> to vector<16xf32>
      %add3A_660 = arith.addf %scan3A_591, %get3A_659 : vector<16xf32>
      %get3A_661 = arith.constant 1 : i32
      %get3A_662 = arith.index_cast %get3A_661 : i32 to index
      %get3A_663 = arith.index_cast %scan3A_582 : i32 to index
      %get3A_664 = arith.constant 656 : index
      %get3A_665 = tpu.vector_load %arg7[%get3A_662, %get3A_663, %get3A_664] {strides = array<i32>} : memref<2x64x768xf32, #tpu.memory_space<vmem>>, vector<1x1x16xf32>,
      %get3A_666 = vector.shape_cast %get3A_665 : vector<1x1x16xf32> to vector<16xf32>
      %add3A_667 = arith.addf %scan3A_592, %get3A_666 : vector<16xf32>
      %get3A_668 = arith.constant 1 : i32
      %get3A_669 = arith.index_cast %get3A_668 : i32 to index
      %get3A_670 = arith.index_cast %scan3A_582 : i32 to index
      %get3A_671 = arith.constant 672 : index
      %get3A_672 = tpu.vector_load %arg7[%get3A_669, %get3A_670, %get3A_671] {strides = array<i32>} : memref<2x64x768xf32, #tpu.memory_space<vmem>>, vector<1x1x16xf32>,
      %get3A_673 = vector.shape_cast %get3A_672 : vector<1x1x16xf32> to vector<16xf32>
      %add3A_674 = arith.addf %scan3A_593, %get3A_673 : vector<16xf32>
      %get3A_675 = arith.constant 1 : i32
      %get3A_676 = arith.index_cast %get3A_675 : i32 to index
      %get3A_677 = arith.index_cast %scan3A_582 : i32 to index
      %get3A_678 = arith.constant 688 : index
      %get3A_679 = tpu.vector_load %arg7[%get3A_676, %get3A_677, %get3A_678] {strides = array<i32>} : memref<2x64x768xf32, #tpu.memory_space<vmem>>, vector<1x1x16xf32>,
      %get3A_680 = vector.shape_cast %get3A_679 : vector<1x1x16xf32> to vector<16xf32>
      %add3A_681 = arith.addf %scan3A_594, %get3A_680 : vector<16xf32>
      %get3A_682 = arith.constant 1 : i32
      %get3A_683 = arith.index_cast %get3A_682 : i32 to index
      %get3A_684 = arith.index_cast %scan3A_582 : i32 to index
      %get3A_685 = arith.constant 704 : index
      %get3A_686 = tpu.vector_load %arg7[%get3A_683, %get3A_684, %get3A_685] {strides = array<i32>} : memref<2x64x768xf32, #tpu.memory_space<vmem>>, vector<1x1x16xf32>,
      %get3A_687 = vector.shape_cast %get3A_686 : vector<1x1x16xf32> to vector<16xf32>
      %add3A_688 = arith.addf %scan3A_595, %get3A_687 : vector<16xf32>
      %get3A_689 = arith.constant 1 : i32
      %get3A_690 = arith.index_cast %get3A_689 : i32 to index
      %get3A_691 = arith.index_cast %scan3A_582 : i32 to index
      %get3A_692 = arith.constant 720 : index
      %get3A_693 = tpu.vector_load %arg7[%get3A_690, %get3A_691, %get3A_692] {strides = array<i32>} : memref<2x64x768xf32, #tpu.memory_space<vmem>>, vector<1x1x16xf32>,
      %get3A_694 = vector.shape_cast %get3A_693 : vector<1x1x16xf32> to vector<16xf32>
      %add3A_695 = arith.addf %scan3A_596, %get3A_694 : vector<16xf32>
      %get3A_696 = arith.constant 1 : i32
      %get3A_697 = arith.index_cast %get3A_696 : i32 to index
      %get3A_698 = arith.index_cast %scan3A_582 : i32 to index
      %get3A_699 = arith.constant 736 : index
      %get3A_700 = tpu.vector_load %arg7[%get3A_697, %get3A_698, %get3A_699] {strides = array<i32>} : memref<2x64x768xf32, #tpu.memory_space<vmem>>, vector<1x1x16xf32>,
      %get3A_701 = vector.shape_cast %get3A_700 : vector<1x1x16xf32> to vector<16xf32>
      %add3A_702 = arith.addf %scan3A_597, %get3A_701 : vector<16xf32>
      %get3A_703 = arith.constant 1 : i32
      %get3A_704 = arith.index_cast %get3A_703 : i32 to index
      %get3A_705 = arith.index_cast %scan3A_582 : i32 to index
      %get3A_706 = arith.constant 752 : index
      %get3A_707 = tpu.vector_load %arg7[%get3A_704, %get3A_705, %get3A_706] {strides = array<i32>} : memref<2x64x768xf32, #tpu.memory_space<vmem>>, vector<1x1x16xf32>,
      %get3A_708 = vector.shape_cast %get3A_707 : vector<1x1x16xf32> to vector<16xf32>
      %add3A_709 = arith.addf %scan3A_598, %get3A_708 : vector<16xf32>
      scf.yield %add3A_604, %add3A_611, %add3A_618, %add3A_625, %add3A_632, %add3A_639, %add3A_646, %add3A_653, %add3A_660, %add3A_667, %add3A_674, %add3A_681, %add3A_688, %add3A_695, %add3A_702, %add3A_709 : vector<16xf32>, vector<16xf32>, vector<16xf32>, vector<16xf32>, vector<16xf32>, vector<16xf32>, vector<16xf32>, vector<16xf32>, vector<16xf32>, vector<16xf32>, vector<16xf32>, vector<16xf32>, vector<16xf32>, vector<16xf32>, vector<16xf32>, vector<16xf32>
    }
    %scan3A_255 = arith.constant 64 : i32
    %dma_start3A_256 = arith.constant 1 : i32
    %dma_start3A_257 = arith.constant 0 : i32
    %dma_start3A_258 = arith.constant 0 : i32
    %dma_start3A_259 = tpu.memref_slice %arg7[%dma_start3A_256, %dma_start3A_257, %dma_start3A_258] : memref<2x64x768xf32, #tpu.memory_space<vmem>> -> memref<1x64x768xf32, #tpu.memory_space<vmem>>
    %dma_start3A_260 = tpu.memref_squeeze %dma_start3A_259 : memref<1x64x768xf32, #tpu.memory_space<vmem>> -> memref<64x768xf32, #tpu.memory_space<vmem>>
    %dma_start3A_261 = arith.constant 192 : i32
    %dma_start3A_262 = tpu.memref_slice %arg6[%dma_start3A_261] : memref<256xi32, #tpu.memory_space<vmem>> -> memref<64xi32, #tpu.memory_space<vmem>>
    %dma_start3A_263 = arith.constant 0 : i32
    %dma_start3A_264 = arith.constant 0 : i32
    %dma_start3A_265 = tpu.memref_slice %arg3[%dma_start3A_263, %dma_start3A_264] : memref<28996x768xf32, #tpu.memory_space<hbm>> -> memref<28996x768xf32, #tpu.memory_space<hbm>>
    tpu.enqueue_indirect_dma source(%dma_start3A_265 : memref<28996x768xf32, #tpu.memory_space<hbm>>) target(%dma_start3A_260 : memref<64x768xf32, #tpu.memory_space<vmem>>) offsets(%dma_start3A_262 : memref<64xi32, #tpu.memory_space<vmem>>) semaphore(%arg9 : memref<!tpu.dma_semaphore, #tpu.memory_space<semaphore_mem>>)
    %dma_wait3A_266 = arith.constant 0 : i32
    %dma_wait3A_267 = arith.constant 0 : i32
    %dma_wait3A_268 = arith.constant 0 : i32
    %dma_wait3A_269 = tpu.memref_slice %arg7[%dma_wait3A_266, %dma_wait3A_267, %dma_wait3A_268] : memref<2x64x768xf32, #tpu.memory_space<vmem>> -> memref<1x64x768xf32, #tpu.memory_space<vmem>>
    %dma_wait3A_270 = tpu.memref_squeeze %dma_wait3A_269 : memref<1x64x768xf32, #tpu.memory_space<vmem>> -> memref<64x768xf32, #tpu.memory_space<vmem>>
    %dma_wait3A_271 = arith.constant 128 : i32
    %dma_wait3A_272 = tpu.memref_slice %arg6[%dma_wait3A_271] : memref<256xi32, #tpu.memory_space<vmem>> -> memref<64xi32, #tpu.memory_space<vmem>>
    %dma_wait3A_273 = arith.constant 0 : i32
    %dma_wait3A_274 = arith.constant 0 : i32
    %dma_wait3A_275 = tpu.memref_slice %arg3[%dma_wait3A_273, %dma_wait3A_274] : memref<28996x768xf32, #tpu.memory_space<hbm>> -> memref<28996x768xf32, #tpu.memory_space<hbm>>
    tpu.wait_indirect_dma semaphore(%arg9 : memref<!tpu.dma_semaphore, #tpu.memory_space<semaphore_mem>>) src(%dma_wait3A_275 : memref<28996x768xf32, #tpu.memory_space<hbm>>) dst(%dma_wait3A_270 : memref<64x768xf32, #tpu.memory_space<vmem>>)
    %dma_wait3A_276 = arith.constant 1 : i32
    %dma_wait3A_277 = arith.constant 0 : i32
    %dma_wait3A_278 = arith.constant 0 : i32
    %dma_wait3A_279 = tpu.memref_slice %arg7[%dma_wait3A_276, %dma_wait3A_277, %dma_wait3A_278] : memref<2x64x768xf32, #tpu.memory_space<vmem>> -> memref<1x64x768xf32, #tpu.memory_space<vmem>>
    %dma_wait3A_280 = tpu.memref_squeeze %dma_wait3A_279 : memref<1x64x768xf32, #tpu.memory_space<vmem>> -> memref<64x768xf32, #tpu.memory_space<vmem>>
    %dma_wait3A_281 = arith.constant 0 : i32
    %dma_wait3A_282 = tpu.memref_slice %arg4[%add3A_224, %dma_wait3A_281] : memref<8192x768xf32, #tpu.memory_space<hbm>> -> memref<64x768xf32, #tpu.memory_space<hbm>>
    %dma_wait3A_283 = arith.constant 0 : i32
    %dma_wait3A_284 = tpu.memref_slice %arg4[%add3A_224, %dma_wait3A_283] : memref<8192x768xf32, #tpu.memory_space<hbm>> -> memref<64x768xf32, #tpu.memory_space<hbm>>
    %dma_wait3A_285 = arith.constant 0 : i32
    %dma_wait3A_286 = arith.constant 0 : i32
    %dma_wait3A_287 = tpu.memref_slice %arg7[%dma_wait3A_276, %dma_wait3A_285, %dma_wait3A_286] : memref<2x64x768xf32, #tpu.memory_space<vmem>> -> memref<1x64x768xf32, #tpu.memory_space<vmem>>
    %dma_wait3A_288 = tpu.memref_squeeze %dma_wait3A_287 : memref<1x64x768xf32, #tpu.memory_space<vmem>> -> memref<64x768xf32, #tpu.memory_space<vmem>>
    tpu.wait_dma2 semaphore(%arg10 : memref<!tpu.dma_semaphore, #tpu.memory_space<semaphore_mem>>) src(%dma_wait3A_288 : memref<64x768xf32, #tpu.memory_space<vmem>>) dst(%dma_wait3A_284 : memref<64x768xf32, #tpu.memory_space<hbm>>)
    %add3A_289 = arith.constant 128 : i32
    %add3A_290 = arith.addi %mul3A_34, %add3A_289 : i32
    %dma_start3A_291 = arith.constant 0 : i32
    %dma_start3A_292 = arith.constant 0 : i32
    %dma_start3A_293 = arith.constant 0 : i32
    %dma_start3A_294 = tpu.memref_slice %arg7[%dma_start3A_291, %dma_start3A_292, %dma_start3A_293] : memref<2x64x768xf32, #tpu.memory_space<vmem>> -> memref<1x64x768xf32, #tpu.memory_space<vmem>>
    %dma_start3A_295 = tpu.memref_squeeze %dma_start3A_294 : memref<1x64x768xf32, #tpu.memory_space<vmem>> -> memref<64x768xf32, #tpu.memory_space<vmem>>
    %dma_start3A_296 = arith.constant 0 : i32
    %dma_start3A_297 = tpu.memref_slice %arg4[%add3A_290, %dma_start3A_296] : memref<8192x768xf32, #tpu.memory_space<hbm>> -> memref<64x768xf32, #tpu.memory_space<hbm>>
    %dma_start3A_298 = arith.constant 0 : i32
    %dma_start3A_299 = tpu.memref_slice %arg4[%add3A_290, %dma_start3A_298] : memref<8192x768xf32, #tpu.memory_space<hbm>> -> memref<64x768xf32, #tpu.memory_space<hbm>>
    %dma_start3A_300 = arith.constant 0 : i32
    %dma_start3A_301 = arith.constant 0 : i32
    %dma_start3A_302 = tpu.memref_slice %arg7[%dma_start3A_291, %dma_start3A_300, %dma_start3A_301] : memref<2x64x768xf32, #tpu.memory_space<vmem>> -> memref<1x64x768xf32, #tpu.memory_space<vmem>>
    %dma_start3A_303 = tpu.memref_squeeze %dma_start3A_302 : memref<1x64x768xf32, #tpu.memory_space<vmem>> -> memref<64x768xf32, #tpu.memory_space<vmem>>
    tpu.enqueue_dma source(%dma_start3A_303 : memref<64x768xf32, #tpu.memory_space<vmem>>) target(%dma_start3A_299 : memref<64x768xf32, #tpu.memory_space<hbm>>) target_semaphore(%arg10 : memref<!tpu.dma_semaphore, #tpu.memory_space<semaphore_mem>>)
    %scan3A_304 = arith.constant 0 : i32
    %scan3A_305 = arith.constant 64 : i32
    %scan3A_306 = arith.addi %scan3A_304, %scan3A_305 : i32
    %scan3A_307 = arith.constant 1 : i32
    %scan3A_308:16 = scf.for %scan3A_582 = %scan3A_304 to %scan3A_306 step %scan3A_307 iter_args(%scan3A_583 = %scan3A_242#0, %scan3A_584 = %scan3A_242#1, %scan3A_585 = %scan3A_242#2, %scan3A_586 = %scan3A_242#3, %scan3A_587 = %scan3A_242#4, %scan3A_588 = %scan3A_242#5, %scan3A_589 = %scan3A_242#6, %scan3A_590 = %scan3A_242#7, %scan3A_591 = %scan3A_242#8, %scan3A_592 = %scan3A_242#9, %scan3A_593 = %scan3A_242#10, %scan3A_594 = %scan3A_242#11, %scan3A_595 = %scan3A_242#12, %scan3A_596 = %scan3A_242#13, %scan3A_597 = %scan3A_242#14, %scan3A_598 = %scan3A_242#15) -> (vector<16xf32>, vector<16xf32>, vector<16xf32>, vector<16xf32>, vector<16xf32>, vector<16xf32>, vector<16xf32>, vector<16xf32>, vector<16xf32>, vector<16xf32>, vector<16xf32>, vector<16xf32>, vector<16xf32>, vector<16xf32>, vector<16xf32>, vector<16xf32>)  : i32 {
      %get3A = arith.constant 0 : i32
      %get3A_599 = arith.index_cast %get3A : i32 to index
      %get3A_600 = arith.index_cast %scan3A_582 : i32 to index
      %get3A_601 = arith.constant 0 : index
      %get3A_602 = tpu.vector_load %arg7[%get3A_599, %get3A_600, %get3A_601] {strides = array<i32>} : memref<2x64x768xf32, #tpu.memory_space<vmem>>, vector<1x1x16xf32>,
      %get3A_603 = vector.shape_cast %get3A_602 : vector<1x1x16xf32> to vector<16xf32>
      %add3A_604 = arith.addf %scan3A_583, %get3A_603 : vector<16xf32>
      %get3A_605 = arith.constant 0 : i32
      %get3A_606 = arith.index_cast %get3A_605 : i32 to index
      %get3A_607 = arith.index_cast %scan3A_582 : i32 to index
      %get3A_608 = arith.constant 16 : index
      %get3A_609 = tpu.vector_load %arg7[%get3A_606, %get3A_607, %get3A_608] {strides = array<i32>} : memref<2x64x768xf32, #tpu.memory_space<vmem>>, vector<1x1x16xf32>,
      %get3A_610 = vector.shape_cast %get3A_609 : vector<1x1x16xf32> to vector<16xf32>
      %add3A_611 = arith.addf %scan3A_584, %get3A_610 : vector<16xf32>
      %get3A_612 = arith.constant 0 : i32
      %get3A_613 = arith.index_cast %get3A_612 : i32 to index
      %get3A_614 = arith.index_cast %scan3A_582 : i32 to index
      %get3A_615 = arith.constant 32 : index
      %get3A_616 = tpu.vector_load %arg7[%get3A_613, %get3A_614, %get3A_615] {strides = array<i32>} : memref<2x64x768xf32, #tpu.memory_space<vmem>>, vector<1x1x16xf32>,
      %get3A_617 = vector.shape_cast %get3A_616 : vector<1x1x16xf32> to vector<16xf32>
      %add3A_618 = arith.addf %scan3A_585, %get3A_617 : vector<16xf32>
      %get3A_619 = arith.constant 0 : i32
      %get3A_620 = arith.index_cast %get3A_619 : i32 to index
      %get3A_621 = arith.index_cast %scan3A_582 : i32 to index
      %get3A_622 = arith.constant 48 : index
      %get3A_623 = tpu.vector_load %arg7[%get3A_620, %get3A_621, %get3A_622] {strides = array<i32>} : memref<2x64x768xf32, #tpu.memory_space<vmem>>, vector<1x1x16xf32>,
      %get3A_624 = vector.shape_cast %get3A_623 : vector<1x1x16xf32> to vector<16xf32>
      %add3A_625 = arith.addf %scan3A_586, %get3A_624 : vector<16xf32>
      %get3A_626 = arith.constant 0 : i32
      %get3A_627 = arith.index_cast %get3A_626 : i32 to index
      %get3A_628 = arith.index_cast %scan3A_582 : i32 to index
      %get3A_629 = arith.constant 64 : index
      %get3A_630 = tpu.vector_load %arg7[%get3A_627, %get3A_628, %get3A_629] {strides = array<i32>} : memref<2x64x768xf32, #tpu.memory_space<vmem>>, vector<1x1x16xf32>,
      %get3A_631 = vector.shape_cast %get3A_630 : vector<1x1x16xf32> to vector<16xf32>
      %add3A_632 = arith.addf %scan3A_587, %get3A_631 : vector<16xf32>
      %get3A_633 = arith.constant 0 : i32
      %get3A_634 = arith.index_cast %get3A_633 : i32 to index
      %get3A_635 = arith.index_cast %scan3A_582 : i32 to index
      %get3A_636 = arith.constant 80 : index
      %get3A_637 = tpu.vector_load %arg7[%get3A_634, %get3A_635, %get3A_636] {strides = array<i32>} : memref<2x64x768xf32, #tpu.memory_space<vmem>>, vector<1x1x16xf32>,
      %get3A_638 = vector.shape_cast %get3A_637 : vector<1x1x16xf32> to vector<16xf32>
      %add3A_639 = arith.addf %scan3A_588, %get3A_638 : vector<16xf32>
      %get3A_640 = arith.constant 0 : i32
      %get3A_641 = arith.index_cast %get3A_640 : i32 to index
      %get3A_642 = arith.index_cast %scan3A_582 : i32 to index
      %get3A_643 = arith.constant 96 : index
      %get3A_644 = tpu.vector_load %arg7[%get3A_641, %get3A_642, %get3A_643] {strides = array<i32>} : memref<2x64x768xf32, #tpu.memory_space<vmem>>, vector<1x1x16xf32>,
      %get3A_645 = vector.shape_cast %get3A_644 : vector<1x1x16xf32> to vector<16xf32>
      %add3A_646 = arith.addf %scan3A_589, %get3A_645 : vector<16xf32>
      %get3A_647 = arith.constant 0 : i32
      %get3A_648 = arith.index_cast %get3A_647 : i32 to index
      %get3A_649 = arith.index_cast %scan3A_582 : i32 to index
      %get3A_650 = arith.constant 112 : index
      %get3A_651 = tpu.vector_load %arg7[%get3A_648, %get3A_649, %get3A_650] {strides = array<i32>} : memref<2x64x768xf32, #tpu.memory_space<vmem>>, vector<1x1x16xf32>,
      %get3A_652 = vector.shape_cast %get3A_651 : vector<1x1x16xf32> to vector<16xf32>
      %add3A_653 = arith.addf %scan3A_590, %get3A_652 : vector<16xf32>
      %get3A_654 = arith.constant 0 : i32
      %get3A_655 = arith.index_cast %get3A_654 : i32 to index
      %get3A_656 = arith.index_cast %scan3A_582 : i32 to index
      %get3A_657 = arith.constant 128 : index
      %get3A_658 = tpu.vector_load %arg7[%get3A_655, %get3A_656, %get3A_657] {strides = array<i32>} : memref<2x64x768xf32, #tpu.memory_space<vmem>>, vector<1x1x16xf32>,
      %get3A_659 = vector.shape_cast %get3A_658 : vector<1x1x16xf32> to vector<16xf32>
      %add3A_660 = arith.addf %scan3A_591, %get3A_659 : vector<16xf32>
      %get3A_661 = arith.constant 0 : i32
      %get3A_662 = arith.index_cast %get3A_661 : i32 to index
      %get3A_663 = arith.index_cast %scan3A_582 : i32 to index
      %get3A_664 = arith.constant 144 : index
      %get3A_665 = tpu.vector_load %arg7[%get3A_662, %get3A_663, %get3A_664] {strides = array<i32>} : memref<2x64x768xf32, #tpu.memory_space<vmem>>, vector<1x1x16xf32>,
      %get3A_666 = vector.shape_cast %get3A_665 : vector<1x1x16xf32> to vector<16xf32>
      %add3A_667 = arith.addf %scan3A_592, %get3A_666 : vector<16xf32>
      %get3A_668 = arith.constant 0 : i32
      %get3A_669 = arith.index_cast %get3A_668 : i32 to index
      %get3A_670 = arith.index_cast %scan3A_582 : i32 to index
      %get3A_671 = arith.constant 160 : index
      %get3A_672 = tpu.vector_load %arg7[%get3A_669, %get3A_670, %get3A_671] {strides = array<i32>} : memref<2x64x768xf32, #tpu.memory_space<vmem>>, vector<1x1x16xf32>,
      %get3A_673 = vector.shape_cast %get3A_672 : vector<1x1x16xf32> to vector<16xf32>
      %add3A_674 = arith.addf %scan3A_593, %get3A_673 : vector<16xf32>
      %get3A_675 = arith.constant 0 : i32
      %get3A_676 = arith.index_cast %get3A_675 : i32 to index
      %get3A_677 = arith.index_cast %scan3A_582 : i32 to index
      %get3A_678 = arith.constant 176 : index
      %get3A_679 = tpu.vector_load %arg7[%get3A_676, %get3A_677, %get3A_678] {strides = array<i32>} : memref<2x64x768xf32, #tpu.memory_space<vmem>>, vector<1x1x16xf32>,
      %get3A_680 = vector.shape_cast %get3A_679 : vector<1x1x16xf32> to vector<16xf32>
      %add3A_681 = arith.addf %scan3A_594, %get3A_680 : vector<16xf32>
      %get3A_682 = arith.constant 0 : i32
      %get3A_683 = arith.index_cast %get3A_682 : i32 to index
      %get3A_684 = arith.index_cast %scan3A_582 : i32 to index
      %get3A_685 = arith.constant 192 : index
      %get3A_686 = tpu.vector_load %arg7[%get3A_683, %get3A_684, %get3A_685] {strides = array<i32>} : memref<2x64x768xf32, #tpu.memory_space<vmem>>, vector<1x1x16xf32>,
      %get3A_687 = vector.shape_cast %get3A_686 : vector<1x1x16xf32> to vector<16xf32>
      %add3A_688 = arith.addf %scan3A_595, %get3A_687 : vector<16xf32>
      %get3A_689 = arith.constant 0 : i32
      %get3A_690 = arith.index_cast %get3A_689 : i32 to index
      %get3A_691 = arith.index_cast %scan3A_582 : i32 to index
      %get3A_692 = arith.constant 208 : index
      %get3A_693 = tpu.vector_load %arg7[%get3A_690, %get3A_691, %get3A_692] {strides = array<i32>} : memref<2x64x768xf32, #tpu.memory_space<vmem>>, vector<1x1x16xf32>,
      %get3A_694 = vector.shape_cast %get3A_693 : vector<1x1x16xf32> to vector<16xf32>
      %add3A_695 = arith.addf %scan3A_596, %get3A_694 : vector<16xf32>
      %get3A_696 = arith.constant 0 : i32
      %get3A_697 = arith.index_cast %get3A_696 : i32 to index
      %get3A_698 = arith.index_cast %scan3A_582 : i32 to index
      %get3A_699 = arith.constant 224 : index
      %get3A_700 = tpu.vector_load %arg7[%get3A_697, %get3A_698, %get3A_699] {strides = array<i32>} : memref<2x64x768xf32, #tpu.memory_space<vmem>>, vector<1x1x16xf32>,
      %get3A_701 = vector.shape_cast %get3A_700 : vector<1x1x16xf32> to vector<16xf32>
      %add3A_702 = arith.addf %scan3A_597, %get3A_701 : vector<16xf32>
      %get3A_703 = arith.constant 0 : i32
      %get3A_704 = arith.index_cast %get3A_703 : i32 to index
      %get3A_705 = arith.index_cast %scan3A_582 : i32 to index
      %get3A_706 = arith.constant 240 : index
      %get3A_707 = tpu.vector_load %arg7[%get3A_704, %get3A_705, %get3A_706] {strides = array<i32>} : memref<2x64x768xf32, #tpu.memory_space<vmem>>, vector<1x1x16xf32>,
      %get3A_708 = vector.shape_cast %get3A_707 : vector<1x1x16xf32> to vector<16xf32>
      %add3A_709 = arith.addf %scan3A_598, %get3A_708 : vector<16xf32>
      scf.yield %add3A_604, %add3A_611, %add3A_618, %add3A_625, %add3A_632, %add3A_639, %add3A_646, %add3A_653, %add3A_660, %add3A_667, %add3A_674, %add3A_681, %add3A_688, %add3A_695, %add3A_702, %add3A_709 : vector<16xf32>, vector<16xf32>, vector<16xf32>, vector<16xf32>, vector<16xf32>, vector<16xf32>, vector<16xf32>, vector<16xf32>, vector<16xf32>, vector<16xf32>, vector<16xf32>, vector<16xf32>, vector<16xf32>, vector<16xf32>, vector<16xf32>, vector<16xf32>
    }
    %scan3A_309 = arith.constant 64 : i32
    %scan3A_310 = arith.constant 0 : i32
    %scan3A_311 = arith.constant 64 : i32
    %scan3A_312 = arith.addi %scan3A_310, %scan3A_311 : i32
    %scan3A_313 = arith.constant 1 : i32
    %scan3A_314:16 = scf.for %scan3A_582 = %scan3A_310 to %scan3A_312 step %scan3A_313 iter_args(%scan3A_583 = %scan3A_248#0, %scan3A_584 = %scan3A_248#1, %scan3A_585 = %scan3A_248#2, %scan3A_586 = %scan3A_248#3, %scan3A_587 = %scan3A_248#4, %scan3A_588 = %scan3A_248#5, %scan3A_589 = %scan3A_248#6, %scan3A_590 = %scan3A_248#7, %scan3A_591 = %scan3A_248#8, %scan3A_592 = %scan3A_248#9, %scan3A_593 = %scan3A_248#10, %scan3A_594 = %scan3A_248#11, %scan3A_595 = %scan3A_248#12, %scan3A_596 = %scan3A_248#13, %scan3A_597 = %scan3A_248#14, %scan3A_598 = %scan3A_248#15) -> (vector<16xf32>, vector<16xf32>, vector<16xf32>, vector<16xf32>, vector<16xf32>, vector<16xf32>, vector<16xf32>, vector<16xf32>, vector<16xf32>, vector<16xf32>, vector<16xf32>, vector<16xf32>, vector<16xf32>, vector<16xf32>, vector<16xf32>, vector<16xf32>)  : i32 {
      %get3A = arith.constant 0 : i32
      %get3A_599 = arith.index_cast %get3A : i32 to index
      %get3A_600 = arith.index_cast %scan3A_582 : i32 to index
      %get3A_601 = arith.constant 256 : index
      %get3A_602 = tpu.vector_load %arg7[%get3A_599, %get3A_600, %get3A_601] {strides = array<i32>} : memref<2x64x768xf32, #tpu.memory_space<vmem>>, vector<1x1x16xf32>,
      %get3A_603 = vector.shape_cast %get3A_602 : vector<1x1x16xf32> to vector<16xf32>
      %add3A_604 = arith.addf %scan3A_583, %get3A_603 : vector<16xf32>
      %get3A_605 = arith.constant 0 : i32
      %get3A_606 = arith.index_cast %get3A_605 : i32 to index
      %get3A_607 = arith.index_cast %scan3A_582 : i32 to index
      %get3A_608 = arith.constant 272 : index
      %get3A_609 = tpu.vector_load %arg7[%get3A_606, %get3A_607, %get3A_608] {strides = array<i32>} : memref<2x64x768xf32, #tpu.memory_space<vmem>>, vector<1x1x16xf32>,
      %get3A_610 = vector.shape_cast %get3A_609 : vector<1x1x16xf32> to vector<16xf32>
      %add3A_611 = arith.addf %scan3A_584, %get3A_610 : vector<16xf32>
      %get3A_612 = arith.constant 0 : i32
      %get3A_613 = arith.index_cast %get3A_612 : i32 to index
      %get3A_614 = arith.index_cast %scan3A_582 : i32 to index
      %get3A_615 = arith.constant 288 : index
      %get3A_616 = tpu.vector_load %arg7[%get3A_613, %get3A_614, %get3A_615] {strides = array<i32>} : memref<2x64x768xf32, #tpu.memory_space<vmem>>, vector<1x1x16xf32>,
      %get3A_617 = vector.shape_cast %get3A_616 : vector<1x1x16xf32> to vector<16xf32>
      %add3A_618 = arith.addf %scan3A_585, %get3A_617 : vector<16xf32>
      %get3A_619 = arith.constant 0 : i32
      %get3A_620 = arith.index_cast %get3A_619 : i32 to index
      %get3A_621 = arith.index_cast %scan3A_582 : i32 to index
      %get3A_622 = arith.constant 304 : index
      %get3A_623 = tpu.vector_load %arg7[%get3A_620, %get3A_621, %get3A_622] {strides = array<i32>} : memref<2x64x768xf32, #tpu.memory_space<vmem>>, vector<1x1x16xf32>,
      %get3A_624 = vector.shape_cast %get3A_623 : vector<1x1x16xf32> to vector<16xf32>
      %add3A_625 = arith.addf %scan3A_586, %get3A_624 : vector<16xf32>
      %get3A_626 = arith.constant 0 : i32
      %get3A_627 = arith.index_cast %get3A_626 : i32 to index
      %get3A_628 = arith.index_cast %scan3A_582 : i32 to index
      %get3A_629 = arith.constant 320 : index
      %get3A_630 = tpu.vector_load %arg7[%get3A_627, %get3A_628, %get3A_629] {strides = array<i32>} : memref<2x64x768xf32, #tpu.memory_space<vmem>>, vector<1x1x16xf32>,
      %get3A_631 = vector.shape_cast %get3A_630 : vector<1x1x16xf32> to vector<16xf32>
      %add3A_632 = arith.addf %scan3A_587, %get3A_631 : vector<16xf32>
      %get3A_633 = arith.constant 0 : i32
      %get3A_634 = arith.index_cast %get3A_633 : i32 to index
      %get3A_635 = arith.index_cast %scan3A_582 : i32 to index
      %get3A_636 = arith.constant 336 : index
      %get3A_637 = tpu.vector_load %arg7[%get3A_634, %get3A_635, %get3A_636] {strides = array<i32>} : memref<2x64x768xf32, #tpu.memory_space<vmem>>, vector<1x1x16xf32>,
      %get3A_638 = vector.shape_cast %get3A_637 : vector<1x1x16xf32> to vector<16xf32>
      %add3A_639 = arith.addf %scan3A_588, %get3A_638 : vector<16xf32>
      %get3A_640 = arith.constant 0 : i32
      %get3A_641 = arith.index_cast %get3A_640 : i32 to index
      %get3A_642 = arith.index_cast %scan3A_582 : i32 to index
      %get3A_643 = arith.constant 352 : index
      %get3A_644 = tpu.vector_load %arg7[%get3A_641, %get3A_642, %get3A_643] {strides = array<i32>} : memref<2x64x768xf32, #tpu.memory_space<vmem>>, vector<1x1x16xf32>,
      %get3A_645 = vector.shape_cast %get3A_644 : vector<1x1x16xf32> to vector<16xf32>
      %add3A_646 = arith.addf %scan3A_589, %get3A_645 : vector<16xf32>
      %get3A_647 = arith.constant 0 : i32
      %get3A_648 = arith.index_cast %get3A_647 : i32 to index
      %get3A_649 = arith.index_cast %scan3A_582 : i32 to index
      %get3A_650 = arith.constant 368 : index
      %get3A_651 = tpu.vector_load %arg7[%get3A_648, %get3A_649, %get3A_650] {strides = array<i32>} : memref<2x64x768xf32, #tpu.memory_space<vmem>>, vector<1x1x16xf32>,
      %get3A_652 = vector.shape_cast %get3A_651 : vector<1x1x16xf32> to vector<16xf32>
      %add3A_653 = arith.addf %scan3A_590, %get3A_652 : vector<16xf32>
      %get3A_654 = arith.constant 0 : i32
      %get3A_655 = arith.index_cast %get3A_654 : i32 to index
      %get3A_656 = arith.index_cast %scan3A_582 : i32 to index
      %get3A_657 = arith.constant 384 : index
      %get3A_658 = tpu.vector_load %arg7[%get3A_655, %get3A_656, %get3A_657] {strides = array<i32>} : memref<2x64x768xf32, #tpu.memory_space<vmem>>, vector<1x1x16xf32>,
      %get3A_659 = vector.shape_cast %get3A_658 : vector<1x1x16xf32> to vector<16xf32>
      %add3A_660 = arith.addf %scan3A_591, %get3A_659 : vector<16xf32>
      %get3A_661 = arith.constant 0 : i32
      %get3A_662 = arith.index_cast %get3A_661 : i32 to index
      %get3A_663 = arith.index_cast %scan3A_582 : i32 to index
      %get3A_664 = arith.constant 400 : index
      %get3A_665 = tpu.vector_load %arg7[%get3A_662, %get3A_663, %get3A_664] {strides = array<i32>} : memref<2x64x768xf32, #tpu.memory_space<vmem>>, vector<1x1x16xf32>,
      %get3A_666 = vector.shape_cast %get3A_665 : vector<1x1x16xf32> to vector<16xf32>
      %add3A_667 = arith.addf %scan3A_592, %get3A_666 : vector<16xf32>
      %get3A_668 = arith.constant 0 : i32
      %get3A_669 = arith.index_cast %get3A_668 : i32 to index
      %get3A_670 = arith.index_cast %scan3A_582 : i32 to index
      %get3A_671 = arith.constant 416 : index
      %get3A_672 = tpu.vector_load %arg7[%get3A_669, %get3A_670, %get3A_671] {strides = array<i32>} : memref<2x64x768xf32, #tpu.memory_space<vmem>>, vector<1x1x16xf32>,
      %get3A_673 = vector.shape_cast %get3A_672 : vector<1x1x16xf32> to vector<16xf32>
      %add3A_674 = arith.addf %scan3A_593, %get3A_673 : vector<16xf32>
      %get3A_675 = arith.constant 0 : i32
      %get3A_676 = arith.index_cast %get3A_675 : i32 to index
      %get3A_677 = arith.index_cast %scan3A_582 : i32 to index
      %get3A_678 = arith.constant 432 : index
      %get3A_679 = tpu.vector_load %arg7[%get3A_676, %get3A_677, %get3A_678] {strides = array<i32>} : memref<2x64x768xf32, #tpu.memory_space<vmem>>, vector<1x1x16xf32>,
      %get3A_680 = vector.shape_cast %get3A_679 : vector<1x1x16xf32> to vector<16xf32>
      %add3A_681 = arith.addf %scan3A_594, %get3A_680 : vector<16xf32>
      %get3A_682 = arith.constant 0 : i32
      %get3A_683 = arith.index_cast %get3A_682 : i32 to index
      %get3A_684 = arith.index_cast %scan3A_582 : i32 to index
      %get3A_685 = arith.constant 448 : index
      %get3A_686 = tpu.vector_load %arg7[%get3A_683, %get3A_684, %get3A_685] {strides = array<i32>} : memref<2x64x768xf32, #tpu.memory_space<vmem>>, vector<1x1x16xf32>,
      %get3A_687 = vector.shape_cast %get3A_686 : vector<1x1x16xf32> to vector<16xf32>
      %add3A_688 = arith.addf %scan3A_595, %get3A_687 : vector<16xf32>
      %get3A_689 = arith.constant 0 : i32
      %get3A_690 = arith.index_cast %get3A_689 : i32 to index
      %get3A_691 = arith.index_cast %scan3A_582 : i32 to index
      %get3A_692 = arith.constant 464 : index
      %get3A_693 = tpu.vector_load %arg7[%get3A_690, %get3A_691, %get3A_692] {strides = array<i32>} : memref<2x64x768xf32, #tpu.memory_space<vmem>>, vector<1x1x16xf32>,
      %get3A_694 = vector.shape_cast %get3A_693 : vector<1x1x16xf32> to vector<16xf32>
      %add3A_695 = arith.addf %scan3A_596, %get3A_694 : vector<16xf32>
      %get3A_696 = arith.constant 0 : i32
      %get3A_697 = arith.index_cast %get3A_696 : i32 to index
      %get3A_698 = arith.index_cast %scan3A_582 : i32 to index
      %get3A_699 = arith.constant 480 : index
      %get3A_700 = tpu.vector_load %arg7[%get3A_697, %get3A_698, %get3A_699] {strides = array<i32>} : memref<2x64x768xf32, #tpu.memory_space<vmem>>, vector<1x1x16xf32>,
      %get3A_701 = vector.shape_cast %get3A_700 : vector<1x1x16xf32> to vector<16xf32>
      %add3A_702 = arith.addf %scan3A_597, %get3A_701 : vector<16xf32>
      %get3A_703 = arith.constant 0 : i32
      %get3A_704 = arith.index_cast %get3A_703 : i32 to index
      %get3A_705 = arith.index_cast %scan3A_582 : i32 to index
      %get3A_706 = arith.constant 496 : index
      %get3A_707 = tpu.vector_load %arg7[%get3A_704, %get3A_705, %get3A_706] {strides = array<i32>} : memref<2x64x768xf32, #tpu.memory_space<vmem>>, vector<1x1x16xf32>,
      %get3A_708 = vector.shape_cast %get3A_707 : vector<1x1x16xf32> to vector<16xf32>
      %add3A_709 = arith.addf %scan3A_598, %get3A_708 : vector<16xf32>
      scf.yield %add3A_604, %add3A_611, %add3A_618, %add3A_625, %add3A_632, %add3A_639, %add3A_646, %add3A_653, %add3A_660, %add3A_667, %add3A_674, %add3A_681, %add3A_688, %add3A_695, %add3A_702, %add3A_709 : vector<16xf32>, vector<16xf32>, vector<16xf32>, vector<16xf32>, vector<16xf32>, vector<16xf32>, vector<16xf32>, vector<16xf32>, vector<16xf32>, vector<16xf32>, vector<16xf32>, vector<16xf32>, vector<16xf32>, vector<16xf32>, vector<16xf32>, vector<16xf32>
    }
    %scan3A_315 = arith.constant 64 : i32
    %scan3A_316 = arith.constant 0 : i32
    %scan3A_317 = arith.constant 64 : i32
    %scan3A_318 = arith.addi %scan3A_316, %scan3A_317 : i32
    %scan3A_319 = arith.constant 1 : i32
    %scan3A_320:16 = scf.for %scan3A_582 = %scan3A_316 to %scan3A_318 step %scan3A_319 iter_args(%scan3A_583 = %scan3A_254#0, %scan3A_584 = %scan3A_254#1, %scan3A_585 = %scan3A_254#2, %scan3A_586 = %scan3A_254#3, %scan3A_587 = %scan3A_254#4, %scan3A_588 = %scan3A_254#5, %scan3A_589 = %scan3A_254#6, %scan3A_590 = %scan3A_254#7, %scan3A_591 = %scan3A_254#8, %scan3A_592 = %scan3A_254#9, %scan3A_593 = %scan3A_254#10, %scan3A_594 = %scan3A_254#11, %scan3A_595 = %scan3A_254#12, %scan3A_596 = %scan3A_254#13, %scan3A_597 = %scan3A_254#14, %scan3A_598 = %scan3A_254#15) -> (vector<16xf32>, vector<16xf32>, vector<16xf32>, vector<16xf32>, vector<16xf32>, vector<16xf32>, vector<16xf32>, vector<16xf32>, vector<16xf32>, vector<16xf32>, vector<16xf32>, vector<16xf32>, vector<16xf32>, vector<16xf32>, vector<16xf32>, vector<16xf32>)  : i32 {
      %get3A = arith.constant 0 : i32
      %get3A_599 = arith.index_cast %get3A : i32 to index
      %get3A_600 = arith.index_cast %scan3A_582 : i32 to index
      %get3A_601 = arith.constant 512 : index
      %get3A_602 = tpu.vector_load %arg7[%get3A_599, %get3A_600, %get3A_601] {strides = array<i32>} : memref<2x64x768xf32, #tpu.memory_space<vmem>>, vector<1x1x16xf32>,
      %get3A_603 = vector.shape_cast %get3A_602 : vector<1x1x16xf32> to vector<16xf32>
      %add3A_604 = arith.addf %scan3A_583, %get3A_603 : vector<16xf32>
      %get3A_605 = arith.constant 0 : i32
      %get3A_606 = arith.index_cast %get3A_605 : i32 to index
      %get3A_607 = arith.index_cast %scan3A_582 : i32 to index
      %get3A_608 = arith.constant 528 : index
      %get3A_609 = tpu.vector_load %arg7[%get3A_606, %get3A_607, %get3A_608] {strides = array<i32>} : memref<2x64x768xf32, #tpu.memory_space<vmem>>, vector<1x1x16xf32>,
      %get3A_610 = vector.shape_cast %get3A_609 : vector<1x1x16xf32> to vector<16xf32>
      %add3A_611 = arith.addf %scan3A_584, %get3A_610 : vector<16xf32>
      %get3A_612 = arith.constant 0 : i32
      %get3A_613 = arith.index_cast %get3A_612 : i32 to index
      %get3A_614 = arith.index_cast %scan3A_582 : i32 to index
      %get3A_615 = arith.constant 544 : index
      %get3A_616 = tpu.vector_load %arg7[%get3A_613, %get3A_614, %get3A_615] {strides = array<i32>} : memref<2x64x768xf32, #tpu.memory_space<vmem>>, vector<1x1x16xf32>,
      %get3A_617 = vector.shape_cast %get3A_616 : vector<1x1x16xf32> to vector<16xf32>
      %add3A_618 = arith.addf %scan3A_585, %get3A_617 : vector<16xf32>
      %get3A_619 = arith.constant 0 : i32
      %get3A_620 = arith.index_cast %get3A_619 : i32 to index
      %get3A_621 = arith.index_cast %scan3A_582 : i32 to index
      %get3A_622 = arith.constant 560 : index
      %get3A_623 = tpu.vector_load %arg7[%get3A_620, %get3A_621, %get3A_622] {strides = array<i32>} : memref<2x64x768xf32, #tpu.memory_space<vmem>>, vector<1x1x16xf32>,
      %get3A_624 = vector.shape_cast %get3A_623 : vector<1x1x16xf32> to vector<16xf32>
      %add3A_625 = arith.addf %scan3A_586, %get3A_624 : vector<16xf32>
      %get3A_626 = arith.constant 0 : i32
      %get3A_627 = arith.index_cast %get3A_626 : i32 to index
      %get3A_628 = arith.index_cast %scan3A_582 : i32 to index
      %get3A_629 = arith.constant 576 : index
      %get3A_630 = tpu.vector_load %arg7[%get3A_627, %get3A_628, %get3A_629] {strides = array<i32>} : memref<2x64x768xf32, #tpu.memory_space<vmem>>, vector<1x1x16xf32>,
      %get3A_631 = vector.shape_cast %get3A_630 : vector<1x1x16xf32> to vector<16xf32>
      %add3A_632 = arith.addf %scan3A_587, %get3A_631 : vector<16xf32>
      %get3A_633 = arith.constant 0 : i32
      %get3A_634 = arith.index_cast %get3A_633 : i32 to index
      %get3A_635 = arith.index_cast %scan3A_582 : i32 to index
      %get3A_636 = arith.constant 592 : index
      %get3A_637 = tpu.vector_load %arg7[%get3A_634, %get3A_635, %get3A_636] {strides = array<i32>} : memref<2x64x768xf32, #tpu.memory_space<vmem>>, vector<1x1x16xf32>,
      %get3A_638 = vector.shape_cast %get3A_637 : vector<1x1x16xf32> to vector<16xf32>
      %add3A_639 = arith.addf %scan3A_588, %get3A_638 : vector<16xf32>
      %get3A_640 = arith.constant 0 : i32
      %get3A_641 = arith.index_cast %get3A_640 : i32 to index
      %get3A_642 = arith.index_cast %scan3A_582 : i32 to index
      %get3A_643 = arith.constant 608 : index
      %get3A_644 = tpu.vector_load %arg7[%get3A_641, %get3A_642, %get3A_643] {strides = array<i32>} : memref<2x64x768xf32, #tpu.memory_space<vmem>>, vector<1x1x16xf32>,
      %get3A_645 = vector.shape_cast %get3A_644 : vector<1x1x16xf32> to vector<16xf32>
      %add3A_646 = arith.addf %scan3A_589, %get3A_645 : vector<16xf32>
      %get3A_647 = arith.constant 0 : i32
      %get3A_648 = arith.index_cast %get3A_647 : i32 to index
      %get3A_649 = arith.index_cast %scan3A_582 : i32 to index
      %get3A_650 = arith.constant 624 : index
      %get3A_651 = tpu.vector_load %arg7[%get3A_648, %get3A_649, %get3A_650] {strides = array<i32>} : memref<2x64x768xf32, #tpu.memory_space<vmem>>, vector<1x1x16xf32>,
      %get3A_652 = vector.shape_cast %get3A_651 : vector<1x1x16xf32> to vector<16xf32>
      %add3A_653 = arith.addf %scan3A_590, %get3A_652 : vector<16xf32>
      %get3A_654 = arith.constant 0 : i32
      %get3A_655 = arith.index_cast %get3A_654 : i32 to index
      %get3A_656 = arith.index_cast %scan3A_582 : i32 to index
      %get3A_657 = arith.constant 640 : index
      %get3A_658 = tpu.vector_load %arg7[%get3A_655, %get3A_656, %get3A_657] {strides = array<i32>} : memref<2x64x768xf32, #tpu.memory_space<vmem>>, vector<1x1x16xf32>,
      %get3A_659 = vector.shape_cast %get3A_658 : vector<1x1x16xf32> to vector<16xf32>
      %add3A_660 = arith.addf %scan3A_591, %get3A_659 : vector<16xf32>
      %get3A_661 = arith.constant 0 : i32
      %get3A_662 = arith.index_cast %get3A_661 : i32 to index
      %get3A_663 = arith.index_cast %scan3A_582 : i32 to index
      %get3A_664 = arith.constant 656 : index
      %get3A_665 = tpu.vector_load %arg7[%get3A_662, %get3A_663, %get3A_664] {strides = array<i32>} : memref<2x64x768xf32, #tpu.memory_space<vmem>>, vector<1x1x16xf32>,
      %get3A_666 = vector.shape_cast %get3A_665 : vector<1x1x16xf32> to vector<16xf32>
      %add3A_667 = arith.addf %scan3A_592, %get3A_666 : vector<16xf32>
      %get3A_668 = arith.constant 0 : i32
      %get3A_669 = arith.index_cast %get3A_668 : i32 to index
      %get3A_670 = arith.index_cast %scan3A_582 : i32 to index
      %get3A_671 = arith.constant 672 : index
      %get3A_672 = tpu.vector_load %arg7[%get3A_669, %get3A_670, %get3A_671] {strides = array<i32>} : memref<2x64x768xf32, #tpu.memory_space<vmem>>, vector<1x1x16xf32>,
      %get3A_673 = vector.shape_cast %get3A_672 : vector<1x1x16xf32> to vector<16xf32>
      %add3A_674 = arith.addf %scan3A_593, %get3A_673 : vector<16xf32>
      %get3A_675 = arith.constant 0 : i32
      %get3A_676 = arith.index_cast %get3A_675 : i32 to index
      %get3A_677 = arith.index_cast %scan3A_582 : i32 to index
      %get3A_678 = arith.constant 688 : index
      %get3A_679 = tpu.vector_load %arg7[%get3A_676, %get3A_677, %get3A_678] {strides = array<i32>} : memref<2x64x768xf32, #tpu.memory_space<vmem>>, vector<1x1x16xf32>,
      %get3A_680 = vector.shape_cast %get3A_679 : vector<1x1x16xf32> to vector<16xf32>
      %add3A_681 = arith.addf %scan3A_594, %get3A_680 : vector<16xf32>
      %get3A_682 = arith.constant 0 : i32
      %get3A_683 = arith.index_cast %get3A_682 : i32 to index
      %get3A_684 = arith.index_cast %scan3A_582 : i32 to index
      %get3A_685 = arith.constant 704 : index
      %get3A_686 = tpu.vector_load %arg7[%get3A_683, %get3A_684, %get3A_685] {strides = array<i32>} : memref<2x64x768xf32, #tpu.memory_space<vmem>>, vector<1x1x16xf32>,
      %get3A_687 = vector.shape_cast %get3A_686 : vector<1x1x16xf32> to vector<16xf32>
      %add3A_688 = arith.addf %scan3A_595, %get3A_687 : vector<16xf32>
      %get3A_689 = arith.constant 0 : i32
      %get3A_690 = arith.index_cast %get3A_689 : i32 to index
      %get3A_691 = arith.index_cast %scan3A_582 : i32 to index
      %get3A_692 = arith.constant 720 : index
      %get3A_693 = tpu.vector_load %arg7[%get3A_690, %get3A_691, %get3A_692] {strides = array<i32>} : memref<2x64x768xf32, #tpu.memory_space<vmem>>, vector<1x1x16xf32>,
      %get3A_694 = vector.shape_cast %get3A_693 : vector<1x1x16xf32> to vector<16xf32>
      %add3A_695 = arith.addf %scan3A_596, %get3A_694 : vector<16xf32>
      %get3A_696 = arith.constant 0 : i32
      %get3A_697 = arith.index_cast %get3A_696 : i32 to index
      %get3A_698 = arith.index_cast %scan3A_582 : i32 to index
      %get3A_699 = arith.constant 736 : index
      %get3A_700 = tpu.vector_load %arg7[%get3A_697, %get3A_698, %get3A_699] {strides = array<i32>} : memref<2x64x768xf32, #tpu.memory_space<vmem>>, vector<1x1x16xf32>,
      %get3A_701 = vector.shape_cast %get3A_700 : vector<1x1x16xf32> to vector<16xf32>
      %add3A_702 = arith.addf %scan3A_597, %get3A_701 : vector<16xf32>
      %get3A_703 = arith.constant 0 : i32
      %get3A_704 = arith.index_cast %get3A_703 : i32 to index
      %get3A_705 = arith.index_cast %scan3A_582 : i32 to index
      %get3A_706 = arith.constant 752 : index
      %get3A_707 = tpu.vector_load %arg7[%get3A_704, %get3A_705, %get3A_706] {strides = array<i32>} : memref<2x64x768xf32, #tpu.memory_space<vmem>>, vector<1x1x16xf32>,
      %get3A_708 = vector.shape_cast %get3A_707 : vector<1x1x16xf32> to vector<16xf32>
      %add3A_709 = arith.addf %scan3A_598, %get3A_708 : vector<16xf32>
      scf.yield %add3A_604, %add3A_611, %add3A_618, %add3A_625, %add3A_632, %add3A_639, %add3A_646, %add3A_653, %add3A_660, %add3A_667, %add3A_674, %add3A_681, %add3A_688, %add3A_695, %add3A_702, %add3A_709 : vector<16xf32>, vector<16xf32>, vector<16xf32>, vector<16xf32>, vector<16xf32>, vector<16xf32>, vector<16xf32>, vector<16xf32>, vector<16xf32>, vector<16xf32>, vector<16xf32>, vector<16xf32>, vector<16xf32>, vector<16xf32>, vector<16xf32>, vector<16xf32>
    }
    %scan3A_321 = arith.constant 64 : i32
    %dma_wait3A_322 = arith.constant 1 : i32
    %dma_wait3A_323 = arith.constant 0 : i32
    %dma_wait3A_324 = arith.constant 0 : i32
    %dma_wait3A_325 = tpu.memref_slice %arg7[%dma_wait3A_322, %dma_wait3A_323, %dma_wait3A_324] : memref<2x64x768xf32, #tpu.memory_space<vmem>> -> memref<1x64x768xf32, #tpu.memory_space<vmem>>
    %dma_wait3A_326 = tpu.memref_squeeze %dma_wait3A_325 : memref<1x64x768xf32, #tpu.memory_space<vmem>> -> memref<64x768xf32, #tpu.memory_space<vmem>>
    %dma_wait3A_327 = arith.constant 192 : i32
    %dma_wait3A_328 = tpu.memref_slice %arg6[%dma_wait3A_327] : memref<256xi32, #tpu.memory_space<vmem>> -> memref<64xi32, #tpu.memory_space<vmem>>
    %dma_wait3A_329 = arith.constant 0 : i32
    %dma_wait3A_330 = arith.constant 0 : i32
    %dma_wait3A_331 = tpu.memref_slice %arg3[%dma_wait3A_329, %dma_wait3A_330] : memref<28996x768xf32, #tpu.memory_space<hbm>> -> memref<28996x768xf32, #tpu.memory_space<hbm>>
    tpu.wait_indirect_dma semaphore(%arg9 : memref<!tpu.dma_semaphore, #tpu.memory_space<semaphore_mem>>) src(%dma_wait3A_331 : memref<28996x768xf32, #tpu.memory_space<hbm>>) dst(%dma_wait3A_326 : memref<64x768xf32, #tpu.memory_space<vmem>>)
    %dma_wait3A_332 = arith.constant 0 : i32
    %dma_wait3A_333 = arith.constant 0 : i32
    %dma_wait3A_334 = arith.constant 0 : i32
    %dma_wait3A_335 = tpu.memref_slice %arg7[%dma_wait3A_332, %dma_wait3A_333, %dma_wait3A_334] : memref<2x64x768xf32, #tpu.memory_space<vmem>> -> memref<1x64x768xf32, #tpu.memory_space<vmem>>
    %dma_wait3A_336 = tpu.memref_squeeze %dma_wait3A_335 : memref<1x64x768xf32, #tpu.memory_space<vmem>> -> memref<64x768xf32, #tpu.memory_space<vmem>>
    %dma_wait3A_337 = arith.constant 0 : i32
    %dma_wait3A_338 = tpu.memref_slice %arg4[%add3A_290, %dma_wait3A_337] : memref<8192x768xf32, #tpu.memory_space<hbm>> -> memref<64x768xf32, #tpu.memory_space<hbm>>
    %dma_wait3A_339 = arith.constant 0 : i32
    %dma_wait3A_340 = tpu.memref_slice %arg4[%add3A_290, %dma_wait3A_339] : memref<8192x768xf32, #tpu.memory_space<hbm>> -> memref<64x768xf32, #tpu.memory_space<hbm>>
    %dma_wait3A_341 = arith.constant 0 : i32
    %dma_wait3A_342 = arith.constant 0 : i32
    %dma_wait3A_343 = tpu.memref_slice %arg7[%dma_wait3A_332, %dma_wait3A_341, %dma_wait3A_342] : memref<2x64x768xf32, #tpu.memory_space<vmem>> -> memref<1x64x768xf32, #tpu.memory_space<vmem>>
    %dma_wait3A_344 = tpu.memref_squeeze %dma_wait3A_343 : memref<1x64x768xf32, #tpu.memory_space<vmem>> -> memref<64x768xf32, #tpu.memory_space<vmem>>
    tpu.wait_dma2 semaphore(%arg10 : memref<!tpu.dma_semaphore, #tpu.memory_space<semaphore_mem>>) src(%dma_wait3A_344 : memref<64x768xf32, #tpu.memory_space<vmem>>) dst(%dma_wait3A_340 : memref<64x768xf32, #tpu.memory_space<hbm>>)
    %add3A_345 = arith.constant 192 : i32
    %add3A_346 = arith.addi %mul3A_34, %add3A_345 : i32
    %dma_start3A_347 = arith.constant 1 : i32
    %dma_start3A_348 = arith.constant 0 : i32
    %dma_start3A_349 = arith.constant 0 : i32
    %dma_start3A_350 = tpu.memref_slice %arg7[%dma_start3A_347, %dma_start3A_348, %dma_start3A_349] : memref<2x64x768xf32, #tpu.memory_space<vmem>> -> memref<1x64x768xf32, #tpu.memory_space<vmem>>
    %dma_start3A_351 = tpu.memref_squeeze %dma_start3A_350 : memref<1x64x768xf32, #tpu.memory_space<vmem>> -> memref<64x768xf32, #tpu.memory_space<vmem>>
    %dma_start3A_352 = arith.constant 0 : i32
    %dma_start3A_353 = tpu.memref_slice %arg4[%add3A_346, %dma_start3A_352] : memref<8192x768xf32, #tpu.memory_space<hbm>> -> memref<64x768xf32, #tpu.memory_space<hbm>>
    %dma_start3A_354 = arith.constant 0 : i32
    %dma_start3A_355 = tpu.memref_slice %arg4[%add3A_346, %dma_start3A_354] : memref<8192x768xf32, #tpu.memory_space<hbm>> -> memref<64x768xf32, #tpu.memory_space<hbm>>
    %dma_start3A_356 = arith.constant 0 : i32
    %dma_start3A_357 = arith.constant 0 : i32
    %dma_start3A_358 = tpu.memref_slice %arg7[%dma_start3A_347, %dma_start3A_356, %dma_start3A_357] : memref<2x64x768xf32, #tpu.memory_space<vmem>> -> memref<1x64x768xf32, #tpu.memory_space<vmem>>
    %dma_start3A_359 = tpu.memref_squeeze %dma_start3A_358 : memref<1x64x768xf32, #tpu.memory_space<vmem>> -> memref<64x768xf32, #tpu.memory_space<vmem>>
    tpu.enqueue_dma source(%dma_start3A_359 : memref<64x768xf32, #tpu.memory_space<vmem>>) target(%dma_start3A_355 : memref<64x768xf32, #tpu.memory_space<hbm>>) target_semaphore(%arg10 : memref<!tpu.dma_semaphore, #tpu.memory_space<semaphore_mem>>)
    %scan3A_360 = arith.constant 0 : i32
    %scan3A_361 = arith.constant 64 : i32
    %scan3A_362 = arith.addi %scan3A_360, %scan3A_361 : i32
    %scan3A_363 = arith.constant 1 : i32
    %scan3A_364:16 = scf.for %scan3A_582 = %scan3A_360 to %scan3A_362 step %scan3A_363 iter_args(%scan3A_583 = %scan3A_308#0, %scan3A_584 = %scan3A_308#1, %scan3A_585 = %scan3A_308#2, %scan3A_586 = %scan3A_308#3, %scan3A_587 = %scan3A_308#4, %scan3A_588 = %scan3A_308#5, %scan3A_589 = %scan3A_308#6, %scan3A_590 = %scan3A_308#7, %scan3A_591 = %scan3A_308#8, %scan3A_592 = %scan3A_308#9, %scan3A_593 = %scan3A_308#10, %scan3A_594 = %scan3A_308#11, %scan3A_595 = %scan3A_308#12, %scan3A_596 = %scan3A_308#13, %scan3A_597 = %scan3A_308#14, %scan3A_598 = %scan3A_308#15) -> (vector<16xf32>, vector<16xf32>, vector<16xf32>, vector<16xf32>, vector<16xf32>, vector<16xf32>, vector<16xf32>, vector<16xf32>, vector<16xf32>, vector<16xf32>, vector<16xf32>, vector<16xf32>, vector<16xf32>, vector<16xf32>, vector<16xf32>, vector<16xf32>)  : i32 {
      %get3A = arith.constant 1 : i32
      %get3A_599 = arith.index_cast %get3A : i32 to index
      %get3A_600 = arith.index_cast %scan3A_582 : i32 to index
      %get3A_601 = arith.constant 0 : index
      %get3A_602 = tpu.vector_load %arg7[%get3A_599, %get3A_600, %get3A_601] {strides = array<i32>} : memref<2x64x768xf32, #tpu.memory_space<vmem>>, vector<1x1x16xf32>,
      %get3A_603 = vector.shape_cast %get3A_602 : vector<1x1x16xf32> to vector<16xf32>
      %add3A_604 = arith.addf %scan3A_583, %get3A_603 : vector<16xf32>
      %get3A_605 = arith.constant 1 : i32
      %get3A_606 = arith.index_cast %get3A_605 : i32 to index
      %get3A_607 = arith.index_cast %scan3A_582 : i32 to index
      %get3A_608 = arith.constant 16 : index
      %get3A_609 = tpu.vector_load %arg7[%get3A_606, %get3A_607, %get3A_608] {strides = array<i32>} : memref<2x64x768xf32, #tpu.memory_space<vmem>>, vector<1x1x16xf32>,
      %get3A_610 = vector.shape_cast %get3A_609 : vector<1x1x16xf32> to vector<16xf32>
      %add3A_611 = arith.addf %scan3A_584, %get3A_610 : vector<16xf32>
      %get3A_612 = arith.constant 1 : i32
      %get3A_613 = arith.index_cast %get3A_612 : i32 to index
      %get3A_614 = arith.index_cast %scan3A_582 : i32 to index
      %get3A_615 = arith.constant 32 : index
      %get3A_616 = tpu.vector_load %arg7[%get3A_613, %get3A_614, %get3A_615] {strides = array<i32>} : memref<2x64x768xf32, #tpu.memory_space<vmem>>, vector<1x1x16xf32>,
      %get3A_617 = vector.shape_cast %get3A_616 : vector<1x1x16xf32> to vector<16xf32>
      %add3A_618 = arith.addf %scan3A_585, %get3A_617 : vector<16xf32>
      %get3A_619 = arith.constant 1 : i32
      %get3A_620 = arith.index_cast %get3A_619 : i32 to index
      %get3A_621 = arith.index_cast %scan3A_582 : i32 to index
      %get3A_622 = arith.constant 48 : index
      %get3A_623 = tpu.vector_load %arg7[%get3A_620, %get3A_621, %get3A_622] {strides = array<i32>} : memref<2x64x768xf32, #tpu.memory_space<vmem>>, vector<1x1x16xf32>,
      %get3A_624 = vector.shape_cast %get3A_623 : vector<1x1x16xf32> to vector<16xf32>
      %add3A_625 = arith.addf %scan3A_586, %get3A_624 : vector<16xf32>
      %get3A_626 = arith.constant 1 : i32
      %get3A_627 = arith.index_cast %get3A_626 : i32 to index
      %get3A_628 = arith.index_cast %scan3A_582 : i32 to index
      %get3A_629 = arith.constant 64 : index
      %get3A_630 = tpu.vector_load %arg7[%get3A_627, %get3A_628, %get3A_629] {strides = array<i32>} : memref<2x64x768xf32, #tpu.memory_space<vmem>>, vector<1x1x16xf32>,
      %get3A_631 = vector.shape_cast %get3A_630 : vector<1x1x16xf32> to vector<16xf32>
      %add3A_632 = arith.addf %scan3A_587, %get3A_631 : vector<16xf32>
      %get3A_633 = arith.constant 1 : i32
      %get3A_634 = arith.index_cast %get3A_633 : i32 to index
      %get3A_635 = arith.index_cast %scan3A_582 : i32 to index
      %get3A_636 = arith.constant 80 : index
      %get3A_637 = tpu.vector_load %arg7[%get3A_634, %get3A_635, %get3A_636] {strides = array<i32>} : memref<2x64x768xf32, #tpu.memory_space<vmem>>, vector<1x1x16xf32>,
      %get3A_638 = vector.shape_cast %get3A_637 : vector<1x1x16xf32> to vector<16xf32>
      %add3A_639 = arith.addf %scan3A_588, %get3A_638 : vector<16xf32>
      %get3A_640 = arith.constant 1 : i32
      %get3A_641 = arith.index_cast %get3A_640 : i32 to index
      %get3A_642 = arith.index_cast %scan3A_582 : i32 to index
      %get3A_643 = arith.constant 96 : index
      %get3A_644 = tpu.vector_load %arg7[%get3A_641, %get3A_642, %get3A_643] {strides = array<i32>} : memref<2x64x768xf32, #tpu.memory_space<vmem>>, vector<1x1x16xf32>,
      %get3A_645 = vector.shape_cast %get3A_644 : vector<1x1x16xf32> to vector<16xf32>
      %add3A_646 = arith.addf %scan3A_589, %get3A_645 : vector<16xf32>
      %get3A_647 = arith.constant 1 : i32
      %get3A_648 = arith.index_cast %get3A_647 : i32 to index
      %get3A_649 = arith.index_cast %scan3A_582 : i32 to index
      %get3A_650 = arith.constant 112 : index
      %get3A_651 = tpu.vector_load %arg7[%get3A_648, %get3A_649, %get3A_650] {strides = array<i32>} : memref<2x64x768xf32, #tpu.memory_space<vmem>>, vector<1x1x16xf32>,
      %get3A_652 = vector.shape_cast %get3A_651 : vector<1x1x16xf32> to vector<16xf32>
      %add3A_653 = arith.addf %scan3A_590, %get3A_652 : vector<16xf32>
      %get3A_654 = arith.constant 1 : i32
      %get3A_655 = arith.index_cast %get3A_654 : i32 to index
      %get3A_656 = arith.index_cast %scan3A_582 : i32 to index
      %get3A_657 = arith.constant 128 : index
      %get3A_658 = tpu.vector_load %arg7[%get3A_655, %get3A_656, %get3A_657] {strides = array<i32>} : memref<2x64x768xf32, #tpu.memory_space<vmem>>, vector<1x1x16xf32>,
      %get3A_659 = vector.shape_cast %get3A_658 : vector<1x1x16xf32> to vector<16xf32>
      %add3A_660 = arith.addf %scan3A_591, %get3A_659 : vector<16xf32>
      %get3A_661 = arith.constant 1 : i32
      %get3A_662 = arith.index_cast %get3A_661 : i32 to index
      %get3A_663 = arith.index_cast %scan3A_582 : i32 to index
      %get3A_664 = arith.constant 144 : index
      %get3A_665 = tpu.vector_load %arg7[%get3A_662, %get3A_663, %get3A_664] {strides = array<i32>} : memref<2x64x768xf32, #tpu.memory_space<vmem>>, vector<1x1x16xf32>,
      %get3A_666 = vector.shape_cast %get3A_665 : vector<1x1x16xf32> to vector<16xf32>
      %add3A_667 = arith.addf %scan3A_592, %get3A_666 : vector<16xf32>
      %get3A_668 = arith.constant 1 : i32
      %get3A_669 = arith.index_cast %get3A_668 : i32 to index
      %get3A_670 = arith.index_cast %scan3A_582 : i32 to index
      %get3A_671 = arith.constant 160 : index
      %get3A_672 = tpu.vector_load %arg7[%get3A_669, %get3A_670, %get3A_671] {strides = array<i32>} : memref<2x64x768xf32, #tpu.memory_space<vmem>>, vector<1x1x16xf32>,
      %get3A_673 = vector.shape_cast %get3A_672 : vector<1x1x16xf32> to vector<16xf32>
      %add3A_674 = arith.addf %scan3A_593, %get3A_673 : vector<16xf32>
      %get3A_675 = arith.constant 1 : i32
      %get3A_676 = arith.index_cast %get3A_675 : i32 to index
      %get3A_677 = arith.index_cast %scan3A_582 : i32 to index
      %get3A_678 = arith.constant 176 : index
      %get3A_679 = tpu.vector_load %arg7[%get3A_676, %get3A_677, %get3A_678] {strides = array<i32>} : memref<2x64x768xf32, #tpu.memory_space<vmem>>, vector<1x1x16xf32>,
      %get3A_680 = vector.shape_cast %get3A_679 : vector<1x1x16xf32> to vector<16xf32>
      %add3A_681 = arith.addf %scan3A_594, %get3A_680 : vector<16xf32>
      %get3A_682 = arith.constant 1 : i32
      %get3A_683 = arith.index_cast %get3A_682 : i32 to index
      %get3A_684 = arith.index_cast %scan3A_582 : i32 to index
      %get3A_685 = arith.constant 192 : index
      %get3A_686 = tpu.vector_load %arg7[%get3A_683, %get3A_684, %get3A_685] {strides = array<i32>} : memref<2x64x768xf32, #tpu.memory_space<vmem>>, vector<1x1x16xf32>,
      %get3A_687 = vector.shape_cast %get3A_686 : vector<1x1x16xf32> to vector<16xf32>
      %add3A_688 = arith.addf %scan3A_595, %get3A_687 : vector<16xf32>
      %get3A_689 = arith.constant 1 : i32
      %get3A_690 = arith.index_cast %get3A_689 : i32 to index
      %get3A_691 = arith.index_cast %scan3A_582 : i32 to index
      %get3A_692 = arith.constant 208 : index
      %get3A_693 = tpu.vector_load %arg7[%get3A_690, %get3A_691, %get3A_692] {strides = array<i32>} : memref<2x64x768xf32, #tpu.memory_space<vmem>>, vector<1x1x16xf32>,
      %get3A_694 = vector.shape_cast %get3A_693 : vector<1x1x16xf32> to vector<16xf32>
      %add3A_695 = arith.addf %scan3A_596, %get3A_694 : vector<16xf32>
      %get3A_696 = arith.constant 1 : i32
      %get3A_697 = arith.index_cast %get3A_696 : i32 to index
      %get3A_698 = arith.index_cast %scan3A_582 : i32 to index
      %get3A_699 = arith.constant 224 : index
      %get3A_700 = tpu.vector_load %arg7[%get3A_697, %get3A_698, %get3A_699] {strides = array<i32>} : memref<2x64x768xf32, #tpu.memory_space<vmem>>, vector<1x1x16xf32>,
      %get3A_701 = vector.shape_cast %get3A_700 : vector<1x1x16xf32> to vector<16xf32>
      %add3A_702 = arith.addf %scan3A_597, %get3A_701 : vector<16xf32>
      %get3A_703 = arith.constant 1 : i32
      %get3A_704 = arith.index_cast %get3A_703 : i32 to index
      %get3A_705 = arith.index_cast %scan3A_582 : i32 to index
      %get3A_706 = arith.constant 240 : index
      %get3A_707 = tpu.vector_load %arg7[%get3A_704, %get3A_705, %get3A_706] {strides = array<i32>} : memref<2x64x768xf32, #tpu.memory_space<vmem>>, vector<1x1x16xf32>,
      %get3A_708 = vector.shape_cast %get3A_707 : vector<1x1x16xf32> to vector<16xf32>
      %add3A_709 = arith.addf %scan3A_598, %get3A_708 : vector<16xf32>
      scf.yield %add3A_604, %add3A_611, %add3A_618, %add3A_625, %add3A_632, %add3A_639, %add3A_646, %add3A_653, %add3A_660, %add3A_667, %add3A_674, %add3A_681, %add3A_688, %add3A_695, %add3A_702, %add3A_709 : vector<16xf32>, vector<16xf32>, vector<16xf32>, vector<16xf32>, vector<16xf32>, vector<16xf32>, vector<16xf32>, vector<16xf32>, vector<16xf32>, vector<16xf32>, vector<16xf32>, vector<16xf32>, vector<16xf32>, vector<16xf32>, vector<16xf32>, vector<16xf32>
    }
    %scan3A_365 = arith.constant 64 : i32
    %scan3A_366 = arith.constant 0 : i32
    %scan3A_367 = arith.constant 64 : i32
    %scan3A_368 = arith.addi %scan3A_366, %scan3A_367 : i32
    %scan3A_369 = arith.constant 1 : i32
    %scan3A_370:16 = scf.for %scan3A_582 = %scan3A_366 to %scan3A_368 step %scan3A_369 iter_args(%scan3A_583 = %scan3A_314#0, %scan3A_584 = %scan3A_314#1, %scan3A_585 = %scan3A_314#2, %scan3A_586 = %scan3A_314#3, %scan3A_587 = %scan3A_314#4, %scan3A_588 = %scan3A_314#5, %scan3A_589 = %scan3A_314#6, %scan3A_590 = %scan3A_314#7, %scan3A_591 = %scan3A_314#8, %scan3A_592 = %scan3A_314#9, %scan3A_593 = %scan3A_314#10, %scan3A_594 = %scan3A_314#11, %scan3A_595 = %scan3A_314#12, %scan3A_596 = %scan3A_314#13, %scan3A_597 = %scan3A_314#14, %scan3A_598 = %scan3A_314#15) -> (vector<16xf32>, vector<16xf32>, vector<16xf32>, vector<16xf32>, vector<16xf32>, vector<16xf32>, vector<16xf32>, vector<16xf32>, vector<16xf32>, vector<16xf32>, vector<16xf32>, vector<16xf32>, vector<16xf32>, vector<16xf32>, vector<16xf32>, vector<16xf32>)  : i32 {
      %get3A = arith.constant 1 : i32
      %get3A_599 = arith.index_cast %get3A : i32 to index
      %get3A_600 = arith.index_cast %scan3A_582 : i32 to index
      %get3A_601 = arith.constant 256 : index
      %get3A_602 = tpu.vector_load %arg7[%get3A_599, %get3A_600, %get3A_601] {strides = array<i32>} : memref<2x64x768xf32, #tpu.memory_space<vmem>>, vector<1x1x16xf32>,
      %get3A_603 = vector.shape_cast %get3A_602 : vector<1x1x16xf32> to vector<16xf32>
      %add3A_604 = arith.addf %scan3A_583, %get3A_603 : vector<16xf32>
      %get3A_605 = arith.constant 1 : i32
      %get3A_606 = arith.index_cast %get3A_605 : i32 to index
      %get3A_607 = arith.index_cast %scan3A_582 : i32 to index
      %get3A_608 = arith.constant 272 : index
      %get3A_609 = tpu.vector_load %arg7[%get3A_606, %get3A_607, %get3A_608] {strides = array<i32>} : memref<2x64x768xf32, #tpu.memory_space<vmem>>, vector<1x1x16xf32>,
      %get3A_610 = vector.shape_cast %get3A_609 : vector<1x1x16xf32> to vector<16xf32>
      %add3A_611 = arith.addf %scan3A_584, %get3A_610 : vector<16xf32>
      %get3A_612 = arith.constant 1 : i32
      %get3A_613 = arith.index_cast %get3A_612 : i32 to index
      %get3A_614 = arith.index_cast %scan3A_582 : i32 to index
      %get3A_615 = arith.constant 288 : index
      %get3A_616 = tpu.vector_load %arg7[%get3A_613, %get3A_614, %get3A_615] {strides = array<i32>} : memref<2x64x768xf32, #tpu.memory_space<vmem>>, vector<1x1x16xf32>,
      %get3A_617 = vector.shape_cast %get3A_616 : vector<1x1x16xf32> to vector<16xf32>
      %add3A_618 = arith.addf %scan3A_585, %get3A_617 : vector<16xf32>
      %get3A_619 = arith.constant 1 : i32
      %get3A_620 = arith.index_cast %get3A_619 : i32 to index
      %get3A_621 = arith.index_cast %scan3A_582 : i32 to index
      %get3A_622 = arith.constant 304 : index
      %get3A_623 = tpu.vector_load %arg7[%get3A_620, %get3A_621, %get3A_622] {strides = array<i32>} : memref<2x64x768xf32, #tpu.memory_space<vmem>>, vector<1x1x16xf32>,
      %get3A_624 = vector.shape_cast %get3A_623 : vector<1x1x16xf32> to vector<16xf32>
      %add3A_625 = arith.addf %scan3A_586, %get3A_624 : vector<16xf32>
      %get3A_626 = arith.constant 1 : i32
      %get3A_627 = arith.index_cast %get3A_626 : i32 to index
      %get3A_628 = arith.index_cast %scan3A_582 : i32 to index
      %get3A_629 = arith.constant 320 : index
      %get3A_630 = tpu.vector_load %arg7[%get3A_627, %get3A_628, %get3A_629] {strides = array<i32>} : memref<2x64x768xf32, #tpu.memory_space<vmem>>, vector<1x1x16xf32>,
      %get3A_631 = vector.shape_cast %get3A_630 : vector<1x1x16xf32> to vector<16xf32>
      %add3A_632 = arith.addf %scan3A_587, %get3A_631 : vector<16xf32>
      %get3A_633 = arith.constant 1 : i32
      %get3A_634 = arith.index_cast %get3A_633 : i32 to index
      %get3A_635 = arith.index_cast %scan3A_582 : i32 to index
      %get3A_636 = arith.constant 336 : index
      %get3A_637 = tpu.vector_load %arg7[%get3A_634, %get3A_635, %get3A_636] {strides = array<i32>} : memref<2x64x768xf32, #tpu.memory_space<vmem>>, vector<1x1x16xf32>,
      %get3A_638 = vector.shape_cast %get3A_637 : vector<1x1x16xf32> to vector<16xf32>
      %add3A_639 = arith.addf %scan3A_588, %get3A_638 : vector<16xf32>
      %get3A_640 = arith.constant 1 : i32
      %get3A_641 = arith.index_cast %get3A_640 : i32 to index
      %get3A_642 = arith.index_cast %scan3A_582 : i32 to index
      %get3A_643 = arith.constant 352 : index
      %get3A_644 = tpu.vector_load %arg7[%get3A_641, %get3A_642, %get3A_643] {strides = array<i32>} : memref<2x64x768xf32, #tpu.memory_space<vmem>>, vector<1x1x16xf32>,
      %get3A_645 = vector.shape_cast %get3A_644 : vector<1x1x16xf32> to vector<16xf32>
      %add3A_646 = arith.addf %scan3A_589, %get3A_645 : vector<16xf32>
      %get3A_647 = arith.constant 1 : i32
      %get3A_648 = arith.index_cast %get3A_647 : i32 to index
      %get3A_649 = arith.index_cast %scan3A_582 : i32 to index
      %get3A_650 = arith.constant 368 : index
      %get3A_651 = tpu.vector_load %arg7[%get3A_648, %get3A_649, %get3A_650] {strides = array<i32>} : memref<2x64x768xf32, #tpu.memory_space<vmem>>, vector<1x1x16xf32>,
      %get3A_652 = vector.shape_cast %get3A_651 : vector<1x1x16xf32> to vector<16xf32>
      %add3A_653 = arith.addf %scan3A_590, %get3A_652 : vector<16xf32>
      %get3A_654 = arith.constant 1 : i32
      %get3A_655 = arith.index_cast %get3A_654 : i32 to index
      %get3A_656 = arith.index_cast %scan3A_582 : i32 to index
      %get3A_657 = arith.constant 384 : index
      %get3A_658 = tpu.vector_load %arg7[%get3A_655, %get3A_656, %get3A_657] {strides = array<i32>} : memref<2x64x768xf32, #tpu.memory_space<vmem>>, vector<1x1x16xf32>,
      %get3A_659 = vector.shape_cast %get3A_658 : vector<1x1x16xf32> to vector<16xf32>
      %add3A_660 = arith.addf %scan3A_591, %get3A_659 : vector<16xf32>
      %get3A_661 = arith.constant 1 : i32
      %get3A_662 = arith.index_cast %get3A_661 : i32 to index
      %get3A_663 = arith.index_cast %scan3A_582 : i32 to index
      %get3A_664 = arith.constant 400 : index
      %get3A_665 = tpu.vector_load %arg7[%get3A_662, %get3A_663, %get3A_664] {strides = array<i32>} : memref<2x64x768xf32, #tpu.memory_space<vmem>>, vector<1x1x16xf32>,
      %get3A_666 = vector.shape_cast %get3A_665 : vector<1x1x16xf32> to vector<16xf32>
      %add3A_667 = arith.addf %scan3A_592, %get3A_666 : vector<16xf32>
      %get3A_668 = arith.constant 1 : i32
      %get3A_669 = arith.index_cast %get3A_668 : i32 to index
      %get3A_670 = arith.index_cast %scan3A_582 : i32 to index
      %get3A_671 = arith.constant 416 : index
      %get3A_672 = tpu.vector_load %arg7[%get3A_669, %get3A_670, %get3A_671] {strides = array<i32>} : memref<2x64x768xf32, #tpu.memory_space<vmem>>, vector<1x1x16xf32>,
      %get3A_673 = vector.shape_cast %get3A_672 : vector<1x1x16xf32> to vector<16xf32>
      %add3A_674 = arith.addf %scan3A_593, %get3A_673 : vector<16xf32>
      %get3A_675 = arith.constant 1 : i32
      %get3A_676 = arith.index_cast %get3A_675 : i32 to index
      %get3A_677 = arith.index_cast %scan3A_582 : i32 to index
      %get3A_678 = arith.constant 432 : index
      %get3A_679 = tpu.vector_load %arg7[%get3A_676, %get3A_677, %get3A_678] {strides = array<i32>} : memref<2x64x768xf32, #tpu.memory_space<vmem>>, vector<1x1x16xf32>,
      %get3A_680 = vector.shape_cast %get3A_679 : vector<1x1x16xf32> to vector<16xf32>
      %add3A_681 = arith.addf %scan3A_594, %get3A_680 : vector<16xf32>
      %get3A_682 = arith.constant 1 : i32
      %get3A_683 = arith.index_cast %get3A_682 : i32 to index
      %get3A_684 = arith.index_cast %scan3A_582 : i32 to index
      %get3A_685 = arith.constant 448 : index
      %get3A_686 = tpu.vector_load %arg7[%get3A_683, %get3A_684, %get3A_685] {strides = array<i32>} : memref<2x64x768xf32, #tpu.memory_space<vmem>>, vector<1x1x16xf32>,
      %get3A_687 = vector.shape_cast %get3A_686 : vector<1x1x16xf32> to vector<16xf32>
      %add3A_688 = arith.addf %scan3A_595, %get3A_687 : vector<16xf32>
      %get3A_689 = arith.constant 1 : i32
      %get3A_690 = arith.index_cast %get3A_689 : i32 to index
      %get3A_691 = arith.index_cast %scan3A_582 : i32 to index
      %get3A_692 = arith.constant 464 : index
      %get3A_693 = tpu.vector_load %arg7[%get3A_690, %get3A_691, %get3A_692] {strides = array<i32>} : memref<2x64x768xf32, #tpu.memory_space<vmem>>, vector<1x1x16xf32>,
      %get3A_694 = vector.shape_cast %get3A_693 : vector<1x1x16xf32> to vector<16xf32>
      %add3A_695 = arith.addf %scan3A_596, %get3A_694 : vector<16xf32>
      %get3A_696 = arith.constant 1 : i32
      %get3A_697 = arith.index_cast %get3A_696 : i32 to index
      %get3A_698 = arith.index_cast %scan3A_582 : i32 to index
      %get3A_699 = arith.constant 480 : index
      %get3A_700 = tpu.vector_load %arg7[%get3A_697, %get3A_698, %get3A_699] {strides = array<i32>} : memref<2x64x768xf32, #tpu.memory_space<vmem>>, vector<1x1x16xf32>,
      %get3A_701 = vector.shape_cast %get3A_700 : vector<1x1x16xf32> to vector<16xf32>
      %add3A_702 = arith.addf %scan3A_597, %get3A_701 : vector<16xf32>
      %get3A_703 = arith.constant 1 : i32
      %get3A_704 = arith.index_cast %get3A_703 : i32 to index
      %get3A_705 = arith.index_cast %scan3A_582 : i32 to index
      %get3A_706 = arith.constant 496 : index
      %get3A_707 = tpu.vector_load %arg7[%get3A_704, %get3A_705, %get3A_706] {strides = array<i32>} : memref<2x64x768xf32, #tpu.memory_space<vmem>>, vector<1x1x16xf32>,
      %get3A_708 = vector.shape_cast %get3A_707 : vector<1x1x16xf32> to vector<16xf32>
      %add3A_709 = arith.addf %scan3A_598, %get3A_708 : vector<16xf32>
      scf.yield %add3A_604, %add3A_611, %add3A_618, %add3A_625, %add3A_632, %add3A_639, %add3A_646, %add3A_653, %add3A_660, %add3A_667, %add3A_674, %add3A_681, %add3A_688, %add3A_695, %add3A_702, %add3A_709 : vector<16xf32>, vector<16xf32>, vector<16xf32>, vector<16xf32>, vector<16xf32>, vector<16xf32>, vector<16xf32>, vector<16xf32>, vector<16xf32>, vector<16xf32>, vector<16xf32>, vector<16xf32>, vector<16xf32>, vector<16xf32>, vector<16xf32>, vector<16xf32>
    }
    %scan3A_371 = arith.constant 64 : i32
    %scan3A_372 = arith.constant 0 : i32
    %scan3A_373 = arith.constant 64 : i32
    %scan3A_374 = arith.addi %scan3A_372, %scan3A_373 : i32
    %scan3A_375 = arith.constant 1 : i32
    %scan3A_376:16 = scf.for %scan3A_582 = %scan3A_372 to %scan3A_374 step %scan3A_375 iter_args(%scan3A_583 = %scan3A_320#0, %scan3A_584 = %scan3A_320#1, %scan3A_585 = %scan3A_320#2, %scan3A_586 = %scan3A_320#3, %scan3A_587 = %scan3A_320#4, %scan3A_588 = %scan3A_320#5, %scan3A_589 = %scan3A_320#6, %scan3A_590 = %scan3A_320#7, %scan3A_591 = %scan3A_320#8, %scan3A_592 = %scan3A_320#9, %scan3A_593 = %scan3A_320#10, %scan3A_594 = %scan3A_320#11, %scan3A_595 = %scan3A_320#12, %scan3A_596 = %scan3A_320#13, %scan3A_597 = %scan3A_320#14, %scan3A_598 = %scan3A_320#15) -> (vector<16xf32>, vector<16xf32>, vector<16xf32>, vector<16xf32>, vector<16xf32>, vector<16xf32>, vector<16xf32>, vector<16xf32>, vector<16xf32>, vector<16xf32>, vector<16xf32>, vector<16xf32>, vector<16xf32>, vector<16xf32>, vector<16xf32>, vector<16xf32>)  : i32 {
      %get3A = arith.constant 1 : i32
      %get3A_599 = arith.index_cast %get3A : i32 to index
      %get3A_600 = arith.index_cast %scan3A_582 : i32 to index
      %get3A_601 = arith.constant 512 : index
      %get3A_602 = tpu.vector_load %arg7[%get3A_599, %get3A_600, %get3A_601] {strides = array<i32>} : memref<2x64x768xf32, #tpu.memory_space<vmem>>, vector<1x1x16xf32>,
      %get3A_603 = vector.shape_cast %get3A_602 : vector<1x1x16xf32> to vector<16xf32>
      %add3A_604 = arith.addf %scan3A_583, %get3A_603 : vector<16xf32>
      %get3A_605 = arith.constant 1 : i32
      %get3A_606 = arith.index_cast %get3A_605 : i32 to index
      %get3A_607 = arith.index_cast %scan3A_582 : i32 to index
      %get3A_608 = arith.constant 528 : index
      %get3A_609 = tpu.vector_load %arg7[%get3A_606, %get3A_607, %get3A_608] {strides = array<i32>} : memref<2x64x768xf32, #tpu.memory_space<vmem>>, vector<1x1x16xf32>,
      %get3A_610 = vector.shape_cast %get3A_609 : vector<1x1x16xf32> to vector<16xf32>
      %add3A_611 = arith.addf %scan3A_584, %get3A_610 : vector<16xf32>
      %get3A_612 = arith.constant 1 : i32
      %get3A_613 = arith.index_cast %get3A_612 : i32 to index
      %get3A_614 = arith.index_cast %scan3A_582 : i32 to index
      %get3A_615 = arith.constant 544 : index
      %get3A_616 = tpu.vector_load %arg7[%get3A_613, %get3A_614, %get3A_615] {strides = array<i32>} : memref<2x64x768xf32, #tpu.memory_space<vmem>>, vector<1x1x16xf32>,
      %get3A_617 = vector.shape_cast %get3A_616 : vector<1x1x16xf32> to vector<16xf32>
      %add3A_618 = arith.addf %scan3A_585, %get3A_617 : vector<16xf32>
      %get3A_619 = arith.constant 1 : i32
      %get3A_620 = arith.index_cast %get3A_619 : i32 to index
      %get3A_621 = arith.index_cast %scan3A_582 : i32 to index
      %get3A_622 = arith.constant 560 : index
      %get3A_623 = tpu.vector_load %arg7[%get3A_620, %get3A_621, %get3A_622] {strides = array<i32>} : memref<2x64x768xf32, #tpu.memory_space<vmem>>, vector<1x1x16xf32>,
      %get3A_624 = vector.shape_cast %get3A_623 : vector<1x1x16xf32> to vector<16xf32>
      %add3A_625 = arith.addf %scan3A_586, %get3A_624 : vector<16xf32>
      %get3A_626 = arith.constant 1 : i32
      %get3A_627 = arith.index_cast %get3A_626 : i32 to index
      %get3A_628 = arith.index_cast %scan3A_582 : i32 to index
      %get3A_629 = arith.constant 576 : index
      %get3A_630 = tpu.vector_load %arg7[%get3A_627, %get3A_628, %get3A_629] {strides = array<i32>} : memref<2x64x768xf32, #tpu.memory_space<vmem>>, vector<1x1x16xf32>,
      %get3A_631 = vector.shape_cast %get3A_630 : vector<1x1x16xf32> to vector<16xf32>
      %add3A_632 = arith.addf %scan3A_587, %get3A_631 : vector<16xf32>
      %get3A_633 = arith.constant 1 : i32
      %get3A_634 = arith.index_cast %get3A_633 : i32 to index
      %get3A_635 = arith.index_cast %scan3A_582 : i32 to index
      %get3A_636 = arith.constant 592 : index
      %get3A_637 = tpu.vector_load %arg7[%get3A_634, %get3A_635, %get3A_636] {strides = array<i32>} : memref<2x64x768xf32, #tpu.memory_space<vmem>>, vector<1x1x16xf32>,
      %get3A_638 = vector.shape_cast %get3A_637 : vector<1x1x16xf32> to vector<16xf32>
      %add3A_639 = arith.addf %scan3A_588, %get3A_638 : vector<16xf32>
      %get3A_640 = arith.constant 1 : i32
      %get3A_641 = arith.index_cast %get3A_640 : i32 to index
      %get3A_642 = arith.index_cast %scan3A_582 : i32 to index
      %get3A_643 = arith.constant 608 : index
      %get3A_644 = tpu.vector_load %arg7[%get3A_641, %get3A_642, %get3A_643] {strides = array<i32>} : memref<2x64x768xf32, #tpu.memory_space<vmem>>, vector<1x1x16xf32>,
      %get3A_645 = vector.shape_cast %get3A_644 : vector<1x1x16xf32> to vector<16xf32>
      %add3A_646 = arith.addf %scan3A_589, %get3A_645 : vector<16xf32>
      %get3A_647 = arith.constant 1 : i32
      %get3A_648 = arith.index_cast %get3A_647 : i32 to index
      %get3A_649 = arith.index_cast %scan3A_582 : i32 to index
      %get3A_650 = arith.constant 624 : index
      %get3A_651 = tpu.vector_load %arg7[%get3A_648, %get3A_649, %get3A_650] {strides = array<i32>} : memref<2x64x768xf32, #tpu.memory_space<vmem>>, vector<1x1x16xf32>,
      %get3A_652 = vector.shape_cast %get3A_651 : vector<1x1x16xf32> to vector<16xf32>
      %add3A_653 = arith.addf %scan3A_590, %get3A_652 : vector<16xf32>
      %get3A_654 = arith.constant 1 : i32
      %get3A_655 = arith.index_cast %get3A_654 : i32 to index
      %get3A_656 = arith.index_cast %scan3A_582 : i32 to index
      %get3A_657 = arith.constant 640 : index
      %get3A_658 = tpu.vector_load %arg7[%get3A_655, %get3A_656, %get3A_657] {strides = array<i32>} : memref<2x64x768xf32, #tpu.memory_space<vmem>>, vector<1x1x16xf32>,
      %get3A_659 = vector.shape_cast %get3A_658 : vector<1x1x16xf32> to vector<16xf32>
      %add3A_660 = arith.addf %scan3A_591, %get3A_659 : vector<16xf32>
      %get3A_661 = arith.constant 1 : i32
      %get3A_662 = arith.index_cast %get3A_661 : i32 to index
      %get3A_663 = arith.index_cast %scan3A_582 : i32 to index
      %get3A_664 = arith.constant 656 : index
      %get3A_665 = tpu.vector_load %arg7[%get3A_662, %get3A_663, %get3A_664] {strides = array<i32>} : memref<2x64x768xf32, #tpu.memory_space<vmem>>, vector<1x1x16xf32>,
      %get3A_666 = vector.shape_cast %get3A_665 : vector<1x1x16xf32> to vector<16xf32>
      %add3A_667 = arith.addf %scan3A_592, %get3A_666 : vector<16xf32>
      %get3A_668 = arith.constant 1 : i32
      %get3A_669 = arith.index_cast %get3A_668 : i32 to index
      %get3A_670 = arith.index_cast %scan3A_582 : i32 to index
      %get3A_671 = arith.constant 672 : index
      %get3A_672 = tpu.vector_load %arg7[%get3A_669, %get3A_670, %get3A_671] {strides = array<i32>} : memref<2x64x768xf32, #tpu.memory_space<vmem>>, vector<1x1x16xf32>,
      %get3A_673 = vector.shape_cast %get3A_672 : vector<1x1x16xf32> to vector<16xf32>
      %add3A_674 = arith.addf %scan3A_593, %get3A_673 : vector<16xf32>
      %get3A_675 = arith.constant 1 : i32
      %get3A_676 = arith.index_cast %get3A_675 : i32 to index
      %get3A_677 = arith.index_cast %scan3A_582 : i32 to index
      %get3A_678 = arith.constant 688 : index
      %get3A_679 = tpu.vector_load %arg7[%get3A_676, %get3A_677, %get3A_678] {strides = array<i32>} : memref<2x64x768xf32, #tpu.memory_space<vmem>>, vector<1x1x16xf32>,
      %get3A_680 = vector.shape_cast %get3A_679 : vector<1x1x16xf32> to vector<16xf32>
      %add3A_681 = arith.addf %scan3A_594, %get3A_680 : vector<16xf32>
      %get3A_682 = arith.constant 1 : i32
      %get3A_683 = arith.index_cast %get3A_682 : i32 to index
      %get3A_684 = arith.index_cast %scan3A_582 : i32 to index
      %get3A_685 = arith.constant 704 : index
      %get3A_686 = tpu.vector_load %arg7[%get3A_683, %get3A_684, %get3A_685] {strides = array<i32>} : memref<2x64x768xf32, #tpu.memory_space<vmem>>, vector<1x1x16xf32>,
      %get3A_687 = vector.shape_cast %get3A_686 : vector<1x1x16xf32> to vector<16xf32>
      %add3A_688 = arith.addf %scan3A_595, %get3A_687 : vector<16xf32>
      %get3A_689 = arith.constant 1 : i32
      %get3A_690 = arith.index_cast %get3A_689 : i32 to index
      %get3A_691 = arith.index_cast %scan3A_582 : i32 to index
      %get3A_692 = arith.constant 720 : index
      %get3A_693 = tpu.vector_load %arg7[%get3A_690, %get3A_691, %get3A_692] {strides = array<i32>} : memref<2x64x768xf32, #tpu.memory_space<vmem>>, vector<1x1x16xf32>,
      %get3A_694 = vector.shape_cast %get3A_693 : vector<1x1x16xf32> to vector<16xf32>
      %add3A_695 = arith.addf %scan3A_596, %get3A_694 : vector<16xf32>
      %get3A_696 = arith.constant 1 : i32
      %get3A_697 = arith.index_cast %get3A_696 : i32 to index
      %get3A_698 = arith.index_cast %scan3A_582 : i32 to index
      %get3A_699 = arith.constant 736 : index
      %get3A_700 = tpu.vector_load %arg7[%get3A_697, %get3A_698, %get3A_699] {strides = array<i32>} : memref<2x64x768xf32, #tpu.memory_space<vmem>>, vector<1x1x16xf32>,
      %get3A_701 = vector.shape_cast %get3A_700 : vector<1x1x16xf32> to vector<16xf32>
      %add3A_702 = arith.addf %scan3A_597, %get3A_701 : vector<16xf32>
      %get3A_703 = arith.constant 1 : i32
      %get3A_704 = arith.index_cast %get3A_703 : i32 to index
      %get3A_705 = arith.index_cast %scan3A_582 : i32 to index
      %get3A_706 = arith.constant 752 : index
      %get3A_707 = tpu.vector_load %arg7[%get3A_704, %get3A_705, %get3A_706] {strides = array<i32>} : memref<2x64x768xf32, #tpu.memory_space<vmem>>, vector<1x1x16xf32>,
      %get3A_708 = vector.shape_cast %get3A_707 : vector<1x1x16xf32> to vector<16xf32>
      %add3A_709 = arith.addf %scan3A_598, %get3A_708 : vector<16xf32>
      scf.yield %add3A_604, %add3A_611, %add3A_618, %add3A_625, %add3A_632, %add3A_639, %add3A_646, %add3A_653, %add3A_660, %add3A_667, %add3A_674, %add3A_681, %add3A_688, %add3A_695, %add3A_702, %add3A_709 : vector<16xf32>, vector<16xf32>, vector<16xf32>, vector<16xf32>, vector<16xf32>, vector<16xf32>, vector<16xf32>, vector<16xf32>, vector<16xf32>, vector<16xf32>, vector<16xf32>, vector<16xf32>, vector<16xf32>, vector<16xf32>, vector<16xf32>, vector<16xf32>
    }
    %scan3A_377 = arith.constant 64 : i32
    %swap3A = arith.constant 0 : index
    %swap3A_378 = tpu.vector_load %arg8[%swap3A] {strides = array<i32>} : memref<768xf32, #tpu.memory_space<vmem>>, vector<16xf32>,
    %swap3A_379 = vector.shape_cast %swap3A_378 : vector<16xf32> to vector<16xf32>
    %swap3A_380 = vector.shape_cast %scan3A_364#0 : vector<16xf32> to vector<16xf32>
    tpu.vector_store %arg8[%swap3A], %swap3A_380 {strides = array<i32>} : memref<768xf32, #tpu.memory_space<vmem>>, vector<16xf32>,
    %swap3A_381 = arith.constant 16 : index
    %swap3A_382 = tpu.vector_load %arg8[%swap3A_381] {strides = array<i32>} : memref<768xf32, #tpu.memory_space<vmem>>, vector<16xf32>,
    %swap3A_383 = vector.shape_cast %swap3A_382 : vector<16xf32> to vector<16xf32>
    %swap3A_384 = vector.shape_cast %scan3A_364#1 : vector<16xf32> to vector<16xf32>
    tpu.vector_store %arg8[%swap3A_381], %swap3A_384 {strides = array<i32>} : memref<768xf32, #tpu.memory_space<vmem>>, vector<16xf32>,
    %swap3A_385 = arith.constant 32 : index
    %swap3A_386 = tpu.vector_load %arg8[%swap3A_385] {strides = array<i32>} : memref<768xf32, #tpu.memory_space<vmem>>, vector<16xf32>,
    %swap3A_387 = vector.shape_cast %swap3A_386 : vector<16xf32> to vector<16xf32>
    %swap3A_388 = vector.shape_cast %scan3A_364#2 : vector<16xf32> to vector<16xf32>
    tpu.vector_store %arg8[%swap3A_385], %swap3A_388 {strides = array<i32>} : memref<768xf32, #tpu.memory_space<vmem>>, vector<16xf32>,
    %swap3A_389 = arith.constant 48 : index
    %swap3A_390 = tpu.vector_load %arg8[%swap3A_389] {strides = array<i32>} : memref<768xf32, #tpu.memory_space<vmem>>, vector<16xf32>,
    %swap3A_391 = vector.shape_cast %swap3A_390 : vector<16xf32> to vector<16xf32>
    %swap3A_392 = vector.shape_cast %scan3A_364#3 : vector<16xf32> to vector<16xf32>
    tpu.vector_store %arg8[%swap3A_389], %swap3A_392 {strides = array<i32>} : memref<768xf32, #tpu.memory_space<vmem>>, vector<16xf32>,
    %swap3A_393 = arith.constant 64 : index
    %swap3A_394 = tpu.vector_load %arg8[%swap3A_393] {strides = array<i32>} : memref<768xf32, #tpu.memory_space<vmem>>, vector<16xf32>,
    %swap3A_395 = vector.shape_cast %swap3A_394 : vector<16xf32> to vector<16xf32>
    %swap3A_396 = vector.shape_cast %scan3A_364#4 : vector<16xf32> to vector<16xf32>
    tpu.vector_store %arg8[%swap3A_393], %swap3A_396 {strides = array<i32>} : memref<768xf32, #tpu.memory_space<vmem>>, vector<16xf32>,
    %swap3A_397 = arith.constant 80 : index
    %swap3A_398 = tpu.vector_load %arg8[%swap3A_397] {strides = array<i32>} : memref<768xf32, #tpu.memory_space<vmem>>, vector<16xf32>,
    %swap3A_399 = vector.shape_cast %swap3A_398 : vector<16xf32> to vector<16xf32>
    %swap3A_400 = vector.shape_cast %scan3A_364#5 : vector<16xf32> to vector<16xf32>
    tpu.vector_store %arg8[%swap3A_397], %swap3A_400 {strides = array<i32>} : memref<768xf32, #tpu.memory_space<vmem>>, vector<16xf32>,
    %swap3A_401 = arith.constant 96 : index
    %swap3A_402 = tpu.vector_load %arg8[%swap3A_401] {strides = array<i32>} : memref<768xf32, #tpu.memory_space<vmem>>, vector<16xf32>,
    %swap3A_403 = vector.shape_cast %swap3A_402 : vector<16xf32> to vector<16xf32>
    %swap3A_404 = vector.shape_cast %scan3A_364#6 : vector<16xf32> to vector<16xf32>
    tpu.vector_store %arg8[%swap3A_401], %swap3A_404 {strides = array<i32>} : memref<768xf32, #tpu.memory_space<vmem>>, vector<16xf32>,
    %swap3A_405 = arith.constant 112 : index
    %swap3A_406 = tpu.vector_load %arg8[%swap3A_405] {strides = array<i32>} : memref<768xf32, #tpu.memory_space<vmem>>, vector<16xf32>,
    %swap3A_407 = vector.shape_cast %swap3A_406 : vector<16xf32> to vector<16xf32>
    %swap3A_408 = vector.shape_cast %scan3A_364#7 : vector<16xf32> to vector<16xf32>
    tpu.vector_store %arg8[%swap3A_405], %swap3A_408 {strides = array<i32>} : memref<768xf32, #tpu.memory_space<vmem>>, vector<16xf32>,
    %swap3A_409 = arith.constant 128 : index
    %swap3A_410 = tpu.vector_load %arg8[%swap3A_409] {strides = array<i32>} : memref<768xf32, #tpu.memory_space<vmem>>, vector<16xf32>,
    %swap3A_411 = vector.shape_cast %swap3A_410 : vector<16xf32> to vector<16xf32>
    %swap3A_412 = vector.shape_cast %scan3A_364#8 : vector<16xf32> to vector<16xf32>
    tpu.vector_store %arg8[%swap3A_409], %swap3A_412 {strides = array<i32>} : memref<768xf32, #tpu.memory_space<vmem>>, vector<16xf32>,
    %swap3A_413 = arith.constant 144 : index
    %swap3A_414 = tpu.vector_load %arg8[%swap3A_413] {strides = array<i32>} : memref<768xf32, #tpu.memory_space<vmem>>, vector<16xf32>,
    %swap3A_415 = vector.shape_cast %swap3A_414 : vector<16xf32> to vector<16xf32>
    %swap3A_416 = vector.shape_cast %scan3A_364#9 : vector<16xf32> to vector<16xf32>
    tpu.vector_store %arg8[%swap3A_413], %swap3A_416 {strides = array<i32>} : memref<768xf32, #tpu.memory_space<vmem>>, vector<16xf32>,
    %swap3A_417 = arith.constant 160 : index
    %swap3A_418 = tpu.vector_load %arg8[%swap3A_417] {strides = array<i32>} : memref<768xf32, #tpu.memory_space<vmem>>, vector<16xf32>,
    %swap3A_419 = vector.shape_cast %swap3A_418 : vector<16xf32> to vector<16xf32>
    %swap3A_420 = vector.shape_cast %scan3A_364#10 : vector<16xf32> to vector<16xf32>
    tpu.vector_store %arg8[%swap3A_417], %swap3A_420 {strides = array<i32>} : memref<768xf32, #tpu.memory_space<vmem>>, vector<16xf32>,
    %swap3A_421 = arith.constant 176 : index
    %swap3A_422 = tpu.vector_load %arg8[%swap3A_421] {strides = array<i32>} : memref<768xf32, #tpu.memory_space<vmem>>, vector<16xf32>,
    %swap3A_423 = vector.shape_cast %swap3A_422 : vector<16xf32> to vector<16xf32>
    %swap3A_424 = vector.shape_cast %scan3A_364#11 : vector<16xf32> to vector<16xf32>
    tpu.vector_store %arg8[%swap3A_421], %swap3A_424 {strides = array<i32>} : memref<768xf32, #tpu.memory_space<vmem>>, vector<16xf32>,
    %swap3A_425 = arith.constant 192 : index
    %swap3A_426 = tpu.vector_load %arg8[%swap3A_425] {strides = array<i32>} : memref<768xf32, #tpu.memory_space<vmem>>, vector<16xf32>,
    %swap3A_427 = vector.shape_cast %swap3A_426 : vector<16xf32> to vector<16xf32>
    %swap3A_428 = vector.shape_cast %scan3A_364#12 : vector<16xf32> to vector<16xf32>
    tpu.vector_store %arg8[%swap3A_425], %swap3A_428 {strides = array<i32>} : memref<768xf32, #tpu.memory_space<vmem>>, vector<16xf32>,
    %swap3A_429 = arith.constant 208 : index
    %swap3A_430 = tpu.vector_load %arg8[%swap3A_429] {strides = array<i32>} : memref<768xf32, #tpu.memory_space<vmem>>, vector<16xf32>,
    %swap3A_431 = vector.shape_cast %swap3A_430 : vector<16xf32> to vector<16xf32>
    %swap3A_432 = vector.shape_cast %scan3A_364#13 : vector<16xf32> to vector<16xf32>
    tpu.vector_store %arg8[%swap3A_429], %swap3A_432 {strides = array<i32>} : memref<768xf32, #tpu.memory_space<vmem>>, vector<16xf32>,
    %swap3A_433 = arith.constant 224 : index
    %swap3A_434 = tpu.vector_load %arg8[%swap3A_433] {strides = array<i32>} : memref<768xf32, #tpu.memory_space<vmem>>, vector<16xf32>,
    %swap3A_435 = vector.shape_cast %swap3A_434 : vector<16xf32> to vector<16xf32>
    %swap3A_436 = vector.shape_cast %scan3A_364#14 : vector<16xf32> to vector<16xf32>
    tpu.vector_store %arg8[%swap3A_433], %swap3A_436 {strides = array<i32>} : memref<768xf32, #tpu.memory_space<vmem>>, vector<16xf32>,
    %swap3A_437 = arith.constant 240 : index
    %swap3A_438 = tpu.vector_load %arg8[%swap3A_437] {strides = array<i32>} : memref<768xf32, #tpu.memory_space<vmem>>, vector<16xf32>,
    %swap3A_439 = vector.shape_cast %swap3A_438 : vector<16xf32> to vector<16xf32>
    %swap3A_440 = vector.shape_cast %scan3A_364#15 : vector<16xf32> to vector<16xf32>
    tpu.vector_store %arg8[%swap3A_437], %swap3A_440 {strides = array<i32>} : memref<768xf32, #tpu.memory_space<vmem>>, vector<16xf32>,
    %swap3A_441 = arith.constant 256 : index
    %swap3A_442 = tpu.vector_load %arg8[%swap3A_441] {strides = array<i32>} : memref<768xf32, #tpu.memory_space<vmem>>, vector<16xf32>,
    %swap3A_443 = vector.shape_cast %swap3A_442 : vector<16xf32> to vector<16xf32>
    %swap3A_444 = vector.shape_cast %scan3A_370#0 : vector<16xf32> to vector<16xf32>
    tpu.vector_store %arg8[%swap3A_441], %swap3A_444 {strides = array<i32>} : memref<768xf32, #tpu.memory_space<vmem>>, vector<16xf32>,
    %swap3A_445 = arith.constant 272 : index
    %swap3A_446 = tpu.vector_load %arg8[%swap3A_445] {strides = array<i32>} : memref<768xf32, #tpu.memory_space<vmem>>, vector<16xf32>,
    %swap3A_447 = vector.shape_cast %swap3A_446 : vector<16xf32> to vector<16xf32>
    %swap3A_448 = vector.shape_cast %scan3A_370#1 : vector<16xf32> to vector<16xf32>
    tpu.vector_store %arg8[%swap3A_445], %swap3A_448 {strides = array<i32>} : memref<768xf32, #tpu.memory_space<vmem>>, vector<16xf32>,
    %swap3A_449 = arith.constant 288 : index
    %swap3A_450 = tpu.vector_load %arg8[%swap3A_449] {strides = array<i32>} : memref<768xf32, #tpu.memory_space<vmem>>, vector<16xf32>,
    %swap3A_451 = vector.shape_cast %swap3A_450 : vector<16xf32> to vector<16xf32>
    %swap3A_452 = vector.shape_cast %scan3A_370#2 : vector<16xf32> to vector<16xf32>
    tpu.vector_store %arg8[%swap3A_449], %swap3A_452 {strides = array<i32>} : memref<768xf32, #tpu.memory_space<vmem>>, vector<16xf32>,
    %swap3A_453 = arith.constant 304 : index
    %swap3A_454 = tpu.vector_load %arg8[%swap3A_453] {strides = array<i32>} : memref<768xf32, #tpu.memory_space<vmem>>, vector<16xf32>,
    %swap3A_455 = vector.shape_cast %swap3A_454 : vector<16xf32> to vector<16xf32>
    %swap3A_456 = vector.shape_cast %scan3A_370#3 : vector<16xf32> to vector<16xf32>
    tpu.vector_store %arg8[%swap3A_453], %swap3A_456 {strides = array<i32>} : memref<768xf32, #tpu.memory_space<vmem>>, vector<16xf32>,
    %swap3A_457 = arith.constant 320 : index
    %swap3A_458 = tpu.vector_load %arg8[%swap3A_457] {strides = array<i32>} : memref<768xf32, #tpu.memory_space<vmem>>, vector<16xf32>,
    %swap3A_459 = vector.shape_cast %swap3A_458 : vector<16xf32> to vector<16xf32>
    %swap3A_460 = vector.shape_cast %scan3A_370#4 : vector<16xf32> to vector<16xf32>
    tpu.vector_store %arg8[%swap3A_457], %swap3A_460 {strides = array<i32>} : memref<768xf32, #tpu.memory_space<vmem>>, vector<16xf32>,
    %swap3A_461 = arith.constant 336 : index
    %swap3A_462 = tpu.vector_load %arg8[%swap3A_461] {strides = array<i32>} : memref<768xf32, #tpu.memory_space<vmem>>, vector<16xf32>,
    %swap3A_463 = vector.shape_cast %swap3A_462 : vector<16xf32> to vector<16xf32>
    %swap3A_464 = vector.shape_cast %scan3A_370#5 : vector<16xf32> to vector<16xf32>
    tpu.vector_store %arg8[%swap3A_461], %swap3A_464 {strides = array<i32>} : memref<768xf32, #tpu.memory_space<vmem>>, vector<16xf32>,
    %swap3A_465 = arith.constant 352 : index
    %swap3A_466 = tpu.vector_load %arg8[%swap3A_465] {strides = array<i32>} : memref<768xf32, #tpu.memory_space<vmem>>, vector<16xf32>,
    %swap3A_467 = vector.shape_cast %swap3A_466 : vector<16xf32> to vector<16xf32>
    %swap3A_468 = vector.shape_cast %scan3A_370#6 : vector<16xf32> to vector<16xf32>
    tpu.vector_store %arg8[%swap3A_465], %swap3A_468 {strides = array<i32>} : memref<768xf32, #tpu.memory_space<vmem>>, vector<16xf32>,
    %swap3A_469 = arith.constant 368 : index
    %swap3A_470 = tpu.vector_load %arg8[%swap3A_469] {strides = array<i32>} : memref<768xf32, #tpu.memory_space<vmem>>, vector<16xf32>,
    %swap3A_471 = vector.shape_cast %swap3A_470 : vector<16xf32> to vector<16xf32>
    %swap3A_472 = vector.shape_cast %scan3A_370#7 : vector<16xf32> to vector<16xf32>
    tpu.vector_store %arg8[%swap3A_469], %swap3A_472 {strides = array<i32>} : memref<768xf32, #tpu.memory_space<vmem>>, vector<16xf32>,
    %swap3A_473 = arith.constant 384 : index
    %swap3A_474 = tpu.vector_load %arg8[%swap3A_473] {strides = array<i32>} : memref<768xf32, #tpu.memory_space<vmem>>, vector<16xf32>,
    %swap3A_475 = vector.shape_cast %swap3A_474 : vector<16xf32> to vector<16xf32>
    %swap3A_476 = vector.shape_cast %scan3A_370#8 : vector<16xf32> to vector<16xf32>
    tpu.vector_store %arg8[%swap3A_473], %swap3A_476 {strides = array<i32>} : memref<768xf32, #tpu.memory_space<vmem>>, vector<16xf32>,
    %swap3A_477 = arith.constant 400 : index
    %swap3A_478 = tpu.vector_load %arg8[%swap3A_477] {strides = array<i32>} : memref<768xf32, #tpu.memory_space<vmem>>, vector<16xf32>,
    %swap3A_479 = vector.shape_cast %swap3A_478 : vector<16xf32> to vector<16xf32>
    %swap3A_480 = vector.shape_cast %scan3A_370#9 : vector<16xf32> to vector<16xf32>
    tpu.vector_store %arg8[%swap3A_477], %swap3A_480 {strides = array<i32>} : memref<768xf32, #tpu.memory_space<vmem>>, vector<16xf32>,
    %swap3A_481 = arith.constant 416 : index
    %swap3A_482 = tpu.vector_load %arg8[%swap3A_481] {strides = array<i32>} : memref<768xf32, #tpu.memory_space<vmem>>, vector<16xf32>,
    %swap3A_483 = vector.shape_cast %swap3A_482 : vector<16xf32> to vector<16xf32>
    %swap3A_484 = vector.shape_cast %scan3A_370#10 : vector<16xf32> to vector<16xf32>
    tpu.vector_store %arg8[%swap3A_481], %swap3A_484 {strides = array<i32>} : memref<768xf32, #tpu.memory_space<vmem>>, vector<16xf32>,
    %swap3A_485 = arith.constant 432 : index
    %swap3A_486 = tpu.vector_load %arg8[%swap3A_485] {strides = array<i32>} : memref<768xf32, #tpu.memory_space<vmem>>, vector<16xf32>,
    %swap3A_487 = vector.shape_cast %swap3A_486 : vector<16xf32> to vector<16xf32>
    %swap3A_488 = vector.shape_cast %scan3A_370#11 : vector<16xf32> to vector<16xf32>
    tpu.vector_store %arg8[%swap3A_485], %swap3A_488 {strides = array<i32>} : memref<768xf32, #tpu.memory_space<vmem>>, vector<16xf32>,
    %swap3A_489 = arith.constant 448 : index
    %swap3A_490 = tpu.vector_load %arg8[%swap3A_489] {strides = array<i32>} : memref<768xf32, #tpu.memory_space<vmem>>, vector<16xf32>,
    %swap3A_491 = vector.shape_cast %swap3A_490 : vector<16xf32> to vector<16xf32>
    %swap3A_492 = vector.shape_cast %scan3A_370#12 : vector<16xf32> to vector<16xf32>
    tpu.vector_store %arg8[%swap3A_489], %swap3A_492 {strides = array<i32>} : memref<768xf32, #tpu.memory_space<vmem>>, vector<16xf32>,
    %swap3A_493 = arith.constant 464 : index
    %swap3A_494 = tpu.vector_load %arg8[%swap3A_493] {strides = array<i32>} : memref<768xf32, #tpu.memory_space<vmem>>, vector<16xf32>,
    %swap3A_495 = vector.shape_cast %swap3A_494 : vector<16xf32> to vector<16xf32>
    %swap3A_496 = vector.shape_cast %scan3A_370#13 : vector<16xf32> to vector<16xf32>
    tpu.vector_store %arg8[%swap3A_493], %swap3A_496 {strides = array<i32>} : memref<768xf32, #tpu.memory_space<vmem>>, vector<16xf32>,
    %swap3A_497 = arith.constant 480 : index
    %swap3A_498 = tpu.vector_load %arg8[%swap3A_497] {strides = array<i32>} : memref<768xf32, #tpu.memory_space<vmem>>, vector<16xf32>,
    %swap3A_499 = vector.shape_cast %swap3A_498 : vector<16xf32> to vector<16xf32>
    %swap3A_500 = vector.shape_cast %scan3A_370#14 : vector<16xf32> to vector<16xf32>
    tpu.vector_store %arg8[%swap3A_497], %swap3A_500 {strides = array<i32>} : memref<768xf32, #tpu.memory_space<vmem>>, vector<16xf32>,
    %swap3A_501 = arith.constant 496 : index
    %swap3A_502 = tpu.vector_load %arg8[%swap3A_501] {strides = array<i32>} : memref<768xf32, #tpu.memory_space<vmem>>, vector<16xf32>,
    %swap3A_503 = vector.shape_cast %swap3A_502 : vector<16xf32> to vector<16xf32>
    %swap3A_504 = vector.shape_cast %scan3A_370#15 : vector<16xf32> to vector<16xf32>
    tpu.vector_store %arg8[%swap3A_501], %swap3A_504 {strides = array<i32>} : memref<768xf32, #tpu.memory_space<vmem>>, vector<16xf32>,
    %swap3A_505 = arith.constant 512 : index
    %swap3A_506 = tpu.vector_load %arg8[%swap3A_505] {strides = array<i32>} : memref<768xf32, #tpu.memory_space<vmem>>, vector<16xf32>,
    %swap3A_507 = vector.shape_cast %swap3A_506 : vector<16xf32> to vector<16xf32>
    %swap3A_508 = vector.shape_cast %scan3A_376#0 : vector<16xf32> to vector<16xf32>
    tpu.vector_store %arg8[%swap3A_505], %swap3A_508 {strides = array<i32>} : memref<768xf32, #tpu.memory_space<vmem>>, vector<16xf32>,
    %swap3A_509 = arith.constant 528 : index
    %swap3A_510 = tpu.vector_load %arg8[%swap3A_509] {strides = array<i32>} : memref<768xf32, #tpu.memory_space<vmem>>, vector<16xf32>,
    %swap3A_511 = vector.shape_cast %swap3A_510 : vector<16xf32> to vector<16xf32>
    %swap3A_512 = vector.shape_cast %scan3A_376#1 : vector<16xf32> to vector<16xf32>
    tpu.vector_store %arg8[%swap3A_509], %swap3A_512 {strides = array<i32>} : memref<768xf32, #tpu.memory_space<vmem>>, vector<16xf32>,
    %swap3A_513 = arith.constant 544 : index
    %swap3A_514 = tpu.vector_load %arg8[%swap3A_513] {strides = array<i32>} : memref<768xf32, #tpu.memory_space<vmem>>, vector<16xf32>,
    %swap3A_515 = vector.shape_cast %swap3A_514 : vector<16xf32> to vector<16xf32>
    %swap3A_516 = vector.shape_cast %scan3A_376#2 : vector<16xf32> to vector<16xf32>
    tpu.vector_store %arg8[%swap3A_513], %swap3A_516 {strides = array<i32>} : memref<768xf32, #tpu.memory_space<vmem>>, vector<16xf32>,
    %swap3A_517 = arith.constant 560 : index
    %swap3A_518 = tpu.vector_load %arg8[%swap3A_517] {strides = array<i32>} : memref<768xf32, #tpu.memory_space<vmem>>, vector<16xf32>,
    %swap3A_519 = vector.shape_cast %swap3A_518 : vector<16xf32> to vector<16xf32>
    %swap3A_520 = vector.shape_cast %scan3A_376#3 : vector<16xf32> to vector<16xf32>
    tpu.vector_store %arg8[%swap3A_517], %swap3A_520 {strides = array<i32>} : memref<768xf32, #tpu.memory_space<vmem>>, vector<16xf32>,
    %swap3A_521 = arith.constant 576 : index
    %swap3A_522 = tpu.vector_load %arg8[%swap3A_521] {strides = array<i32>} : memref<768xf32, #tpu.memory_space<vmem>>, vector<16xf32>,
    %swap3A_523 = vector.shape_cast %swap3A_522 : vector<16xf32> to vector<16xf32>
    %swap3A_524 = vector.shape_cast %scan3A_376#4 : vector<16xf32> to vector<16xf32>
    tpu.vector_store %arg8[%swap3A_521], %swap3A_524 {strides = array<i32>} : memref<768xf32, #tpu.memory_space<vmem>>, vector<16xf32>,
    %swap3A_525 = arith.constant 592 : index
    %swap3A_526 = tpu.vector_load %arg8[%swap3A_525] {strides = array<i32>} : memref<768xf32, #tpu.memory_space<vmem>>, vector<16xf32>,
    %swap3A_527 = vector.shape_cast %swap3A_526 : vector<16xf32> to vector<16xf32>
    %swap3A_528 = vector.shape_cast %scan3A_376#5 : vector<16xf32> to vector<16xf32>
    tpu.vector_store %arg8[%swap3A_525], %swap3A_528 {strides = array<i32>} : memref<768xf32, #tpu.memory_space<vmem>>, vector<16xf32>,
    %swap3A_529 = arith.constant 608 : index
    %swap3A_530 = tpu.vector_load %arg8[%swap3A_529] {strides = array<i32>} : memref<768xf32, #tpu.memory_space<vmem>>, vector<16xf32>,
    %swap3A_531 = vector.shape_cast %swap3A_530 : vector<16xf32> to vector<16xf32>
    %swap3A_532 = vector.shape_cast %scan3A_376#6 : vector<16xf32> to vector<16xf32>
    tpu.vector_store %arg8[%swap3A_529], %swap3A_532 {strides = array<i32>} : memref<768xf32, #tpu.memory_space<vmem>>, vector<16xf32>,
    %swap3A_533 = arith.constant 624 : index
    %swap3A_534 = tpu.vector_load %arg8[%swap3A_533] {strides = array<i32>} : memref<768xf32, #tpu.memory_space<vmem>>, vector<16xf32>,
    %swap3A_535 = vector.shape_cast %swap3A_534 : vector<16xf32> to vector<16xf32>
    %swap3A_536 = vector.shape_cast %scan3A_376#7 : vector<16xf32> to vector<16xf32>
    tpu.vector_store %arg8[%swap3A_533], %swap3A_536 {strides = array<i32>} : memref<768xf32, #tpu.memory_space<vmem>>, vector<16xf32>,
    %swap3A_537 = arith.constant 640 : index
    %swap3A_538 = tpu.vector_load %arg8[%swap3A_537] {strides = array<i32>} : memref<768xf32, #tpu.memory_space<vmem>>, vector<16xf32>,
    %swap3A_539 = vector.shape_cast %swap3A_538 : vector<16xf32> to vector<16xf32>
    %swap3A_540 = vector.shape_cast %scan3A_376#8 : vector<16xf32> to vector<16xf32>
    tpu.vector_store %arg8[%swap3A_537], %swap3A_540 {strides = array<i32>} : memref<768xf32, #tpu.memory_space<vmem>>, vector<16xf32>,
    %swap3A_541 = arith.constant 656 : index
    %swap3A_542 = tpu.vector_load %arg8[%swap3A_541] {strides = array<i32>} : memref<768xf32, #tpu.memory_space<vmem>>, vector<16xf32>,
    %swap3A_543 = vector.shape_cast %swap3A_542 : vector<16xf32> to vector<16xf32>
    %swap3A_544 = vector.shape_cast %scan3A_376#9 : vector<16xf32> to vector<16xf32>
    tpu.vector_store %arg8[%swap3A_541], %swap3A_544 {strides = array<i32>} : memref<768xf32, #tpu.memory_space<vmem>>, vector<16xf32>,
    %swap3A_545 = arith.constant 672 : index
    %swap3A_546 = tpu.vector_load %arg8[%swap3A_545] {strides = array<i32>} : memref<768xf32, #tpu.memory_space<vmem>>, vector<16xf32>,
    %swap3A_547 = vector.shape_cast %swap3A_546 : vector<16xf32> to vector<16xf32>
    %swap3A_548 = vector.shape_cast %scan3A_376#10 : vector<16xf32> to vector<16xf32>
    tpu.vector_store %arg8[%swap3A_545], %swap3A_548 {strides = array<i32>} : memref<768xf32, #tpu.memory_space<vmem>>, vector<16xf32>,
    %swap3A_549 = arith.constant 688 : index
    %swap3A_550 = tpu.vector_load %arg8[%swap3A_549] {strides = array<i32>} : memref<768xf32, #tpu.memory_space<vmem>>, vector<16xf32>,
    %swap3A_551 = vector.shape_cast %swap3A_550 : vector<16xf32> to vector<16xf32>
    %swap3A_552 = vector.shape_cast %scan3A_376#11 : vector<16xf32> to vector<16xf32>
    tpu.vector_store %arg8[%swap3A_549], %swap3A_552 {strides = array<i32>} : memref<768xf32, #tpu.memory_space<vmem>>, vector<16xf32>,
    %swap3A_553 = arith.constant 704 : index
    %swap3A_554 = tpu.vector_load %arg8[%swap3A_553] {strides = array<i32>} : memref<768xf32, #tpu.memory_space<vmem>>, vector<16xf32>,
    %swap3A_555 = vector.shape_cast %swap3A_554 : vector<16xf32> to vector<16xf32>
    %swap3A_556 = vector.shape_cast %scan3A_376#12 : vector<16xf32> to vector<16xf32>
    tpu.vector_store %arg8[%swap3A_553], %swap3A_556 {strides = array<i32>} : memref<768xf32, #tpu.memory_space<vmem>>, vector<16xf32>,
    %swap3A_557 = arith.constant 720 : index
    %swap3A_558 = tpu.vector_load %arg8[%swap3A_557] {strides = array<i32>} : memref<768xf32, #tpu.memory_space<vmem>>, vector<16xf32>,
    %swap3A_559 = vector.shape_cast %swap3A_558 : vector<16xf32> to vector<16xf32>
    %swap3A_560 = vector.shape_cast %scan3A_376#13 : vector<16xf32> to vector<16xf32>
    tpu.vector_store %arg8[%swap3A_557], %swap3A_560 {strides = array<i32>} : memref<768xf32, #tpu.memory_space<vmem>>, vector<16xf32>,
    %swap3A_561 = arith.constant 736 : index
    %swap3A_562 = tpu.vector_load %arg8[%swap3A_561] {strides = array<i32>} : memref<768xf32, #tpu.memory_space<vmem>>, vector<16xf32>,
    %swap3A_563 = vector.shape_cast %swap3A_562 : vector<16xf32> to vector<16xf32>
    %swap3A_564 = vector.shape_cast %scan3A_376#14 : vector<16xf32> to vector<16xf32>
    tpu.vector_store %arg8[%swap3A_561], %swap3A_564 {strides = array<i32>} : memref<768xf32, #tpu.memory_space<vmem>>, vector<16xf32>,
    %swap3A_565 = arith.constant 752 : index
    %swap3A_566 = tpu.vector_load %arg8[%swap3A_565] {strides = array<i32>} : memref<768xf32, #tpu.memory_space<vmem>>, vector<16xf32>,
    %swap3A_567 = vector.shape_cast %swap3A_566 : vector<16xf32> to vector<16xf32>
    %swap3A_568 = vector.shape_cast %scan3A_376#15 : vector<16xf32> to vector<16xf32>
    tpu.vector_store %arg8[%swap3A_565], %swap3A_568 {strides = array<i32>} : memref<768xf32, #tpu.memory_space<vmem>>, vector<16xf32>,
    %dma_wait3A_569 = arith.constant 1 : i32
    %dma_wait3A_570 = arith.constant 0 : i32
    %dma_wait3A_571 = arith.constant 0 : i32
    %dma_wait3A_572 = tpu.memref_slice %arg7[%dma_wait3A_569, %dma_wait3A_570, %dma_wait3A_571] : memref<2x64x768xf32, #tpu.memory_space<vmem>> -> memref<1x64x768xf32, #tpu.memory_space<vmem>>
    %dma_wait3A_573 = tpu.memref_squeeze %dma_wait3A_572 : memref<1x64x768xf32, #tpu.memory_space<vmem>> -> memref<64x768xf32, #tpu.memory_space<vmem>>
    %dma_wait3A_574 = arith.constant 0 : i32
    %dma_wait3A_575 = tpu.memref_slice %arg4[%add3A_346, %dma_wait3A_574] : memref<8192x768xf32, #tpu.memory_space<hbm>> -> memref<64x768xf32, #tpu.memory_space<hbm>>
    %dma_wait3A_576 = arith.constant 0 : i32
    %dma_wait3A_577 = tpu.memref_slice %arg4[%add3A_346, %dma_wait3A_576] : memref<8192x768xf32, #tpu.memory_space<hbm>> -> memref<64x768xf32, #tpu.memory_space<hbm>>
    %dma_wait3A_578 = arith.constant 0 : i32
    %dma_wait3A_579 = arith.constant 0 : i32
    %dma_wait3A_580 = tpu.memref_slice %arg7[%dma_wait3A_569, %dma_wait3A_578, %dma_wait3A_579] : memref<2x64x768xf32, #tpu.memory_space<vmem>> -> memref<1x64x768xf32, #tpu.memory_space<vmem>>
    %dma_wait3A_581 = tpu.memref_squeeze %dma_wait3A_580 : memref<1x64x768xf32, #tpu.memory_space<vmem>> -> memref<64x768xf32, #tpu.memory_space<vmem>>
    tpu.wait_dma2 semaphore(%arg10 : memref<!tpu.dma_semaphore, #tpu.memory_space<semaphore_mem>>) src(%dma_wait3A_581 : memref<64x768xf32, #tpu.memory_space<vmem>>) dst(%dma_wait3A_577 : memref<64x768xf32, #tpu.memory_space<hbm>>)
    "tpu.region"() ({
      %run_scoped3A = tpu.sem_alloc : memref<!tpu.dma_semaphore, #tpu.memory_space<semaphore_mem>>
      %dma_start3A_582 = arith.constant 0 : i32
      %dma_start3A_583 = tpu.memref_slice %arg5[%add3A, %dma_start3A_582] : memref<32x768xf32, #tpu.memory_space<hbm>> -> memref<1x768xf32, #tpu.memory_space<hbm>>
      %dma_start3A_584 = tpu.memref_squeeze %dma_start3A_583 : memref<1x768xf32, #tpu.memory_space<hbm>> -> memref<768xf32, #tpu.memory_space<hbm>>
      %dma_start3A_585 = arith.constant 0 : i32
      %dma_start3A_586 = tpu.memref_slice %arg5[%add3A, %dma_start3A_585] : memref<32x768xf32, #tpu.memory_space<hbm>> -> memref<1x768xf32, #tpu.memory_space<hbm>>
      %dma_start3A_587 = tpu.memref_squeeze %dma_start3A_586 : memref<1x768xf32, #tpu.memory_space<hbm>> -> memref<768xf32, #tpu.memory_space<hbm>>
      tpu.enqueue_dma source(%arg8 : memref<768xf32, #tpu.memory_space<vmem>>) target(%dma_start3A_587 : memref<768xf32, #tpu.memory_space<hbm>>) target_semaphore(%run_scoped3A : memref<!tpu.dma_semaphore, #tpu.memory_space<semaphore_mem>>)
      %dma_wait3A_588 = arith.constant 0 : i32
      %dma_wait3A_589 = tpu.memref_slice %arg5[%add3A, %dma_wait3A_588] : memref<32x768xf32, #tpu.memory_space<hbm>> -> memref<1x768xf32, #tpu.memory_space<hbm>>
      %dma_wait3A_590 = tpu.memref_squeeze %dma_wait3A_589 : memref<1x768xf32, #tpu.memory_space<hbm>> -> memref<768xf32, #tpu.memory_space<hbm>>
      %dma_wait3A_591 = arith.constant 0 : i32
      %dma_wait3A_592 = tpu.memref_slice %arg5[%add3A, %dma_wait3A_591] : memref<32x768xf32, #tpu.memory_space<hbm>> -> memref<1x768xf32, #tpu.memory_space<hbm>>
      %dma_wait3A_593 = tpu.memref_squeeze %dma_wait3A_592 : memref<1x768xf32, #tpu.memory_space<hbm>> -> memref<768xf32, #tpu.memory_space<hbm>>
      tpu.wait_dma2 semaphore(%run_scoped3A : memref<!tpu.dma_semaphore, #tpu.memory_space<semaphore_mem>>) src(%arg8 : memref<768xf32, #tpu.memory_space<vmem>>) dst(%dma_wait3A_593 : memref<768xf32, #tpu.memory_space<hbm>>)
      tpu.yield
    }) : () -> ()
    return
  }
}

module attributes {stable_mosaic.version = 14 : i64} {
  func.func @gate_kernel(%arg0: memref<32x768xf32, #tpu.memory_space<vmem>>, %arg1: memref<768x64xf32, #tpu.memory_space<vmem>>, %arg2: memref<1x64xf32, #tpu.memory_space<vmem>>, %arg3: memref<4x128xf32, #tpu.memory_space<vmem>>, %arg4: memref<4x128xi32, #tpu.memory_space<vmem>>) attributes {dimension_semantics = [], scalar_prefetch = 0 : i64, scratch_operands = 0 : i64, tpu.core_type = #tpu.core_type<tc>} {
    %get3A = arith.constant 0 : index
    %get3A_0 = arith.constant 0 : index
    %get3A_1 = vector.load %arg0[%get3A, %get3A_0] : memref<32x768xf32, #tpu.memory_space<vmem>>, vector<32x768xf32>
    %slice3A = vector.extract_strided_slice %get3A_1 {offsets = [0, 0], sizes = [8, 768], strides = [1, 1]} : vector<32x768xf32> to vector<8x768xf32>
    %reduce_sum3A = arith.constant dense<0.000000e+00> : vector<768xf32>
    %reduce_sum3A_2 = vector.multi_reduction <add>, %slice3A, %reduce_sum3A [0] : vector<8x768xf32> to vector<768xf32>
    %broadcast_in_dim3A = vector.shape_cast %reduce_sum3A_2 : vector<768xf32> to vector<1x768xf32>
    %slice3A_3 = vector.extract_strided_slice %get3A_1 {offsets = [8, 0], sizes = [8, 768], strides = [1, 1]} : vector<32x768xf32> to vector<8x768xf32>
    %reduce_sum3A_4 = arith.constant dense<0.000000e+00> : vector<768xf32>
    %reduce_sum3A_5 = vector.multi_reduction <add>, %slice3A_3, %reduce_sum3A_4 [0] : vector<8x768xf32> to vector<768xf32>
    %broadcast_in_dim3A_6 = vector.shape_cast %reduce_sum3A_5 : vector<768xf32> to vector<1x768xf32>
    %slice3A_7 = vector.extract_strided_slice %get3A_1 {offsets = [16, 0], sizes = [8, 768], strides = [1, 1]} : vector<32x768xf32> to vector<8x768xf32>
    %reduce_sum3A_8 = arith.constant dense<0.000000e+00> : vector<768xf32>
    %reduce_sum3A_9 = vector.multi_reduction <add>, %slice3A_7, %reduce_sum3A_8 [0] : vector<8x768xf32> to vector<768xf32>
    %broadcast_in_dim3A_10 = vector.shape_cast %reduce_sum3A_9 : vector<768xf32> to vector<1x768xf32>
    %slice3A_11 = vector.extract_strided_slice %get3A_1 {offsets = [24, 0], sizes = [8, 768], strides = [1, 1]} : vector<32x768xf32> to vector<8x768xf32>
    %reduce_sum3A_12 = arith.constant dense<0.000000e+00> : vector<768xf32>
    %reduce_sum3A_13 = vector.multi_reduction <add>, %slice3A_11, %reduce_sum3A_12 [0] : vector<8x768xf32> to vector<768xf32>
    %broadcast_in_dim3A_14 = vector.shape_cast %reduce_sum3A_13 : vector<768xf32> to vector<1x768xf32>
    %concatenate3A = tpu.concatenate %broadcast_in_dim3A, %broadcast_in_dim3A_6, %broadcast_in_dim3A_10, %broadcast_in_dim3A_14 in 0 : vector<1x768xf32>, vector<1x768xf32>, vector<1x768xf32>, vector<1x768xf32> -> vector<4x768xf32>
    %mul3A = arith.constant 4.8828125E-4 : f32
    %mul3A_15 = vector.broadcast %mul3A : f32 to vector<4x768xf32>
    %mul3A_16 = arith.mulf %concatenate3A, %mul3A_15 : vector<4x768xf32>
    %get3A_17 = arith.constant 0 : index
    %get3A_18 = arith.constant 0 : index
    %get3A_19 = vector.load %arg1[%get3A_17, %get3A_18] : memref<768x64xf32, #tpu.memory_space<vmem>>, vector<768x64xf32>
    %dot_general3A = arith.constant dense<0.000000e+00> : vector<4x64xf32>
    %dot_general3A_20 = tpu.matmul %mul3A_16, %get3A_19, %dot_general3A {dimension_numbers = #tpu.dot_dimension_numbers<[1], [0], [0], [1], [0, 0, 1, 1], [], []>, transpose_lhs_hint = false} : vector<4x768xf32>, vector<768x64xf32>, vector<4x64xf32> -> vector<4x64xf32>
    %get3A_21 = arith.constant 0 : index
    %get3A_22 = arith.constant 0 : index
    %get3A_23 = vector.load %arg2[%get3A_21, %get3A_22] : memref<1x64xf32, #tpu.memory_space<vmem>>, vector<1x64xf32>
    %add3A = vector.broadcast %get3A_23 : vector<1x64xf32> to vector<4x64xf32>
    %add3A_24 = arith.addf %dot_general3A_20, %add3A : vector<4x64xf32>
    %reduce_max3A = arith.constant dense<0xFF800000> : vector<4xf32>
    %reduce_max3A_25 = vector.multi_reduction <maximumf>, %add3A_24, %reduce_max3A [1] : vector<4x64xf32> to vector<4xf32>
    %broadcast_in_dim3A_26 = vector.shape_cast %reduce_max3A_25 : vector<4xf32> to vector<4x1xf32>
    %sub3A = vector.broadcast %broadcast_in_dim3A_26 : vector<4x1xf32> to vector<4x64xf32>
    %sub3A_27 = arith.subf %add3A_24, %sub3A : vector<4x64xf32>
    %exp3A = math.exp %sub3A_27 : vector<4x64xf32>
    %reduce_sum3A_28 = arith.constant dense<0.000000e+00> : vector<4xf32>
    %reduce_sum3A_29 = vector.multi_reduction <add>, %exp3A, %reduce_sum3A_28 [1] : vector<4x64xf32> to vector<4xf32>
    %broadcast_in_dim3A_30 = vector.shape_cast %reduce_sum3A_29 : vector<4xf32> to vector<4x1xf32>
    %div3A = vector.broadcast %broadcast_in_dim3A_30 : vector<4x1xf32> to vector<4x64xf32>
    %div3A_31 = arith.divf %exp3A, %div3A : vector<4x64xf32>
    %iota3A = tpu.iota {dimensions = array<i32: 1>} : vector<4x64xi32>
    %reduce_max3A_32 = arith.constant dense<0xFF800000> : vector<4xf32>
    %reduce_max3A_33 = vector.multi_reduction <maximumf>, %div3A_31, %reduce_max3A_32 [1] : vector<4x64xf32> to vector<4xf32>
    %broadcast_in_dim3A_34 = vector.shape_cast %reduce_max3A_33 : vector<4xf32> to vector<4x1xf32>
    %eq3A = vector.broadcast %broadcast_in_dim3A_34 : vector<4x1xf32> to vector<4x64xf32>
    %eq3A_35 = arith.cmpf oeq, %div3A_31, %eq3A : vector<4x64xf32>
    %jit3A = arith.constant 64 : i32
    %broadcast_in_dim3A_36 = vector.broadcast %jit3A : i32 to vector<4x64xi32>
    %select_n3A = arith.select %eq3A_35, %iota3A, %broadcast_in_dim3A_36 : vector<4x64xi1>, vector<4x64xi32>
    %reduce_min3A = arith.constant dense<2147483647> : vector<4xi32>
    %reduce_min3A_37 = vector.multi_reduction <minsi>, %select_n3A, %reduce_min3A [1] : vector<4x64xi32> to vector<4xi32>
    %broadcast_in_dim3A_38 = vector.shape_cast %reduce_min3A_37 : vector<4xi32> to vector<4x1xi32>
    %eq3A_39 = vector.broadcast %broadcast_in_dim3A_38 : vector<4x1xi32> to vector<4x64xi32>
    %eq3A_40 = arith.cmpi eq, %iota3A, %eq3A_39 : vector<4x64xi32>
    %jit3A_41 = arith.constant 0xFF800000 : f32
    %broadcast_in_dim3A_42 = vector.broadcast %jit3A_41 : f32 to vector<4x64xf32>
    %select_n3A_43 = arith.select %eq3A_40, %broadcast_in_dim3A_42, %div3A_31 : vector<4x64xi1>, vector<4x64xf32>
    %reduce_max3A_44 = arith.constant dense<0xFF800000> : vector<4xf32>
    %reduce_max3A_45 = vector.multi_reduction <maximumf>, %select_n3A_43, %reduce_max3A_44 [1] : vector<4x64xf32> to vector<4xf32>
    %broadcast_in_dim3A_46 = vector.shape_cast %reduce_max3A_45 : vector<4xf32> to vector<4x1xf32>
    %eq3A_47 = vector.broadcast %broadcast_in_dim3A_46 : vector<4x1xf32> to vector<4x64xf32>
    %eq3A_48 = arith.cmpf oeq, %select_n3A_43, %eq3A_47 : vector<4x64xf32>
    %jit3A_49 = arith.constant 64 : i32
    %broadcast_in_dim3A_50 = vector.broadcast %jit3A_49 : i32 to vector<4x64xi32>
    %select_n3A_51 = arith.select %eq3A_48, %iota3A, %broadcast_in_dim3A_50 : vector<4x64xi1>, vector<4x64xi32>
    %reduce_min3A_52 = arith.constant dense<2147483647> : vector<4xi32>
    %reduce_min3A_53 = vector.multi_reduction <minsi>, %select_n3A_51, %reduce_min3A_52 [1] : vector<4x64xi32> to vector<4xi32>
    %broadcast_in_dim3A_54 = vector.shape_cast %reduce_min3A_53 : vector<4xi32> to vector<4x1xi32>
    %iota3A_55 = tpu.iota {dimensions = array<i32: 1>} : vector<4x128xi32>
    %eq3A_56 = arith.constant 0 : i32
    %eq3A_57 = vector.broadcast %eq3A_56 : i32 to vector<4x128xi32>
    %eq3A_58 = arith.cmpi eq, %iota3A_55, %eq3A_57 : vector<4x128xi32>
    %eq3A_59 = arith.constant 1 : i32
    %eq3A_60 = vector.broadcast %eq3A_59 : i32 to vector<4x128xi32>
    %eq3A_61 = arith.cmpi eq, %iota3A_55, %eq3A_60 : vector<4x128xi32>
    %jit3A_62 = arith.constant 0.000000e+00 : f32
    %broadcast_in_dim3A_63 = vector.shape_cast %broadcast_in_dim3A_46 : vector<4x1xf32> to vector<4x1xf32>
    %broadcast_in_dim3A_64 = vector.broadcast %broadcast_in_dim3A_63 : vector<4x1xf32> to vector<4x128xf32>
    %broadcast_in_dim3A_65 = vector.broadcast %jit3A_62 : f32 to vector<4x128xf32>
    %select_n3A_66 = arith.select %eq3A_61, %broadcast_in_dim3A_64, %broadcast_in_dim3A_65 : vector<4x128xi1>, vector<4x128xf32>
    %broadcast_in_dim3A_67 = vector.shape_cast %broadcast_in_dim3A_34 : vector<4x1xf32> to vector<4x1xf32>
    %broadcast_in_dim3A_68 = vector.broadcast %broadcast_in_dim3A_67 : vector<4x1xf32> to vector<4x128xf32>
    %select_n3A_69 = arith.select %eq3A_58, %broadcast_in_dim3A_68, %select_n3A_66 : vector<4x128xi1>, vector<4x128xf32>
    %swap3A = arith.constant 0 : index
    %swap3A_70 = arith.constant 0 : index
    %swap3A_71 = vector.load %arg3[%swap3A, %swap3A_70] : memref<4x128xf32, #tpu.memory_space<vmem>>, vector<4x128xf32>
    tpu.vector_store %arg3[%swap3A, %swap3A_70], %select_n3A_69 {strides = array<i32>} : memref<4x128xf32, #tpu.memory_space<vmem>>, vector<4x128xf32>,
    %eq3A_72 = arith.constant 0 : i32
    %eq3A_73 = vector.broadcast %eq3A_72 : i32 to vector<4x128xi32>
    %eq3A_74 = arith.cmpi eq, %iota3A_55, %eq3A_73 : vector<4x128xi32>
    %eq3A_75 = arith.constant 1 : i32
    %eq3A_76 = vector.broadcast %eq3A_75 : i32 to vector<4x128xi32>
    %eq3A_77 = arith.cmpi eq, %iota3A_55, %eq3A_76 : vector<4x128xi32>
    %jit3A_78 = arith.constant 0 : i32
    %broadcast_in_dim3A_79 = vector.shape_cast %broadcast_in_dim3A_54 : vector<4x1xi32> to vector<4x1xi32>
    %broadcast_in_dim3A_80 = vector.broadcast %broadcast_in_dim3A_79 : vector<4x1xi32> to vector<4x128xi32>
    %broadcast_in_dim3A_81 = vector.broadcast %jit3A_78 : i32 to vector<4x128xi32>
    %select_n3A_82 = arith.select %eq3A_77, %broadcast_in_dim3A_80, %broadcast_in_dim3A_81 : vector<4x128xi1>, vector<4x128xi32>
    %broadcast_in_dim3A_83 = vector.shape_cast %broadcast_in_dim3A_38 : vector<4x1xi32> to vector<4x1xi32>
    %broadcast_in_dim3A_84 = vector.broadcast %broadcast_in_dim3A_83 : vector<4x1xi32> to vector<4x128xi32>
    %select_n3A_85 = arith.select %eq3A_74, %broadcast_in_dim3A_84, %select_n3A_82 : vector<4x128xi1>, vector<4x128xi32>
    %swap3A_86 = arith.constant 0 : index
    %swap3A_87 = arith.constant 0 : index
    %swap3A_88 = vector.load %arg4[%swap3A_86, %swap3A_87] : memref<4x128xi32, #tpu.memory_space<vmem>>, vector<4x128xi32>
    tpu.vector_store %arg4[%swap3A_86, %swap3A_87], %select_n3A_85 {strides = array<i32>} : memref<4x128xi32, #tpu.memory_space<vmem>>, vector<4x128xi32>,
    return
  }
}

module attributes {stable_mosaic.version = 14 : i64} {
  func.func @moe_kernel(%arg0: i32, %arg1: memref<4x128xi32, #tpu.memory_space<smem>>, %arg2: memref<4x128xf32, #tpu.memory_space<smem>>, %arg3: memref<1x2048x768xf32, #tpu.memory_space<vmem>>, %arg4: memref<1x768x768xf32, #tpu.memory_space<vmem>>, %arg5: memref<1x768x768xf32, #tpu.memory_space<vmem>>, %arg6: memref<1x1x768xf32, #tpu.memory_space<vmem>>, %arg7: memref<1x1x768xf32, #tpu.memory_space<vmem>>, %arg8: memref<768x7xf32, #tpu.memory_space<vmem>>, %arg9: memref<1x7xf32, #tpu.memory_space<vmem>>, %arg10: memref<1x768xf32, #tpu.memory_space<vmem>>, %arg11: memref<1x1xf32, #tpu.memory_space<vmem>>, %arg12: memref<1x2048x7xf32, #tpu.memory_space<vmem>>, %arg13: memref<4x2048xf32, #tpu.memory_space<vmem>>) attributes {dimension_semantics = [#tpu.dimension_semantics<arbitrary>], iteration_bounds = array<i64: 4>, scalar_prefetch = 2 : i64, scratch_operands = 0 : i64, tpu.core_type = #tpu.core_type<tc>, window_params = [{transform_indices = @transform_0, window_bounds = array<i64: 1, 2048, 768>}, {transform_indices = @transform_1, window_bounds = array<i64: 1, 768, 768>}, {transform_indices = @transform_2, window_bounds = array<i64: 1, 768, 768>}, {transform_indices = @transform_3, window_bounds = array<i64: 1, 1, 768>}, {transform_indices = @transform_4, window_bounds = array<i64: 1, 1, 768>}, {pipeline_mode = #tpu.pipeline_mode<synchronous>, transform_indices = @transform_5, window_bounds = array<i64: 768, 7>}, {pipeline_mode = #tpu.pipeline_mode<synchronous>, transform_indices = @transform_6, window_bounds = array<i64: 1, 7>}, {pipeline_mode = #tpu.pipeline_mode<synchronous>, transform_indices = @transform_7, window_bounds = array<i64: 1, 768>}, {pipeline_mode = #tpu.pipeline_mode<synchronous>, transform_indices = @transform_8, window_bounds = array<i64: 1, 1>}, {transform_indices = @transform_9, window_bounds = array<i64: 1, 2048, 7>}, {pipeline_mode = #tpu.pipeline_mode<synchronous>, transform_indices = @transform_10, window_bounds = array<i64: 4, 2048>}]} {
    %get3A = arith.index_cast %arg0 : i32 to index
    %get3A_0 = arith.constant 0 : index
    %get3A_1 = memref.load %arg2[%get3A, %get3A_0] : memref<4x128xf32, #tpu.memory_space<smem>>
    %get3A_2 = arith.index_cast %arg0 : i32 to index
    %get3A_3 = arith.constant 1 : index
    %get3A_4 = memref.load %arg2[%get3A_2, %get3A_3] : memref<4x128xf32, #tpu.memory_space<smem>>
    %get3A_5 = arith.constant 0 : index
    %get3A_6 = arith.constant 0 : index
    %get3A_7 = arith.constant 0 : index
    %get3A_8 = vector.load %arg3[%get3A_5, %get3A_6, %get3A_7] : memref<1x2048x768xf32, #tpu.memory_space<vmem>>, vector<1x2048x768xf32>
    %get3A_9 = vector.shape_cast %get3A_8 : vector<1x2048x768xf32> to vector<2048x768xf32>
    %get3A_10 = arith.constant 0 : index
    %get3A_11 = arith.constant 0 : index
    %get3A_12 = arith.constant 0 : index
    %get3A_13 = vector.load %arg6[%get3A_10, %get3A_11, %get3A_12] : memref<1x1x768xf32, #tpu.memory_space<vmem>>, vector<1x1x768xf32>
    %get3A_14 = vector.shape_cast %get3A_13 : vector<1x1x768xf32> to vector<1x768xf32>
    %mul3A = vector.broadcast %get3A_1 : f32 to vector<1x768xf32>
    %mul3A_15 = arith.mulf %mul3A, %get3A_14 : vector<1x768xf32>
    %get3A_16 = arith.constant 0 : index
    %get3A_17 = arith.constant 0 : index
    %get3A_18 = arith.constant 0 : index
    %get3A_19 = vector.load %arg7[%get3A_16, %get3A_17, %get3A_18] : memref<1x1x768xf32, #tpu.memory_space<vmem>>, vector<1x1x768xf32>
    %get3A_20 = vector.shape_cast %get3A_19 : vector<1x1x768xf32> to vector<1x768xf32>
    %mul3A_21 = vector.broadcast %get3A_4 : f32 to vector<1x768xf32>
    %mul3A_22 = arith.mulf %mul3A_21, %get3A_20 : vector<1x768xf32>
    %add3A = arith.addf %mul3A_15, %mul3A_22 : vector<1x768xf32>
    %get3A_23 = arith.constant 0 : index
    %get3A_24 = arith.constant 0 : index
    %get3A_25 = vector.load %arg8[%get3A_23, %get3A_24] : memref<768x7xf32, #tpu.memory_space<vmem>>, vector<768x7xf32>
    %dot_general3A = arith.constant dense<0.000000e+00> : vector<1x7xf32>
    %dot_general3A_26 = tpu.matmul %add3A, %get3A_25, %dot_general3A {dimension_numbers = #tpu.dot_dimension_numbers<[1], [0], [0], [1], [0, 0, 1, 1], [], []>, transpose_lhs_hint = false} : vector<1x768xf32>, vector<768x7xf32>, vector<1x7xf32> -> vector<1x7xf32>
    %get3A_27 = arith.constant 0 : index
    %get3A_28 = arith.constant 0 : index
    %get3A_29 = vector.load %arg9[%get3A_27, %get3A_28] : memref<1x7xf32, #tpu.memory_space<vmem>>, vector<1x7xf32>
    %add3A_30 = arith.addf %dot_general3A_26, %get3A_29 : vector<1x7xf32>
    %get3A_31 = arith.constant 0 : index
    %get3A_32 = arith.constant 0 : index
    %get3A_33 = vector.load %arg10[%get3A_31, %get3A_32] : memref<1x768xf32, #tpu.memory_space<vmem>>, vector<1x768xf32>
    %dot_general3A_34 = arith.constant dense<0.000000e+00> : vector<1x1xf32>
    %dot_general3A_35 = tpu.matmul %add3A, %get3A_33, %dot_general3A_34 {dimension_numbers = #tpu.dot_dimension_numbers<[1], [1], [0], [0], [0, 0, 1, 0], [], []>, transpose_lhs_hint = false} : vector<1x768xf32>, vector<1x768xf32>, vector<1x1xf32> -> vector<1x1xf32>
    %squeeze3A = vector.extract %dot_general3A_35[0, 0] : f32 from vector<1x1xf32>
    %get3A_36 = arith.constant 0 : index
    %get3A_37 = arith.constant 0 : index
    %get3A_38 = vector.load %arg11[%get3A_36, %get3A_37] : memref<1x1xf32, #tpu.memory_space<vmem>>, vector<1x1xf32>
    %get3A_39 = vector.extract %get3A_38[0, 0] : f32 from vector<1x1xf32>
    %add3A_40 = arith.addf %squeeze3A, %get3A_39 : f32
    %get3A_41 = arith.constant 0 : index
    %get3A_42 = arith.constant 0 : index
    %get3A_43 = arith.constant 0 : index
    %get3A_44 = vector.load %arg4[%get3A_41, %get3A_42, %get3A_43] : memref<1x768x768xf32, #tpu.memory_space<vmem>>, vector<1x768x768xf32>
    %get3A_45 = vector.shape_cast %get3A_44 : vector<1x768x768xf32> to vector<768x768xf32>
    %get3A_46 = arith.constant 0 : index
    %get3A_47 = arith.constant 0 : index
    %get3A_48 = vector.load %arg8[%get3A_46, %get3A_47] : memref<768x7xf32, #tpu.memory_space<vmem>>, vector<768x7xf32>
    %dot_general3A_49 = arith.constant dense<0.000000e+00> : vector<768x7xf32>
    %dot_general3A_50 = tpu.matmul %get3A_45, %get3A_48, %dot_general3A_49 {dimension_numbers = #tpu.dot_dimension_numbers<[1], [0], [0], [1], [0, 0, 1, 1], [], []>, transpose_lhs_hint = false} : vector<768x768xf32>, vector<768x7xf32>, vector<768x7xf32> -> vector<768x7xf32>
    %mul3A_51 = vector.broadcast %get3A_1 : f32 to vector<768x7xf32>
    %mul3A_52 = arith.mulf %mul3A_51, %dot_general3A_50 : vector<768x7xf32>
    %get3A_53 = arith.constant 0 : index
    %get3A_54 = arith.constant 0 : index
    %get3A_55 = arith.constant 0 : index
    %get3A_56 = vector.load %arg5[%get3A_53, %get3A_54, %get3A_55] : memref<1x768x768xf32, #tpu.memory_space<vmem>>, vector<1x768x768xf32>
    %get3A_57 = vector.shape_cast %get3A_56 : vector<1x768x768xf32> to vector<768x768xf32>
    %get3A_58 = arith.constant 0 : index
    %get3A_59 = arith.constant 0 : index
    %get3A_60 = vector.load %arg8[%get3A_58, %get3A_59] : memref<768x7xf32, #tpu.memory_space<vmem>>, vector<768x7xf32>
    %dot_general3A_61 = arith.constant dense<0.000000e+00> : vector<768x7xf32>
    %dot_general3A_62 = tpu.matmul %get3A_57, %get3A_60, %dot_general3A_61 {dimension_numbers = #tpu.dot_dimension_numbers<[1], [0], [0], [1], [0, 0, 1, 1], [], []>, transpose_lhs_hint = false} : vector<768x768xf32>, vector<768x7xf32>, vector<768x7xf32> -> vector<768x7xf32>
    %mul3A_63 = vector.broadcast %get3A_4 : f32 to vector<768x7xf32>
    %mul3A_64 = arith.mulf %mul3A_63, %dot_general3A_62 : vector<768x7xf32>
    %add3A_65 = arith.addf %mul3A_52, %mul3A_64 : vector<768x7xf32>
    %get3A_66 = arith.constant 0 : index
    %get3A_67 = arith.constant 0 : index
    %get3A_68 = vector.load %arg10[%get3A_66, %get3A_67] : memref<1x768xf32, #tpu.memory_space<vmem>>, vector<1x768xf32>
    %get3A_69 = arith.constant 0 : index
    %get3A_70 = arith.constant 0 : index
    %get3A_71 = arith.constant 0 : index
    %get3A_72 = vector.load %arg4[%get3A_69, %get3A_70, %get3A_71] : memref<1x768x768xf32, #tpu.memory_space<vmem>>, vector<1x768x768xf32>
    %get3A_73 = vector.shape_cast %get3A_72 : vector<1x768x768xf32> to vector<768x768xf32>
    %dot_general3A_74 = arith.constant dense<0.000000e+00> : vector<1x768xf32>
    %dot_general3A_75 = tpu.matmul %get3A_68, %get3A_73, %dot_general3A_74 {dimension_numbers = #tpu.dot_dimension_numbers<[1], [1], [0], [0], [0, 0, 1, 0], [], []>, transpose_lhs_hint = false} : vector<1x768xf32>, vector<768x768xf32>, vector<1x768xf32> -> vector<1x768xf32>
    %mul3A_76 = vector.broadcast %get3A_1 : f32 to vector<1x768xf32>
    %mul3A_77 = arith.mulf %mul3A_76, %dot_general3A_75 : vector<1x768xf32>
    %get3A_78 = arith.constant 0 : index
    %get3A_79 = arith.constant 0 : index
    %get3A_80 = vector.load %arg10[%get3A_78, %get3A_79] : memref<1x768xf32, #tpu.memory_space<vmem>>, vector<1x768xf32>
    %get3A_81 = arith.constant 0 : index
    %get3A_82 = arith.constant 0 : index
    %get3A_83 = arith.constant 0 : index
    %get3A_84 = vector.load %arg5[%get3A_81, %get3A_82, %get3A_83] : memref<1x768x768xf32, #tpu.memory_space<vmem>>, vector<1x768x768xf32>
    %get3A_85 = vector.shape_cast %get3A_84 : vector<1x768x768xf32> to vector<768x768xf32>
    %dot_general3A_86 = arith.constant dense<0.000000e+00> : vector<1x768xf32>
    %dot_general3A_87 = tpu.matmul %get3A_80, %get3A_85, %dot_general3A_86 {dimension_numbers = #tpu.dot_dimension_numbers<[1], [1], [0], [0], [0, 0, 1, 0], [], []>, transpose_lhs_hint = false} : vector<1x768xf32>, vector<768x768xf32>, vector<1x768xf32> -> vector<1x768xf32>
    %mul3A_88 = vector.broadcast %get3A_4 : f32 to vector<1x768xf32>
    %mul3A_89 = arith.mulf %mul3A_88, %dot_general3A_87 : vector<1x768xf32>
    %add3A_90 = arith.addf %mul3A_77, %mul3A_89 : vector<1x768xf32>
    %dot_general3A_91 = arith.constant dense<0.000000e+00> : vector<2048x7xf32>
    %dot_general3A_92 = tpu.matmul %get3A_9, %add3A_65, %dot_general3A_91 {dimension_numbers = #tpu.dot_dimension_numbers<[1], [0], [0], [1], [0, 0, 1, 1], [], []>, transpose_lhs_hint = false} : vector<2048x768xf32>, vector<768x7xf32>, vector<2048x7xf32> -> vector<2048x7xf32>
    %add3A_93 = vector.broadcast %add3A_30 : vector<1x7xf32> to vector<2048x7xf32>
    %add3A_94 = arith.addf %dot_general3A_92, %add3A_93 : vector<2048x7xf32>
    %swap3A = arith.constant 0 : index
    %swap3A_95 = arith.constant 0 : index
    %swap3A_96 = arith.constant 0 : index
    %swap3A_97 = vector.load %arg12[%swap3A, %swap3A_95, %swap3A_96] : memref<1x2048x7xf32, #tpu.memory_space<vmem>>, vector<1x2048x7xf32>
    %swap3A_98 = vector.shape_cast %swap3A_97 : vector<1x2048x7xf32> to vector<2048x7xf32>
    %swap3A_99 = vector.shape_cast %add3A_94 : vector<2048x7xf32> to vector<1x2048x7xf32>
    tpu.vector_store %arg12[%swap3A, %swap3A_95, %swap3A_96], %swap3A_99 {strides = array<i32>} : memref<1x2048x7xf32, #tpu.memory_space<vmem>>, vector<1x2048x7xf32>,
    %dot_general3A_100 = arith.constant dense<0.000000e+00> : vector<1x2048xf32>
    %dot_general3A_101 = tpu.matmul %add3A_90, %get3A_9, %dot_general3A_100 {dimension_numbers = #tpu.dot_dimension_numbers<[1], [1], [0], [0], [0, 0, 1, 0], [], []>, transpose_lhs_hint = false} : vector<1x768xf32>, vector<2048x768xf32>, vector<1x2048xf32> -> vector<1x2048xf32>
    %add3A_102 = vector.broadcast %add3A_40 : f32 to vector<1x2048xf32>
    %add3A_103 = arith.addf %dot_general3A_101, %add3A_102 : vector<1x2048xf32>
    %swap3A_104 = arith.index_cast %arg0 : i32 to index
    %swap3A_105 = arith.constant 0 : index
    %swap3A_106 = vector.load %arg13[%swap3A_104, %swap3A_105] : memref<4x2048xf32, #tpu.memory_space<vmem>>, vector<1x2048xf32>
    tpu.vector_store %arg13[%swap3A_104, %swap3A_105], %add3A_103 {strides = array<i32>} : memref<4x2048xf32, #tpu.memory_space<vmem>>, vector<1x2048xf32>,
    return
  }
  func.func @transform_0(%arg0: i32, %arg1: memref<4x128xi32, #tpu.memory_space<smem>>, %arg2: memref<4x128xf32, #tpu.memory_space<smem>>) -> (i32, i32, i32) {
    %c0_i32 = arith.constant 0 : i32
    %c0_i32_0 = arith.constant 0 : i32
    %c0_i32_1 = arith.constant 0 : i32
    return %arg0, %c0_i32, %c0_i32_0 : i32, i32, i32
  }
  func.func @transform_1(%arg0: i32, %arg1: memref<4x128xi32, #tpu.memory_space<smem>>, %arg2: memref<4x128xf32, #tpu.memory_space<smem>>) -> (i32, i32, i32) {
    %get3A = arith.index_cast %arg0 : i32 to index
    %get3A_0 = arith.constant 0 : index
    %get3A_1 = memref.load %arg1[%get3A, %get3A_0] : memref<4x128xi32, #tpu.memory_space<smem>>
    %c0_i32 = arith.constant 0 : i32
    %c0_i32_2 = arith.constant 0 : i32
    %c0_i32_3 = arith.constant 0 : i32
    return %get3A_1, %c0_i32, %c0_i32_2 : i32, i32, i32
  }
  func.func @transform_2(%arg0: i32, %arg1: memref<4x128xi32, #tpu.memory_space<smem>>, %arg2: memref<4x128xf32, #tpu.memory_space<smem>>) -> (i32, i32, i32) {
    %get3A = arith.index_cast %arg0 : i32 to index
    %get3A_0 = arith.constant 1 : index
    %get3A_1 = memref.load %arg1[%get3A, %get3A_0] : memref<4x128xi32, #tpu.memory_space<smem>>
    %c0_i32 = arith.constant 0 : i32
    %c0_i32_2 = arith.constant 0 : i32
    %c0_i32_3 = arith.constant 0 : i32
    return %get3A_1, %c0_i32, %c0_i32_2 : i32, i32, i32
  }
  func.func @transform_3(%arg0: i32, %arg1: memref<4x128xi32, #tpu.memory_space<smem>>, %arg2: memref<4x128xf32, #tpu.memory_space<smem>>) -> (i32, i32, i32) {
    %get3A = arith.index_cast %arg0 : i32 to index
    %get3A_0 = arith.constant 0 : index
    %get3A_1 = memref.load %arg1[%get3A, %get3A_0] : memref<4x128xi32, #tpu.memory_space<smem>>
    %c0_i32 = arith.constant 0 : i32
    %c0_i32_2 = arith.constant 0 : i32
    %c0_i32_3 = arith.constant 0 : i32
    return %get3A_1, %c0_i32, %c0_i32_2 : i32, i32, i32
  }
  func.func @transform_4(%arg0: i32, %arg1: memref<4x128xi32, #tpu.memory_space<smem>>, %arg2: memref<4x128xf32, #tpu.memory_space<smem>>) -> (i32, i32, i32) {
    %get3A = arith.index_cast %arg0 : i32 to index
    %get3A_0 = arith.constant 1 : index
    %get3A_1 = memref.load %arg1[%get3A, %get3A_0] : memref<4x128xi32, #tpu.memory_space<smem>>
    %c0_i32 = arith.constant 0 : i32
    %c0_i32_2 = arith.constant 0 : i32
    %c0_i32_3 = arith.constant 0 : i32
    return %get3A_1, %c0_i32, %c0_i32_2 : i32, i32, i32
  }
  func.func @transform_5(%arg0: i32, %arg1: memref<4x128xi32, #tpu.memory_space<smem>>, %arg2: memref<4x128xf32, #tpu.memory_space<smem>>) -> (i32, i32) {
    %c0_i32 = arith.constant 0 : i32
    %c0_i32_0 = arith.constant 0 : i32
    %c0_i32_1 = arith.constant 0 : i32
    return %c0_i32, %c0_i32_0 : i32, i32
  }
  func.func @transform_6(%arg0: i32, %arg1: memref<4x128xi32, #tpu.memory_space<smem>>, %arg2: memref<4x128xf32, #tpu.memory_space<smem>>) -> (i32, i32) {
    %c0_i32 = arith.constant 0 : i32
    %c0_i32_0 = arith.constant 0 : i32
    %c0_i32_1 = arith.constant 0 : i32
    return %c0_i32, %c0_i32_0 : i32, i32
  }
  func.func @transform_7(%arg0: i32, %arg1: memref<4x128xi32, #tpu.memory_space<smem>>, %arg2: memref<4x128xf32, #tpu.memory_space<smem>>) -> (i32, i32) {
    %c0_i32 = arith.constant 0 : i32
    %c0_i32_0 = arith.constant 0 : i32
    %c0_i32_1 = arith.constant 0 : i32
    return %c0_i32, %c0_i32_0 : i32, i32
  }
  func.func @transform_8(%arg0: i32, %arg1: memref<4x128xi32, #tpu.memory_space<smem>>, %arg2: memref<4x128xf32, #tpu.memory_space<smem>>) -> (i32, i32) {
    %c0_i32 = arith.constant 0 : i32
    %c0_i32_0 = arith.constant 0 : i32
    %c0_i32_1 = arith.constant 0 : i32
    return %c0_i32, %c0_i32_0 : i32, i32
  }
  func.func @transform_9(%arg0: i32, %arg1: memref<4x128xi32, #tpu.memory_space<smem>>, %arg2: memref<4x128xf32, #tpu.memory_space<smem>>) -> (i32, i32, i32) {
    %c0_i32 = arith.constant 0 : i32
    %c0_i32_0 = arith.constant 0 : i32
    %c0_i32_1 = arith.constant 0 : i32
    return %arg0, %c0_i32, %c0_i32_0 : i32, i32, i32
  }
  func.func @transform_10(%arg0: i32, %arg1: memref<4x128xi32, #tpu.memory_space<smem>>, %arg2: memref<4x128xf32, #tpu.memory_space<smem>>) -> (i32, i32) {
    %c0_i32 = arith.constant 0 : i32
    %c0_i32_0 = arith.constant 0 : i32
    %c0_i32_1 = arith.constant 0 : i32
    return %c0_i32, %c0_i32_0 : i32, i32
  }
}

</mosaic_0001>

<sc_bundles>
// kernel: kernel.5.cloned.1.call-start
scs
__scs_entry_jumppad:
0x0: {  	(pc) =	sbr.rel $0x88, $3  }
0x1: {  	(tag) =	ssettag $0x0;
	lr =	simm.s32 $0x1  }
0x2: {  	[smem:$0x3F97] =	sst lr;
	_ =	strace $0xD0000000  }
0x3: {  	_ = 	snop  }
0x4: {  	_ = 	snop  }
0x5: {  	_ = 	snop  }
0x6: {  	_ = 	snop  }
0x7: {  	_ = 	snop  }
__scs_overlays_trampoline_lowered:
0x8: {  	[smem:$0x3FA6] =	sst s0  }
0x9: {  	[smem:$0x3FA7] =	sst s1  }
0xa: {  	[smem:$0x3FA8] =	sst s2  }
0xb: {  	[smem:$0x3FA9] =	sst s3  }
0xc: {  	[smem:$0x3FAA] =	sst s4  }
0xd: {  	[smem:$0x3FAB] =	sst s5  }
0xe: {  	[smem:$0x3FAC] =	sst s6  }
0xf: {  	[smem:$0x3FAD] =	sst s7  }
0x10: {  	[smem:$0x3FAE] =	sst s8  }
0x11: {  	[smem:$0x3FAF] =	sst s9;
	s0 =	simm.s32 @!p0 $0x0  }
0x12: {  	s1 =	sld [smem:$0x3F95];
	s0 =	simm.s32 @p0 $0x1  }
0x13: {  	[smem:$0x3FB0] =	sst s0;
	s0 =	simm.s32 @!p1 $0x0  }
0x14: {  	s2 =	sld [smem:$0x3F94];
	s0 =	simm.s32 @p1 $0x1  }
0x15: {  	[smem:$0x3FB1] =	sst s0;
	s0 =	simm.s32 @!p2 $0x0  }
0x16: {  	s3 =	sld [smem:$0x3FDB];
	s0 =	simm.s32 @p2 $0x1  }
0x17: {  	s4 =	simm.s32 $0x1BF5;
	[smem:$0x3FB3] =	sst s0  }
0x18: {  	s0 =	sld [smem:$0x3F96];
	_ =	swait.ge [sflag:s4], $0x0  }
0x19: {  	s7 =	sld [smem:$0x3F97]  }
0x1a: {  	s8 =	sadd.s32 $0xFFFFE003, lr  }
0x1b: {  	s9 =	sadd.s32 $0xFFFFFEF7, lr;
	s5 =	simm.s32 $0xFFFFFFFF;
	p2 =	slt.u32 s8, $0xFFFFF086  }
0x1c: {  	p1 =	slt.u32 s9, $0xF7A;
	s5 =	simm.s32 @!p2 $0x0  }
0x1d: {  	s5 =	simm.s32 @p1 $0x1;
	p0 =	seq.s32 s7, s2  }
0x1e: {  	s7 =	smul.u32 @!p0 $0xF7A, s2;
	p2 =	seq.s32 @!p0 s5, $0x0  }
0x1f: {  	s9 =	smul.u32 $0xF7A, s1;
	s8 =	simm.s32 @!p0 $0x1BF5;
	p2 =	por !p2, p0  }
0x20: {  	[sflag:s8] =	ssyncset.s32 @!p0 $0xFFFFF086;
	s6 =	sadd.s32 @!p0 s3, s7;
	s7 =	simm.s32 @!p0 $0x108  }
0x21: {  	s3 =	sadd.s32 s3, s9;
	s6 =	sadd.s32 @!p0 $0x88, s6;
	s7 =	simm.s32 @p2 $0x1082  }
0x22: {  	[simem:s7], [sflag:s8] =	dma.local @!p0 [hbm:s6], $0xF7A  }
0x23: {  	s9 =	sor.u32 $0xD0000000, s2;
	s6 =	simm.s32 $0x108;
	_ =	swait.ge @!p0 [sflag:s8], $0x0  }
0x24: {  	s3 =	sadd.s32 $0x88, s3;
	s6 =	simm.s32 @!p1 $0x1082;
	[sflag:s4] =	ssyncset.s32 $0xFFFFF086  }
0x25: {  	[simem:s6], [sflag:s4] =	dma.local [hbm:s3], $0xF7A  }
0x26: {  	[smem:$0x3F97] =	sst s1;
	(tag) =	ssettag s2;
	_ =	strace s9  }
0x27: {  	s1 =	sld [smem:$0x3FA7]  }
0x28: {  	s2 =	sld [smem:$0x3FA8]  }
0x29: {  	s4 =	sld [smem:$0x3FAA]  }
0x2a: {  	p0 =	seq.s32 s5, $0x0;
	s5 =	sld [smem:$0x3FAB]  }
0x2b: {  	s6 =	sld [smem:$0x3FAC]  }
0x2c: {  	s7 =	sld [smem:$0x3FAD]  }
0x2d: {  	s3 =	simm.s32 $0x108;
	s8 =	sld [smem:$0x3FAE]  }
0x2e: {  	s3 =	simm.s32 @!p0 $0x1082;
	s9 =	sld [smem:$0x3FAF]  }
0x2f: {  	lr =	sadd.s32 s0, s3;
	s0 =	sld [smem:$0x3FA6]  }
0x30: {  	s3 =	sld [smem:$0x3FA9]  }
0x31: {  	[smem:$0x3FB2] =	sst s10  }
0x32: {  	s10 =	sld [smem:$0x3FB0];
	_ =	sdelay $0x3  }
0x33: {  	p0 =	seq.s32 s10, $0x1;
	s10 =	sld [smem:$0x3FB2];
	_ =	sdelay $0x3  }
0x34: {  	[smem:$0x3FB2] =	sst s10  }
0x35: {  	s10 =	sld [smem:$0x3FB1];
	_ =	sdelay $0x3  }
0x36: {  	p1 =	seq.s32 s10, $0x1;
	s10 =	sld [smem:$0x3FB2];
	_ =	sdelay $0x3  }
0x37: {  	[smem:$0x3FB2] =	sst s10  }
0x38: {  	s10 =	sld [smem:$0x3FB3]  }
0x39: {  	_ = 	snop;
	(pc) =	sbr.ind lr, $3  }
0x3a: {  	_ = 	snop  }
0x3b: {  	_ = 	snop  }
0x3c: {  	p2 =	seq.s32 s10, $0x1;
	s10 =	sld [smem:$0x3FB2]  }
0x3d: {  	_ =	shalt  }
0x3e: {  	_ =	shalt  }
0x3f: {  	_ =	shalt  }
0x40: {  	_ =	shalt  }
0x41: {  	_ =	shalt  }
0x42: {  	_ =	shalt  }
0x43: {  	_ =	shalt  }
0x44: {  	_ =	shalt  }
0x45: {  	_ =	shalt  }
0x46: {  	_ =	shalt  }
0x47: {  	_ =	shalt  }
0x48: {  	_ =	shalt  }
0x49: {  	_ =	shalt  }
0x4a: {  	_ =	shalt  }
0x4b: {  	_ =	shalt  }
0x4c: {  	_ =	shalt  }
0x4d: {  	_ =	shalt  }
0x4e: {  	_ =	shalt  }
0x4f: {  	_ =	shalt  }
0x50: {  	_ =	shalt  }
0x51: {  	_ =	shalt  }
0x52: {  	_ =	shalt  }
0x53: {  	_ =	shalt  }
0x54: {  	_ =	shalt  }
0x55: {  	_ =	shalt  }
0x56: {  	_ =	shalt  }
0x57: {  	_ =	shalt  }
0x58: {  	_ =	shalt  }
0x59: {  	_ =	shalt  }
0x5a: {  	_ =	shalt  }
0x5b: {  	_ =	shalt  }
0x5c: {  	_ =	shalt  }
0x5d: {  	_ =	shalt  }
0x5e: {  	_ =	shalt  }
0x5f: {  	_ =	shalt  }
0x60: {  	_ =	shalt  }
0x61: {  	_ =	shalt  }
0x62: {  	_ =	shalt  }
0x63: {  	_ =	shalt  }
0x64: {  	_ =	shalt  }
0x65: {  	_ =	shalt  }
0x66: {  	_ =	shalt  }
0x67: {  	_ =	shalt  }
0x68: {  	_ =	shalt  }
0x69: {  	_ =	shalt  }
0x6a: {  	_ =	shalt  }
0x6b: {  	_ =	shalt  }
0x6c: {  	_ =	shalt  }
0x6d: {  	_ =	shalt  }
0x6e: {  	_ =	shalt  }
0x6f: {  	_ =	shalt  }
0x70: {  	_ =	shalt  }
0x71: {  	_ =	shalt  }
0x72: {  	_ =	shalt  }
0x73: {  	_ =	shalt  }
0x74: {  	_ =	shalt  }
0x75: {  	_ =	shalt  }
0x76: {  	_ =	shalt  }
0x77: {  	_ =	shalt  }
0x78: {  	_ =	shalt  }
0x79: {  	_ =	shalt  }
0x7a: {  	_ =	shalt  }
0x7b: {  	_ =	shalt  }
0x7c: {  	_ =	shalt  }
0x7d: {  	_ =	shalt  }
0x7e: {  	_ =	shalt  }
0x7f: {  	_ =	shalt  }
0x80: {  	_ =	shalt  }
0x81: {  	_ =	shalt  }
0x82: {  	_ =	shalt  }
0x83: {  	_ =	shalt  }
0x84: {  	_ =	shalt  }
0x85: {  	_ =	shalt  }
0x86: {  	_ =	shalt  }
0x87: {  	_ =	shalt  }
.Lfunc_end0:
.L_simem_size_0:
called_computation_lowered:
.L_overlay_start_0:
0x88: {  	s2 =	sld [smem:$0x3FD9]  }
0x89: {  	s3 =	sld [smem:$0x3FFE];
	_ =	sdelay $0x1  }
0x8a: {  	s1 =	srdreg.scid  }
0x8b: {  	s0 =	sand.u32 $0x1, s1  }
0x8c: {  	s14 =	sshll.u32 s0, $0xA;
	s2 =	sadd.s32 s3, s2  }
0x8d: {  	s2 =	sadd.s32 s2, s14  }
0x8e: {  	[smem:$0x3FBE] =	sst s2  }
0x8f: {  	_ = 	snop  }
0x90: {  	s2 =	sld [smem:$0x3FD0];
	_ =	sdelay $0x1  }
0x91: {  	s15 =	sld [smem:$0x3FC9]  }
0x92: {  	s5 =	simm.s32 $0xA;
	s6 =	simm.s32 $0x10;
	s4 =	sld [smem:$0x3FC8]  }
0x93: {  	[smem:s6], [sflag:s5] =	dma.local [hbm:s2], $0x1  }
0x94: {  	_ =	swait.eq [sflag:s5], $0x1  }
0x95: {  	[sflag:s5] =	ssyncset.done $0x0  }
0x96: {  	[sflag:s5] =	ssyncadd.s32 $0xFFFFFFFF  }
0x97: {  	s16 =	sld [smem:$0x10];
	(tm) =	ssettm $0x1  }
0x98: {  	s17 =	sld [smem:$0x3FFB];
	_ =	sdelay $0x3  }
0x99: {  	_ =	strace s17  }
0x9a: {  	s5 =	sld [smem:$0x3FFC];
	_ =	sdelay $0x3  }
0x9b: {  	_ =	strace s5  }
0x9c: {  	s5 =	sld [smem:$0x3FFD];
	_ =	sdelay $0x3  }
0x9d: {  	_ =	strace s5  }
0x9e: {  	_ =	strace $0x8FFFFFFF  }
0x9f: {  	s18 =	sld [smem:$0x3FDB];
	_ =	sdelay $0x1  }
0xa0: {  	s19 =	simm.s32 $_scs_section_size  }
0xa1: {  	s7 =	simm.s32 $_size__tile_overlayer_lowered;
	s8 =	simm.s32 $_tile_overlayer_lowered  }
0xa2: {  	s22 =	simm.s32 $0x1BFF;
	s21 =	sshll.u32 s8, $0x1;
	s5 =	sadd.s32 s19, s18  }
0xa3: {  	s9 =	simm.s32 $0x0;
	s20 =	sshll.u32 s7, $0x1;
	s7 =	sadd.s32 s21, s5  }
0xa4: {  	[timem:s9], [sflag:s22] =	dma.local [hbm:s7], s20  }
0xa5: {  	_ =	swait.ge [sflag:s22], s20  }
0xa6: {  	s6 =	ssub.s32 $0x0, s20;
	[sflag:s22] =	ssyncset.done $0x0  }
0xa7: {  	[sflag:s22] =	ssyncadd.s32 s6;
	_ =	sdelay $0x1  }
0xa8: {  	s23 =	simm.s32 $0x1B8B  }
0xa9: {  	_ =	swait.ge [sflag:s23], $0x1  }
0xaa: {  	[sflag:s23] =	ssyncset.done $0x0  }
0xab: {  	s25 =	simm.s32 $0x1B8E;
	s24 =	sld [smem:$0x3FFE];
	[sflag:s23] =	ssyncadd.s32 $0xFFFFFFFF  }
0xac: {  	s26 =	simm.s32 $execute0_lowered;
	[smem:$0x3FD2] =	sst s25  }
0xad: {  	s7 =	sshll.u32 s26, $0x1;
	_ =	strace $0x80000046;
	[dreg:$0x1] =	wrdreg $0xFFFFFFFF  }
0xae: {  	s28 =	simm.s32 $_size_execute0_lowered;
	s5 =	sadd.s32 s5, s7;
	[dreg:$0x0] =	wrdreg $0x0  }
0xaf: {  	s7 =	sshll.u32 s28, $0x1;
	[dreg:$0x2] =	wrdreg s5  }
0xb0: {  	[dreg:$0x3] =	wrdreg s7  }
0xb1: {  	[dreg:$0x4] =	wrdreg $0xC0  }
0xb2: {  	_ =	task [dreg:s9], $0x5FFFF  }
0xb3: {  	[dreg:$0x1] =	wrdreg $0xFFFFFFFF  }
0xb4: {  	[dreg:$0x0] =	wrdreg $0x60  }
0xb5: {  	[dreg:$0x2] =	wrdreg s15  }
0xb6: {  	[dreg:$0x3] =	wrdreg s4  }
0xb7: {  	[dreg:$0x4] =	wrdreg s24  }
0xb8: {  	[dreg:$0x5] =	wrdreg s16  }
0xb9: {  	[dreg:$0x6] =	wrdreg $0x9  }
0xba: {  	_ =	task.clear_ibuf [dreg:s9], $0x7FFFF;
	_ =	strace $0x90000046  }
0xbb: {  	s29 =	simm.s32 $0x9;
	_ =	strace $0x80000048  }
0xbc: {  	_ =	swait.ge [sflag:s29], $0x1  }
0xbd: {  	[sflag:s29] =	ssyncadd.s32 $0xFFFFFFFF  }
0xbe: {  	_ =	strace $0x90000048  }
0xbf: {  	_ =	sfence  }
0xc0: {  	s30 =	sld [smem:$0x0];
	_ =	sdelay $0x2  }
0xc1: {  	s31 =	sshll.u32 s1, $0xD;
	s1 =	sshrl.u32 s1, $0x2  }
0xc2: {  	s3 =	sand.u32 $0x4000, s31;
	s1 =	sadd.s32 s1, s30  }
0xc3: {  	s0 =	sor.u32 s3, s0;
	s1 =	sshll.u32 s1, $0x11  }
0xc4: {  	s0 =	sor.u32 s1, s0  }
0xc5: {  	s0 =	sadd.s32 $0x8F2B, s0  }
0xc6: {  	[sflag:s0] =	ssyncadd.remote.s32 $0x1  }
0xc7: {  	_ =	sfence.sel $0xFFFF  }
0xc8: {  	[dreg:$0x0] =	wrdreg $0xFFFFFFFF;
	(pc) =	sbr.abs _section_cstart, $3  }
0xc9: {  	[dreg:$0x1] =	wrdreg $0xFFFFFFFF  }
0xca: {  	_ =	task.clear_ibuf [dreg:s9], $0x2FFFF;
	_ =	strace $0x9FFFFFFF  }
0xcb: {  	(tm) =	ssettm $0x7FFFFFFF  }
tec
execute0_lowered:
.L_overlay_start_1:
0x0: {  	(tag) =	ssettag $0x1  }
0x1: {  	s0 =	rddreg [dreg:$0x0]  }
0x2: {  	s1 =	rddreg [dreg:$0x1]  }
0x3: {  	s2 =	rddreg [dreg:$0x2]  }
0x4: {  	s4 =	rddreg [dreg:$0x3];
	s5 =	srdreg.scid;
	s3 =	simm.s32 $0x0  }
0x5: {  	s11 =	stileid.u32;
	s15 =	simm.s32 $0x3;
	s16 =	simm.s32 $0x100  }
0x6: {  	s13 =	simm.s32 $0x12900;
	s17 =	simm.s32 $0x13100;
	s18 =	simm.s32 $0x13900  }
0x7: {  	s19 =	simm.s32 $0x14100;
	s5 =	sand.u32 $0x1, s5;
	[smem:$0x7FF] =	sst s3  }
0x8: {  	s8 =	sshll.u32 s11, $0x1;
	s2 =	sadd.s32 $0x1A00, s2;
	s21 =	sshll.u32 s11, $0x2  }
0x9: {  	s22 =	sshrl.u32 s11, $0x2;
	s11 =	simm.s32 $0x0;
	s6 =	ssub.s32 $0x2, s5  }
0xa: {  	_ =	strace $0x80000047;
	s5 =	sor.u32 s5, s8;
	s12 =	smul.u32 $0x1800, s22  }
0xb: {  	s22 =	simm.s32 $0xC100;
	s7 =	sshrl.u32 s6, $0x1;
	s8 =	smul.u32 $0x6000, s5  }
0xc: {  	s20 =	sshll.u32 s5, $0x7;
	s10 =	smul.u32 $0x30000, s5;
	s5 =	sadd.s32 $0x100, s1  }
0xd: {  	s9 =	ssub.s32 s6, s7;
	s7 =	sand.u32 $0x30, s21;
	s23 =	sand.u32 $0x380, s20  }
0xe: {  	s6 =	sadd.s32 $0x200, s1;
	s20 =	simm.s32 $0x14900;
	s21 =	simm.s32 $0x15100  }
0xf: {  	s0 =	sadd.s32 s0, s7;
	s7 =	sadd.s32 s2, s8;
	s24 =	sshrl.u32 s10, $0x3  }
0x10: {  	s25 =	sor.u32 s12, s23;
	s31 =	smax.u32 s9, $0x1;
	s8 =	simm.s32 $0x15900  }
0x11: {  	s9 =	simm.s32 $0x17100;
	s10 =	simm.s32 $0x1;
	s0 =	sadd.s32 s23, s0  }
0x12: {  	s26 =	sadd.s32 $0x1800, s7;
	s28 =	sshrl.u32 s25, $0x3;
	[dreg:$0xa] =	wrdreg s31  }
0x13: {  	s23 =	simm.s32 $0x16100;
	s25 =	simm.s32 $0x17900;
	[dreg:$0x5] =	wrdreg s0  }
0x14: {  	v2 =	vlaneseq.u32;
	[dreg:$0x6] =	wrdreg s26;
	s0 =	sadd.s32 s2, s24;
	s30 =	sadd.s32 s4, s28  }
0x15: {  	v0 =	vand.u32 $0x7, v2;
	s2 =	simm.s32 $0x80;
	s29 =	sadd.s32 $0x3000, s0;
	[dreg:$0x9] =	wrdreg s30  }
0x16: {  	v1 =	vshrl.u32 v2, $0x3;
	[tilespmem:$0x1FFE0] =	vst v0;
	v0 =	vor.u32 $0x8, v2;
	s4 =	simm.s32 $0x12100;
	s0 =	sadd.s32 $0x4800, s0;
	[dreg:$0x7] =	wrdreg s29  }
0x17: {  	vm0 =	vmmov $0xffff;
	v1 =	vmul.u32 $0x8, v1;
	[tilespmem:$0x1FFF0] =	vst v0;
	s24 =	simm.s32 $0x16900;
	s26 =	simm.s32 $0x2;
	[dreg:$0x8] =	wrdreg s0  }
.LBB2_1:
0x18: {  	s0 =	rddreg [dreg:$0x5];
	s12 =	simm.s32 $0x200  }
0x19: {  	[tilespmem:s3], [sflag:$0x3] =	stream.strided.gather [hbm4b:s0+s2], $0x100, s12, s2, $0x38;
	[tilespmem:$0x18400] =	vst v63  }
0x1a: {  	_ =	swait.ge [sflag:s15], $0x100  }
0x1b: {  	[sflag:s15] =	ssyncset.done $0x0  }
0x1c: {  	[sflag:s15] =	ssyncadd.s32 $0xFFFFFF00  }
0x1d: {  	v3 =	vld [tilespmem:$0x0];
	_ =	sdelay $0x3  }
0x1e: {  	v0 =	vld [tilespmem:$0x1FFE0]  }
0x1f: {  	v4 =	vshrl.u32 v3, $0x3  }
0x20: {  	v4 =	vmul.u32 $0x30, v4  }
0x21: {  	v3 =	vand.u32 $0x7, v3  }
0x22: {  	v3 =	vor.u32 v3, v4  }
0x23: {  	v4 =	vperm.xlane v3, v0  }
0x24: {  	v2 =	vld [tilespmem:$0x1FFF0]  }
0x25: {  	v4 =	vadd.s32 v1, v4;
	_ =	sdelay $0x3  }
0x26: {  	v3 =	vperm.xlane v3, v2  }
0x27: {  	[tilespmem:s16], [sflag:$0x1] =	stream.indirect_vreg.gather [hbm4b:s1+s3], $0x80, v4, vm0, $0xb8;
	[tilespmem:$0x18400] =	vst v63  }
0x28: {  	s2 =	simm.s32 $0x900;
	v3 =	vadd.s32 v1, v3  }
0x29: {  	[tilespmem:s2], [sflag:$0x1] =	stream.indirect_vreg.gather [hbm4b:s5+s3], $0x80, v4, vm0, $0xb8;
	[tilespmem:$0x18400] =	vst v63  }
0x2a: {  	s12 =	simm.s32 $0x1100  }
0x2b: {  	[tilespmem:s12], [sflag:$0x1] =	stream.indirect_vreg.gather [hbm4b:s6+s3], $0x80, v4, vm0, $0xb8;
	[tilespmem:$0x18400] =	vst v63  }
0x2c: {  	s14 =	simm.s32 $0x1900  }
0x2d: {  	[tilespmem:s14], [sflag:$0x1] =	stream.indirect_vreg.gather [hbm4b:s1+s3], $0x80, v3, vm0, $0xb8;
	[tilespmem:$0x18400] =	vst v63  }
0x2e: {  	s29 =	simm.s32 $0x2100  }
0x2f: {  	[tilespmem:s29], [sflag:$0x1] =	stream.indirect_vreg.gather [hbm4b:s5+s3], $0x80, v3, vm0, $0xb8;
	[tilespmem:$0x18400] =	vst v63  }
0x30: {  	s30 =	simm.s32 $0x2900  }
0x31: {  	[tilespmem:s30], [sflag:$0x1] =	stream.indirect_vreg.gather [hbm4b:s6+s3], $0x80, v3, vm0, $0xb8;
	[tilespmem:$0x18400] =	vst v63  }
0x32: {  	v3 =	vld [tilespmem:$0x10];
	_ =	sdelay $0x4  }
0x33: {  	v4 =	vshrl.u32 v3, $0x3  }
0x34: {  	v4 =	vmul.u32 $0x30, v4  }
0x35: {  	v3 =	vand.u32 $0x7, v3  }
0x36: {  	v3 =	vor.u32 v3, v4  }
0x37: {  	v4 =	vperm.xlane v3, v0;
	_ =	sdelay $0x1  }
0x38: {  	v4 =	vadd.s32 v1, v4;
	_ =	sdelay $0x3  }
0x39: {  	s31 =	simm.s32 $0x3100;
	v3 =	vperm.xlane v3, v2  }
0x3a: {  	[tilespmem:s31], [sflag:$0x1] =	stream.indirect_vreg.gather [hbm4b:s1+s3], $0x80, v4, vm0, $0xb8;
	[tilespmem:$0x18400] =	vst v63  }
0x3b: {  	s2 =	simm.s32 $0x3900;
	v3 =	vadd.s32 v1, v3  }
0x3c: {  	[tilespmem:s2], [sflag:$0x1] =	stream.indirect_vreg.gather [hbm4b:s5+s3], $0x80, v4, vm0, $0xb8;
	[tilespmem:$0x18400] =	vst v63  }
0x3d: {  	s12 =	simm.s32 $0x4100  }
0x3e: {  	[tilespmem:s12], [sflag:$0x1] =	stream.indirect_vreg.gather [hbm4b:s6+s3], $0x80, v4, vm0, $0xb8;
	[tilespmem:$0x18400] =	vst v63  }
0x3f: {  	s14 =	simm.s32 $0x4900  }
0x40: {  	[tilespmem:s14], [sflag:$0x1] =	stream.indirect_vreg.gather [hbm4b:s1+s3], $0x80, v3, vm0, $0xb8;
	[tilespmem:$0x18400] =	vst v63  }
0x41: {  	s29 =	simm.s32 $0x5100  }
0x42: {  	[tilespmem:s29], [sflag:$0x1] =	stream.indirect_vreg.gather [hbm4b:s5+s3], $0x80, v3, vm0, $0xb8;
	[tilespmem:$0x18400] =	vst v63  }
0x43: {  	s30 =	simm.s32 $0x5900  }
0x44: {  	[tilespmem:s30], [sflag:$0x1] =	stream.indirect_vreg.gather [hbm4b:s6+s3], $0x80, v3, vm0, $0xb8;
	[tilespmem:$0x18400] =	vst v63  }
0x45: {  	v3 =	vld [tilespmem:$0x20];
	_ =	sdelay $0x4  }
0x46: {  	v4 =	vshrl.u32 v3, $0x3  }
0x47: {  	v4 =	vmul.u32 $0x30, v4  }
0x48: {  	v3 =	vand.u32 $0x7, v3  }
0x49: {  	v3 =	vor.u32 v3, v4  }
0x4a: {  	v4 =	vperm.xlane v3, v0;
	_ =	sdelay $0x1  }
0x4b: {  	v4 =	vadd.s32 v1, v4;
	_ =	sdelay $0x3  }
0x4c: {  	s31 =	simm.s32 $0x6100;
	v3 =	vperm.xlane v3, v2  }
0x4d: {  	[tilespmem:s31], [sflag:$0x1] =	stream.indirect_vreg.gather [hbm4b:s1+s3], $0x80, v4, vm0, $0xb8;
	[tilespmem:$0x18400] =	vst v63  }
0x4e: {  	s2 =	simm.s32 $0x6900;
	v3 =	vadd.s32 v1, v3  }
0x4f: {  	[tilespmem:s2], [sflag:$0x1] =	stream.indirect_vreg.gather [hbm4b:s5+s3], $0x80, v4, vm0, $0xb8;
	[tilespmem:$0x18400] =	vst v63  }
0x50: {  	s12 =	simm.s32 $0x7100  }
0x51: {  	[tilespmem:s12], [sflag:$0x1] =	stream.indirect_vreg.gather [hbm4b:s6+s3], $0x80, v4, vm0, $0xb8;
	[tilespmem:$0x18400] =	vst v63  }
0x52: {  	s14 =	simm.s32 $0x7900  }
0x53: {  	[tilespmem:s14], [sflag:$0x1] =	stream.indirect_vreg.gather [hbm4b:s1+s3], $0x80, v3, vm0, $0xb8;
	[tilespmem:$0x18400] =	vst v63  }
0x54: {  	s29 =	simm.s32 $0x8100  }
0x55: {  	[tilespmem:s29], [sflag:$0x1] =	stream.indirect_vreg.gather [hbm4b:s5+s3], $0x80, v3, vm0, $0xb8;
	[tilespmem:$0x18400] =	vst v63  }
0x56: {  	s30 =	simm.s32 $0x8900  }
0x57: {  	[tilespmem:s30], [sflag:$0x1] =	stream.indirect_vreg.gather [hbm4b:s6+s3], $0x80, v3, vm0, $0xb8;
	[tilespmem:$0x18400] =	vst v63  }
0x58: {  	v3 =	vld [tilespmem:$0x30];
	_ =	sdelay $0x4  }
0x59: {  	v4 =	vshrl.u32 v3, $0x3  }
0x5a: {  	v4 =	vmul.u32 $0x30, v4  }
0x5b: {  	v3 =	vand.u32 $0x7, v3  }
0x5c: {  	v3 =	vor.u32 v3, v4  }
0x5d: {  	v4 =	vperm.xlane v3, v0;
	_ =	sdelay $0x1  }
0x5e: {  	v4 =	vadd.s32 v1, v4;
	_ =	sdelay $0x3  }
0x5f: {  	s31 =	simm.s32 $0x9100;
	v3 =	vperm.xlane v3, v2  }
0x60: {  	[tilespmem:s31], [sflag:$0x1] =	stream.indirect_vreg.gather [hbm4b:s1+s3], $0x80, v4, vm0, $0xb8;
	[tilespmem:$0x18400] =	vst v63  }
0x61: {  	s2 =	simm.s32 $0x9900;
	v3 =	vadd.s32 v1, v3  }
0x62: {  	[tilespmem:s2], [sflag:$0x1] =	stream.indirect_vreg.gather [hbm4b:s5+s3], $0x80, v4, vm0, $0xb8;
	[tilespmem:$0x18400] =	vst v63  }
0x63: {  	s12 =	simm.s32 $0xA100  }
0x64: {  	[tilespmem:s12], [sflag:$0x1] =	stream.indirect_vreg.gather [hbm4b:s6+s3], $0x80, v4, vm0, $0xb8;
	[tilespmem:$0x18400] =	vst v63  }
0x65: {  	s14 =	simm.s32 $0xA900  }
0x66: {  	[tilespmem:s14], [sflag:$0x1] =	stream.indirect_vreg.gather [hbm4b:s1+s3], $0x80, v3, vm0, $0xb8;
	[tilespmem:$0x18400] =	vst v63  }
0x67: {  	s29 =	simm.s32 $0xB100  }
0x68: {  	[tilespmem:s29], [sflag:$0x1] =	stream.indirect_vreg.gather [hbm4b:s5+s3], $0x80, v3, vm0, $0xb8;
	[tilespmem:$0x18400] =	vst v63  }
0x69: {  	s30 =	simm.s32 $0xB900  }
0x6a: {  	[tilespmem:s30], [sflag:$0x1] =	stream.indirect_vreg.gather [hbm4b:s6+s3], $0x80, v3, vm0, $0xb8;
	[tilespmem:$0x18400] =	vst v63  }
0x6b: {  	v3 =	vld [tilespmem:$0x40];
	_ =	sdelay $0x4  }
0x6c: {  	v4 =	vshrl.u32 v3, $0x3  }
0x6d: {  	v4 =	vmul.u32 $0x30, v4  }
0x6e: {  	v3 =	vand.u32 $0x7, v3  }
0x6f: {  	v3 =	vor.u32 v3, v4  }
0x70: {  	v4 =	vperm.xlane v3, v0;
	_ =	sdelay $0x1  }
0x71: {  	v4 =	vadd.s32 v1, v4;
	_ =	sdelay $0x3  }
0x72: {  	v3 =	vperm.xlane v3, v2  }
0x73: {  	[tilespmem:s22], [sflag:$0x1] =	stream.indirect_vreg.gather [hbm4b:s1+s3], $0x80, v4, vm0, $0xb8;
	[tilespmem:$0x18400] =	vst v63  }
0x74: {  	s31 =	simm.s32 $0xC900;
	v3 =	vadd.s32 v1, v3  }
0x75: {  	[tilespmem:s31], [sflag:$0x1] =	stream.indirect_vreg.gather [hbm4b:s5+s3], $0x80, v4, vm0, $0xb8;
	[tilespmem:$0x18400] =	vst v63  }
0x76: {  	s2 =	simm.s32 $0xD100  }
0x77: {  	[tilespmem:s2], [sflag:$0x1] =	stream.indirect_vreg.gather [hbm4b:s6+s3], $0x80, v4, vm0, $0xb8;
	[tilespmem:$0x18400] =	vst v63  }
0x78: {  	s12 =	simm.s32 $0xD900  }
0x79: {  	[tilespmem:s12], [sflag:$0x1] =	stream.indirect_vreg.gather [hbm4b:s1+s3], $0x80, v3, vm0, $0xb8;
	[tilespmem:$0x18400] =	vst v63  }
0x7a: {  	s14 =	simm.s32 $0xE100  }
0x7b: {  	[tilespmem:s14], [sflag:$0x1] =	stream.indirect_vreg.gather [hbm4b:s5+s3], $0x80, v3, vm0, $0xb8;
	[tilespmem:$0x18400] =	vst v63  }
0x7c: {  	s29 =	simm.s32 $0xE900  }
0x7d: {  	[tilespmem:s29], [sflag:$0x1] =	stream.indirect_vreg.gather [hbm4b:s6+s3], $0x80, v3, vm0, $0xb8;
	[tilespmem:$0x18400] =	vst v63  }
0x7e: {  	v3 =	vld [tilespmem:$0x50];
	_ =	sdelay $0x4  }
0x7f: {  	v4 =	vshrl.u32 v3, $0x3  }
0x80: {  	v4 =	vmul.u32 $0x30, v4  }
0x81: {  	v3 =	vand.u32 $0x7, v3  }
0x82: {  	v3 =	vor.u32 v3, v4  }
0x83: {  	v4 =	vperm.xlane v3, v0;
	_ =	sdelay $0x1  }
0x84: {  	v4 =	vadd.s32 v1, v4;
	_ =	sdelay $0x3  }
0x85: {  	s30 =	simm.s32 $0xF100;
	v3 =	vperm.xlane v3, v2  }
0x86: {  	[tilespmem:s30], [sflag:$0x1] =	stream.indirect_vreg.gather [hbm4b:s1+s3], $0x80, v4, vm0, $0xb8;
	[tilespmem:$0x18400] =	vst v63  }
0x87: {  	s31 =	simm.s32 $0xF900;
	v3 =	vadd.s32 v1, v3  }
0x88: {  	[tilespmem:s31], [sflag:$0x1] =	stream.indirect_vreg.gather [hbm4b:s5+s3], $0x80, v4, vm0, $0xb8;
	[tilespmem:$0x18400] =	vst v63  }
0x89: {  	s2 =	simm.s32 $0x10100  }
0x8a: {  	[tilespmem:s2], [sflag:$0x1] =	stream.indirect_vreg.gather [hbm4b:s6+s3], $0x80, v4, vm0, $0xb8;
	[tilespmem:$0x18400] =	vst v63  }
0x8b: {  	s12 =	simm.s32 $0x10900  }
0x8c: {  	[tilespmem:s12], [sflag:$0x1] =	stream.indirect_vreg.gather [hbm4b:s1+s3], $0x80, v3, vm0, $0xb8;
	[tilespmem:$0x18400] =	vst v63  }
0x8d: {  	s14 =	simm.s32 $0x11100  }
0x8e: {  	[tilespmem:s14], [sflag:$0x1] =	stream.indirect_vreg.gather [hbm4b:s5+s3], $0x80, v3, vm0, $0xb8;
	[tilespmem:$0x18400] =	vst v63  }
0x8f: {  	s29 =	simm.s32 $0x11900  }
0x90: {  	[tilespmem:s29], [sflag:$0x1] =	stream.indirect_vreg.gather [hbm4b:s6+s3], $0x80, v3, vm0, $0xb8;
	[tilespmem:$0x18400] =	vst v63  }
0x91: {  	v3 =	vld [tilespmem:$0x60];
	_ =	sdelay $0x4  }
0x92: {  	v4 =	vshrl.u32 v3, $0x3  }
0x93: {  	v4 =	vmul.u32 $0x30, v4  }
0x94: {  	v3 =	vand.u32 $0x7, v3  }
0x95: {  	v3 =	vor.u32 v3, v4  }
0x96: {  	v4 =	vperm.xlane v3, v0;
	_ =	sdelay $0x1  }
0x97: {  	v4 =	vadd.s32 v1, v4;
	_ =	sdelay $0x3  }
0x98: {  	v3 =	vperm.xlane v3, v2  }
0x99: {  	[tilespmem:s4], [sflag:$0x1] =	stream.indirect_vreg.gather [hbm4b:s1+s3], $0x80, v4, vm0, $0xb8;
	[tilespmem:$0x18400] =	vst v63  }
0x9a: {  	v3 =	vadd.s32 v1, v3  }
0x9b: {  	[tilespmem:s13], [sflag:$0x1] =	stream.indirect_vreg.gather [hbm4b:s5+s3], $0x80, v4, vm0, $0xb8;
	[tilespmem:$0x18400] =	vst v63  }
0x9c: {  	_ = 	snop  }
0x9d: {  	[tilespmem:s17], [sflag:$0x1] =	stream.indirect_vreg.gather [hbm4b:s6+s3], $0x80, v4, vm0, $0xb8;
	[tilespmem:$0x18400] =	vst v63  }
0x9e: {  	_ = 	snop  }
0x9f: {  	[tilespmem:s18], [sflag:$0x1] =	stream.indirect_vreg.gather [hbm4b:s1+s3], $0x80, v3, vm0, $0xb8;
	[tilespmem:$0x18400] =	vst v63  }
0xa0: {  	_ = 	snop  }
0xa1: {  	[tilespmem:s19], [sflag:$0x1] =	stream.indirect_vreg.gather [hbm4b:s5+s3], $0x80, v3, vm0, $0xb8;
	[tilespmem:$0x18400] =	vst v63  }
0xa2: {  	_ = 	snop  }
0xa3: {  	[tilespmem:s20], [sflag:$0x1] =	stream.indirect_vreg.gather [hbm4b:s6+s3], $0x80, v3, vm0, $0xb8;
	[tilespmem:$0x18400] =	vst v63  }
0xa4: {  	v3 =	vld [tilespmem:$0x70];
	_ =	sdelay $0x4  }
0xa5: {  	v4 =	vshrl.u32 v3, $0x3  }
0xa6: {  	v4 =	vmul.u32 $0x30, v4  }
0xa7: {  	v3 =	vand.u32 $0x7, v3  }
0xa8: {  	v3 =	vor.u32 v3, v4  }
0xa9: {  	v4 =	vperm.xlane v3, v0;
	_ =	sdelay $0x1  }
0xaa: {  	v4 =	vadd.s32 v1, v4;
	_ =	sdelay $0x3  }
0xab: {  	v3 =	vperm.xlane v3, v2  }
0xac: {  	[tilespmem:s21], [sflag:$0x1] =	stream.indirect_vreg.gather [hbm4b:s1+s3], $0x80, v4, vm0, $0xb8;
	[tilespmem:$0x18400] =	vst v63  }
0xad: {  	v3 =	vadd.s32 v1, v3  }
0xae: {  	[tilespmem:s8], [sflag:$0x1] =	stream.indirect_vreg.gather [hbm4b:s5+s3], $0x80, v4, vm0, $0xb8;
	[tilespmem:$0x18400] =	vst v63  }
0xaf: {  	_ = 	snop  }
0xb0: {  	[tilespmem:s23], [sflag:$0x1] =	stream.indirect_vreg.gather [hbm4b:s6+s3], $0x80, v4, vm0, $0xb8;
	[tilespmem:$0x18400] =	vst v63  }
0xb1: {  	_ = 	snop  }
0xb2: {  	[tilespmem:s24], [sflag:$0x1] =	stream.indirect_vreg.gather [hbm4b:s1+s3], $0x80, v3, vm0, $0xb8;
	[tilespmem:$0x18400] =	vst v63  }
0xb3: {  	s30 =	simm.s32 $0x0  }
0xb4: {  	[tilespmem:s9], [sflag:$0x1] =	stream.indirect_vreg.gather [hbm4b:s5+s3], $0x80, v3, vm0, $0xb8;
	[tilespmem:$0x18400] =	vst v63  }
0xb5: {  	s0 =	smul.u32 $0x6000, s30  }
0xb6: {  	[tilespmem:s25], [sflag:$0x1] =	stream.indirect_vreg.gather [hbm4b:s6+s3], $0x80, v3, vm0, $0xb8;
	[tilespmem:$0x18400] =	vst v63  }
0xb7: {  	_ =	swait.ge [sflag:s10], $0xC000  }
0xb8: {  	s31 =	sand.u32 $0x380, s3;
	s0 =	sshra.s32 s0, $0x2;
	[sflag:s10] =	ssyncset.done $0x0  }
0xb9: {  	s12 =	sor.u32 s31, s0;
	[sflag:s10] =	ssyncadd.s32 $0xFFFF4000  }
0xba: {  	[hbm4b:s7+s3] =	stream.linear.scatter [tilespmem:s16], [sflag:$0x2], $0xC000, $0x38;
	[tilespmem:$0x18400] =	vst v63  }
0xbb: {  	v3 =	vld [tilespmem:s12+$0x570]  }
0xbc: {  	v4 =	vld [tilespmem:s12+$0x100]  }
0xbd: {  	v5 =	vld [tilespmem:s12+$0x110]  }
0xbe: {  	v8 =	vld [tilespmem:s12+$0x120]  }
0xbf: {  	v9 =	vld [tilespmem:s12+$0x130]  }
0xc0: {  	v10 =	vld [tilespmem:s12+$0x140]  }
0xc1: {  	v12 =	vimm.f32 $0.0e+00;
	v16 =	vimm.f32 $0.0e+00;
	v11 =	vld [tilespmem:s12+$0x150]  }
0xc2: {  	v13 =	vimm.f32 $0.0e+00;
	v14 =	vimm.f32 $0.0e+00;
	v15 =	vimm.f32 $0.0e+00;
	v20 =	vld [tilespmem:s12+$0x160]  }
0xc3: {  	v19 =	vimm.f32 $0.0e+00;
	v22 =	vld [tilespmem:s12+$0x170];
	v6 =	vadd.f32 v3, v12;
	v7 =	vadd.f32 v4, v12  }
0xc4: {  	v17 =	vimm.f32 $0.0e+00;
	v21 =	vld [tilespmem:s12+$0x500];
	v3 =	vadd.f32 v5, v12;
	v8 =	vadd.f32 v8, v12  }
0xc5: {  	v18 =	vimm.f32 $0.0e+00;
	v23 =	vld [tilespmem:s12+$0x510];
	v4 =	vadd.f32 v9, v12;
	v9 =	vadd.f32 v10, v12  }
0xc6: {  	s28 =	simm.s32 $0x0;
	s2 =	simm.s32 $0x0;
	s0 =	simm.s32 $0x2;
	v24 =	vld [tilespmem:s12+$0x520];
	v5 =	vadd.f32 v11, v12;
	v11 =	vimm.f32 $0.0e+00;
	v10 =	vimm.f32 $0.0e+00  }
.LBB2_2:
0xc7: {  	p0 =	sne.s32 s0, $0x3F;
	s2 =	smul.u32 $0x6000, s2;
	v16 =	vadd.f32 v20, v16;
	v20 =	vld [tilespmem:s12+$0x530]  }
0xc8: {  	s28 =	sadd.s32 $0x80, s28;
	v11 =	vadd.f32 v22, v11;
	v22 =	vld [tilespmem:s12+$0x540]  }
0xc9: {  	s29 =	sand.u32 $0x380, s28;
	s2 =	sshra.s32 s2, $0x2;
	v13 =	vadd.f32 v21, v13;
	v21 =	vld [tilespmem:s12+$0x550]  }
0xca: {  	v14 =	vadd.f32 v23, v14;
	v23 =	vld [tilespmem:s12+$0x560];
	s12 =	sor.u32 s29, s2  }
0xcb: {  	v25 =	vld [tilespmem:s12+$0x570];
	v15 =	vadd.f32 v24, v15  }
0xcc: {  	v24 =	vld [tilespmem:s12+$0x100];
	v10 =	vadd.f32 v20, v10  }
0xcd: {  	v20 =	vld [tilespmem:s12+$0x110];
	v19 =	vadd.f32 v22, v19  }
0xce: {  	v22 =	vld [tilespmem:s12+$0x120];
	v17 =	vadd.f32 v21, v17  }
0xcf: {  	v21 =	vld [tilespmem:s12+$0x130];
	v18 =	vadd.f32 v23, v18  }
0xd0: {  	v23 =	vld [tilespmem:s12+$0x140];
	v6 =	vadd.f32 v25, v6  }
0xd1: {  	v7 =	vadd.f32 v24, v7;
	v24 =	vld [tilespmem:s12+$0x150]  }
.Ltmp0:
0xd2: {  	v3 =	vadd.f32 v20, v3;
	v20 =	vld [tilespmem:s12+$0x160];
	(pc) =	sbr.rel @p0 .LBB2_2-.Ltmp0, $4  }
0xd3: {  	v8 =	vadd.f32 v22, v8;
	v22 =	vld [tilespmem:s12+$0x170]  }
0xd4: {  	v4 =	vadd.f32 v21, v4;
	v21 =	vld [tilespmem:s12+$0x500]  }
0xd5: {  	v9 =	vadd.f32 v23, v9;
	v23 =	vld [tilespmem:s12+$0x510]  }
0xd6: {  	s2 =	sshrl.u32 s0, $0x3;
	s0 =	sadd.s32 $0x1, s0;
	v5 =	vadd.f32 v24, v5;
	v24 =	vld [tilespmem:s12+$0x520]  }
0xd7: {  	s0 =	smul.u32 $0x6000, s2;
	v25 =	vld [tilespmem:s12+$0x530]  }
0xd8: {  	v26 =	vld [tilespmem:s12+$0x540];
	s14 =	sadd.s32 $0x80, s28  }
0xd9: {  	v27 =	vld [tilespmem:s12+$0x550];
	s2 =	sand.u32 $0x380, s14;
	s0 =	sshra.s32 s0, $0x2  }
0xda: {  	v28 =	vld [tilespmem:s12+$0x560];
	s0 =	sor.u32 s2, s0  }
0xdb: {  	v29 =	vld [tilespmem:s0+$0x570]  }
0xdc: {  	v30 =	vld [tilespmem:s0+$0x100]  }
0xdd: {  	v31 =	vld [tilespmem:s0+$0x110]  }
0xde: {  	v32 =	vld [tilespmem:s0+$0x120]  }
0xdf: {  	v33 =	vld [tilespmem:s0+$0x130]  }
0xe0: {  	v34 =	vld [tilespmem:s0+$0x140]  }
0xe1: {  	v16 =	vadd.f32 v20, v16;
	v11 =	vadd.f32 v22, v11;
	v35 =	vld [tilespmem:s0+$0x150]  }
0xe2: {  	v13 =	vadd.f32 v21, v13;
	v14 =	vadd.f32 v23, v14;
	v36 =	vld [tilespmem:s0+$0x160]  }
0xe3: {  	v20 =	vld [tilespmem:s0+$0x170];
	v15 =	vadd.f32 v24, v15;
	v39 =	vadd.f32 v25, v10  }
0xe4: {  	v37 =	vld [tilespmem:s0+$0x500];
	v19 =	vadd.f32 v26, v19;
	v17 =	vadd.f32 v27, v17  }
0xe5: {  	v38 =	vld [tilespmem:s0+$0x510];
	v18 =	vadd.f32 v28, v18;
	v23 =	vadd.f32 v29, v6  }
0xe6: {  	v40 =	vld [tilespmem:s0+$0x520];
	v2 =	vadd.f32 v30, v7;
	v24 =	vadd.f32 v31, v3  }
0xe7: {  	v21 =	vadd.f32 v32, v8;
	v25 =	vadd.f32 v33, v4  }
0xe8: {  	v28 =	vld [tilespmem:s0+$0x530];
	v22 =	vadd.f32 v34, v9;
	v0 =	vadd.f32 v35, v5  }
0xe9: {  	v29 =	vld [tilespmem:s0+$0x540];
	v10 =	vadd.f32 v36, v16;
	v11 =	vadd.f32 v20, v11  }
0xea: {  	v3 =	vld [tilespmem:s0+$0x550];
	v8 =	vadd.f32 v37, v13;
	v9 =	vadd.f32 v38, v14  }
0xeb: {  	v30 =	vld [tilespmem:s0+$0x560];
	v6 =	vadd.f32 v40, v15;
	v20 =	vimm.f32 $0.0e+00;
	v31 =	vimm.f32 $0.0e+00  }
0xec: {  	p1 =	por $0x1, $0x1;
	v32 =	vimm.f32 $0.0e+00;
	v33 =	vimm.f32 $0.0e+00;
	v34 =	vimm.f32 $0.0e+00  }
.Ltmp1:
0xed: {  	v35 =	vimm.f32 $0.0e+00;
	v13 =	vimm.f32 $0.0e+00;
	v14 =	vimm.f32 $0.0e+00;
	(pc) =	sbr.rel @!p1 .LBB2_7-.Ltmp1, $4  }
0xee: {  	v15 =	vimm.f32 $0.0e+00;
	v16 =	vimm.f32 $0.0e+00;
	v7 =	vadd.f32 v28, v39  }
0xef: {  	s28 =	simm.s32 $0x0;
	v28 =	vimm.f32 $0.0e+00;
	v4 =	vadd.f32 v29, v19;
	v5 =	vadd.f32 v3, v17  }
0xf0: {  	s12 =	simm.s32 $0x0;
	p0 =	por $0x0, $0x0;
	s31 =	simm.s32 $0x0;
	v3 =	vadd.f32 v30, v18;
	v17 =	vimm.f32 $0.0e+00;
	v29 =	vimm.f32 $0.0e+00  }
0xf1: {  	p2 =	por $0x0, $0x0;
	s29 =	sand.u32 $0x380, s28;
	s2 =	simm.s32 $0x0;
	v30 =	vimm.f32 $0.0e+00;
	v18 =	vimm.f32 $0.0e+00;
	v19 =	vimm.f32 $0.0e+00  }
0xf2: {  	s0 =	smul.u32 $0x6000, s12;
	_ =	sdelay $0x1  }
0xf3: {  	s0 =	sshra.s32 s0, $0x2  }
0xf4: {  	s30 =	sor.u32 s29, s0  }
0xf5: {  	v13 =	vld [tilespmem:s30+$0xD70]  }
0xf6: {  	v14 =	vld [tilespmem:s30+$0x900]  }
0xf7: {  	v15 =	vld [tilespmem:s30+$0x910]  }
0xf8: {  	v16 =	vld [tilespmem:s30+$0x920]  }
0xf9: {  	v17 =	vld [tilespmem:s30+$0x930]  }
0xfa: {  	v19 =	vld [tilespmem:s30+$0x940]  }
0xfb: {  	v29 =	vimm.f32 $0.0e+00;
	p3 =	por $0x1, $0x1;
	v20 =	vld [tilespmem:s30+$0x950]  }
.Ltmp2:
0xfc: {  	v30 =	vimm.f32 $0.0e+00;
	v31 =	vimm.f32 $0.0e+00;
	v32 =	vimm.f32 $0.0e+00;
	v36 =	vld [tilespmem:s30+$0x960];
	(pc) =	sbr.rel @!p3 .LBB2_5-.Ltmp2, $4  }
0xfd: {  	v33 =	vimm.f32 $0.0e+00;
	v37 =	vld [tilespmem:s30+$0x970];
	v13 =	vadd.f32 v13, v12;
	v14 =	vadd.f32 v14, v12  }
0xfe: {  	v34 =	vimm.f32 $0.0e+00;
	v38 =	vld [tilespmem:s30+$0xD00];
	v15 =	vadd.f32 v15, v12;
	v16 =	vadd.f32 v16, v12  }
0xff: {  	s2 =	simm.s32 $0x0;
	v35 =	vimm.f32 $0.0e+00;
	v39 =	vld [tilespmem:s30+$0xD10];
	v18 =	vadd.f32 v17, v12;
	v19 =	vadd.f32 v19, v12  }
0x100: {  	p2 =	por $0x1, $0x1;
	s31 =	simm.s32 $0x0;
	s0 =	simm.s32 $0x2;
	v40 =	vld [tilespmem:s30+$0xD20];
	v28 =	vadd.f32 v20, v12;
	v17 =	vimm.f32 $0.0e+00;
	v20 =	vimm.f32 $0.0e+00  }
.LBB2_6:
0x101: {  	p3 =	sne.s32 s0, $0x3F;
	s2 =	smul.u32 $0x6000, s2;
	v17 =	vadd.f32 v36, v17;
	v36 =	vld [tilespmem:s30+$0xD30]  }
0x102: {  	s31 =	sadd.s32 $0x80, s31;
	v20 =	vadd.f32 v37, v20;
	v37 =	vld [tilespmem:s30+$0xD40]  }
0x103: {  	s14 =	sand.u32 $0x380, s31;
	s2 =	sshra.s32 s2, $0x2;
	v29 =	vadd.f32 v38, v29;
	v38 =	vld [tilespmem:s30+$0xD50]  }
0x104: {  	v30 =	vadd.f32 v39, v30;
	v39 =	vld [tilespmem:s30+$0xD60];
	s30 =	sor.u32 s14, s2  }
0x105: {  	v41 =	vld [tilespmem:s30+$0xD70];
	v31 =	vadd.f32 v40, v31  }
0x106: {  	v40 =	vld [tilespmem:s30+$0x900];
	v32 =	vadd.f32 v36, v32  }
0x107: {  	v36 =	vld [tilespmem:s30+$0x910];
	v33 =	vadd.f32 v37, v33  }
0x108: {  	v37 =	vld [tilespmem:s30+$0x920];
	v34 =	vadd.f32 v38, v34  }
0x109: {  	v38 =	vld [tilespmem:s30+$0x930];
	v35 =	vadd.f32 v39, v35  }
0x10a: {  	v39 =	vld [tilespmem:s30+$0x940];
	v13 =	vadd.f32 v41, v13  }
0x10b: {  	v14 =	vadd.f32 v40, v14;
	v40 =	vld [tilespmem:s30+$0x950]  }
.Ltmp3:
0x10c: {  	v15 =	vadd.f32 v36, v15;
	v36 =	vld [tilespmem:s30+$0x960];
	(pc) =	sbr.rel @p3 .LBB2_6-.Ltmp3, $4  }
0x10d: {  	v16 =	vadd.f32 v37, v16;
	v37 =	vld [tilespmem:s30+$0x970]  }
0x10e: {  	v18 =	vadd.f32 v38, v18;
	v38 =	vld [tilespmem:s30+$0xD00]  }
0x10f: {  	v19 =	vadd.f32 v39, v19;
	v39 =	vld [tilespmem:s30+$0xD10]  }
0x110: {  	s2 =	sshrl.u32 s0, $0x3;
	s0 =	sadd.s32 $0x1, s0;
	v28 =	vadd.f32 v40, v28;
	v40 =	vld [tilespmem:s30+$0xD20]  }
.LBB2_7:
0x111: {  	s0 =	smul.u32 $0x6000, s2;
	v41 =	vld @p2 [tilespmem:s30+$0xD30];
	s2 =	sadd.s32 @p2 $0x80, s31;
	s14 =	simm.s32 $0x0  }
0x112: {  	v42 =	vld @p2 [tilespmem:s30+$0xD40];
	s14 =	smov.u32 @p2 s2  }
0x113: {  	v43 =	vld @p2 [tilespmem:s30+$0xD50];
	s2 =	sand.u32 $0x380, s14;
	s0 =	sshra.s32 s0, $0x2  }
0x114: {  	v44 =	vld @p2 [tilespmem:s30+$0xD60];
	s0 =	sor.u32 s2, s0  }
0x115: {  	v45 =	vld [tilespmem:s0+$0xD70]  }
0x116: {  	v46 =	vld [tilespmem:s0+$0x900]  }
0x117: {  	v47 =	vld [tilespmem:s0+$0x910]  }
0x118: {  	v48 =	vld [tilespmem:s0+$0x920]  }
0x119: {  	v49 =	vld [tilespmem:s0+$0x930]  }
0x11a: {  	v50 =	vld [tilespmem:s0+$0x940]  }
0x11b: {  	v51 =	vld [tilespmem:s0+$0x950]  }
0x11c: {  	v17 =	vadd.f32 @p2 v36, v17;
	[tilespmem:$0x1FF00] =	vst v0;
	v20 =	vadd.f32 @p2 v37, v20;
	v63 =	vld [tilespmem:s0+$0x960]  }
0x11d: {  	[tilespmem:$0x1FF10] =	vst v2;
	v29 =	vadd.f32 @p2 v38, v29;
	v30 =	vadd.f32 @p2 v39, v30;
	v52 =	vld [tilespmem:s0+$0x970]  }
0x11e: {  	[tilespmem:$0x1FF20] =	vst v21;
	v31 =	vadd.f32 @p2 v40, v31;
	v53 =	vld [tilespmem:s0+$0xD00];
	v32 =	vadd.f32 @p2 v41, v32  }
0x11f: {  	[tilespmem:$0x1FF30] =	vst v22;
	v54 =	vld [tilespmem:s0+$0xD10];
	v33 =	vadd.f32 @p2 v42, v33;
	v34 =	vadd.f32 @p2 v43, v34  }
0x120: {  	[tilespmem:$0x1FF40] =	vst v23;
	v59 =	vld [tilespmem:s0+$0xD50];
	v35 =	vadd.f32 @p2 v44, v35;
	v27 =	vadd.f32 v45, v13  }
0x121: {  	[tilespmem:$0x1FF50] =	vst v24;
	v60 =	vld [tilespmem:s0+$0xD60];
	v46 =	vadd.f32 v46, v14;
	v26 =	vadd.f32 v51, v28  }
0x122: {  	[tilespmem:$0x1FF60] =	vst v25;
	v44 =	vld [tilespmem:s0+$0xD20];
	v61 =	vpsel p2, v32, v12;
	v55 =	vadd.f32 v47, v15;
	v56 =	vadd.f32 v48, v16  }
0x123: {  	v62 =	vpsel p2, v33, v12;
	v15 =	vld [tilespmem:s0+$0xD30];
	v57 =	vadd.f32 v49, v18;
	v58 =	vadd.f32 v50, v19;
	[tilespmem:$0x1FF70] =	vst v26  }
0x124: {  	v16 =	vld [tilespmem:s0+$0xD40];
	v13 =	vpsel p2, v17, v12;
	v17 =	vpsel p2, v20, v12;
	v18 =	vpsel p2, v29, v12;
	[tilespmem:$0x1FF80] =	vst v27  }
.Ltmp4:
0x125: {  	v19 =	vpsel p2, v31, v12;
	v14 =	vadd.f32 v63, v13;
	v17 =	vadd.f32 v52, v17;
	[tilespmem:$0x1FF90] =	vst v46;
	(pc) =	sbr.rel @!p1 .LBB2_8-.Ltmp4, $4  }
0x126: {  	v13 =	vadd.f32 v53, v18;
	v18 =	vpsel p2, v30, v12;
	v63 =	vpsel p2, v34, v12;
	[tilespmem:$0x1FFA0] =	vst v55  }
0x127: {  	v12 =	vpsel p2, v35, v12;
	v20 =	vadd.f32 v54, v18;
	v18 =	vadd.f32 v44, v19;
	[tilespmem:$0x1FFB0] =	vst v56  }
0x128: {  	v12 =	vadd.f32 v60, v12;
	[tilespmem:$0x1FFC0] =	vst v57;
	v19 =	vadd.f32 v15, v61  }
0x129: {  	v34 =	vimm.f32 $0.0e+00;
	[tilespmem:$0x1FFD0] =	vst v58;
	v15 =	vadd.f32 v16, v62;
	v16 =	vadd.f32 v59, v63  }
0x12a: {  	s0 =	smul.u32 $0x6000, s12;
	_ =	sdelay $0x1  }
0x12b: {  	s0 =	sshra.s32 s0, $0x2  }
0x12c: {  	s29 =	sor.u32 s29, s0  }
0x12d: {  	v28 =	vld [tilespmem:s29+$0x1570]  }
0x12e: {  	v29 =	vld [tilespmem:s29+$0x1100]  }
0x12f: {  	v30 =	vld [tilespmem:s29+$0x1110]  }
0x130: {  	v31 =	vld [tilespmem:s29+$0x1120]  }
0x131: {  	v32 =	vld [tilespmem:s29+$0x1130]  }
0x132: {  	v33 =	vld [tilespmem:s29+$0x1140]  }
0x133: {  	v36 =	vimm.f32 $0.0e+00;
	p1 =	por $0x1, $0x1;
	v35 =	vld [tilespmem:s29+$0x1150]  }
.Ltmp5:
0x134: {  	v44 =	vimm.f32 $0.0e+00;
	v45 =	vimm.f32 $0.0e+00;
	v46 =	vimm.f32 $0.0e+00;
	v52 =	vld [tilespmem:s29+$0x1160];
	(pc) =	sbr.rel @!p1 .LBB2_10-.Ltmp5, $4  }
0x135: {  	v47 =	vimm.f32 $0.0e+00;
	v48 =	vimm.f32 $0.0e+00;
	v53 =	vld [tilespmem:s29+$0x1170];
	v28 =	vadd.f32 v28, v34  }
0x136: {  	v49 =	vimm.f32 $0.0e+00;
	v54 =	vld [tilespmem:s29+$0x1500];
	v29 =	vadd.f32 v29, v34;
	v30 =	vadd.f32 v30, v34  }
0x137: {  	s12 =	simm.s32 $0x0;
	v50 =	vimm.f32 $0.0e+00;
	v55 =	vld [tilespmem:s29+$0x1510];
	v31 =	vadd.f32 v31, v34;
	v32 =	vadd.f32 v32, v34  }
0x138: {  	p0 =	por $0x1, $0x1;
	s30 =	simm.s32 $0x0;
	v51 =	vimm.f32 $0.0e+00;
	s0 =	simm.s32 $0x2;
	v56 =	vld [tilespmem:s29+$0x1520];
	v33 =	vadd.f32 v33, v34;
	v35 =	vadd.f32 v35, v34  }
.LBB2_11:
0x139: {  	p1 =	sne.s32 s0, $0x3F;
	s2 =	smul.u32 $0x6000, s12;
	v36 =	vadd.f32 v52, v36;
	v52 =	vld [tilespmem:s29+$0x1530]  }
0x13a: {  	s30 =	sadd.s32 $0x80, s30;
	v44 =	vadd.f32 v53, v44;
	v53 =	vld [tilespmem:s29+$0x1540]  }
0x13b: {  	s12 =	sand.u32 $0x380, s30;
	s2 =	sshra.s32 s2, $0x2;
	v45 =	vadd.f32 v54, v45;
	v54 =	vld [tilespmem:s29+$0x1550]  }
0x13c: {  	v46 =	vadd.f32 v55, v46;
	v55 =	vld [tilespmem:s29+$0x1560];
	s29 =	sor.u32 s12, s2  }
0x13d: {  	v57 =	vld [tilespmem:s29+$0x1570];
	v47 =	vadd.f32 v56, v47  }
0x13e: {  	v56 =	vld [tilespmem:s29+$0x1100];
	v48 =	vadd.f32 v52, v48  }
0x13f: {  	v52 =	vld [tilespmem:s29+$0x1110];
	v49 =	vadd.f32 v53, v49  }
0x140: {  	v53 =	vld [tilespmem:s29+$0x1120];
	v50 =	vadd.f32 v54, v50  }
0x141: {  	v54 =	vld [tilespmem:s29+$0x1130];
	v51 =	vadd.f32 v55, v51  }
0x142: {  	v55 =	vld [tilespmem:s29+$0x1140];
	v28 =	vadd.f32 v57, v28  }
0x143: {  	v29 =	vadd.f32 v56, v29;
	v56 =	vld [tilespmem:s29+$0x1150]  }
.Ltmp6:
0x144: {  	v30 =	vadd.f32 v52, v30;
	v52 =	vld [tilespmem:s29+$0x1160];
	(pc) =	sbr.rel @p1 .LBB2_11-.Ltmp6, $4  }
0x145: {  	v31 =	vadd.f32 v53, v31;
	v53 =	vld [tilespmem:s29+$0x1170]  }
0x146: {  	v32 =	vadd.f32 v54, v32;
	v54 =	vld [tilespmem:s29+$0x1500]  }
0x147: {  	v33 =	vadd.f32 v55, v33;
	v55 =	vld [tilespmem:s29+$0x1510]  }
0x148: {  	s12 =	sshrl.u32 s0, $0x3;
	s0 =	sadd.s32 $0x1, s0;
	v35 =	vadd.f32 v56, v35;
	v56 =	vld [tilespmem:s29+$0x1520]  }
.LBB2_12:
0x149: {  	v57 =	vld @p0 [tilespmem:s29+$0x1530]  }
0x14a: {  	v58 =	vld @p0 [tilespmem:s29+$0x1540]  }
0x14b: {  	s0 =	smul.u32 $0x6000, s12;
	s2 =	sadd.s32 @p0 $0x80, s30;
	v59 =	vld @p0 [tilespmem:s29+$0x1550]  }
0x14c: {  	v60 =	vld @p0 [tilespmem:s29+$0x1560];
	s28 =	smov.u32 @p0 s2  }
0x14d: {  	v62 =	vld [tilespmem:$0x80];
	s2 =	sand.u32 $0x380, s28;
	s0 =	sshra.s32 s0, $0x2  }
0x14e: {  	v2 =	vld [tilespmem:$0x1FFE0];
	s0 =	sor.u32 s2, s0  }
0x14f: {  	v61 =	vld [tilespmem:s0+$0x1570]  }
0x150: {  	v63 =	vld [tilespmem:s0+$0x1100]  }
0x151: {  	v21 =	vld [tilespmem:s0+$0x1110]  }
0x152: {  	v22 =	vld [tilespmem:s0+$0x1120]  }
0x153: {  	v23 =	vld [tilespmem:s0+$0x1130]  }
0x154: {  	v0 =	vld [tilespmem:s0+$0x1560];
	v25 =	vshrl.u32 v62, $0x3  }
0x155: {  	v24 =	vld [tilespmem:s0+$0x1140];
	v25 =	vmul.u32 $0x30, v25  }
0x156: {  	v26 =	vld [tilespmem:s0+$0x1150];
	v62 =	vand.u32 $0x7, v62  }
0x157: {  	v27 =	vld [tilespmem:s0+$0x1160];
	v25 =	vor.u32 v62, v25  }
0x158: {  	v37 =	vld [tilespmem:s0+$0x1170];
	v38 =	vperm.xlane v25, v2  }
0x159: {  	[tilespmem:$0x1FEF0] =	vst v0;
	v0 =	vld [tilespmem:$0x1FFF0]  }
0x15a: {  	v39 =	vld [tilespmem:s0+$0x1510];
	v38 =	vadd.s32 v1, v38  }
0x15b: {  	v40 =	vld [tilespmem:s0+$0x1520]  }
0x15c: {  	v41 =	vld [tilespmem:s0+$0x1530]  }
0x15d: {  	v42 =	vld [tilespmem:s0+$0x1540]  }
0x15e: {  	s28 =	simm.s32 $0x0;
	v43 =	vld [tilespmem:s0+$0x1550];
	v25 =	vperm.xlane v25, v0  }
0x15f: {  	v62 =	vld [tilespmem:s0+$0x1500];
	[tilespmem:s16], [sflag:$0x1] =	stream.indirect_vreg.gather [hbm4b:s1+s28], $0x80, v38, vm0, $0xb8  }
0x160: {  	s14 =	simm.s32 $0x900;
	v25 =	vadd.s32 v1, v25  }
0x161: {  	[tilespmem:s14], [sflag:$0x1] =	stream.indirect_vreg.gather [hbm4b:s5+s28], $0x80, v38, vm0, $0xb8;
	[tilespmem:$0x18400] =	vst v63  }
0x162: {  	s2 =	simm.s32 $0x1100  }
0x163: {  	[tilespmem:s2], [sflag:$0x1] =	stream.indirect_vreg.gather [hbm4b:s6+s28], $0x80, v38, vm0, $0xb8;
	[tilespmem:$0x18400] =	vst v63  }
0x164: {  	s12 =	simm.s32 $0x1900  }
0x165: {  	[tilespmem:s12], [sflag:$0x1] =	stream.indirect_vreg.gather [hbm4b:s1+s28], $0x80, v25, vm0, $0xb8;
	[tilespmem:$0x18400] =	vst v63  }
0x166: {  	s14 =	simm.s32 $0x2100  }
0x167: {  	[tilespmem:s14], [sflag:$0x1] =	stream.indirect_vreg.gather [hbm4b:s5+s28], $0x80, v25, vm0, $0xb8;
	[tilespmem:$0x18400] =	vst v63  }
0x168: {  	s2 =	simm.s32 $0x2900  }
0x169: {  	[tilespmem:s2], [sflag:$0x1] =	stream.indirect_vreg.gather [hbm4b:s6+s28], $0x80, v25, vm0, $0xb8;
	[tilespmem:$0x18400] =	vst v63  }
0x16a: {  	v25 =	vld [tilespmem:$0x90];
	_ =	sdelay $0x4  }
0x16b: {  	v38 =	vshrl.u32 v25, $0x3  }
0x16c: {  	v38 =	vmul.u32 $0x30, v38  }
0x16d: {  	v25 =	vand.u32 $0x7, v25  }
0x16e: {  	v25 =	vor.u32 v25, v38  }
0x16f: {  	v38 =	vperm.xlane v25, v2;
	_ =	sdelay $0x1  }
0x170: {  	v38 =	vadd.s32 v1, v38;
	_ =	sdelay $0x3  }
0x171: {  	s12 =	simm.s32 $0x3100;
	v25 =	vperm.xlane v25, v0  }
0x172: {  	[tilespmem:s12], [sflag:$0x1] =	stream.indirect_vreg.gather [hbm4b:s1+s28], $0x80, v38, vm0, $0xb8;
	[tilespmem:$0x18400] =	vst v63  }
0x173: {  	s14 =	simm.s32 $0x3900;
	v25 =	vadd.s32 v1, v25  }
0x174: {  	[tilespmem:s14], [sflag:$0x1] =	stream.indirect_vreg.gather [hbm4b:s5+s28], $0x80, v38, vm0, $0xb8;
	[tilespmem:$0x18400] =	vst v63  }
0x175: {  	s2 =	simm.s32 $0x4100  }
0x176: {  	[tilespmem:s2], [sflag:$0x1] =	stream.indirect_vreg.gather [hbm4b:s6+s28], $0x80, v38, vm0, $0xb8;
	[tilespmem:$0x18400] =	vst v63  }
0x177: {  	s12 =	simm.s32 $0x4900  }
0x178: {  	[tilespmem:s12], [sflag:$0x1] =	stream.indirect_vreg.gather [hbm4b:s1+s28], $0x80, v25, vm0, $0xb8;
	[tilespmem:$0x18400] =	vst v63  }
0x179: {  	s14 =	simm.s32 $0x5100  }
0x17a: {  	[tilespmem:s14], [sflag:$0x1] =	stream.indirect_vreg.gather [hbm4b:s5+s28], $0x80, v25, vm0, $0xb8;
	[tilespmem:$0x18400] =	vst v63  }
0x17b: {  	s2 =	simm.s32 $0x5900  }
0x17c: {  	[tilespmem:s2], [sflag:$0x1] =	stream.indirect_vreg.gather [hbm4b:s6+s28], $0x80, v25, vm0, $0xb8;
	[tilespmem:$0x18400] =	vst v63  }
0x17d: {  	v25 =	vld [tilespmem:$0xA0];
	_ =	sdelay $0x4  }
0x17e: {  	v38 =	vshrl.u32 v25, $0x3  }
0x17f: {  	v38 =	vmul.u32 $0x30, v38  }
0x180: {  	v25 =	vand.u32 $0x7, v25  }
0x181: {  	v25 =	vor.u32 v25, v38  }
0x182: {  	v38 =	vperm.xlane v25, v2;
	_ =	sdelay $0x1  }
0x183: {  	v38 =	vadd.s32 v1, v38;
	_ =	sdelay $0x3  }
0x184: {  	s12 =	simm.s32 $0x6100;
	v25 =	vperm.xlane v25, v0  }
0x185: {  	[tilespmem:s12], [sflag:$0x1] =	stream.indirect_vreg.gather [hbm4b:s1+s28], $0x80, v38, vm0, $0xb8;
	[tilespmem:$0x18400] =	vst v63  }
0x186: {  	s14 =	simm.s32 $0x6900;
	v25 =	vadd.s32 v1, v25  }
0x187: {  	[tilespmem:s14], [sflag:$0x1] =	stream.indirect_vreg.gather [hbm4b:s5+s28], $0x80, v38, vm0, $0xb8;
	[tilespmem:$0x18400] =	vst v63  }
0x188: {  	s2 =	simm.s32 $0x7100  }
0x189: {  	[tilespmem:s2], [sflag:$0x1] =	stream.indirect_vreg.gather [hbm4b:s6+s28], $0x80, v38, vm0, $0xb8;
	[tilespmem:$0x18400] =	vst v63  }
0x18a: {  	s12 =	simm.s32 $0x7900  }
0x18b: {  	[tilespmem:s12], [sflag:$0x1] =	stream.indirect_vreg.gather [hbm4b:s1+s28], $0x80, v25, vm0, $0xb8;
	[tilespmem:$0x18400] =	vst v63  }
0x18c: {  	s14 =	simm.s32 $0x8100  }
0x18d: {  	[tilespmem:s14], [sflag:$0x1] =	stream.indirect_vreg.gather [hbm4b:s5+s28], $0x80, v25, vm0, $0xb8;
	[tilespmem:$0x18400] =	vst v63  }
0x18e: {  	s2 =	simm.s32 $0x8900  }
0x18f: {  	[tilespmem:s2], [sflag:$0x1] =	stream.indirect_vreg.gather [hbm4b:s6+s28], $0x80, v25, vm0, $0xb8;
	[tilespmem:$0x18400] =	vst v63  }
0x190: {  	v25 =	vld [tilespmem:$0xB0];
	_ =	sdelay $0x4  }
0x191: {  	v38 =	vshrl.u32 v25, $0x3  }
0x192: {  	v38 =	vmul.u32 $0x30, v38  }
0x193: {  	v25 =	vand.u32 $0x7, v25  }
0x194: {  	v25 =	vor.u32 v25, v38  }
0x195: {  	v38 =	vperm.xlane v25, v2;
	_ =	sdelay $0x1  }
0x196: {  	v38 =	vadd.s32 v1, v38;
	_ =	sdelay $0x3  }
0x197: {  	s12 =	simm.s32 $0x9100;
	v25 =	vperm.xlane v25, v0  }
0x198: {  	[tilespmem:s12], [sflag:$0x1] =	stream.indirect_vreg.gather [hbm4b:s1+s28], $0x80, v38, vm0, $0xb8;
	[tilespmem:$0x18400] =	vst v63  }
0x199: {  	s14 =	simm.s32 $0x9900;
	v25 =	vadd.s32 v1, v25  }
0x19a: {  	[tilespmem:s14], [sflag:$0x1] =	stream.indirect_vreg.gather [hbm4b:s5+s28], $0x80, v38, vm0, $0xb8;
	[tilespmem:$0x18400] =	vst v63  }
0x19b: {  	s2 =	simm.s32 $0xA100  }
0x19c: {  	[tilespmem:s2], [sflag:$0x1] =	stream.indirect_vreg.gather [hbm4b:s6+s28], $0x80, v38, vm0, $0xb8;
	[tilespmem:$0x18400] =	vst v63  }
0x19d: {  	s12 =	simm.s32 $0xA900  }
0x19e: {  	[tilespmem:s12], [sflag:$0x1] =	stream.indirect_vreg.gather [hbm4b:s1+s28], $0x80, v25, vm0, $0xb8;
	[tilespmem:$0x18400] =	vst v63  }
0x19f: {  	s14 =	simm.s32 $0xB100  }
0x1a0: {  	[tilespmem:s14], [sflag:$0x1] =	stream.indirect_vreg.gather [hbm4b:s5+s28], $0x80, v25, vm0, $0xb8;
	[tilespmem:$0x18400] =	vst v63  }
0x1a1: {  	s2 =	simm.s32 $0xB900  }
0x1a2: {  	[tilespmem:s2], [sflag:$0x1] =	stream.indirect_vreg.gather [hbm4b:s6+s28], $0x80, v25, vm0, $0xb8;
	[tilespmem:$0x18400] =	vst v63  }
0x1a3: {  	_ =	swait.ge [sflag:s10], $0xC000  }
0x1a4: {  	v38 =	vadd.f32 @p0 v54, v45;
	[sflag:s10] =	ssyncset.done $0x0  }
0x1a5: {  	v45 =	vadd.f32 @p0 v56, v47;
	v47 =	vadd.f32 @p0 v58, v49;
	s12 =	simm.s32 $0x0;
	[sflag:s10] =	ssyncadd.s32 $0xFFFF4000  }
0x1a6: {  	v49 =	vadd.f32 @p0 v60, v51;
	s0 =	smul.u32 $0x6000, s12;
	v25 =	vadd.f32 @p0 v52, v36;
	_ =	swait.ge [sflag:s26], $0xC000  }
0x1a7: {  	v58 =	vadd.f32 v23, v32;
	v36 =	vadd.f32 @p0 v53, v44;
	v0 =	vld [tilespmem:$0x1FEF0]  }
0x1a8: {  	s12 =	sand.u32 $0x380, s28;
	s29 =	sshra.s32 s0, $0x2;
	v44 =	vadd.f32 @p0 v55, v46;
	v46 =	vadd.f32 @p0 v57, v48;
	v23 =	vpsel p0, v25, v34;
	[sflag:s26] =	ssyncset.done $0x0  }
0x1a9: {  	v56 =	vadd.f32 v61, v28;
	s30 =	sor.u32 s12, s29;
	v28 =	vadd.f32 v27, v23;
	v23 =	vpsel p0, v38, v34;
	s14 =	rddreg [dreg:$0x6];
	[sflag:s26] =	ssyncadd.s32 $0xFFFF4000  }
0x1aa: {  	v57 =	vadd.f32 v21, v30;
	v30 =	vadd.f32 v62, v23;
	v23 =	vpsel p0, v46, v34;
	[hbm4b:s14+s28] =	stream.linear.scatter [tilespmem:s22], [sflag:$0x2], $0xC000, $0x38;
	[tilespmem:$0x18400] =	vst v63  }
0x1ab: {  	v55 =	vadd.f32 v24, v33;
	v33 =	vadd.f32 v41, v23;
	v23 =	vpsel p0, v49, v34;
	v21 =	vld [tilespmem:s30+$0xC570]  }
0x1ac: {  	v24 =	vpsel p0, v36, v34;
	v36 =	vadd.f32 v0, v23;
	v0 =	vld [tilespmem:$0x1FF40];
	_ =	sdelay $0x1  }
0x1ad: {  	v54 =	vadd.f32 v22, v31  }
0x1ae: {  	v48 =	vadd.f32 @p0 v59, v50;
	v25 =	vpsel p0, v44, v34;
	v27 =	vpsel p0, v45, v34  }
0x1af: {  	v31 =	vadd.f32 v39, v25;
	v25 =	vpsel p0, v47, v34;
	v32 =	vadd.f32 v40, v27;
	v22 =	vld [tilespmem:s30+$0xC100]  }
0x1b0: {  	v27 =	vpsel p0, v48, v34;
	v34 =	vadd.f32 v42, v25;
	v25 =	vadd.f32 v21, v0;
	v0 =	vld [tilespmem:$0x1FF10];
	_ =	sdelay $0x3  }
0x1b1: {  	v52 =	vadd.f32 v26, v35;
	v26 =	vld [tilespmem:s30+$0xC110]  }
0x1b2: {  	v22 =	vadd.f32 v22, v0;
	v0 =	vld [tilespmem:$0x1FF50];
	_ =	sdelay $0x3  }
0x1b3: {  	v53 =	vadd.f32 v63, v29;
	v29 =	vadd.f32 v37, v24;
	v24 =	vld [tilespmem:s30+$0xC120]  }
0x1b4: {  	v26 =	vadd.f32 v26, v0;
	v0 =	vld [tilespmem:$0x1FF20];
	_ =	sdelay $0x3  }
0x1b5: {  	v61 =	vld [tilespmem:s30+$0xC130]  }
0x1b6: {  	v23 =	vadd.f32 v24, v0;
	v0 =	vld [tilespmem:$0x1FF60];
	_ =	sdelay $0x3  }
0x1b7: {  	v62 =	vld [tilespmem:s30+$0xC140]  }
0x1b8: {  	v35 =	vadd.f32 v43, v27;
	v27 =	vadd.f32 v61, v0;
	v0 =	vld [tilespmem:$0x1FF30];
	_ =	sdelay $0x3  }
0x1b9: {  	v63 =	vld [tilespmem:s30+$0xC150]  }
0x1ba: {  	v24 =	vadd.f32 v62, v0;
	v0 =	vld [tilespmem:$0x1FF00]  }
0x1bb: {  	v44 =	vld [tilespmem:s30+$0xC160]  }
0x1bc: {  	v46 =	vld [tilespmem:s30+$0xC170]  }
0x1bd: {  	v45 =	vld [tilespmem:s30+$0xC500]  }
0x1be: {  	v47 =	vld [tilespmem:s30+$0xC510]  }
0x1bf: {  	s31 =	simm.s32 $0x2;
	s0 =	simm.s32 $0x0;
	s2 =	simm.s32 $0x0;
	v48 =	vld [tilespmem:s30+$0xC520];
	v21 =	vadd.f32 v63, v0  }
.LBB2_13:
0x1c0: {  	p0 =	sne.s32 s31, $0x3F;
	s2 =	smul.u32 $0x6000, s2;
	v10 =	vadd.f32 v44, v10;
	v0 =	vld [tilespmem:s30+$0xC530]  }
0x1c1: {  	s0 =	sadd.s32 $0x80, s0;
	v11 =	vadd.f32 v46, v11;
	v37 =	vld [tilespmem:s30+$0xC540]  }
0x1c2: {  	s14 =	sand.u32 $0x380, s0;
	s2 =	sshra.s32 s2, $0x2;
	v8 =	vadd.f32 v45, v8;
	v38 =	vld [tilespmem:s30+$0xC550]  }
0x1c3: {  	v9 =	vadd.f32 v47, v9;
	v39 =	vld [tilespmem:s30+$0xC560];
	s30 =	sor.u32 s14, s2  }
0x1c4: {  	v40 =	vld [tilespmem:s30+$0xC570];
	v6 =	vadd.f32 v48, v6  }
0x1c5: {  	v41 =	vld [tilespmem:s30+$0xC100];
	v7 =	vadd.f32 v0, v7  }
0x1c6: {  	v0 =	vld [tilespmem:s30+$0xC110];
	v4 =	vadd.f32 v37, v4  }
0x1c7: {  	v37 =	vld [tilespmem:s30+$0xC120];
	v5 =	vadd.f32 v38, v5  }
0x1c8: {  	v38 =	vld [tilespmem:s30+$0xC130];
	v3 =	vadd.f32 v39, v3  }
0x1c9: {  	v39 =	vld [tilespmem:s30+$0xC140];
	v25 =	vadd.f32 v40, v25  }
0x1ca: {  	v22 =	vadd.f32 v41, v22;
	v40 =	vld [tilespmem:s30+$0xC150]  }
.Ltmp7:
0x1cb: {  	v26 =	vadd.f32 v0, v26;
	v44 =	vld [tilespmem:s30+$0xC160];
	(pc) =	sbr.rel @p0 .LBB2_13-.Ltmp7, $4  }
0x1cc: {  	v23 =	vadd.f32 v37, v23;
	v46 =	vld [tilespmem:s30+$0xC170]  }
0x1cd: {  	v27 =	vadd.f32 v38, v27;
	v45 =	vld [tilespmem:s30+$0xC500]  }
0x1ce: {  	v24 =	vadd.f32 v39, v24;
	v47 =	vld [tilespmem:s30+$0xC510]  }
0x1cf: {  	s2 =	sshrl.u32 s31, $0x3;
	s31 =	sadd.s32 $0x1, s31;
	v21 =	vadd.f32 v40, v21;
	v48 =	vld [tilespmem:s30+$0xC520]  }
0x1d0: {  	s2 =	smul.u32 $0x6000, s2  }
0x1d1: {  	s0 =	sadd.s32 $0x80, s0  }
0x1d2: {  	s0 =	sand.u32 $0x380, s0;
	s2 =	sshra.s32 s2, $0x2  }
0x1d3: {  	s0 =	sor.u32 s0, s2  }
0x1d4: {  	v40 =	vld [tilespmem:s0+$0xC570];
	_ =	sdelay $0x1  }
0x1d5: {  	v41 =	vld [tilespmem:s0+$0xC100];
	_ =	sdelay $0x1  }
0x1d6: {  	v42 =	vld [tilespmem:s0+$0xC110]  }
0x1d7: {  	v2 =	vadd.f32 v40, v25  }
0x1d8: {  	v43 =	vld [tilespmem:s0+$0xC120]  }
0x1d9: {  	[tilespmem:$0x1FE80] =	vst v2;
	v2 =	vadd.f32 v41, v22  }
0x1da: {  	v49 =	vld [tilespmem:s0+$0xC130]  }
0x1db: {  	[tilespmem:$0x1FE90] =	vst v2;
	v2 =	vadd.f32 v42, v26  }
0x1dc: {  	v50 =	vld [tilespmem:s0+$0xC140]  }
0x1dd: {  	[tilespmem:$0x1FEA0] =	vst v2;
	v2 =	vadd.f32 v43, v23  }
0x1de: {  	v51 =	vld [tilespmem:s0+$0xC150]  }
0x1df: {  	[tilespmem:$0x1FEB0] =	vst v2;
	v2 =	vadd.f32 v49, v27;
	_ =	sdelay $0x1  }
0x1e0: {  	v37 =	vld [tilespmem:s30+$0xC540];
	[tilespmem:$0x1FEC0] =	vst v2;
	v2 =	vadd.f32 v50, v24  }
0x1e1: {  	v60 =	vld [tilespmem:s0+$0xC170]  }
0x1e2: {  	s12 =	sor.u32 s12, s29;
	v8 =	vadd.f32 v45, v8;
	v45 =	vld [tilespmem:s0+$0xC540];
	[tilespmem:$0x1FED0] =	vst v2;
	v2 =	vadd.f32 v51, v21  }
0x1e3: {  	v25 =	vld [tilespmem:s12+$0xCD70]  }
0x1e4: {  	[tilespmem:$0x1FEE0] =	vst v2;
	v2 =	vld [tilespmem:$0x1FF80];
	_ =	sdelay $0x1  }
0x1e5: {  	v11 =	vadd.f32 v46, v11  }
0x1e6: {  	v4 =	vadd.f32 v37, v4  }
0x1e7: {  	v46 =	vadd.f32 v48, v6;
	v6 =	vadd.f32 v60, v11;
	v22 =	vld [tilespmem:s12+$0xC900]  }
0x1e8: {  	v11 =	vadd.f32 v45, v4;
	v4 =	vadd.f32 v25, v2;
	v2 =	vld [tilespmem:$0x1FF90];
	_ =	sdelay $0x3  }
0x1e9: {  	v23 =	vld [tilespmem:s12+$0xC910]  }
0x1ea: {  	v22 =	vadd.f32 v22, v2;
	v2 =	vld [tilespmem:$0x1FFA0];
	_ =	sdelay $0x2  }
0x1eb: {  	v0 =	vld [tilespmem:s30+$0xC530]  }
0x1ec: {  	v24 =	vld [tilespmem:s12+$0xC920]  }
0x1ed: {  	v23 =	vadd.f32 v23, v2;
	v2 =	vld [tilespmem:$0x1FFB0]  }
0x1ee: {  	v38 =	vld [tilespmem:s30+$0xC550]  }
0x1ef: {  	v39 =	vld [tilespmem:s30+$0xC560]  }
0x1f0: {  	v59 =	vld [tilespmem:s0+$0xC160]  }
0x1f1: {  	v26 =	vld [tilespmem:s12+$0xC930]  }
0x1f2: {  	v24 =	vadd.f32 v24, v2;
	v2 =	vld [tilespmem:$0x1FFC0]  }
0x1f3: {  	v61 =	vld [tilespmem:s0+$0xC500]  }
0x1f4: {  	v62 =	vld [tilespmem:s0+$0xC510]  }
0x1f5: {  	v10 =	vadd.f32 v44, v10;
	v44 =	vld [tilespmem:s0+$0xC530]  }
0x1f6: {  	v27 =	vld [tilespmem:s12+$0xC940]  }
0x1f7: {  	v25 =	vadd.f32 v26, v2;
	v2 =	vld [tilespmem:$0x1FFD0]  }
0x1f8: {  	v63 =	vld [tilespmem:s0+$0xC520]  }
0x1f9: {  	v9 =	vadd.f32 v47, v9;
	v47 =	vld [tilespmem:s0+$0xC550];
	v0 =	vadd.f32 v0, v7  }
0x1fa: {  	v48 =	vadd.f32 v38, v5;
	v38 =	vld [tilespmem:s0+$0xC560]  }
0x1fb: {  	v5 =	vadd.f32 v59, v10;
	v10 =	vadd.f32 v44, v0;
	v0 =	vld [tilespmem:s12+$0xC950]  }
0x1fc: {  	v26 =	vadd.f32 v27, v2;
	v2 =	vld [tilespmem:$0x1FF70]  }
0x1fd: {  	v3 =	vadd.f32 v39, v3;
	v51 =	vld [tilespmem:s12+$0xC960]  }
0x1fe: {  	v59 =	vld [tilespmem:s12+$0xC970]  }
0x1ff: {  	v7 =	vadd.f32 v61, v8;
	v3 =	vadd.f32 v38, v3;
	v38 =	vld [tilespmem:s12+$0xCD00]  }
0x200: {  	v39 =	vld [tilespmem:s12+$0xCD10];
	v8 =	vadd.f32 v62, v9;
	v9 =	vadd.f32 v63, v46  }
0x201: {  	s2 =	simm.s32 $0x0;
	s0 =	simm.s32 $0x2;
	v37 =	vld [tilespmem:s12+$0xCD20];
	v21 =	vadd.f32 v47, v48;
	v27 =	vadd.f32 v0, v2  }
.LBB2_15:
0x202: {  	p0 =	sne.s32 s0, $0x3F;
	s2 =	smul.u32 $0x6000, s2;
	v14 =	vadd.f32 v51, v14;
	v0 =	vld [tilespmem:s12+$0xCD30]  }
0x203: {  	s28 =	sadd.s32 $0x80, s28;
	v17 =	vadd.f32 v59, v17;
	v40 =	vld [tilespmem:s12+$0xCD40]  }
0x204: {  	s14 =	sand.u32 $0x380, s28;
	s2 =	sshra.s32 s2, $0x2;
	v13 =	vadd.f32 v38, v13;
	v38 =	vld [tilespmem:s12+$0xCD50]  }
0x205: {  	v20 =	vadd.f32 v39, v20;
	v39 =	vld [tilespmem:s12+$0xCD60];
	s12 =	sor.u32 s14, s2  }
0x206: {  	v41 =	vld [tilespmem:s12+$0xCD70];
	v18 =	vadd.f32 v37, v18  }
0x207: {  	v37 =	vld [tilespmem:s12+$0xC900];
	v19 =	vadd.f32 v0, v19  }
0x208: {  	v0 =	vld [tilespmem:s12+$0xC910];
	v15 =	vadd.f32 v40, v15  }
0x209: {  	v40 =	vld [tilespmem:s12+$0xC920];
	v16 =	vadd.f32 v38, v16  }
0x20a: {  	v38 =	vld [tilespmem:s12+$0xC930];
	v12 =	vadd.f32 v39, v12  }
0x20b: {  	v39 =	vld [tilespmem:s12+$0xC940];
	v4 =	vadd.f32 v41, v4  }
0x20c: {  	v22 =	vadd.f32 v37, v22;
	v37 =	vld [tilespmem:s12+$0xC950]  }
.Ltmp8:
0x20d: {  	v23 =	vadd.f32 v0, v23;
	v51 =	vld [tilespmem:s12+$0xC960];
	(pc) =	sbr.rel @p0 .LBB2_15-.Ltmp8, $4  }
0x20e: {  	v24 =	vadd.f32 v40, v24;
	v59 =	vld [tilespmem:s12+$0xC970]  }
0x20f: {  	v25 =	vadd.f32 v38, v25;
	v38 =	vld [tilespmem:s12+$0xCD00]  }
0x210: {  	v26 =	vadd.f32 v39, v26;
	v39 =	vld [tilespmem:s12+$0xCD10]  }
0x211: {  	s2 =	sshrl.u32 s0, $0x3;
	s0 =	sadd.s32 $0x1, s0;
	v27 =	vadd.f32 v37, v27;
	v37 =	vld [tilespmem:s12+$0xCD20]  }
0x212: {  	s0 =	smul.u32 $0x6000, s2;
	v0 =	vld [tilespmem:s12+$0xCD30]  }
0x213: {  	v40 =	vld [tilespmem:s12+$0xCD40];
	s30 =	sadd.s32 $0x80, s28  }
0x214: {  	v41 =	vld [tilespmem:s12+$0xCD50];
	s2 =	sand.u32 $0x380, s30;
	s0 =	sshra.s32 s0, $0x2  }
0x215: {  	v42 =	vld [tilespmem:s12+$0xCD60];
	s0 =	sor.u32 s2, s0  }
0x216: {  	v43 =	vld [tilespmem:s0+$0xCD70]  }
0x217: {  	v44 =	vld [tilespmem:s0+$0xC900]  }
0x218: {  	v45 =	vld [tilespmem:s0+$0xC910]  }
0x219: {  	v46 =	vld [tilespmem:s0+$0xC920]  }
0x21a: {  	v47 =	vld [tilespmem:s0+$0xC930]  }
0x21b: {  	v60 =	vld [tilespmem:s0+$0xC940]  }
0x21c: {  	v61 =	vld [tilespmem:s0+$0xC950]  }
0x21d: {  	v62 =	vld [tilespmem:s0+$0xC960]  }
0x21e: {  	v63 =	vld [tilespmem:s0+$0xC970]  }
0x21f: {  	v48 =	vld [tilespmem:s0+$0xCD00]  }
0x220: {  	v49 =	vld [tilespmem:s0+$0xCD10]  }
0x221: {  	s31 =	simm.s32 $0x0;
	v50 =	vld [tilespmem:s0+$0xCD20]  }
0x222: {  	v17 =	vadd.f32 v59, v17;
	s2 =	smul.u32 $0x6000, s31;
	v59 =	vld [tilespmem:s0+$0xCD30];
	v2 =	vadd.f32 v43, v4  }
0x223: {  	v14 =	vadd.f32 v51, v14;
	s12 =	simm.s32 $0x0;
	v13 =	vadd.f32 v38, v13;
	v38 =	vld [tilespmem:s0+$0xCD40]  }
0x224: {  	s14 =	sand.u32 $0x380, s12;
	v20 =	vadd.f32 v39, v20;
	v39 =	vld [tilespmem:s0+$0xCD50];
	s2 =	sshra.s32 s2, $0x2;
	[tilespmem:$0x1FE10] =	vst v2;
	v2 =	vadd.f32 v44, v22  }
0x225: {  	v37 =	vadd.f32 v37, v18;
	v51 =	vld [tilespmem:s0+$0xCD60];
	v0 =	vadd.f32 v0, v19;
	s28 =	sor.u32 s14, s2  }
0x226: {  	v40 =	vadd.f32 v40, v15;
	v43 =	vld [tilespmem:s28+$0xD570];
	[tilespmem:$0x1FE20] =	vst v2;
	v2 =	vadd.f32 v45, v23  }
0x227: {  	v41 =	vadd.f32 v41, v16;
	v15 =	vadd.f32 v59, v0;
	v0 =	vld [tilespmem:s28+$0xD150]  }
0x228: {  	v42 =	vadd.f32 v42, v12;
	v22 =	vld [tilespmem:s28+$0xD100];
	[tilespmem:$0x1FE30] =	vst v2;
	v2 =	vadd.f32 v46, v24  }
0x229: {  	v18 =	vadd.f32 v62, v14;
	v19 =	vadd.f32 v63, v17;
	v23 =	vld [tilespmem:s28+$0xD110]  }
0x22a: {  	v16 =	vadd.f32 v48, v13;
	v24 =	vld [tilespmem:s28+$0xD120];
	[tilespmem:$0x1FE40] =	vst v2;
	v2 =	vadd.f32 v47, v25  }
0x22b: {  	v17 =	vadd.f32 v49, v20;
	v14 =	vadd.f32 v50, v37;
	v25 =	vld [tilespmem:s28+$0xD130]  }
0x22c: {  	v12 =	vadd.f32 v38, v40;
	[tilespmem:$0x1FE50] =	vst v2;
	v2 =	vadd.f32 v60, v26;
	v26 =	vld [tilespmem:s28+$0xD140]  }
0x22d: {  	v13 =	vadd.f32 v39, v41;
	v59 =	vld [tilespmem:s28+$0xD160];
	v4 =	vadd.f32 v51, v42  }
0x22e: {  	v20 =	vadd.f32 v43, v56;
	v56 =	vld [tilespmem:s28+$0xD170];
	v22 =	vadd.f32 v22, v53  }
0x22f: {  	v37 =	vld [tilespmem:s28+$0xD500];
	v23 =	vadd.f32 v23, v57;
	[tilespmem:$0x1FE60] =	vst v2;
	v2 =	vadd.f32 v61, v27  }
0x230: {  	v53 =	vld [tilespmem:s28+$0xD510];
	v24 =	vadd.f32 v24, v54;
	v27 =	vadd.f32 v0, v52  }
0x231: {  	s0 =	simm.s32 $0x2;
	s2 =	simm.s32 $0x0;
	v52 =	vld [tilespmem:s28+$0xD520];
	v25 =	vadd.f32 v25, v58;
	[tilespmem:$0x1FE70] =	vst v2;
	v26 =	vadd.f32 v26, v55  }
.LBB2_17:
0x232: {  	p0 =	sne.s32 s0, $0x3F;
	s2 =	smul.u32 $0x6000, s2;
	v28 =	vadd.f32 v59, v28;
	v0 =	vld [tilespmem:s28+$0xD530]  }
0x233: {  	s12 =	sadd.s32 $0x80, s12;
	v29 =	vadd.f32 v56, v29;
	v38 =	vld [tilespmem:s28+$0xD540]  }
0x234: {  	s14 =	sand.u32 $0x380, s12;
	s2 =	sshra.s32 s2, $0x2;
	v30 =	vadd.f32 v37, v30;
	v37 =	vld [tilespmem:s28+$0xD550]  }
0x235: {  	v31 =	vadd.f32 v53, v31;
	v39 =	vld [tilespmem:s28+$0xD560];
	s28 =	sor.u32 s14, s2  }
0x236: {  	v40 =	vld [tilespmem:s28+$0xD570];
	v32 =	vadd.f32 v52, v32  }
0x237: {  	v41 =	vld [tilespmem:s28+$0xD100];
	v33 =	vadd.f32 v0, v33  }
0x238: {  	v0 =	vld [tilespmem:s28+$0xD110];
	v34 =	vadd.f32 v38, v34  }
0x239: {  	v38 =	vld [tilespmem:s28+$0xD120];
	v35 =	vadd.f32 v37, v35  }
0x23a: {  	v37 =	vld [tilespmem:s28+$0xD130];
	v36 =	vadd.f32 v39, v36  }
0x23b: {  	v39 =	vld [tilespmem:s28+$0xD140];
	v20 =	vadd.f32 v40, v20  }
0x23c: {  	v22 =	vadd.f32 v41, v22;
	v40 =	vld [tilespmem:s28+$0xD150]  }
.Ltmp9:
0x23d: {  	v23 =	vadd.f32 v0, v23;
	v59 =	vld [tilespmem:s28+$0xD160];
	(pc) =	sbr.rel @p0 .LBB2_17-.Ltmp9, $4  }
0x23e: {  	v24 =	vadd.f32 v38, v24;
	v56 =	vld [tilespmem:s28+$0xD170]  }
0x23f: {  	v25 =	vadd.f32 v37, v25;
	v37 =	vld [tilespmem:s28+$0xD500]  }
0x240: {  	v26 =	vadd.f32 v39, v26;
	v53 =	vld [tilespmem:s28+$0xD510]  }
0x241: {  	s2 =	sshrl.u32 s0, $0x3;
	s0 =	sadd.s32 $0x1, s0;
	v27 =	vadd.f32 v40, v27;
	v52 =	vld [tilespmem:s28+$0xD520]  }
0x242: {  	v0 =	vld [tilespmem:s28+$0xD530]  }
0x243: {  	v38 =	vld [tilespmem:s28+$0xD540]  }
0x244: {  	v39 =	vld [tilespmem:s28+$0xD550]  }
0x245: {  	s0 =	smul.u32 $0x6000, s2;
	v40 =	vld [tilespmem:s28+$0xD560]  }
0x246: {  	s12 =	sadd.s32 $0x80, s12;
	v42 =	vld [tilespmem:$0xC0]  }
0x247: {  	v2 =	vld [tilespmem:$0x1FFE0];
	s2 =	sand.u32 $0x380, s12;
	s0 =	sshra.s32 s0, $0x2  }
0x248: {  	v58 =	vld [tilespmem:$0x1FFF0];
	s0 =	sor.u32 s2, s0  }
0x249: {  	v41 =	vld [tilespmem:s0+$0xD570]  }
0x24a: {  	v43 =	vld [tilespmem:s0+$0xD100]  }
0x24b: {  	v44 =	vld [tilespmem:s0+$0xD110]  }
0x24c: {  	v45 =	vld [tilespmem:s0+$0xD120]  }
0x24d: {  	v46 =	vld [tilespmem:s0+$0xD130];
	v48 =	vshrl.u32 v42, $0x3  }
0x24e: {  	v47 =	vld [tilespmem:s0+$0xD140];
	v48 =	vmul.u32 $0x30, v48  }
0x24f: {  	v49 =	vld [tilespmem:s0+$0xD150];
	v42 =	vand.u32 $0x7, v42  }
0x250: {  	v50 =	vld [tilespmem:s0+$0xD160];
	v42 =	vor.u32 v42, v48  }
0x251: {  	v51 =	vld [tilespmem:s0+$0xD170];
	v54 =	vperm.xlane v42, v2  }
0x252: {  	v60 =	vld [tilespmem:s0+$0xD510]  }
0x253: {  	v62 =	vld [tilespmem:s0+$0xD520];
	v54 =	vadd.s32 v1, v54  }
0x254: {  	v63 =	vld [tilespmem:s0+$0xD530]  }
0x255: {  	v61 =	vld [tilespmem:s0+$0xD540]  }
0x256: {  	v55 =	vld [tilespmem:s0+$0xD550]  }
0x257: {  	s28 =	simm.s32 $0x0;
	v57 =	vld [tilespmem:s0+$0xD560];
	v42 =	vperm.xlane v42, v58  }
0x258: {  	v48 =	vld [tilespmem:s0+$0xD500];
	[tilespmem:s22], [sflag:$0x1] =	stream.indirect_vreg.gather [hbm4b:s1+s28], $0x80, v54, vm0, $0xb8  }
0x259: {  	s14 =	simm.s32 $0xC900;
	v42 =	vadd.s32 v1, v42  }
0x25a: {  	[tilespmem:s14], [sflag:$0x1] =	stream.indirect_vreg.gather [hbm4b:s5+s28], $0x80, v54, vm0, $0xb8;
	[tilespmem:$0x18400] =	vst v63  }
0x25b: {  	s2 =	simm.s32 $0xD100  }
0x25c: {  	[tilespmem:s2], [sflag:$0x1] =	stream.indirect_vreg.gather [hbm4b:s6+s28], $0x80, v54, vm0, $0xb8;
	[tilespmem:$0x18400] =	vst v63  }
0x25d: {  	s12 =	simm.s32 $0xD900  }
0x25e: {  	[tilespmem:s12], [sflag:$0x1] =	stream.indirect_vreg.gather [hbm4b:s1+s28], $0x80, v42, vm0, $0xb8;
	[tilespmem:$0x18400] =	vst v63  }
0x25f: {  	s14 =	simm.s32 $0xE100  }
0x260: {  	[tilespmem:s14], [sflag:$0x1] =	stream.indirect_vreg.gather [hbm4b:s5+s28], $0x80, v42, vm0, $0xb8;
	[tilespmem:$0x18400] =	vst v63  }
0x261: {  	s2 =	simm.s32 $0xE900  }
0x262: {  	[tilespmem:s2], [sflag:$0x1] =	stream.indirect_vreg.gather [hbm4b:s6+s28], $0x80, v42, vm0, $0xb8;
	[tilespmem:$0x18400] =	vst v63  }
0x263: {  	v42 =	vld [tilespmem:$0xD0];
	_ =	sdelay $0x4  }
0x264: {  	v54 =	vshrl.u32 v42, $0x3  }
0x265: {  	v54 =	vmul.u32 $0x30, v54  }
0x266: {  	v42 =	vand.u32 $0x7, v42  }
0x267: {  	v42 =	vor.u32 v42, v54  }
0x268: {  	v54 =	vperm.xlane v42, v2;
	_ =	sdelay $0x1  }
0x269: {  	v54 =	vadd.s32 v1, v54;
	_ =	sdelay $0x3  }
0x26a: {  	s12 =	simm.s32 $0xF100;
	v42 =	vperm.xlane v42, v58  }
0x26b: {  	[tilespmem:s12], [sflag:$0x1] =	stream.indirect_vreg.gather [hbm4b:s1+s28], $0x80, v54, vm0, $0xb8;
	[tilespmem:$0x18400] =	vst v63  }
0x26c: {  	s14 =	simm.s32 $0xF900;
	v42 =	vadd.s32 v1, v42  }
0x26d: {  	[tilespmem:s14], [sflag:$0x1] =	stream.indirect_vreg.gather [hbm4b:s5+s28], $0x80, v54, vm0, $0xb8;
	[tilespmem:$0x18400] =	vst v63  }
0x26e: {  	s2 =	simm.s32 $0x10100  }
0x26f: {  	[tilespmem:s2], [sflag:$0x1] =	stream.indirect_vreg.gather [hbm4b:s6+s28], $0x80, v54, vm0, $0xb8;
	[tilespmem:$0x18400] =	vst v63  }
0x270: {  	s12 =	simm.s32 $0x10900  }
0x271: {  	[tilespmem:s12], [sflag:$0x1] =	stream.indirect_vreg.gather [hbm4b:s1+s28], $0x80, v42, vm0, $0xb8;
	[tilespmem:$0x18400] =	vst v63  }
0x272: {  	s14 =	simm.s32 $0x11100  }
0x273: {  	[tilespmem:s14], [sflag:$0x1] =	stream.indirect_vreg.gather [hbm4b:s5+s28], $0x80, v42, vm0, $0xb8;
	[tilespmem:$0x18400] =	vst v63  }
0x274: {  	s2 =	simm.s32 $0x11900  }
0x275: {  	[tilespmem:s2], [sflag:$0x1] =	stream.indirect_vreg.gather [hbm4b:s6+s28], $0x80, v42, vm0, $0xb8;
	[tilespmem:$0x18400] =	vst v63  }
0x276: {  	v42 =	vld [tilespmem:$0xE0];
	_ =	sdelay $0x4  }
0x277: {  	v54 =	vshrl.u32 v42, $0x3  }
0x278: {  	v54 =	vmul.u32 $0x30, v54  }
0x279: {  	v42 =	vand.u32 $0x7, v42  }
0x27a: {  	v42 =	vor.u32 v42, v54  }
0x27b: {  	v54 =	vperm.xlane v42, v2;
	_ =	sdelay $0x1  }
0x27c: {  	v54 =	vadd.s32 v1, v54;
	_ =	sdelay $0x3  }
0x27d: {  	v42 =	vperm.xlane v42, v58  }
0x27e: {  	[tilespmem:s4], [sflag:$0x1] =	stream.indirect_vreg.gather [hbm4b:s1+s28], $0x80, v54, vm0, $0xb8;
	[tilespmem:$0x18400] =	vst v63  }
0x27f: {  	v42 =	vadd.s32 v1, v42  }
0x280: {  	[tilespmem:s13], [sflag:$0x1] =	stream.indirect_vreg.gather [hbm4b:s5+s28], $0x80, v54, vm0, $0xb8;
	[tilespmem:$0x18400] =	vst v63  }
0x281: {  	_ = 	snop  }
0x282: {  	[tilespmem:s17], [sflag:$0x1] =	stream.indirect_vreg.gather [hbm4b:s6+s28], $0x80, v54, vm0, $0xb8;
	[tilespmem:$0x18400] =	vst v63  }
0x283: {  	_ = 	snop  }
0x284: {  	[tilespmem:s18], [sflag:$0x1] =	stream.indirect_vreg.gather [hbm4b:s1+s28], $0x80, v42, vm0, $0xb8;
	[tilespmem:$0x18400] =	vst v63  }
0x285: {  	_ = 	snop  }
0x286: {  	[tilespmem:s19], [sflag:$0x1] =	stream.indirect_vreg.gather [hbm4b:s5+s28], $0x80, v42, vm0, $0xb8;
	[tilespmem:$0x18400] =	vst v63  }
0x287: {  	_ = 	snop  }
0x288: {  	[tilespmem:s20], [sflag:$0x1] =	stream.indirect_vreg.gather [hbm4b:s6+s28], $0x80, v42, vm0, $0xb8;
	[tilespmem:$0x18400] =	vst v63  }
0x289: {  	v42 =	vld [tilespmem:$0xF0];
	_ =	sdelay $0x4  }
0x28a: {  	v54 =	vshrl.u32 v42, $0x3  }
0x28b: {  	v54 =	vmul.u32 $0x30, v54  }
0x28c: {  	v42 =	vand.u32 $0x7, v42  }
0x28d: {  	v42 =	vor.u32 v42, v54  }
0x28e: {  	v54 =	vperm.xlane v42, v2;
	_ =	sdelay $0x1  }
0x28f: {  	v54 =	vadd.s32 v1, v54;
	_ =	sdelay $0x3  }
0x290: {  	v42 =	vperm.xlane v42, v58  }
0x291: {  	[tilespmem:s21], [sflag:$0x1] =	stream.indirect_vreg.gather [hbm4b:s1+s28], $0x80, v54, vm0, $0xb8;
	[tilespmem:$0x18400] =	vst v63  }
0x292: {  	v42 =	vadd.s32 v1, v42  }
0x293: {  	[tilespmem:s8], [sflag:$0x1] =	stream.indirect_vreg.gather [hbm4b:s5+s28], $0x80, v54, vm0, $0xb8;
	[tilespmem:$0x18400] =	vst v63  }
0x294: {  	_ = 	snop  }
0x295: {  	[tilespmem:s23], [sflag:$0x1] =	stream.indirect_vreg.gather [hbm4b:s6+s28], $0x80, v54, vm0, $0xb8;
	[tilespmem:$0x18400] =	vst v63  }
0x296: {  	_ = 	snop  }
0x297: {  	[tilespmem:s24], [sflag:$0x1] =	stream.indirect_vreg.gather [hbm4b:s1+s28], $0x80, v42, vm0, $0xb8;
	[tilespmem:$0x18400] =	vst v63  }
0x298: {  	_ = 	snop  }
0x299: {  	[tilespmem:s9], [sflag:$0x1] =	stream.indirect_vreg.gather [hbm4b:s5+s28], $0x80, v42, vm0, $0xb8;
	[tilespmem:$0x18400] =	vst v63  }
0x29a: {  	_ = 	snop  }
0x29b: {  	[tilespmem:s25], [sflag:$0x1] =	stream.indirect_vreg.gather [hbm4b:s6+s28], $0x80, v42, vm0, $0xb8;
	[tilespmem:$0x18400] =	vst v63  }
0x29c: {  	_ =	swait.ge [sflag:s10], $0xC000  }
0x29d: {  	s12 =	simm.s32 $0x0;
	[sflag:s10] =	ssyncset.done $0x0  }
0x29e: {  	s0 =	smul.u32 $0x6000, s12;
	[sflag:s10] =	ssyncadd.s32 $0xFFFF4000  }
0x29f: {  	v2 =	vadd.f32 v49, v27;
	_ =	swait.ge [sflag:s26], $0xC000  }
0x2a0: {  	s12 =	sand.u32 $0x380, s28;
	s29 =	sshra.s32 s0, $0x2;
	[sflag:s26] =	ssyncset.done $0x0  }
0x2a1: {  	s30 =	sor.u32 s12, s29;
	s14 =	rddreg [dreg:$0x7];
	[tilespmem:$0x1FE00] =	vst v2;
	[sflag:s26] =	ssyncadd.s32 $0xFFFF4000  }
0x2a2: {  	v2 =	vld [tilespmem:$0x1FE80];
	[hbm4b:s14+s28] =	stream.linear.scatter [tilespmem:s16], [sflag:$0x2], $0xC000, $0x38  }
0x2a3: {  	v31 =	vadd.f32 v53, v31;
	v53 =	vld [tilespmem:s30+$0x570];
	_ =	sdelay $0x2  }
0x2a4: {  	v28 =	vadd.f32 v59, v28;
	v34 =	vadd.f32 v38, v34  }
0x2a5: {  	v38 =	vadd.f32 v40, v36;
	v54 =	vadd.f32 v41, v20;
	v41 =	vld [tilespmem:s30+$0x100]  }
0x2a6: {  	v36 =	vadd.f32 v50, v28;
	v28 =	vadd.f32 v53, v2;
	v2 =	vld [tilespmem:$0x1FE90];
	_ =	sdelay $0x2  }
0x2a7: {  	v29 =	vadd.f32 v56, v29  }
0x2a8: {  	v30 =	vadd.f32 v37, v30;
	v42 =	vld [tilespmem:s30+$0x110]  }
0x2a9: {  	v37 =	vadd.f32 v51, v29;
	v29 =	vadd.f32 v41, v2;
	v2 =	vld [tilespmem:$0x1FEA0];
	_ =	sdelay $0x2  }
0x2aa: {  	v33 =	vadd.f32 v0, v33  }
0x2ab: {  	v0 =	vadd.f32 v43, v22;
	v40 =	vadd.f32 v45, v24;
	v43 =	vld [tilespmem:s30+$0x120]  }
0x2ac: {  	v24 =	vadd.f32 v48, v30;
	v30 =	vadd.f32 v42, v2;
	v2 =	vld [tilespmem:$0x1FEB0];
	_ =	sdelay $0x3  }
0x2ad: {  	v56 =	vadd.f32 v44, v23;
	v58 =	vadd.f32 v46, v25;
	v44 =	vld [tilespmem:s30+$0x130]  }
0x2ae: {  	v25 =	vadd.f32 v60, v31;
	v31 =	vadd.f32 v43, v2;
	v2 =	vld [tilespmem:$0x1FEC0];
	_ =	sdelay $0x2  }
0x2af: {  	v32 =	vadd.f32 v52, v32  }
0x2b0: {  	v59 =	vadd.f32 v47, v26;
	v60 =	vld [tilespmem:s30+$0x140]  }
0x2b1: {  	v26 =	vadd.f32 v62, v32;
	v32 =	vadd.f32 v44, v2;
	v2 =	vld [tilespmem:$0x1FED0];
	_ =	sdelay $0x3  }
0x2b2: {  	v35 =	vadd.f32 v39, v35;
	v27 =	vadd.f32 v63, v33;
	v63 =	vld [tilespmem:s30+$0x150]  }
0x2b3: {  	v33 =	vadd.f32 v60, v2;
	v2 =	vld [tilespmem:$0x1FEE0]  }
0x2b4: {  	v22 =	vadd.f32 v55, v35;
	v35 =	vld [tilespmem:s30+$0x160]  }
0x2b5: {  	v52 =	vld [tilespmem:s30+$0x170]  }
0x2b6: {  	v45 =	vld [tilespmem:s30+$0x500]  }
0x2b7: {  	v23 =	vadd.f32 v57, v38;
	v46 =	vld [tilespmem:s30+$0x510]  }
0x2b8: {  	s31 =	simm.s32 $0x2;
	s0 =	simm.s32 $0x0;
	s2 =	simm.s32 $0x0;
	v20 =	vadd.f32 v61, v34;
	v44 =	vld [tilespmem:s30+$0x520];
	v34 =	vadd.f32 v63, v2  }
.LBB2_19:
0x2b9: {  	p0 =	sne.s32 s31, $0x3F;
	s2 =	smul.u32 $0x6000, s2;
	v5 =	vadd.f32 v35, v5;
	v35 =	vld [tilespmem:s30+$0x530]  }
0x2ba: {  	s0 =	sadd.s32 $0x80, s0;
	v6 =	vadd.f32 v52, v6;
	v38 =	vld [tilespmem:s30+$0x540]  }
0x2bb: {  	s14 =	sand.u32 $0x380, s0;
	s2 =	sshra.s32 s2, $0x2;
	v7 =	vadd.f32 v45, v7;
	v39 =	vld [tilespmem:s30+$0x550]  }
0x2bc: {  	v8 =	vadd.f32 v46, v8;
	v41 =	vld [tilespmem:s30+$0x560];
	s30 =	sor.u32 s14, s2  }
0x2bd: {  	v42 =	vld [tilespmem:s30+$0x570];
	v9 =	vadd.f32 v44, v9  }
0x2be: {  	v43 =	vld [tilespmem:s30+$0x100];
	v10 =	vadd.f32 v35, v10  }
0x2bf: {  	v35 =	vld [tilespmem:s30+$0x110];
	v11 =	vadd.f32 v38, v11  }
0x2c0: {  	v38 =	vld [tilespmem:s30+$0x120];
	v21 =	vadd.f32 v39, v21  }
0x2c1: {  	v39 =	vld [tilespmem:s30+$0x130];
	v3 =	vadd.f32 v41, v3  }
0x2c2: {  	v41 =	vld [tilespmem:s30+$0x140];
	v28 =	vadd.f32 v42, v28  }
0x2c3: {  	v29 =	vadd.f32 v43, v29;
	v42 =	vld [tilespmem:s30+$0x150]  }
.Ltmp10:
0x2c4: {  	v30 =	vadd.f32 v35, v30;
	v35 =	vld [tilespmem:s30+$0x160];
	(pc) =	sbr.rel @p0 .LBB2_19-.Ltmp10, $4  }
0x2c5: {  	v31 =	vadd.f32 v38, v31;
	v52 =	vld [tilespmem:s30+$0x170]  }
0x2c6: {  	v32 =	vadd.f32 v39, v32;
	v45 =	vld [tilespmem:s30+$0x500]  }
0x2c7: {  	v33 =	vadd.f32 v41, v33;
	v46 =	vld [tilespmem:s30+$0x510]  }
0x2c8: {  	s2 =	sshrl.u32 s31, $0x3;
	s31 =	sadd.s32 $0x1, s31;
	v34 =	vadd.f32 v42, v34;
	v44 =	vld [tilespmem:s30+$0x520]  }
0x2c9: {  	s2 =	smul.u32 $0x6000, s2  }
0x2ca: {  	s0 =	sadd.s32 $0x80, s0  }
0x2cb: {  	s0 =	sand.u32 $0x380, s0;
	s2 =	sshra.s32 s2, $0x2  }
0x2cc: {  	s0 =	sor.u32 s0, s2  }
0x2cd: {  	v43 =	vld [tilespmem:s0+$0x570];
	_ =	sdelay $0x1  }
0x2ce: {  	v47 =	vld [tilespmem:s0+$0x100];
	_ =	sdelay $0x1  }
0x2cf: {  	v48 =	vld [tilespmem:s0+$0x110]  }
0x2d0: {  	v2 =	vadd.f32 v43, v28  }
0x2d1: {  	v49 =	vld [tilespmem:s0+$0x120]  }
0x2d2: {  	[tilespmem:$0x1FD90] =	vst v2;
	v2 =	vadd.f32 v47, v29  }
0x2d3: {  	v50 =	vld [tilespmem:s0+$0x130]  }
0x2d4: {  	v38 =	vld [tilespmem:s30+$0x530];
	[tilespmem:$0x1FDA0] =	vst v2;
	v2 =	vadd.f32 v48, v30  }
0x2d5: {  	v51 =	vld [tilespmem:s0+$0x140]  }
0x2d6: {  	v39 =	vld [tilespmem:s30+$0x540];
	[tilespmem:$0x1FDB0] =	vst v2;
	v2 =	vadd.f32 v49, v31  }
0x2d7: {  	v55 =	vld [tilespmem:s0+$0x150]  }
0x2d8: {  	v41 =	vld [tilespmem:s30+$0x550];
	[tilespmem:$0x1FDC0] =	vst v2;
	v2 =	vadd.f32 v50, v32  }
0x2d9: {  	v42 =	vld [tilespmem:s30+$0x560]  }
0x2da: {  	v5 =	vadd.f32 v35, v5;
	v35 =	vld [tilespmem:s0+$0x530];
	[tilespmem:$0x1FDD0] =	vst v2;
	v2 =	vadd.f32 v51, v33  }
0x2db: {  	v10 =	vadd.f32 v38, v10;
	v38 =	vld [tilespmem:s0+$0x550]  }
0x2dc: {  	s12 =	sor.u32 s12, s29;
	v11 =	vadd.f32 v39, v11;
	v39 =	vld [tilespmem:s0+$0x560];
	[tilespmem:$0x1FDE0] =	vst v2;
	v2 =	vadd.f32 v55, v34  }
0x2dd: {  	v21 =	vadd.f32 v41, v21;
	v41 =	vld [tilespmem:s12+$0xD70]  }
0x2de: {  	[tilespmem:$0x1FDF0] =	vst v2;
	v2 =	vld [tilespmem:$0x1FE10];
	_ =	sdelay $0x2  }
0x2df: {  	v7 =	vadd.f32 v45, v7;
	v45 =	vld [tilespmem:s12+$0x900];
	v3 =	vadd.f32 v42, v3  }
0x2e0: {  	v57 =	vld [tilespmem:s0+$0x160];
	v33 =	vadd.f32 v35, v10;
	v35 =	vadd.f32 v38, v21  }
0x2e1: {  	v21 =	vadd.f32 v39, v3;
	v3 =	vadd.f32 v41, v2;
	v2 =	vld [tilespmem:$0x1FE20];
	_ =	sdelay $0x2  }
0x2e2: {  	v8 =	vadd.f32 v46, v8;
	v46 =	vld [tilespmem:s12+$0x910]  }
0x2e3: {  	v60 =	vld [tilespmem:s0+$0x170]  }
0x2e4: {  	v28 =	vadd.f32 v57, v5;
	v5 =	vadd.f32 v45, v2;
	v2 =	vld [tilespmem:$0x1FE30];
	_ =	sdelay $0x2  }
0x2e5: {  	v6 =	vadd.f32 v52, v6;
	v61 =	vld [tilespmem:s0+$0x500]  }
0x2e6: {  	v47 =	vld [tilespmem:s12+$0x920]  }
0x2e7: {  	v29 =	vadd.f32 v60, v6;
	v6 =	vadd.f32 v46, v2;
	v2 =	vld [tilespmem:$0x1FE40];
	_ =	sdelay $0x2  }
0x2e8: {  	v62 =	vld [tilespmem:s0+$0x510]  }
0x2e9: {  	v49 =	vld [tilespmem:s12+$0x930]  }
0x2ea: {  	v30 =	vadd.f32 v61, v7;
	v7 =	vadd.f32 v47, v2;
	v2 =	vld [tilespmem:$0x1FE50];
	_ =	sdelay $0x2  }
0x2eb: {  	v63 =	vld [tilespmem:s0+$0x520]  }
0x2ec: {  	v50 =	vld [tilespmem:s12+$0x940]  }
0x2ed: {  	v31 =	vadd.f32 v62, v8;
	v8 =	vadd.f32 v49, v2;
	v2 =	vld [tilespmem:$0x1FE60]  }
0x2ee: {  	v52 =	vld [tilespmem:s0+$0x540];
	_ =	sdelay $0x1  }
0x2ef: {  	v9 =	vadd.f32 v44, v9  }
0x2f0: {  	v10 =	vld [tilespmem:s12+$0x950]  }
0x2f1: {  	v32 =	vadd.f32 v63, v9;
	v9 =	vadd.f32 v50, v2;
	v2 =	vld [tilespmem:$0x1FE70]  }
0x2f2: {  	v34 =	vadd.f32 v52, v11;
	v52 =	vld [tilespmem:s12+$0x960]  }
0x2f3: {  	v60 =	vld [tilespmem:s12+$0x970]  }
0x2f4: {  	v11 =	vld [tilespmem:s12+$0xD00]  }
0x2f5: {  	v39 =	vld [tilespmem:s12+$0xD10]  }
0x2f6: {  	s2 =	simm.s32 $0x0;
	s0 =	simm.s32 $0x2;
	v38 =	vld [tilespmem:s12+$0xD20];
	v10 =	vadd.f32 v10, v2  }
.LBB2_21:
0x2f7: {  	p0 =	sne.s32 s0, $0x3F;
	s2 =	smul.u32 $0x6000, s2;
	v18 =	vadd.f32 v52, v18;
	v41 =	vld [tilespmem:s12+$0xD30]  }
0x2f8: {  	s28 =	sadd.s32 $0x80, s28;
	v19 =	vadd.f32 v60, v19;
	v42 =	vld [tilespmem:s12+$0xD40]  }
0x2f9: {  	s14 =	sand.u32 $0x380, s28;
	s2 =	sshra.s32 s2, $0x2;
	v16 =	vadd.f32 v11, v16;
	v11 =	vld [tilespmem:s12+$0xD50]  }
0x2fa: {  	v17 =	vadd.f32 v39, v17;
	v39 =	vld [tilespmem:s12+$0xD60];
	s12 =	sor.u32 s14, s2  }
0x2fb: {  	v43 =	vld [tilespmem:s12+$0xD70];
	v14 =	vadd.f32 v38, v14  }
0x2fc: {  	v38 =	vld [tilespmem:s12+$0x900];
	v15 =	vadd.f32 v41, v15  }
0x2fd: {  	v41 =	vld [tilespmem:s12+$0x910];
	v12 =	vadd.f32 v42, v12  }
0x2fe: {  	v42 =	vld [tilespmem:s12+$0x920];
	v13 =	vadd.f32 v11, v13  }
0x2ff: {  	v11 =	vld [tilespmem:s12+$0x930];
	v4 =	vadd.f32 v39, v4  }
0x300: {  	v39 =	vld [tilespmem:s12+$0x940];
	v3 =	vadd.f32 v43, v3  }
0x301: {  	v5 =	vadd.f32 v38, v5;
	v38 =	vld [tilespmem:s12+$0x950]  }
.Ltmp11:
0x302: {  	v6 =	vadd.f32 v41, v6;
	v52 =	vld [tilespmem:s12+$0x960];
	(pc) =	sbr.rel @p0 .LBB2_21-.Ltmp11, $4  }
0x303: {  	v7 =	vadd.f32 v42, v7;
	v60 =	vld [tilespmem:s12+$0x970]  }
0x304: {  	v8 =	vadd.f32 v11, v8;
	v11 =	vld [tilespmem:s12+$0xD00]  }
0x305: {  	v9 =	vadd.f32 v39, v9;
	v39 =	vld [tilespmem:s12+$0xD10]  }
0x306: {  	s2 =	sshrl.u32 s0, $0x3;
	s0 =	sadd.s32 $0x1, s0;
	v10 =	vadd.f32 v38, v10;
	v38 =	vld [tilespmem:s12+$0xD20]  }
0x307: {  	s0 =	smul.u32 $0x6000, s2;
	v41 =	vld [tilespmem:s12+$0xD30]  }
0x308: {  	v42 =	vld [tilespmem:s12+$0xD40];
	s30 =	sadd.s32 $0x80, s28  }
0x309: {  	v43 =	vld [tilespmem:s12+$0xD50];
	s2 =	sand.u32 $0x380, s30;
	s0 =	sshra.s32 s0, $0x2  }
0x30a: {  	v51 =	vld [tilespmem:s12+$0xD60];
	s0 =	sor.u32 s2, s0  }
0x30b: {  	v55 =	vld [tilespmem:s0+$0xD70]  }
0x30c: {  	v61 =	vld [tilespmem:s0+$0x900]  }
0x30d: {  	v62 =	vld [tilespmem:s0+$0x910]  }
0x30e: {  	v63 =	vld [tilespmem:s0+$0x920]  }
0x30f: {  	v44 =	vld [tilespmem:s0+$0x930]  }
0x310: {  	v45 =	vld [tilespmem:s0+$0x940]  }
0x311: {  	v46 =	vld [tilespmem:s0+$0x950]  }
0x312: {  	v47 =	vld [tilespmem:s0+$0x960]  }
0x313: {  	v48 =	vld [tilespmem:s0+$0x970]  }
0x314: {  	v49 =	vld [tilespmem:s0+$0xD00]  }
0x315: {  	v50 =	vld [tilespmem:s0+$0xD10]  }
0x316: {  	s31 =	simm.s32 $0x0;
	v57 =	vld [tilespmem:s0+$0xD20]  }
0x317: {  	v18 =	vadd.f32 v52, v18;
	v11 =	vadd.f32 v11, v16;
	s2 =	smul.u32 $0x6000, s31;
	v52 =	vld [tilespmem:s0+$0xD30]  }
0x318: {  	s12 =	simm.s32 $0x0;
	v16 =	vadd.f32 v39, v17;
	v39 =	vld [tilespmem:s0+$0xD40];
	v2 =	vadd.f32 v55, v3  }
0x319: {  	s14 =	sand.u32 $0x380, s12;
	v53 =	vld [tilespmem:s0+$0xD50];
	s2 =	sshra.s32 s2, $0x2;
	v12 =	vadd.f32 v42, v12  }
0x31a: {  	v42 =	vadd.f32 v43, v13;
	v43 =	vld [tilespmem:s0+$0xD60];
	s28 =	sor.u32 s14, s2;
	[tilespmem:$0x1FD20] =	vst v2;
	v2 =	vadd.f32 v61, v5  }
0x31b: {  	v14 =	vadd.f32 v38, v14;
	v5 =	vld [tilespmem:s28+$0x1100]  }
0x31c: {  	v41 =	vadd.f32 v41, v15;
	v3 =	vld [tilespmem:s28+$0x1570];
	[tilespmem:$0x1FD30] =	vst v2;
	v2 =	vadd.f32 v62, v6  }
0x31d: {  	v4 =	vadd.f32 v51, v4;
	v15 =	vadd.f32 v57, v14;
	v57 =	vld [tilespmem:s28+$0x1150]  }
0x31e: {  	v60 =	vadd.f32 v60, v19;
	v6 =	vld [tilespmem:s28+$0x1110];
	[tilespmem:$0x1FD40] =	vst v2;
	v2 =	vadd.f32 v63, v7  }
0x31f: {  	v13 =	vadd.f32 v39, v12;
	v12 =	vadd.f32 v43, v4;
	v7 =	vld [tilespmem:s28+$0x1120]  }
0x320: {  	v4 =	vadd.f32 v5, v0;
	v0 =	vld [tilespmem:$0x1FE00];
	[tilespmem:$0x1FD50] =	vst v2;
	v2 =	vadd.f32 v44, v8  }
0x321: {  	v19 =	vadd.f32 v47, v18;
	v38 =	vadd.f32 v48, v60;
	v8 =	vld [tilespmem:s28+$0x1130]  }
0x322: {  	v17 =	vadd.f32 v49, v11;
	[tilespmem:$0x1FD60] =	vst v2;
	v2 =	vadd.f32 v45, v9;
	v9 =	vld [tilespmem:s28+$0x1140]  }
0x323: {  	v18 =	vadd.f32 v50, v16;
	v16 =	vadd.f32 v52, v41;
	v11 =	vld [tilespmem:s28+$0x1160]  }
0x324: {  	v14 =	vadd.f32 v53, v42;
	v60 =	vld [tilespmem:s28+$0x1170];
	v3 =	vadd.f32 v3, v54  }
0x325: {  	v5 =	vadd.f32 v6, v56;
	[tilespmem:$0x1FD70] =	vst v2;
	v2 =	vadd.f32 v46, v10;
	v10 =	vld [tilespmem:s28+$0x1500]  }
0x326: {  	v54 =	vld [tilespmem:s28+$0x1510];
	v6 =	vadd.f32 v7, v40;
	v7 =	vadd.f32 v8, v58  }
0x327: {  	s0 =	simm.s32 $0x2;
	s2 =	simm.s32 $0x0;
	v53 =	vld [tilespmem:s28+$0x1520];
	[tilespmem:$0x1FD80] =	vst v2;
	v8 =	vadd.f32 v9, v59;
	v9 =	vadd.f32 v57, v0  }
.LBB2_23:
0x328: {  	p0 =	sne.s32 s0, $0x3F;
	s2 =	smul.u32 $0x6000, s2;
	v36 =	vadd.f32 v11, v36;
	v0 =	vld [tilespmem:s28+$0x1530]  }
0x329: {  	s12 =	sadd.s32 $0x80, s12;
	v37 =	vadd.f32 v60, v37;
	v11 =	vld [tilespmem:s28+$0x1540]  }
0x32a: {  	s14 =	sand.u32 $0x380, s12;
	s2 =	sshra.s32 s2, $0x2;
	v24 =	vadd.f32 v10, v24;
	v10 =	vld [tilespmem:s28+$0x1550]  }
0x32b: {  	v25 =	vadd.f32 v54, v25;
	v39 =	vld [tilespmem:s28+$0x1560];
	s28 =	sor.u32 s14, s2  }
0x32c: {  	v40 =	vld [tilespmem:s28+$0x1570];
	v26 =	vadd.f32 v53, v26  }
0x32d: {  	v41 =	vld [tilespmem:s28+$0x1100];
	v27 =	vadd.f32 v0, v27  }
0x32e: {  	v0 =	vld [tilespmem:s28+$0x1110];
	v20 =	vadd.f32 v11, v20  }
0x32f: {  	v42 =	vld [tilespmem:s28+$0x1120];
	v22 =	vadd.f32 v10, v22  }
0x330: {  	v10 =	vld [tilespmem:s28+$0x1130];
	v23 =	vadd.f32 v39, v23  }
0x331: {  	v39 =	vld [tilespmem:s28+$0x1140];
	v3 =	vadd.f32 v40, v3  }
0x332: {  	v4 =	vadd.f32 v41, v4;
	v40 =	vld [tilespmem:s28+$0x1150]  }
.Ltmp12:
0x333: {  	v5 =	vadd.f32 v0, v5;
	v11 =	vld [tilespmem:s28+$0x1160];
	(pc) =	sbr.rel @p0 .LBB2_23-.Ltmp12, $4  }
0x334: {  	v6 =	vadd.f32 v42, v6;
	v60 =	vld [tilespmem:s28+$0x1170]  }
0x335: {  	v7 =	vadd.f32 v10, v7;
	v10 =	vld [tilespmem:s28+$0x1500]  }
0x336: {  	v8 =	vadd.f32 v39, v8;
	v54 =	vld [tilespmem:s28+$0x1510]  }
0x337: {  	s2 =	sshrl.u32 s0, $0x3;
	s0 =	sadd.s32 $0x1, s0;
	v9 =	vadd.f32 v40, v9;
	v53 =	vld [tilespmem:s28+$0x1520]  }
0x338: {  	s0 =	smul.u32 $0x6000, s2;
	v0 =	vld [tilespmem:s28+$0x1530]  }
0x339: {  	v39 =	vld [tilespmem:s28+$0x1540];
	s14 =	sadd.s32 $0x80, s12  }
0x33a: {  	v40 =	vld [tilespmem:s28+$0x1550];
	s2 =	sand.u32 $0x380, s14;
	s0 =	sshra.s32 s0, $0x2  }
0x33b: {  	v41 =	vld [tilespmem:s28+$0x1560];
	s0 =	sor.u32 s2, s0  }
0x33c: {  	v42 =	vld [tilespmem:s0+$0x1570]  }
0x33d: {  	v43 =	vld [tilespmem:s0+$0x1100]  }
0x33e: {  	v44 =	vld [tilespmem:s0+$0x1110]  }
0x33f: {  	v45 =	vld [tilespmem:s0+$0x1120]  }
0x340: {  	v46 =	vld [tilespmem:s0+$0x1130]  }
0x341: {  	v47 =	vld [tilespmem:s0+$0x1140]  }
0x342: {  	v48 =	vld [tilespmem:s0+$0x1150]  }
0x343: {  	v49 =	vld [tilespmem:s0+$0x1160]  }
0x344: {  	v50 =	vld [tilespmem:s0+$0x1170]  }
0x345: {  	v52 =	vld [tilespmem:s0+$0x1500]  }
0x346: {  	v55 =	vld [tilespmem:s0+$0x1510]  }
0x347: {  	v56 =	vld [tilespmem:s0+$0x1520]  }
0x348: {  	v57 =	vld [tilespmem:s0+$0x1530]  }
0x349: {  	v58 =	vld [tilespmem:s0+$0x1540]  }
0x34a: {  	v59 =	vld [tilespmem:s0+$0x1550]  }
0x34b: {  	v51 =	vld [tilespmem:s0+$0x1560];
	_ =	swait.ge [sflag:s10], $0xC000  }
0x34c: {  	[sflag:s10] =	ssyncset.done $0x0  }
0x34d: {  	[sflag:s10] =	ssyncadd.s32 $0xFFFF4000;
	v2 =	vadd.f32 v42, v3  }
0x34e: {  	_ =	swait.ge [sflag:s26], $0xC000  }
0x34f: {  	[tilespmem:$0x1FCB0] =	vst v2;
	v2 =	vadd.f32 v43, v4;
	_ =	sdelay $0x1  }
0x350: {  	[tilespmem:$0x1FCC0] =	vst v2;
	v2 =	vadd.f32 v44, v5;
	_ =	sdelay $0x1  }
0x351: {  	[tilespmem:$0x1FCD0] =	vst v2;
	v2 =	vadd.f32 v45, v6  }
0x352: {  	s2 =	simm.s32 $0x0  }
0x353: {  	s12 =	simm.s32 $0x0;
	s0 =	smul.u32 $0x6000, s2;
	[tilespmem:$0x1FCE0] =	vst v2;
	v2 =	vadd.f32 v46, v7  }
0x354: {  	s28 =	sand.u32 $0x380, s12;
	[sflag:s26] =	ssyncset.done $0x0  }
0x355: {  	s29 =	sshra.s32 s0, $0x2;
	s14 =	rddreg [dreg:$0x8];
	[sflag:s26] =	ssyncadd.s32 $0xFFFF4000;
	[tilespmem:$0x1FCF0] =	vst v2;
	v2 =	vadd.f32 v47, v8  }
0x356: {  	[hbm4b:s14+s12] =	stream.linear.scatter [tilespmem:s22], [sflag:$0x2], $0xC000, $0x38;
	[tilespmem:$0x18400] =	vst v63  }
0x357: {  	s30 =	sor.u32 s28, s29;
	[tilespmem:$0x1FD00] =	vst v2;
	v2 =	vadd.f32 v48, v9  }
0x358: {  	v54 =	vadd.f32 v54, v25;
	v25 =	vld [tilespmem:s30+$0xC570]  }
0x359: {  	[tilespmem:$0x1FD10] =	vst v2;
	v2 =	vld [tilespmem:$0x1FD90];
	_ =	sdelay $0x3  }
0x35a: {  	v53 =	vadd.f32 v53, v26;
	v26 =	vld [tilespmem:s30+$0xC100]  }
0x35b: {  	v11 =	vadd.f32 v11, v36;
	v36 =	vadd.f32 v25, v2;
	v2 =	vld [tilespmem:$0x1FDA0];
	_ =	sdelay $0x3  }
0x35c: {  	v63 =	vadd.f32 v60, v37;
	v60 =	vld [tilespmem:s30+$0xC110]  }
0x35d: {  	v37 =	vadd.f32 v26, v2;
	v2 =	vld [tilespmem:$0x1FDB0];
	_ =	sdelay $0x3  }
0x35e: {  	v61 =	vld [tilespmem:s30+$0xC120]  }
0x35f: {  	v45 =	vadd.f32 v60, v2;
	v2 =	vld [tilespmem:$0x1FDC0];
	_ =	sdelay $0x3  }
0x360: {  	v62 =	vld [tilespmem:s30+$0xC130]  }
0x361: {  	v46 =	vadd.f32 v61, v2;
	v2 =	vld [tilespmem:$0x1FDD0];
	_ =	sdelay $0x3  }
0x362: {  	v24 =	vadd.f32 v10, v24;
	v10 =	vadd.f32 v50, v63;
	v63 =	vld [tilespmem:s30+$0xC140]  }
0x363: {  	v47 =	vadd.f32 v62, v2;
	v2 =	vld [tilespmem:$0x1FDE0];
	_ =	sdelay $0x1  }
0x364: {  	v0 =	vadd.f32 v0, v27;
	_ =	sdelay $0x1  }
0x365: {  	v6 =	vadd.f32 v57, v0;
	v0 =	vld [tilespmem:s30+$0xC150]  }
0x366: {  	v39 =	vadd.f32 v39, v20;
	v48 =	vadd.f32 v63, v2;
	v2 =	vld [tilespmem:$0x1FDF0]  }
0x367: {  	v41 =	vadd.f32 v41, v23;
	v7 =	vadd.f32 v56, v53;
	v53 =	vld [tilespmem:s30+$0xC160]  }
0x368: {  	v40 =	vadd.f32 v40, v22;
	v8 =	vadd.f32 v55, v54;
	v55 =	vld [tilespmem:s30+$0xC170]  }
0x369: {  	v11 =	vadd.f32 v49, v11;
	v3 =	vadd.f32 v51, v41;
	v54 =	vld [tilespmem:s30+$0xC500]  }
0x36a: {  	v4 =	vadd.f32 v59, v40;
	v49 =	vld [tilespmem:s30+$0xC510];
	v5 =	vadd.f32 v58, v39  }
0x36b: {  	s31 =	simm.s32 $0x2;
	s2 =	simm.s32 $0x0;
	s0 =	simm.s32 $0x0;
	v50 =	vld [tilespmem:s30+$0xC520];
	v9 =	vadd.f32 v52, v24;
	v44 =	vadd.f32 v0, v2  }
.LBB2_25:
0x36c: {  	p0 =	sne.s32 s31, $0x3F;
	s2 =	smul.u32 $0x6000, s2;
	v28 =	vadd.f32 v53, v28;
	v0 =	vld [tilespmem:s30+$0xC530]  }
0x36d: {  	s0 =	sadd.s32 $0x80, s0;
	v29 =	vadd.f32 v55, v29;
	v39 =	vld [tilespmem:s30+$0xC540]  }
0x36e: {  	s14 =	sand.u32 $0x380, s0;
	s2 =	sshra.s32 s2, $0x2;
	v30 =	vadd.f32 v54, v30;
	v40 =	vld [tilespmem:s30+$0xC550]  }
0x36f: {  	v31 =	vadd.f32 v49, v31;
	v41 =	vld [tilespmem:s30+$0xC560];
	s30 =	sor.u32 s14, s2  }
0x370: {  	v42 =	vld [tilespmem:s30+$0xC570];
	v32 =	vadd.f32 v50, v32  }
0x371: {  	v43 =	vld [tilespmem:s30+$0xC100];
	v33 =	vadd.f32 v0, v33  }
0x372: {  	v0 =	vld [tilespmem:s30+$0xC110];
	v34 =	vadd.f32 v39, v34  }
0x373: {  	v39 =	vld [tilespmem:s30+$0xC120];
	v35 =	vadd.f32 v40, v35  }
0x374: {  	v40 =	vld [tilespmem:s30+$0xC130];
	v21 =	vadd.f32 v41, v21  }
0x375: {  	v41 =	vld [tilespmem:s30+$0xC140];
	v36 =	vadd.f32 v42, v36  }
0x376: {  	v37 =	vadd.f32 v43, v37;
	v42 =	vld [tilespmem:s30+$0xC150]  }
.Ltmp13:
0x377: {  	v45 =	vadd.f32 v0, v45;
	v53 =	vld [tilespmem:s30+$0xC160];
	(pc) =	sbr.rel @p0 .LBB2_25-.Ltmp13, $4  }
0x378: {  	v46 =	vadd.f32 v39, v46;
	v55 =	vld [tilespmem:s30+$0xC170]  }
0x379: {  	v47 =	vadd.f32 v40, v47;
	v54 =	vld [tilespmem:s30+$0xC500]  }
0x37a: {  	v48 =	vadd.f32 v41, v48;
	v49 =	vld [tilespmem:s30+$0xC510]  }
0x37b: {  	s2 =	sshrl.u32 s31, $0x3;
	s31 =	sadd.s32 $0x1, s31;
	v44 =	vadd.f32 v42, v44;
	v50 =	vld [tilespmem:s30+$0xC520]  }
0x37c: {  	s2 =	smul.u32 $0x6000, s2  }
0x37d: {  	s0 =	sadd.s32 $0x80, s0  }
0x37e: {  	s0 =	sand.u32 $0x380, s0;
	s2 =	sshra.s32 s2, $0x2  }
0x37f: {  	s0 =	sor.u32 s0, s2  }
0x380: {  	v42 =	vld [tilespmem:s0+$0xC570];
	_ =	sdelay $0x1  }
0x381: {  	v43 =	vld [tilespmem:s0+$0xC100];
	_ =	sdelay $0x1  }
0x382: {  	v51 =	vld [tilespmem:s0+$0xC110]  }
0x383: {  	v2 =	vadd.f32 v42, v36  }
0x384: {  	v52 =	vld [tilespmem:s0+$0xC120]  }
0x385: {  	[tilespmem:$0x1FC00] =	vst v2;
	v2 =	vadd.f32 v43, v37  }
0x386: {  	v56 =	vld [tilespmem:s0+$0xC130]  }
0x387: {  	[tilespmem:$0x1FC10] =	vst v2;
	v2 =	vadd.f32 v51, v45  }
0x388: {  	v57 =	vld [tilespmem:s0+$0xC140]  }
0x389: {  	[tilespmem:$0x1FC20] =	vst v2;
	v2 =	vadd.f32 v52, v46  }
0x38a: {  	v58 =	vld [tilespmem:s0+$0xC150]  }
0x38b: {  	[tilespmem:$0x1FC30] =	vst v2;
	v2 =	vadd.f32 v56, v47  }
0x38c: {  	v59 =	vld [tilespmem:s0+$0xC160]  }
0x38d: {  	[tilespmem:$0x1FC40] =	vst v2;
	v2 =	vadd.f32 v57, v48  }
0x38e: {  	v60 =	vld [tilespmem:s0+$0xC170]  }
0x38f: {  	v53 =	vadd.f32 v53, v28;
	[tilespmem:$0x1FC50] =	vst v2;
	v2 =	vadd.f32 v58, v44  }
0x390: {  	v61 =	vld [tilespmem:s0+$0xC500]  }
0x391: {  	v55 =	vadd.f32 v55, v29;
	[tilespmem:$0x1FC60] =	vst v2;
	v2 =	vadd.f32 v59, v53  }
0x392: {  	v62 =	vld [tilespmem:s0+$0xC510]  }
0x393: {  	v39 =	vld [tilespmem:s30+$0xC540];
	v54 =	vadd.f32 v54, v30;
	[tilespmem:$0x1FC70] =	vst v2;
	v2 =	vadd.f32 v60, v55;
	_ =	sdelay $0x1  }
0x394: {  	v49 =	vadd.f32 v49, v31;
	[tilespmem:$0x1FC80] =	vst v2;
	v2 =	vadd.f32 v61, v54  }
0x395: {  	v40 =	vld [tilespmem:s30+$0xC550]  }
0x396: {  	s28 =	sor.u32 s28, s29;
	v23 =	vld [tilespmem:s0+$0xC550];
	[tilespmem:$0x1FC90] =	vst v2;
	v2 =	vadd.f32 v62, v49  }
0x397: {  	v39 =	vadd.f32 v39, v34;
	v34 =	vld [tilespmem:s28+$0xCD70]  }
0x398: {  	[tilespmem:$0x1FCA0] =	vst v2;
	v2 =	vld [tilespmem:$0x1FD20];
	_ =	sdelay $0x1  }
0x399: {  	v41 =	vld [tilespmem:s30+$0xC560]  }
0x39a: {  	v24 =	vld [tilespmem:s0+$0xC560];
	v40 =	vadd.f32 v40, v35  }
0x39b: {  	v35 =	vld [tilespmem:s28+$0xC900]  }
0x39c: {  	v47 =	vadd.f32 v23, v40;
	v40 =	vadd.f32 v34, v2;
	v2 =	vld [tilespmem:$0x1FD30];
	_ =	sdelay $0x2  }
0x39d: {  	v41 =	vadd.f32 v41, v21  }
0x39e: {  	v36 =	vld [tilespmem:s28+$0xC910]  }
0x39f: {  	v48 =	vadd.f32 v24, v41;
	v41 =	vadd.f32 v35, v2;
	v2 =	vld [tilespmem:$0x1FD40];
	_ =	sdelay $0x3  }
0x3a0: {  	v37 =	vld [tilespmem:s28+$0xC920]  }
0x3a1: {  	v42 =	vadd.f32 v36, v2;
	v2 =	vld [tilespmem:$0x1FD50];
	_ =	sdelay $0x3  }
0x3a2: {  	v60 =	vld [tilespmem:s28+$0xC930]  }
0x3a3: {  	v43 =	vadd.f32 v37, v2;
	v2 =	vld [tilespmem:$0x1FD60]  }
0x3a4: {  	v0 =	vld [tilespmem:s30+$0xC530]  }
0x3a5: {  	v63 =	vld [tilespmem:s0+$0xC520]  }
0x3a6: {  	v20 =	vld [tilespmem:s0+$0xC530]  }
0x3a7: {  	v62 =	vld [tilespmem:s28+$0xC940]  }
0x3a8: {  	v49 =	vadd.f32 v60, v2;
	v2 =	vld [tilespmem:$0x1FD70];
	_ =	sdelay $0x1  }
0x3a9: {  	v0 =	vadd.f32 v0, v33  }
0x3aa: {  	v22 =	vld [tilespmem:s0+$0xC540];
	v50 =	vadd.f32 v50, v32  }
0x3ab: {  	v45 =	vadd.f32 v20, v0;
	v0 =	vld [tilespmem:s28+$0xC950]  }
0x3ac: {  	v44 =	vadd.f32 v63, v50;
	v50 =	vadd.f32 v62, v2;
	v2 =	vld [tilespmem:$0x1FD80]  }
0x3ad: {  	v54 =	vld [tilespmem:s28+$0xC960]  }
0x3ae: {  	v55 =	vld [tilespmem:s28+$0xC970]  }
0x3af: {  	v53 =	vld [tilespmem:s28+$0xCD00]  }
0x3b0: {  	v51 =	vld [tilespmem:s28+$0xCD10]  }
0x3b1: {  	s2 =	simm.s32 $0x0;
	s0 =	simm.s32 $0x2;
	v46 =	vadd.f32 v22, v39;
	v52 =	vld [tilespmem:s28+$0xCD20];
	v39 =	vadd.f32 v0, v2  }
.LBB2_27:
0x3b2: {  	p0 =	sne.s32 s0, $0x3F;
	s2 =	smul.u32 $0x6000, s2;
	v19 =	vadd.f32 v54, v19;
	v0 =	vld [tilespmem:s28+$0xCD30]  }
0x3b3: {  	s12 =	sadd.s32 $0x80, s12;
	v38 =	vadd.f32 v55, v38;
	v20 =	vld [tilespmem:s28+$0xCD40]  }
0x3b4: {  	s14 =	sand.u32 $0x380, s12;
	s2 =	sshra.s32 s2, $0x2;
	v17 =	vadd.f32 v53, v17;
	v22 =	vld [tilespmem:s28+$0xCD50]  }
0x3b5: {  	v18 =	vadd.f32 v51, v18;
	v23 =	vld [tilespmem:s28+$0xCD60];
	s28 =	sor.u32 s14, s2  }
0x3b6: {  	v24 =	vld [tilespmem:s28+$0xCD70];
	v15 =	vadd.f32 v52, v15  }
0x3b7: {  	v51 =	vld [tilespmem:s28+$0xC900];
	v16 =	vadd.f32 v0, v16  }
0x3b8: {  	v0 =	vld [tilespmem:s28+$0xC910];
	v13 =	vadd.f32 v20, v13  }
0x3b9: {  	v20 =	vld [tilespmem:s28+$0xC920];
	v14 =	vadd.f32 v22, v14  }
0x3ba: {  	v22 =	vld [tilespmem:s28+$0xC930];
	v12 =	vadd.f32 v23, v12  }
0x3bb: {  	v23 =	vld [tilespmem:s28+$0xC940];
	v40 =	vadd.f32 v24, v40  }
0x3bc: {  	v41 =	vadd.f32 v51, v41;
	v24 =	vld [tilespmem:s28+$0xC950]  }
.Ltmp14:
0x3bd: {  	v42 =	vadd.f32 v0, v42;
	v54 =	vld [tilespmem:s28+$0xC960];
	(pc) =	sbr.rel @p0 .LBB2_27-.Ltmp14, $4  }
0x3be: {  	v43 =	vadd.f32 v20, v43;
	v55 =	vld [tilespmem:s28+$0xC970]  }
0x3bf: {  	v49 =	vadd.f32 v22, v49;
	v53 =	vld [tilespmem:s28+$0xCD00]  }
0x3c0: {  	v50 =	vadd.f32 v23, v50;
	v51 =	vld [tilespmem:s28+$0xCD10]  }
0x3c1: {  	s2 =	sshrl.u32 s0, $0x3;
	s0 =	sadd.s32 $0x1, s0;
	v39 =	vadd.f32 v24, v39;
	v52 =	vld [tilespmem:s28+$0xCD20]  }
0x3c2: {  	v0 =	vld [tilespmem:s28+$0xCD30]  }
0x3c3: {  	s0 =	smul.u32 $0x6000, s2;
	v20 =	vld [tilespmem:s28+$0xCD40]  }
0x3c4: {  	s30 =	sadd.s32 $0x80, s12;
	v22 =	vld [tilespmem:s28+$0xCD50]  }
0x3c5: {  	v23 =	vld [tilespmem:s28+$0xCD60];
	s2 =	sand.u32 $0x380, s30;
	s0 =	sshra.s32 s0, $0x2  }
0x3c6: {  	s31 =	simm.s32 $0x0;
	v2 =	vld [tilespmem:$0x1FCB0];
	s0 =	sor.u32 s2, s0  }
0x3c7: {  	s2 =	smul.u32 $0x6000, s31;
	v24 =	vld [tilespmem:s0+$0xCD70]  }
0x3c8: {  	s12 =	simm.s32 $0x0;
	v56 =	vld [tilespmem:s0+$0xC900]  }
0x3c9: {  	s14 =	sand.u32 $0x380, s12;
	v26 =	vld [tilespmem:s0+$0xCD10];
	s2 =	sshra.s32 s2, $0x2  }
0x3ca: {  	v30 =	vld [tilespmem:s0+$0xCD60];
	s28 =	sor.u32 s14, s2  }
0x3cb: {  	v12 =	vadd.f32 v23, v12;
	v23 =	vld [tilespmem:s28+$0xD570];
	_ =	sdelay $0x1  }
0x3cc: {  	v51 =	vadd.f32 v51, v18;
	v57 =	vld [tilespmem:s0+$0xC910];
	v20 =	vadd.f32 v20, v13  }
0x3cd: {  	v27 =	vld [tilespmem:s0+$0xCD20];
	v22 =	vadd.f32 v22, v14;
	v13 =	vadd.f32 v24, v40  }
0x3ce: {  	v14 =	vadd.f32 v56, v41;
	v24 =	vld [tilespmem:s28+$0xD100];
	v41 =	vadd.f32 v26, v51  }
0x3cf: {  	v51 =	vadd.f32 v30, v12;
	v12 =	vadd.f32 v23, v2;
	v2 =	vld [tilespmem:$0x1FCC0];
	_ =	sdelay $0x2  }
0x3d0: {  	v61 =	vld [tilespmem:s0+$0xC950];
	v52 =	vadd.f32 v52, v15  }
0x3d1: {  	v35 =	vld [tilespmem:s28+$0xD110];
	v15 =	vadd.f32 v57, v42  }
0x3d2: {  	v42 =	vadd.f32 v27, v52;
	v52 =	vadd.f32 v24, v2;
	v2 =	vld [tilespmem:$0x1FCD0];
	_ =	sdelay $0x1  }
0x3d3: {  	v62 =	vld [tilespmem:s0+$0xC960]  }
0x3d4: {  	v25 =	vld [tilespmem:s0+$0xCD00]  }
0x3d5: {  	v54 =	vadd.f32 v54, v19;
	v19 =	vadd.f32 v61, v39;
	v61 =	vld [tilespmem:s28+$0xD120]  }
0x3d6: {  	v24 =	vadd.f32 v35, v2;
	v2 =	vld [tilespmem:$0x1FCE0];
	_ =	sdelay $0x1  }
0x3d7: {  	v58 =	vld [tilespmem:s0+$0xC920]  }
0x3d8: {  	v53 =	vadd.f32 v53, v17;
	v63 =	vld [tilespmem:s0+$0xC970]  }
0x3d9: {  	v55 =	vadd.f32 v55, v38;
	v38 =	vadd.f32 v62, v54;
	v62 =	vld [tilespmem:s28+$0xD130]  }
0x3da: {  	v40 =	vadd.f32 v25, v53;
	v25 =	vadd.f32 v61, v2;
	v2 =	vld [tilespmem:$0x1FCF0]  }
0x3db: {  	v60 =	vld [tilespmem:s0+$0xC940]  }
0x3dc: {  	v21 =	vld [tilespmem:s0+$0xCD30]  }
0x3dd: {  	v29 =	vld [tilespmem:s0+$0xCD50]  }
0x3de: {  	v39 =	vadd.f32 v63, v55;
	v63 =	vld [tilespmem:s28+$0xD140]  }
0x3df: {  	v23 =	vadd.f32 v62, v2;
	v2 =	vld [tilespmem:$0x1FD00];
	_ =	sdelay $0x1  }
0x3e0: {  	v59 =	vld [tilespmem:s0+$0xC930];
	v0 =	vadd.f32 v0, v16  }
0x3e1: {  	v28 =	vld [tilespmem:s0+$0xCD40];
	v16 =	vadd.f32 v58, v43  }
0x3e2: {  	v18 =	vadd.f32 v60, v50;
	v43 =	vadd.f32 v21, v0;
	v0 =	vld [tilespmem:s28+$0xD150]  }
0x3e3: {  	v50 =	vadd.f32 v29, v22;
	v22 =	vadd.f32 v63, v2;
	v2 =	vld [tilespmem:$0x1FD10]  }
0x3e4: {  	v54 =	vld [tilespmem:s28+$0xD160]  }
0x3e5: {  	v55 =	vld [tilespmem:s28+$0xD170]  }
0x3e6: {  	v53 =	vld [tilespmem:s28+$0xD500]  }
0x3e7: {  	v17 =	vadd.f32 v59, v49;
	v26 =	vld [tilespmem:s28+$0xD510]  }
0x3e8: {  	s0 =	simm.s32 $0x2;
	s2 =	simm.s32 $0x0;
	v49 =	vadd.f32 v28, v20;
	v27 =	vld [tilespmem:s28+$0xD520];
	v20 =	vadd.f32 v0, v2  }
.LBB2_29:
0x3e9: {  	p0 =	sne.s32 s0, $0x3F;
	s2 =	smul.u32 $0x6000, s2;
	v11 =	vadd.f32 v54, v11;
	v0 =	vld [tilespmem:s28+$0xD530]  }
0x3ea: {  	s12 =	sadd.s32 $0x80, s12;
	v10 =	vadd.f32 v55, v10;
	v21 =	vld [tilespmem:s28+$0xD540]  }
0x3eb: {  	s14 =	sand.u32 $0x380, s12;
	s2 =	sshra.s32 s2, $0x2;
	v9 =	vadd.f32 v53, v9;
	v28 =	vld [tilespmem:s28+$0xD550]  }
0x3ec: {  	v8 =	vadd.f32 v26, v8;
	v26 =	vld [tilespmem:s28+$0xD560];
	s28 =	sor.u32 s14, s2  }
0x3ed: {  	v29 =	vld [tilespmem:s28+$0xD570];
	v7 =	vadd.f32 v27, v7  }
0x3ee: {  	v27 =	vld [tilespmem:s28+$0xD100];
	v6 =	vadd.f32 v0, v6  }
0x3ef: {  	v0 =	vld [tilespmem:s28+$0xD110];
	v5 =	vadd.f32 v21, v5  }
0x3f0: {  	v21 =	vld [tilespmem:s28+$0xD120];
	v4 =	vadd.f32 v28, v4  }
0x3f1: {  	v28 =	vld [tilespmem:s28+$0xD130];
	v3 =	vadd.f32 v26, v3  }
0x3f2: {  	v26 =	vld [tilespmem:s28+$0xD140];
	v12 =	vadd.f32 v29, v12  }
0x3f3: {  	v52 =	vadd.f32 v27, v52;
	v27 =	vld [tilespmem:s28+$0xD150]  }
.Ltmp15:
0x3f4: {  	v24 =	vadd.f32 v0, v24;
	v54 =	vld [tilespmem:s28+$0xD160];
	(pc) =	sbr.rel @p0 .LBB2_29-.Ltmp15, $4  }
0x3f5: {  	v25 =	vadd.f32 v21, v25;
	v55 =	vld [tilespmem:s28+$0xD170]  }
0x3f6: {  	v23 =	vadd.f32 v28, v23;
	v53 =	vld [tilespmem:s28+$0xD500]  }
0x3f7: {  	v22 =	vadd.f32 v26, v22;
	v26 =	vld [tilespmem:s28+$0xD510]  }
0x3f8: {  	s2 =	sshrl.u32 s0, $0x3;
	s0 =	sadd.s32 $0x1, s0;
	v20 =	vadd.f32 v27, v20;
	v27 =	vld [tilespmem:s28+$0xD520]  }
0x3f9: {  	v0 =	vld [tilespmem:s28+$0xD530]  }
0x3fa: {  	s0 =	smul.u32 $0x6000, s2;
	v21 =	vld [tilespmem:s28+$0xD540]  }
0x3fb: {  	s14 =	sadd.s32 $0x80, s12;
	v28 =	vld [tilespmem:s28+$0xD550]  }
0x3fc: {  	v29 =	vld [tilespmem:s28+$0xD560];
	s2 =	sand.u32 $0x380, s14;
	s0 =	sshra.s32 s0, $0x2  }
0x3fd: {  	v2 =	vld [tilespmem:$0x1FC10];
	s0 =	sor.u32 s2, s0  }
0x3fe: {  	v30 =	vld [tilespmem:s0+$0xD570]  }
0x3ff: {  	v56 =	vld [tilespmem:s0+$0xD100]  }
0x400: {  	v57 =	vld [tilespmem:s0+$0xD110]  }
0x401: {  	v58 =	vld [tilespmem:s0+$0xD120]  }
0x402: {  	v59 =	vld [tilespmem:s0+$0xD130]  }
0x403: {  	v60 =	vld [tilespmem:s0+$0xD140]  }
0x404: {  	v61 =	vld [tilespmem:s0+$0xD150]  }
0x405: {  	v62 =	vld [tilespmem:s0+$0xD160]  }
0x406: {  	v63 =	vld [tilespmem:s0+$0xD170]  }
0x407: {  	v31 =	vld [tilespmem:s0+$0xD500]  }
0x408: {  	v32 =	vld [tilespmem:s0+$0xD510]  }
0x409: {  	v33 =	vld [tilespmem:s0+$0xD520]  }
0x40a: {  	v34 =	vld [tilespmem:s0+$0xD530]  }
0x40b: {  	v35 =	vld [tilespmem:s0+$0xD540]  }
0x40c: {  	v36 =	vld [tilespmem:s0+$0xD550]  }
0x40d: {  	v37 =	vld [tilespmem:s0+$0xD560]  }
0x40e: {  	[tilespmem:$0x18100] =	vst v2;
	v2 =	vld [tilespmem:$0x1FC20];
	_ =	sdelay $0x3  }
0x40f: {  	[tilespmem:$0x181A0] =	vst v44  }
0x410: {  	[tilespmem:$0x18110] =	vst v2;
	v2 =	vld [tilespmem:$0x1FC30]  }
0x411: {  	[tilespmem:$0x181B0] =	vst v45  }
0x412: {  	[tilespmem:$0x181C0] =	vst v46  }
0x413: {  	[tilespmem:$0x181D0] =	vst v47  }
0x414: {  	[tilespmem:$0x181E0] =	vst v48  }
0x415: {  	[tilespmem:$0x18120] =	vst v2;
	v2 =	vld [tilespmem:$0x1FC40]  }
0x416: {  	[tilespmem:$0x18200] =	vst v14  }
0x417: {  	[tilespmem:$0x18210] =	vst v15  }
0x418: {  	[tilespmem:$0x18220] =	vst v16  }
0x419: {  	[tilespmem:$0x18230] =	vst v17  }
0x41a: {  	[tilespmem:$0x18130] =	vst v2;
	v2 =	vld [tilespmem:$0x1FC50]  }
0x41b: {  	[tilespmem:$0x18240] =	vst v18  }
0x41c: {  	[tilespmem:$0x18250] =	vst v19  }
0x41d: {  	[tilespmem:$0x18260] =	vst v38  }
0x41e: {  	[tilespmem:$0x18270] =	vst v39  }
0x41f: {  	[tilespmem:$0x18140] =	vst v2;
	v2 =	vld [tilespmem:$0x1FC60]  }
0x420: {  	[tilespmem:$0x18280] =	vst v40  }
0x421: {  	[tilespmem:$0x18290] =	vst v41  }
0x422: {  	[tilespmem:$0x182A0] =	vst v42  }
0x423: {  	[tilespmem:$0x182B0] =	vst v43  }
0x424: {  	[tilespmem:$0x18150] =	vst v2;
	v2 =	vld [tilespmem:$0x1FC70]  }
0x425: {  	[tilespmem:$0x182C0] =	vst v49  }
0x426: {  	[tilespmem:$0x182D0] =	vst v50  }
0x427: {  	[tilespmem:$0x182E0] =	vst v51  }
0x428: {  	[tilespmem:$0x182F0] =	vst v13;
	v56 =	vadd.f32 v56, v52  }
0x429: {  	v57 =	vadd.f32 v57, v24;
	[tilespmem:$0x18160] =	vst v2;
	v2 =	vld [tilespmem:$0x1FC80]  }
0x42a: {  	v58 =	vadd.f32 v58, v25;
	[tilespmem:$0x18300] =	vst v56  }
0x42b: {  	v59 =	vadd.f32 v59, v23;
	[tilespmem:$0x18310] =	vst v57  }
0x42c: {  	[tilespmem:$0x18320] =	vst v58  }
0x42d: {  	v11 =	vadd.f32 v54, v11;
	v60 =	vadd.f32 v60, v22;
	[tilespmem:$0x18330] =	vst v59  }
0x42e: {  	v10 =	vadd.f32 v55, v10;
	v61 =	vadd.f32 v61, v20;
	[tilespmem:$0x18170] =	vst v2;
	v2 =	vld [tilespmem:$0x1FC90]  }
0x42f: {  	v11 =	vadd.f32 v62, v11;
	[tilespmem:$0x18340] =	vst v60  }
0x430: {  	v9 =	vadd.f32 v53, v9;
	v10 =	vadd.f32 v63, v10;
	[tilespmem:$0x18350] =	vst v61  }
0x431: {  	v8 =	vadd.f32 v26, v8;
	[tilespmem:$0x18360] =	vst v11  }
0x432: {  	v7 =	vadd.f32 v27, v7;
	v9 =	vadd.f32 v31, v9;
	[tilespmem:$0x18370] =	vst v10  }
0x433: {  	v0 =	vadd.f32 v0, v6;
	v63 =	vadd.f32 v32, v8;
	[tilespmem:$0x18180] =	vst v2;
	v2 =	vld [tilespmem:$0x1FCA0]  }
0x434: {  	v7 =	vadd.f32 v33, v7;
	[tilespmem:$0x18380] =	vst v9  }
0x435: {  	v5 =	vadd.f32 v21, v5;
	v0 =	vadd.f32 v34, v0;
	[tilespmem:$0x18390] =	vst v63  }
0x436: {  	v4 =	vadd.f32 v28, v4;
	[tilespmem:$0x183A0] =	vst v7  }
0x437: {  	v3 =	vadd.f32 v29, v3;
	v5 =	vadd.f32 v35, v5;
	[tilespmem:$0x183B0] =	vst v0  }
0x438: {  	v4 =	vadd.f32 v36, v4;
	[tilespmem:$0x18190] =	vst v2;
	v2 =	vld [tilespmem:$0x1FC00]  }
0x439: {  	v0 =	vadd.f32 v37, v3;
	[tilespmem:$0x183C0] =	vst v5  }
0x43a: {  	v3 =	vadd.f32 v30, v12;
	[tilespmem:$0x183D0] =	vst v4  }
0x43b: {  	[tilespmem:$0x183E0] =	vst v0  }
0x43c: {  	[tilespmem:$0x183F0] =	vst v3  }
0x43d: {  	[tilespmem:$0x181F0] =	vst v2  }
0x43e: {  	_ =	swait.ge [sflag:s26], $0xC000  }
0x43f: {  	s30 =	simm.s32 $0x400;
	s14 =	simm.s32 $0x18100;
	[sflag:s26] =	ssyncset.done $0x0  }
0x440: {  	s2 =	simm.s32 $0x80;
	s29 =	rddreg [dreg:$0x9];
	[sflag:s26] =	ssyncadd.s32 $0xFFFF4000  }
0x441: {  	[hbm4b:s29+s2] =	stream.strided.scatter [tilespmem:s14], [sflag:$0x3], $0x300, s30, s2, $0x38;
	[tilespmem:$0x18400] =	vst v63  }
0x442: {  	_ =	swait.ge [sflag:s15], $0x300  }
0x443: {  	s11 =	sadd.s32 $0x1, s11;
	s31 =	rddreg [dreg:$0xa]  }
0x444: {  	p0 =	sne.s32 s11, s31  }
.Ltmp16:
0x445: {  	_ = 	snop;
	(pc) =	sbr.rel @p0 .LBB2_1-.Ltmp16, $4  }
.Ltmp17:
0x446: {  	_ = 	snop;
	(pc) =	sbr.rel @!p0 .LBB2_31-.Ltmp17, $4  }
0x447: {  	_ = 	snop  }
0x448: {  	[sflag:s15] =	ssyncset.done $0x0  }
0x449: {  	[sflag:s15] =	ssyncadd.s32 $0xFFFFFD00  }
0x44a: {  	_ = 	snop  }
.LBB2_8:
0x44b: {  	v36 =	vimm.f32 $0.0e+00  }
.Ltmp18:
0x44c: {  	v44 =	vimm.f32 $0.0e+00;
	v45 =	vimm.f32 $0.0e+00;
	v46 =	vimm.f32 $0.0e+00;
	(pc) =	sbr.rel .LBB2_12-.Ltmp18, $4  }
0x44d: {  	v47 =	vimm.f32 $0.0e+00;
	v48 =	vimm.f32 $0.0e+00;
	v49 =	vimm.f32 $0.0e+00  }
0x44e: {  	v50 =	vimm.f32 $0.0e+00;
	v51 =	vimm.f32 $0.0e+00;
	v28 =	vimm.f32 $0.0e+00  }
0x44f: {  	v29 =	vimm.f32 $0.0e+00;
	v30 =	vimm.f32 $0.0e+00;
	v31 =	vimm.f32 $0.0e+00  }
0x450: {  	s30 =	simm.s32 $0x0;
	v32 =	vimm.f32 $0.0e+00;
	v33 =	vimm.f32 $0.0e+00;
	v35 =	vimm.f32 $0.0e+00  }
.LBB2_5:
.Ltmp19:
0x451: {  	(pc) =	sbr.rel .LBB2_7-.Ltmp19, $4  }
0x452: {  	_ = 	snop  }
0x453: {  	v17 =	vimm.f32 $0.0e+00;
	v20 =	vimm.f32 $0.0e+00;
	v29 =	vimm.f32 $0.0e+00  }
0x454: {  	v30 =	vimm.f32 $0.0e+00;
	v31 =	vimm.f32 $0.0e+00;
	v32 =	vimm.f32 $0.0e+00  }
0x455: {  	s31 =	simm.s32 $0x0;
	v33 =	vimm.f32 $0.0e+00;
	v34 =	vimm.f32 $0.0e+00;
	v35 =	vimm.f32 $0.0e+00  }
.LBB2_10:
.Ltmp20:
0x456: {  	(pc) =	sbr.rel .LBB2_12-.Ltmp20, $4  }
0x457: {  	_ = 	snop  }
0x458: {  	v36 =	vimm.f32 $0.0e+00;
	v44 =	vimm.f32 $0.0e+00;
	v45 =	vimm.f32 $0.0e+00  }
0x459: {  	v46 =	vimm.f32 $0.0e+00;
	v47 =	vimm.f32 $0.0e+00;
	v48 =	vimm.f32 $0.0e+00  }
0x45a: {  	s30 =	simm.s32 $0x0;
	v49 =	vimm.f32 $0.0e+00;
	v50 =	vimm.f32 $0.0e+00;
	v51 =	vimm.f32 $0.0e+00  }
.LBB2_31:
0x45b: {  	_ =	sfence.sel $0x180000  }
0x45c: {  	[bflag:$0x0] =	sbarrier.arrive $0xFFFF  }
0x45d: {  	_ =	strace $0x90000047  }
0x45e: {  	s0 =	stileid.u32;
	[bflag:$0x2] =	sbarrier.arrive $0xFFFF  }
0x45f: {  	p0 =	sne.s32 s0, $0x0;
	s0 =	rddreg [dreg:$0x4]  }
0x460: {  	s0 =	sadd.s32 @!p0 $0x100000, s0  }
0x461: {  	[sflag:s0] =	ssyncadd.tile.s32 @!p0 $0x1;
	_ =	shalt  }
.Lfunc_end2:
_tile_overlayer_lowered:
.L_overlay_start_2:
0x462: {  	(tag) =	ssettag $0x2  }
0x463: {  	s0 =	rddreg [dreg:$0x0];
	s2 =	stileid.u32  }
0x464: {  	s1 =	rddreg [dreg:$0x1];
	p0 =	sne.s32 s2, $0x0  }
0x465: {  	s3 =	rddreg [dreg:$0x2];
	[bflag:$0x3] =	sbarrier.arrive $0xFFFF;
	s2 =	simm.s32 @!p0 $0x1C03  }
0x466: {  	[timem:s3], [sflag:s2] =	dma.local @!p0 [hbm:s0], s1  }
0x467: {  	s0 =	simm.s32 @!p0 $0x3  }
0x468: {  	_ =	swait.ge @!p0 [sflag:s0], s1  }
0x469: {  	s1 =	ssub.s32 @!p0 $0x0, s1;
	[sflag:s0] =	ssyncset.done @!p0 $0x0  }
0x46a: {  	[sflag:s0] =	ssyncadd.s32 @!p0 s1  }
0x46b: {  	[bflag:$0x3] =	sbarrier.arrive $0xFFFF  }
0x46c: {  	_ =	shalt  }

</sc_bundles>
